<compile_context>
chip_gen: v7x
topology: tpu7x:2x2x1
jax: 0.10.2.dev20260603
libtpu: 0.0.44.dev20260713+nightly
codegen_flags: <defaults>
</compile_context>

<pallas_src>
import functools

import jax
import jax.numpy as jnp
from jax import lax
from jax.experimental import pallas as pl
from jax.experimental.pallas import tpu as pltpu
from jax.experimental.pallas import tpu_sc as plsc

NUM_USER = 16384
NUM_ITEM = 4096
NUM_NODE = NUM_USER + NUM_ITEM
DIM_E = 64
FEAT_DIM = 128
TOPK = 10
LAMBDA = 0.9
N_INTER = 262144
RB = 256
NBLK = NUM_ITEM // RB



def _feat_body(v_ref, wi_ref, bi_ref, t_ref, wt_ref, bt_ref, fn_ref):
    xi = jnp.dot(v_ref[...], wi_ref[...], preferred_element_type=jnp.float32)
    xi = xi + bi_ref[...]
    ni = jnp.sqrt(jnp.sum(xi * xi, axis=1, keepdims=True))
    fn_ref[0] = xi / ni
    xt = jnp.dot(t_ref[...], wt_ref[...], preferred_element_type=jnp.float32)
    xt = xt + bt_ref[...]
    nt = jnp.sqrt(jnp.sum(xt * xt, axis=1, keepdims=True))
    fn_ref[1] = xt / nt


def _feat_normalize(v_feat, Wi, bi, t_feat, Wt, bt):
    return pl.pallas_call(
        _feat_body,
        out_shape=jax.ShapeDtypeStruct((2, NUM_ITEM, DIM_E), jnp.float32),
    )(v_feat, Wi, bi.reshape(1, -1), t_feat, Wt, bt.reshape(1, -1))



def _topk_body(fnb_ref, fn_ref, emb_ref, thr_ref, dis_ref, embs_ref):
    sim = lax.dot_general(fnb_ref[0], fn_ref[0],
                          (((1,), (1,)), ((), ())),
                          preferred_element_type=jnp.float32)
    deg = jnp.zeros((RB, 1), jnp.float32)
    m10 = jnp.zeros((RB, 1), jnp.float32)
    prev = jnp.full((RB, 1), jnp.inf, jnp.float32)
    for _ in range(TOPK):
        m = jnp.max(jnp.where(sim < prev, sim, -jnp.inf), axis=1, keepdims=True)
        deg = deg + m
        m10 = m
        prev = m
    m11 = jnp.max(jnp.where(sim < prev, sim, -jnp.inf), axis=1, keepdims=True)
    thr = 0.5 * (m10 + m11)
    dis = jnp.where(deg > 0, lax.rsqrt(deg), 0.0)
    thr_ref[...] = jnp.broadcast_to(thr, (RB, 128))[None]
    dis_ref[...] = jnp.broadcast_to(dis, (RB, 128))[None]
    embs_ref[...] = (dis * emb_ref[...])[None]


def _topk_thr_dis(fns, item_emb, m):
    return pl.pallas_call(
        _topk_body,
        grid=(NBLK,),
        in_specs=[
            pl.BlockSpec((1, RB, DIM_E), lambda b: (m, b, 0)),
            pl.BlockSpec((1, NUM_ITEM, DIM_E), lambda b: (m, 0, 0)),
            pl.BlockSpec((RB, DIM_E), lambda b: (b, 0)),
        ],
        out_specs=(
            pl.BlockSpec((1, RB, 128), lambda b: (0, b, 0)),
            pl.BlockSpec((1, RB, 128), lambda b: (0, b, 0)),
            pl.BlockSpec((1, RB, DIM_E), lambda b: (0, b, 0)),
        ),
        out_shape=(jax.ShapeDtypeStruct((1, NUM_ITEM, 128), jnp.float32),
                   jax.ShapeDtypeStruct((1, NUM_ITEM, 128), jnp.float32),
                   jax.ShapeDtypeStruct((1, NUM_ITEM, DIM_E), jnp.float32)),
    )(fns, fns, item_emb)



def _newspmm_body(fnb_ref, fn_ref, thr_ref, disr_ref, embs_ref, o_ref):
    sim = lax.dot_general(fnb_ref[0], fn_ref[0],
                          (((1,), (1,)), ((), ())),
                          preferred_element_type=jnp.float32)
    thr = thr_ref[0, :, 0:1]
    disr = disr_ref[0, :, 0:1]
    w = jnp.where(sim >= thr, sim, 0.0)
    w = w * ((1.0 - LAMBDA) * disr)
    o_ref[...] = jnp.dot(w, embs_ref[0],
                         preferred_element_type=jnp.float32)[None]


def _new_spmm(fns, thr, dis, emb_scaled, m):
    return pl.pallas_call(
        _newspmm_body,
        grid=(NBLK,),
        in_specs=[
            pl.BlockSpec((1, RB, DIM_E), lambda b: (m, b, 0)),
            pl.BlockSpec((1, NUM_ITEM, DIM_E), lambda b: (m, 0, 0)),
            pl.BlockSpec((1, RB, 128), lambda b: (0, b, 0)),
            pl.BlockSpec((1, RB, 128), lambda b: (0, b, 0)),
            pl.BlockSpec((1, NUM_ITEM, DIM_E), lambda b: (0, 0, 0)),
        ],
        out_specs=pl.BlockSpec((1, RB, DIM_E), lambda b: (0, b, 0)),
        out_shape=jax.ShapeDtypeStruct((1, NUM_ITEM, DIM_E), jnp.float32),
    )(fns, fns, thr, dis, emb_scaled)



def _att_body(ni_ref, nt_ref, orig_ref, q1w_ref, q1b_ref, q2w_ref, h_ref):
    ii = ni_ref[0] + LAMBDA * orig_ref[0]
    tt = nt_ref[0] + LAMBDA * orig_ref[1]
    q1w = q1w_ref[...]
    q1b = q1b_ref[...]
    q2w = q2w_ref[...]

    def att(x):
        t = jnp.tanh(jnp.dot(x, q1w, preferred_element_type=jnp.float32) + q1b)
        return jnp.sum(t * q2w, axis=1, keepdims=True)

    a1 = att(ii)
    a2 = att(tt)
    m = jnp.maximum(a1, a2)
    e1 = jnp.exp(a1 - m)
    e2 = jnp.exp(a2 - m)
    inv = 1.0 / (e1 + e2)
    h_ref[...] = (e1 * inv) * ii + (e2 * inv) * tt


def _attention_h(new_i, new_t, orig_spmm, q1W, q1b, q2W):
    return pl.pallas_call(
        _att_body,
        out_shape=jax.ShapeDtypeStruct((NUM_ITEM, DIM_E), jnp.float32),
    )(new_i, new_t, orig_spmm, q1W, q1b.reshape(1, -1), q2W.reshape(1, -1))



def _scale_body(x_ref, dis_ref, o_ref):
    o_ref[...] = x_ref[...] * dis_ref[...]


_GB = 2048


def _scale(x, dis):
    return pl.pallas_call(
        _scale_body,
        grid=(NUM_NODE // _GB,),
        in_specs=[pl.BlockSpec((_GB, DIM_E), lambda i: (i, 0)),
                  pl.BlockSpec((_GB, 1), lambda i: (i, 0))],
        out_specs=pl.BlockSpec((_GB, DIM_E), lambda i: (i, 0)),
        out_shape=jax.ShapeDtypeStruct(x.shape, jnp.float32),
    )(x, dis)


def _combine_body(p_ref, dis_ref, x_ref, xs_ref):
    d = dis_ref[...]
    x = (p_ref[0] + p_ref[1]) * d
    x_ref[...] = x
    xs_ref[...] = x * d


def _combine_scale(partials, dis):
    return pl.pallas_call(
        _combine_body,
        grid=(NUM_NODE // _GB,),
        in_specs=[pl.BlockSpec((2, _GB, DIM_E), lambda i: (0, i, 0)),
                  pl.BlockSpec((_GB, 1), lambda i: (i, 0))],
        out_specs=(pl.BlockSpec((_GB, DIM_E), lambda i: (i, 0)),
                   pl.BlockSpec((_GB, DIM_E), lambda i: (i, 0))),
        out_shape=(jax.ShapeDtypeStruct((NUM_NODE, DIM_E), jnp.float32),
                   jax.ShapeDtypeStruct((NUM_NODE, DIM_E), jnp.float32)),
    )(partials, dis)


def _final_body(ego_ref, x1_ref, p_ref, dis_ref, o_ref):
    x2 = (p_ref[0] + p_ref[1]) * dis_ref[...]
    o_ref[...] = (ego_ref[...] + x1_ref[...] + x2) * (1.0 / 3.0)


def _final_mean(ego, x1, partials, dis):
    return pl.pallas_call(
        _final_body,
        grid=(NUM_NODE // _GB,),
        in_specs=[pl.BlockSpec((_GB, DIM_E), lambda i: (i, 0)),
                  pl.BlockSpec((_GB, DIM_E), lambda i: (i, 0)),
                  pl.BlockSpec((2, _GB, DIM_E), lambda i: (0, i, 0)),
                  pl.BlockSpec((_GB, 1), lambda i: (i, 0))],
        out_specs=pl.BlockSpec((_GB, DIM_E), lambda i: (i, 0)),
        out_shape=jax.ShapeDtypeStruct((NUM_NODE, DIM_E), jnp.float32),
    )(ego, x1, partials, dis)



_NC = 2
_NS = 16
_ECHUNK = 128
_EPT = N_INTER // (_NC * _NS)
_NCH = _EPT // _ECHUNK
@functools.cache
def _sc_mesh():
    return plsc.VectorSubcoreMesh(core_axis_name="c", subcore_axis_name="s")
_RPT = NUM_NODE // _NS


def _zero_rows(rows_ref, n_rows):
    def zr(r, _):
        for d in range(DIM_E // 16):
            rows_ref[r, pl.ds(d * 16, 16)] = jnp.zeros((16,), jnp.float32)
        return 0
    lax.fori_loop(0, n_rows, zr, 0)


def _gcn_sc_body(ei_ref, xs_ref, out_ref, iu_ref, ii_ref, ru_ref, ri_ref,
                 ru2_ref, ri2_ref, acc_ref, semg, sems):
    c = lax.axis_index("c")
    s = lax.axis_index("s")
    _zero_rows(ru_ref, _ECHUNK)
    for j in range(_RPT // _ECHUNK):
        pltpu.sync_copy(ru_ref, acc_ref.at[pl.ds(s * _RPT + j * _ECHUNK, _ECHUNK)])
    plsc.subcore_barrier()
    base_row = (c * _NS + s) * _NCH
    pltpu.sync_copy(ei_ref.at[0, pl.ds(base_row, _NCH)], iu_ref)
    pltpu.sync_copy(ei_ref.at[1, pl.ds(base_row, _NCH)], ii_ref)

    def gathers(ch, ru, ri):
        pltpu.async_copy(xs_ref.at[iu_ref.at[ch]], ru, semg)
        pltpu.async_copy(xs_ref.at[ii_ref.at[ch]], ri, semg)

    def wait_g(ru, ri):
        pltpu.make_async_copy(xs_ref.at[iu_ref.at[0]], ru, semg).wait()
        pltpu.make_async_copy(xs_ref.at[ii_ref.at[0]], ri, semg).wait()

    def scatters(ch, ru, ri):
        pltpu.async_copy(ru, acc_ref.at[ii_ref.at[ch]], sems, add=True)
        pltpu.async_copy(ri, acc_ref.at[iu_ref.at[ch]], sems, add=True)

    def wait_s(ru, ri):
        pltpu.make_async_copy(ru, acc_ref.at[ii_ref.at[0]], sems).wait()
        pltpu.make_async_copy(ri, acc_ref.at[iu_ref.at[0]], sems).wait()

    gathers(0, ru_ref, ri_ref)

    def pair(j, _):
        c0 = 2 * j
        c1 = 2 * j + 1
        wait_g(ru_ref, ri_ref)
        gathers(c1, ru2_ref, ri2_ref)
        scatters(c0, ru_ref, ri_ref)
        wait_g(ru2_ref, ri2_ref)
        scatters(c1, ru2_ref, ri2_ref)
        wait_s(ru_ref, ri_ref)

        @pl.when(j < _NCH // 2 - 1)
        def _():
            gathers(c0 + 2, ru_ref, ri_ref)

        wait_s(ru2_ref, ri2_ref)
        return 0

    lax.fori_loop(0, _NCH // 2, pair, 0)
    plsc.subcore_barrier()
    pltpu.sync_copy(acc_ref.at[pl.ds(s * _RPT, _RPT)],
                    out_ref.at[c, pl.ds(s * _RPT, _RPT)])


def _gcn_layer_sc(ei3, xs):
    return pl.kernel(
        _gcn_sc_body,
        out_type=jax.ShapeDtypeStruct((_NC, NUM_NODE, DIM_E), jnp.float32),
        mesh=_sc_mesh(),
        compiler_params=pltpu.CompilerParams(use_tc_tiling_on_sc=False, needs_layout_passes=False),
        cost_estimate=pl.CostEstimate(flops=0, transcendentals=0,
                                      bytes_accessed=300_000_000),
        scratch_types=[
            pltpu.VMEM((_NCH, _ECHUNK), jnp.int32),
            pltpu.VMEM((_NCH, _ECHUNK), jnp.int32),
            pltpu.VMEM((_ECHUNK, DIM_E), jnp.float32),
            pltpu.VMEM((_ECHUNK, DIM_E), jnp.float32),
            pltpu.VMEM((_ECHUNK, DIM_E), jnp.float32),
            pltpu.VMEM((_ECHUNK, DIM_E), jnp.float32),
            pltpu.VMEM_SHARED((NUM_NODE, DIM_E), jnp.float32),
            pltpu.SemaphoreType.DMA,
            pltpu.SemaphoreType.DMA,
        ],
    )(ei3, xs)


def _deg_sc_body(ei_ref, out_ref, iu_ref, ii_ref, ones_ref, z_ref, deg_ref, sem):
    c = lax.axis_index("c")
    s = lax.axis_index("s")
    for d in range(_ECHUNK // 16):
        ones_ref[pl.ds(d * 16, 16)] = jnp.ones((16,), jnp.float32)
        z_ref[pl.ds(d * 16, 16)] = jnp.zeros((16,), jnp.float32)
    for j in range(_RPT // _ECHUNK):
        pltpu.sync_copy(z_ref, deg_ref.at[pl.ds(s * _RPT + j * _ECHUNK, _ECHUNK)])
    plsc.subcore_barrier()
    base_row = (c * _NS + s) * _NCH
    pltpu.sync_copy(ei_ref.at[0, pl.ds(base_row, _NCH)], iu_ref)
    pltpu.sync_copy(ei_ref.at[1, pl.ds(base_row, _NCH)], ii_ref)

    def chunk(ch, _):
        a = pltpu.async_copy(ones_ref, deg_ref.at[iu_ref.at[ch]], sem, add=True)
        b = pltpu.async_copy(ones_ref, deg_ref.at[ii_ref.at[ch]], sem, add=True)
        a.wait()
        b.wait()
        return 0

    lax.fori_loop(0, _NCH, chunk, 0)
    plsc.subcore_barrier()
    pltpu.sync_copy(deg_ref.at[pl.ds(s * _RPT, _RPT)],
                    out_ref.at[c, pl.ds(s * _RPT, _RPT)])


def _deg_sc(ei3):
    return pl.kernel(
        _deg_sc_body,
        out_type=jax.ShapeDtypeStruct((_NC, NUM_NODE), jnp.float32),
        mesh=_sc_mesh(),
        compiler_params=pltpu.CompilerParams(use_tc_tiling_on_sc=False, needs_layout_passes=False),
        scratch_types=[
            pltpu.VMEM((_NCH, _ECHUNK), jnp.int32),
            pltpu.VMEM((_NCH, _ECHUNK), jnp.int32),
            pltpu.VMEM((_ECHUNK,), jnp.float32),
            pltpu.VMEM((_ECHUNK,), jnp.float32),
            pltpu.VMEM_SHARED((NUM_NODE,), jnp.float32),
            pltpu.SemaphoreType.DMA,
        ],
    )(ei3)


_ORPT = NUM_ITEM // (_NC * _NS)
_OIDXR = NUM_ITEM * TOPK // _ECHUNK // (_NC * _NS)


def _ospmm_sc_body(cols_ref, vals_ref, emb_ref, out_ref, cb_ref, vb_ref,
                   g_ref, o_ref, sem):
    c = lax.axis_index("c")
    s = lax.axis_index("s")
    wid = c * _NS + s
    for m in range(2):
        pltpu.sync_copy(cols_ref.at[m, pl.ds(wid * _OIDXR, _OIDXR)], cb_ref)
        pltpu.sync_copy(vals_ref.at[m, pl.ds(wid * _OIDXR, _OIDXR)], vb_ref)
        cps = [pltpu.async_copy(emb_ref.at[cb_ref.at[j]],
                                g_ref.at[pl.ds(j * _ECHUNK, _ECHUNK)], sem)
               for j in range(_OIDXR)]
        for cp in cps:
            cp.wait()

        def row(r, _):
            acc = [jnp.zeros((16,), jnp.float32) for _ in range(DIM_E // 16)]
            for k in range(TOPK):
                e = r * TOPK + k
                er = jnp.broadcast_to(e // _ECHUNK, (16,))
                ec = jnp.broadcast_to(e % _ECHUNK, (16,))
                w = plsc.load_gather(vb_ref, [er, ec])
                for d in range(DIM_E // 16):
                    acc[d] = acc[d] + w * g_ref[e, pl.ds(d * 16, 16)]
            for d in range(DIM_E // 16):
                o_ref[r, pl.ds(d * 16, 16)] = acc[d]
            return 0

        lax.fori_loop(0, _ORPT, row, 0)
        pltpu.sync_copy(o_ref, out_ref.at[m, pl.ds(wid * _ORPT, _ORPT)])


def _orig_spmm_sc(cols3, vals3, item_emb):
    return pl.kernel(
        _ospmm_sc_body,
        out_type=jax.ShapeDtypeStruct((2, NUM_ITEM, DIM_E), jnp.float32),
        mesh=_sc_mesh(),
        compiler_params=pltpu.CompilerParams(use_tc_tiling_on_sc=False, needs_layout_passes=False),
        scratch_types=[
            pltpu.VMEM((_OIDXR, _ECHUNK), jnp.int32),
            pltpu.VMEM((_OIDXR, _ECHUNK), jnp.float32),
            pltpu.VMEM((_OIDXR * _ECHUNK, DIM_E), jnp.float32),
            pltpu.VMEM((_ORPT, DIM_E), jnp.float32),
            pltpu.SemaphoreType.DMA,
        ],
    )(cols3, vals3, item_emb)



def kernel(v_feat, t_feat, user_emb, item_emb, Wi, bi, Wt, bt, q1W, q1b, q2W,
           edge_index, img_orig_rows, img_orig_cols, img_orig_vals,
           txt_orig_rows, txt_orig_cols, txt_orig_vals):
    ei3 = edge_index.reshape(2, -1, _ECHUNK)
    degp = _deg_sc(ei3)
    cols3 = jnp.stack([img_orig_cols, txt_orig_cols]).reshape(2, -1, _ECHUNK)
    vals3 = jnp.stack([img_orig_vals, txt_orig_vals]).reshape(2, -1, _ECHUNK)
    orig_spmm = _orig_spmm_sc(cols3, vals3, item_emb)

    ego = jnp.concatenate([user_emb, item_emb], axis=0)
    deg = degp[0] + degp[1]
    gdis = jnp.where(deg > 0, deg ** -0.5, 0.0).reshape(NUM_NODE, 1)
    xs0 = _scale(ego, gdis)
    p1 = _gcn_layer_sc(ei3, xs0)

    fns = _feat_normalize(v_feat, Wi, bi, t_feat, Wt, bt)
    thr_i, dis_i, embs_i = _topk_thr_dis(fns, item_emb, 0)

    p1, thr_i = lax.optimization_barrier((p1, thr_i))
    x1, xs1 = _combine_scale(p1, gdis)
    p2 = _gcn_layer_sc(ei3, xs1)

    thr_t, dis_t, embs_t = _topk_thr_dis(fns, item_emb, 1)
    new_i = _new_spmm(fns, thr_i, dis_i, embs_i, 0)
    new_t = _new_spmm(fns, thr_t, dis_t, embs_t, 1)
    h = _attention_h(new_i, new_t, orig_spmm, q1W, q1b, q2W)
    p2, h = lax.optimization_barrier((p2, h))
    all_emb = _final_mean(ego, x1, p2, gdis)
    return all_emb, h

# --- scband reference (transcript-rebuilt; emitter-appended) ---
"""Pipeline reference for scband-micro-52304111730856 (READ-ONLY COPY).

The authoritative reference and input builder live on the scoring server;
editing this copy changes nothing except your own understanding.
"""

import jax, jax.numpy as jnp
import numpy as np

NUM_USER = 16384
NUM_ITEM = 4096
DIM_E = 64
FEAT_DIM = 128
TOPK = 10
N_UI_LAYERS = 2
MM_LAYERS = 1
LAMBDA = 0.9
N_INTER = 262144


def _build_knn_sym(feats, topk, n):
    # build_sim + build_knn_normalized_graph(sparse, 'sym') from the torch code
    fn = feats / jnp.linalg.norm(feats, axis=-1, keepdims=True)
    sim = fn @ fn.T
    knn_val, knn_ind = jax.lax.top_k(sim, topk)
    rows = jnp.repeat(jnp.arange(n, dtype=jnp.int32), topk)
    cols = knn_ind.reshape(-1).astype(jnp.int32)
    vals = knn_val.reshape(-1)
    deg = jax.ops.segment_sum(vals, rows, num_segments=n)
    dis = jnp.where(deg > 0, deg ** -0.5, 0.0)
    vals = dis[rows] * vals * dis[cols]
    return rows, cols, vals


def _spmm(rows, cols, vals, x, n):
    # torch.sparse.mm(adj, x) with COO adjacency
    return jax.ops.segment_sum(vals[:, None] * x[cols], rows, num_segments=n)


def _gcn(x, edge_index):
    # GCNConv.forward: deg from row, norm = d^-1/2[row]*d^-1/2[col],
    # message x_j = x[row] scaled by norm, sum-aggregated at col
    row, col = edge_index[0], edge_index[1]
    n = x.shape[0]
    deg = jax.ops.segment_sum(jnp.ones(row.shape, x.dtype), row, num_segments=n)
    dis = jnp.where(deg > 0, deg ** -0.5, 0.0)
    norm = dis[row] * dis[col]
    return jax.ops.segment_sum(norm[:, None] * x[row], col, num_segments=n)


def setup_inputs(seed: int = 0):
    key = jax.random.key(seed)
    ks = jax.random.split(key, 12)
    v_feat = jax.random.normal(ks[0], (NUM_ITEM, FEAT_DIM), jnp.float32)
    t_feat = jax.random.normal(ks[1], (NUM_ITEM, FEAT_DIM), jnp.float32)
    users = jax.random.randint(ks[2], (N_INTER,), 0, NUM_USER, dtype=jnp.int32)
    items = jax.random.randint(ks[3], (N_INTER,), NUM_USER, NUM_USER + NUM_ITEM, dtype=jnp.int32)
    edge_index = jnp.stack([users, items], axis=0)
    s = 1.0 / np.sqrt(DIM_E)
    user_emb = jax.random.uniform(ks[4], (NUM_USER, DIM_E), jnp.float32, -s, s)
    item_emb = jax.random.uniform(ks[5], (NUM_ITEM, DIM_E), jnp.float32, -s, s)
    Wi = jax.random.normal(ks[6], (FEAT_DIM, DIM_E), jnp.float32) * 0.05
    bi = jnp.zeros((DIM_E,), jnp.float32)
    Wt = jax.random.normal(ks[7], (FEAT_DIM, DIM_E), jnp.float32) * 0.05
    bt = jnp.zeros((DIM_E,), jnp.float32)
    q1W = jax.random.normal(ks[8], (DIM_E, DIM_E), jnp.float32) * 0.05
    q1b = jnp.zeros((DIM_E,), jnp.float32)
    q2W = jax.random.normal(ks[9], (DIM_E, 1), jnp.float32) * 0.05
    # original adjacencies built at __init__ time from detached (constant) features
    ir, ic, iv = _build_knn_sym(v_feat, TOPK, NUM_ITEM)
    tr, tc, tv = _build_knn_sym(t_feat, TOPK, NUM_ITEM)
    return {"v_feat": v_feat, "t_feat": t_feat, "user_emb": user_emb, "item_emb": item_emb,
            "Wi": Wi, "bi": bi, "Wt": Wt, "bt": bt, "q1W": q1W, "q1b": q1b, "q2W": q2W,
            "edge_index": edge_index,
            "img_orig_rows": ir, "img_orig_cols": ic, "img_orig_vals": iv,
            "txt_orig_rows": tr, "txt_orig_cols": tc, "txt_orig_vals": tv}


def reference(v_feat, t_feat, user_emb, item_emb, Wi, bi, Wt, bt, q1W, q1b, q2W,
              edge_index, img_orig_rows, img_orig_cols, img_orig_vals,
              txt_orig_rows, txt_orig_cols, txt_orig_vals):
    # MICRO.forward with build_item_graph=True
    image_feats = v_feat @ Wi + bi
    text_feats = t_feat @ Wt + bt
    ir, ic, iv = _build_knn_sym(image_feats, TOPK, NUM_ITEM)
    rows_i = jnp.concatenate([ir, img_orig_rows])
    cols_i = jnp.concatenate([ic, img_orig_cols])
    vals_i = jnp.concatenate([(1.0 - LAMBDA) * iv, LAMBDA * img_orig_vals])
    tr, tc, tv = _build_knn_sym(text_feats, TOPK, NUM_ITEM)
    rows_t = jnp.concatenate([tr, txt_orig_rows])
    cols_t = jnp.concatenate([tc, txt_orig_cols])
    vals_t = jnp.concatenate([(1.0 - LAMBDA) * tv, LAMBDA * txt_orig_vals])
    # NOTE: original torch loop re-reads item_embedding.weight every iteration
    # (does not chain); replicated faithfully.
    image_item_embeds = item_emb
    for _ in range(MM_LAYERS):
        image_item_embeds = _spmm(rows_i, cols_i, vals_i, item_emb, NUM_ITEM)
    text_item_embeds = item_emb
    for _ in range(MM_LAYERS):
        text_item_embeds = _spmm(rows_t, cols_t, vals_t, item_emb, NUM_ITEM)

    def query(x):
        return jnp.tanh(x @ q1W + q1b) @ q2W

    att = jnp.concatenate([query(image_item_embeds), query(text_item_embeds)], axis=-1)
    weight = jax.nn.softmax(att, axis=-1)
    h = weight[:, 0:1] * image_item_embeds + weight[:, 1:2] * text_item_embeds
    ego = jnp.concatenate([user_emb, item_emb], axis=0)
    ei = jnp.concatenate([edge_index, edge_index[::-1]], axis=1)
    all_embs = [ego]
    for _ in range(N_UI_LAYERS):
        ego = _gcn(ego, ei)
        all_embs.append(ego)
    all_emb = jnp.mean(jnp.stack(all_embs, axis=1), axis=1)
    return all_emb, h

if __name__ == "__main__":
    import jax
    _d = setup_inputs()
    print(jax.jit(kernel)(*tuple(_d.values())))

</pallas_src>

<mosaic_0001>
#map = affine_map<(d0, d1) -> (0, 0, 0)>
#map1 = affine_map<(d0, d1) -> (0, 0)>
module attributes {stable_mosaic.version = 14 : i64} {
  func.func @_gcn_sc_body(%arg0: i32, %arg1: i32, %arg2: memref<2x2048x128xi32, #tpu.memory_space<hbm>>, %arg3: memref<20480x64xf32, #tpu.memory_space<hbm>>, %arg4: memref<2x20480x64xf32, #tpu.memory_space<hbm>>, %arg5: memref<64x128xi32, #tpu.memory_space<vmem>>, %arg6: memref<64x128xi32, #tpu.memory_space<vmem>>, %arg7: memref<128x64xf32, #tpu.memory_space<vmem>>, %arg8: memref<128x64xf32, #tpu.memory_space<vmem>>, %arg9: memref<128x64xf32, #tpu.memory_space<vmem>>, %arg10: memref<128x64xf32, #tpu.memory_space<vmem>>, %arg11: memref<20480x64xf32, #tpu.memory_space<vmem_shared>>, %arg12: memref<!tpu.dma_semaphore, #tpu.memory_space<semaphore_mem>>, %arg13: memref<!tpu.dma_semaphore, #tpu.memory_space<semaphore_mem>>) attributes {dimension_semantics = [#tpu.dimension_semantics<core_parallel>, #tpu.dimension_semantics<subcore_parallel>], iteration_bounds = array<i64: 2, 16>, scalar_prefetch = 0 : i64, scratch_operands = 9 : i64, tpu.core_type = #tpu.core_type<sc_vector_subcore>, window_params = [{transform_indices = #map}, {transform_indices = #map1}, {transform_indices = #map}]} {
    %scan3A = arith.constant 0 : i32
    %scan3A_0 = arith.constant 0 : i32
    %scan3A_1 = arith.constant 128 : i32
    %scan3A_2 = arith.addi %scan3A_0, %scan3A_1 : i32
    %scan3A_3 = arith.constant 1 : i32
    %scan3A_4 = scf.for %scan3A_75 = %scan3A_0 to %scan3A_2 step %scan3A_3 iter_args(%scan3A_76 = %scan3A) -> (i32)  : i32 {
      %broadcast_in_dim3A = arith.constant 0.000000e+00 : f32
      %broadcast_in_dim3A_77 = vector.broadcast %broadcast_in_dim3A : f32 to vector<16xf32>
      %swap3A = arith.index_cast %scan3A_75 : i32 to index
      %swap3A_78 = arith.constant 0 : index
      %swap3A_79 = tpu.vector_load %arg7[%swap3A, %swap3A_78] {strides = array<i32>} : memref<128x64xf32, #tpu.memory_space<vmem>>, vector<16xf32>,
      tpu.vector_store %arg7[%swap3A, %swap3A_78], %broadcast_in_dim3A_77 {strides = array<i32>} : memref<128x64xf32, #tpu.memory_space<vmem>>, vector<16xf32>,
      %broadcast_in_dim3A_80 = arith.constant 0.000000e+00 : f32
      %broadcast_in_dim3A_81 = vector.broadcast %broadcast_in_dim3A_80 : f32 to vector<16xf32>
      %swap3A_82 = arith.index_cast %scan3A_75 : i32 to index
      %swap3A_83 = arith.constant 16 : index
      %swap3A_84 = tpu.vector_load %arg7[%swap3A_82, %swap3A_83] {strides = array<i32>} : memref<128x64xf32, #tpu.memory_space<vmem>>, vector<16xf32>,
      tpu.vector_store %arg7[%swap3A_82, %swap3A_83], %broadcast_in_dim3A_81 {strides = array<i32>} : memref<128x64xf32, #tpu.memory_space<vmem>>, vector<16xf32>,
      %broadcast_in_dim3A_85 = arith.constant 0.000000e+00 : f32
      %broadcast_in_dim3A_86 = vector.broadcast %broadcast_in_dim3A_85 : f32 to vector<16xf32>
      %swap3A_87 = arith.index_cast %scan3A_75 : i32 to index
      %swap3A_88 = arith.constant 32 : index
      %swap3A_89 = tpu.vector_load %arg7[%swap3A_87, %swap3A_88] {strides = array<i32>} : memref<128x64xf32, #tpu.memory_space<vmem>>, vector<16xf32>,
      tpu.vector_store %arg7[%swap3A_87, %swap3A_88], %broadcast_in_dim3A_86 {strides = array<i32>} : memref<128x64xf32, #tpu.memory_space<vmem>>, vector<16xf32>,
      %broadcast_in_dim3A_90 = arith.constant 0.000000e+00 : f32
      %broadcast_in_dim3A_91 = vector.broadcast %broadcast_in_dim3A_90 : f32 to vector<16xf32>
      %swap3A_92 = arith.index_cast %scan3A_75 : i32 to index
      %swap3A_93 = arith.constant 48 : index
      %swap3A_94 = tpu.vector_load %arg7[%swap3A_92, %swap3A_93] {strides = array<i32>} : memref<128x64xf32, #tpu.memory_space<vmem>>, vector<16xf32>,
      tpu.vector_store %arg7[%swap3A_92, %swap3A_93], %broadcast_in_dim3A_91 {strides = array<i32>} : memref<128x64xf32, #tpu.memory_space<vmem>>, vector<16xf32>,
      %scan3A_95 = arith.constant 0 : i32
      scf.yield %scan3A_95 : i32
    }
    %scan3A_5 = arith.constant 128 : i32
    %mul3A = arith.constant 1280 : i32
    %mul3A_6 = arith.muli %arg1, %mul3A : i32
    %add3A = arith.constant 0 : i32
    %add3A_7 = arith.addi %mul3A_6, %add3A : i32
    "tpu.region"() ({
      %run_scoped3A_75 = tpu.sem_alloc : memref<!tpu.dma_semaphore, #tpu.memory_space<semaphore_mem>>
      %dma_start3A_76 = arith.constant 0 : i32
      %dma_start3A_77 = tpu.memref_slice %arg11[%add3A_7, %dma_start3A_76] : memref<20480x64xf32, #tpu.memory_space<vmem_shared>> -> memref<128x64xf32, #tpu.memory_space<vmem_shared>>
      %dma_start3A_78 = arith.constant 0 : i32
      %dma_start3A_79 = tpu.memref_slice %arg11[%add3A_7, %dma_start3A_78] : memref<20480x64xf32, #tpu.memory_space<vmem_shared>> -> memref<128x64xf32, #tpu.memory_space<vmem_shared>>
      tpu.enqueue_dma source(%arg7 : memref<128x64xf32, #tpu.memory_space<vmem>>) target(%dma_start3A_79 : memref<128x64xf32, #tpu.memory_space<vmem_shared>>) target_semaphore(%run_scoped3A_75 : memref<!tpu.dma_semaphore, #tpu.memory_space<semaphore_mem>>)
      %dma_wait3A = arith.constant 0 : i32
      %dma_wait3A_80 = tpu.memref_slice %arg11[%add3A_7, %dma_wait3A] : memref<20480x64xf32, #tpu.memory_space<vmem_shared>> -> memref<128x64xf32, #tpu.memory_space<vmem_shared>>
      %dma_wait3A_81 = arith.constant 0 : i32
      %dma_wait3A_82 = tpu.memref_slice %arg11[%add3A_7, %dma_wait3A_81] : memref<20480x64xf32, #tpu.memory_space<vmem_shared>> -> memref<128x64xf32, #tpu.memory_space<vmem_shared>>
      tpu.wait_dma2 semaphore(%run_scoped3A_75 : memref<!tpu.dma_semaphore, #tpu.memory_space<semaphore_mem>>) src(%arg7 : memref<128x64xf32, #tpu.memory_space<vmem>>) dst(%dma_wait3A_82 : memref<128x64xf32, #tpu.memory_space<vmem_shared>>)
      tpu.yield
    }) : () -> ()
    %mul3A_8 = arith.constant 1280 : i32
    %mul3A_9 = arith.muli %arg1, %mul3A_8 : i32
    %add3A_10 = arith.constant 128 : i32
    %add3A_11 = arith.addi %mul3A_9, %add3A_10 : i32
    "tpu.region"() ({
      %run_scoped3A_75 = tpu.sem_alloc : memref<!tpu.dma_semaphore, #tpu.memory_space<semaphore_mem>>
      %dma_start3A_76 = arith.constant 0 : i32
      %dma_start3A_77 = tpu.memref_slice %arg11[%add3A_11, %dma_start3A_76] : memref<20480x64xf32, #tpu.memory_space<vmem_shared>> -> memref<128x64xf32, #tpu.memory_space<vmem_shared>>
      %dma_start3A_78 = arith.constant 0 : i32
      %dma_start3A_79 = tpu.memref_slice %arg11[%add3A_11, %dma_start3A_78] : memref<20480x64xf32, #tpu.memory_space<vmem_shared>> -> memref<128x64xf32, #tpu.memory_space<vmem_shared>>
      tpu.enqueue_dma source(%arg7 : memref<128x64xf32, #tpu.memory_space<vmem>>) target(%dma_start3A_79 : memref<128x64xf32, #tpu.memory_space<vmem_shared>>) target_semaphore(%run_scoped3A_75 : memref<!tpu.dma_semaphore, #tpu.memory_space<semaphore_mem>>)
      %dma_wait3A = arith.constant 0 : i32
      %dma_wait3A_80 = tpu.memref_slice %arg11[%add3A_11, %dma_wait3A] : memref<20480x64xf32, #tpu.memory_space<vmem_shared>> -> memref<128x64xf32, #tpu.memory_space<vmem_shared>>
      %dma_wait3A_81 = arith.constant 0 : i32
      %dma_wait3A_82 = tpu.memref_slice %arg11[%add3A_11, %dma_wait3A_81] : memref<20480x64xf32, #tpu.memory_space<vmem_shared>> -> memref<128x64xf32, #tpu.memory_space<vmem_shared>>
      tpu.wait_dma2 semaphore(%run_scoped3A_75 : memref<!tpu.dma_semaphore, #tpu.memory_space<semaphore_mem>>) src(%arg7 : memref<128x64xf32, #tpu.memory_space<vmem>>) dst(%dma_wait3A_82 : memref<128x64xf32, #tpu.memory_space<vmem_shared>>)
      tpu.yield
    }) : () -> ()
    %mul3A_12 = arith.constant 1280 : i32
    %mul3A_13 = arith.muli %arg1, %mul3A_12 : i32
    %add3A_14 = arith.constant 256 : i32
    %add3A_15 = arith.addi %mul3A_13, %add3A_14 : i32
    "tpu.region"() ({
      %run_scoped3A_75 = tpu.sem_alloc : memref<!tpu.dma_semaphore, #tpu.memory_space<semaphore_mem>>
      %dma_start3A_76 = arith.constant 0 : i32
      %dma_start3A_77 = tpu.memref_slice %arg11[%add3A_15, %dma_start3A_76] : memref<20480x64xf32, #tpu.memory_space<vmem_shared>> -> memref<128x64xf32, #tpu.memory_space<vmem_shared>>
      %dma_start3A_78 = arith.constant 0 : i32
      %dma_start3A_79 = tpu.memref_slice %arg11[%add3A_15, %dma_start3A_78] : memref<20480x64xf32, #tpu.memory_space<vmem_shared>> -> memref<128x64xf32, #tpu.memory_space<vmem_shared>>
      tpu.enqueue_dma source(%arg7 : memref<128x64xf32, #tpu.memory_space<vmem>>) target(%dma_start3A_79 : memref<128x64xf32, #tpu.memory_space<vmem_shared>>) target_semaphore(%run_scoped3A_75 : memref<!tpu.dma_semaphore, #tpu.memory_space<semaphore_mem>>)
      %dma_wait3A = arith.constant 0 : i32
      %dma_wait3A_80 = tpu.memref_slice %arg11[%add3A_15, %dma_wait3A] : memref<20480x64xf32, #tpu.memory_space<vmem_shared>> -> memref<128x64xf32, #tpu.memory_space<vmem_shared>>
      %dma_wait3A_81 = arith.constant 0 : i32
      %dma_wait3A_82 = tpu.memref_slice %arg11[%add3A_15, %dma_wait3A_81] : memref<20480x64xf32, #tpu.memory_space<vmem_shared>> -> memref<128x64xf32, #tpu.memory_space<vmem_shared>>
      tpu.wait_dma2 semaphore(%run_scoped3A_75 : memref<!tpu.dma_semaphore, #tpu.memory_space<semaphore_mem>>) src(%arg7 : memref<128x64xf32, #tpu.memory_space<vmem>>) dst(%dma_wait3A_82 : memref<128x64xf32, #tpu.memory_space<vmem_shared>>)
      tpu.yield
    }) : () -> ()
    %mul3A_16 = arith.constant 1280 : i32
    %mul3A_17 = arith.muli %arg1, %mul3A_16 : i32
    %add3A_18 = arith.constant 384 : i32
    %add3A_19 = arith.addi %mul3A_17, %add3A_18 : i32
    "tpu.region"() ({
      %run_scoped3A_75 = tpu.sem_alloc : memref<!tpu.dma_semaphore, #tpu.memory_space<semaphore_mem>>
      %dma_start3A_76 = arith.constant 0 : i32
      %dma_start3A_77 = tpu.memref_slice %arg11[%add3A_19, %dma_start3A_76] : memref<20480x64xf32, #tpu.memory_space<vmem_shared>> -> memref<128x64xf32, #tpu.memory_space<vmem_shared>>
      %dma_start3A_78 = arith.constant 0 : i32
      %dma_start3A_79 = tpu.memref_slice %arg11[%add3A_19, %dma_start3A_78] : memref<20480x64xf32, #tpu.memory_space<vmem_shared>> -> memref<128x64xf32, #tpu.memory_space<vmem_shared>>
      tpu.enqueue_dma source(%arg7 : memref<128x64xf32, #tpu.memory_space<vmem>>) target(%dma_start3A_79 : memref<128x64xf32, #tpu.memory_space<vmem_shared>>) target_semaphore(%run_scoped3A_75 : memref<!tpu.dma_semaphore, #tpu.memory_space<semaphore_mem>>)
      %dma_wait3A = arith.constant 0 : i32
      %dma_wait3A_80 = tpu.memref_slice %arg11[%add3A_19, %dma_wait3A] : memref<20480x64xf32, #tpu.memory_space<vmem_shared>> -> memref<128x64xf32, #tpu.memory_space<vmem_shared>>
      %dma_wait3A_81 = arith.constant 0 : i32
      %dma_wait3A_82 = tpu.memref_slice %arg11[%add3A_19, %dma_wait3A_81] : memref<20480x64xf32, #tpu.memory_space<vmem_shared>> -> memref<128x64xf32, #tpu.memory_space<vmem_shared>>
      tpu.wait_dma2 semaphore(%run_scoped3A_75 : memref<!tpu.dma_semaphore, #tpu.memory_space<semaphore_mem>>) src(%arg7 : memref<128x64xf32, #tpu.memory_space<vmem>>) dst(%dma_wait3A_82 : memref<128x64xf32, #tpu.memory_space<vmem_shared>>)
      tpu.yield
    }) : () -> ()
    %mul3A_20 = arith.constant 1280 : i32
    %mul3A_21 = arith.muli %arg1, %mul3A_20 : i32
    %add3A_22 = arith.constant 512 : i32
    %add3A_23 = arith.addi %mul3A_21, %add3A_22 : i32
    "tpu.region"() ({
      %run_scoped3A_75 = tpu.sem_alloc : memref<!tpu.dma_semaphore, #tpu.memory_space<semaphore_mem>>
      %dma_start3A_76 = arith.constant 0 : i32
      %dma_start3A_77 = tpu.memref_slice %arg11[%add3A_23, %dma_start3A_76] : memref<20480x64xf32, #tpu.memory_space<vmem_shared>> -> memref<128x64xf32, #tpu.memory_space<vmem_shared>>
      %dma_start3A_78 = arith.constant 0 : i32
      %dma_start3A_79 = tpu.memref_slice %arg11[%add3A_23, %dma_start3A_78] : memref<20480x64xf32, #tpu.memory_space<vmem_shared>> -> memref<128x64xf32, #tpu.memory_space<vmem_shared>>
      tpu.enqueue_dma source(%arg7 : memref<128x64xf32, #tpu.memory_space<vmem>>) target(%dma_start3A_79 : memref<128x64xf32, #tpu.memory_space<vmem_shared>>) target_semaphore(%run_scoped3A_75 : memref<!tpu.dma_semaphore, #tpu.memory_space<semaphore_mem>>)
      %dma_wait3A = arith.constant 0 : i32
      %dma_wait3A_80 = tpu.memref_slice %arg11[%add3A_23, %dma_wait3A] : memref<20480x64xf32, #tpu.memory_space<vmem_shared>> -> memref<128x64xf32, #tpu.memory_space<vmem_shared>>
      %dma_wait3A_81 = arith.constant 0 : i32
      %dma_wait3A_82 = tpu.memref_slice %arg11[%add3A_23, %dma_wait3A_81] : memref<20480x64xf32, #tpu.memory_space<vmem_shared>> -> memref<128x64xf32, #tpu.memory_space<vmem_shared>>
      tpu.wait_dma2 semaphore(%run_scoped3A_75 : memref<!tpu.dma_semaphore, #tpu.memory_space<semaphore_mem>>) src(%arg7 : memref<128x64xf32, #tpu.memory_space<vmem>>) dst(%dma_wait3A_82 : memref<128x64xf32, #tpu.memory_space<vmem_shared>>)
      tpu.yield
    }) : () -> ()
    %mul3A_24 = arith.constant 1280 : i32
    %mul3A_25 = arith.muli %arg1, %mul3A_24 : i32
    %add3A_26 = arith.constant 640 : i32
    %add3A_27 = arith.addi %mul3A_25, %add3A_26 : i32
    "tpu.region"() ({
      %run_scoped3A_75 = tpu.sem_alloc : memref<!tpu.dma_semaphore, #tpu.memory_space<semaphore_mem>>
      %dma_start3A_76 = arith.constant 0 : i32
      %dma_start3A_77 = tpu.memref_slice %arg11[%add3A_27, %dma_start3A_76] : memref<20480x64xf32, #tpu.memory_space<vmem_shared>> -> memref<128x64xf32, #tpu.memory_space<vmem_shared>>
      %dma_start3A_78 = arith.constant 0 : i32
      %dma_start3A_79 = tpu.memref_slice %arg11[%add3A_27, %dma_start3A_78] : memref<20480x64xf32, #tpu.memory_space<vmem_shared>> -> memref<128x64xf32, #tpu.memory_space<vmem_shared>>
      tpu.enqueue_dma source(%arg7 : memref<128x64xf32, #tpu.memory_space<vmem>>) target(%dma_start3A_79 : memref<128x64xf32, #tpu.memory_space<vmem_shared>>) target_semaphore(%run_scoped3A_75 : memref<!tpu.dma_semaphore, #tpu.memory_space<semaphore_mem>>)
      %dma_wait3A = arith.constant 0 : i32
      %dma_wait3A_80 = tpu.memref_slice %arg11[%add3A_27, %dma_wait3A] : memref<20480x64xf32, #tpu.memory_space<vmem_shared>> -> memref<128x64xf32, #tpu.memory_space<vmem_shared>>
      %dma_wait3A_81 = arith.constant 0 : i32
      %dma_wait3A_82 = tpu.memref_slice %arg11[%add3A_27, %dma_wait3A_81] : memref<20480x64xf32, #tpu.memory_space<vmem_shared>> -> memref<128x64xf32, #tpu.memory_space<vmem_shared>>
      tpu.wait_dma2 semaphore(%run_scoped3A_75 : memref<!tpu.dma_semaphore, #tpu.memory_space<semaphore_mem>>) src(%arg7 : memref<128x64xf32, #tpu.memory_space<vmem>>) dst(%dma_wait3A_82 : memref<128x64xf32, #tpu.memory_space<vmem_shared>>)
      tpu.yield
    }) : () -> ()
    %mul3A_28 = arith.constant 1280 : i32
    %mul3A_29 = arith.muli %arg1, %mul3A_28 : i32
    %add3A_30 = arith.constant 768 : i32
    %add3A_31 = arith.addi %mul3A_29, %add3A_30 : i32
    "tpu.region"() ({
      %run_scoped3A_75 = tpu.sem_alloc : memref<!tpu.dma_semaphore, #tpu.memory_space<semaphore_mem>>
      %dma_start3A_76 = arith.constant 0 : i32
      %dma_start3A_77 = tpu.memref_slice %arg11[%add3A_31, %dma_start3A_76] : memref<20480x64xf32, #tpu.memory_space<vmem_shared>> -> memref<128x64xf32, #tpu.memory_space<vmem_shared>>
      %dma_start3A_78 = arith.constant 0 : i32
      %dma_start3A_79 = tpu.memref_slice %arg11[%add3A_31, %dma_start3A_78] : memref<20480x64xf32, #tpu.memory_space<vmem_shared>> -> memref<128x64xf32, #tpu.memory_space<vmem_shared>>
      tpu.enqueue_dma source(%arg7 : memref<128x64xf32, #tpu.memory_space<vmem>>) target(%dma_start3A_79 : memref<128x64xf32, #tpu.memory_space<vmem_shared>>) target_semaphore(%run_scoped3A_75 : memref<!tpu.dma_semaphore, #tpu.memory_space<semaphore_mem>>)
      %dma_wait3A = arith.constant 0 : i32
      %dma_wait3A_80 = tpu.memref_slice %arg11[%add3A_31, %dma_wait3A] : memref<20480x64xf32, #tpu.memory_space<vmem_shared>> -> memref<128x64xf32, #tpu.memory_space<vmem_shared>>
      %dma_wait3A_81 = arith.constant 0 : i32
      %dma_wait3A_82 = tpu.memref_slice %arg11[%add3A_31, %dma_wait3A_81] : memref<20480x64xf32, #tpu.memory_space<vmem_shared>> -> memref<128x64xf32, #tpu.memory_space<vmem_shared>>
      tpu.wait_dma2 semaphore(%run_scoped3A_75 : memref<!tpu.dma_semaphore, #tpu.memory_space<semaphore_mem>>) src(%arg7 : memref<128x64xf32, #tpu.memory_space<vmem>>) dst(%dma_wait3A_82 : memref<128x64xf32, #tpu.memory_space<vmem_shared>>)
      tpu.yield
    }) : () -> ()
    %mul3A_32 = arith.constant 1280 : i32
    %mul3A_33 = arith.muli %arg1, %mul3A_32 : i32
    %add3A_34 = arith.constant 896 : i32
    %add3A_35 = arith.addi %mul3A_33, %add3A_34 : i32
    "tpu.region"() ({
      %run_scoped3A_75 = tpu.sem_alloc : memref<!tpu.dma_semaphore, #tpu.memory_space<semaphore_mem>>
      %dma_start3A_76 = arith.constant 0 : i32
      %dma_start3A_77 = tpu.memref_slice %arg11[%add3A_35, %dma_start3A_76] : memref<20480x64xf32, #tpu.memory_space<vmem_shared>> -> memref<128x64xf32, #tpu.memory_space<vmem_shared>>
      %dma_start3A_78 = arith.constant 0 : i32
      %dma_start3A_79 = tpu.memref_slice %arg11[%add3A_35, %dma_start3A_78] : memref<20480x64xf32, #tpu.memory_space<vmem_shared>> -> memref<128x64xf32, #tpu.memory_space<vmem_shared>>
      tpu.enqueue_dma source(%arg7 : memref<128x64xf32, #tpu.memory_space<vmem>>) target(%dma_start3A_79 : memref<128x64xf32, #tpu.memory_space<vmem_shared>>) target_semaphore(%run_scoped3A_75 : memref<!tpu.dma_semaphore, #tpu.memory_space<semaphore_mem>>)
      %dma_wait3A = arith.constant 0 : i32
      %dma_wait3A_80 = tpu.memref_slice %arg11[%add3A_35, %dma_wait3A] : memref<20480x64xf32, #tpu.memory_space<vmem_shared>> -> memref<128x64xf32, #tpu.memory_space<vmem_shared>>
      %dma_wait3A_81 = arith.constant 0 : i32
      %dma_wait3A_82 = tpu.memref_slice %arg11[%add3A_35, %dma_wait3A_81] : memref<20480x64xf32, #tpu.memory_space<vmem_shared>> -> memref<128x64xf32, #tpu.memory_space<vmem_shared>>
      tpu.wait_dma2 semaphore(%run_scoped3A_75 : memref<!tpu.dma_semaphore, #tpu.memory_space<semaphore_mem>>) src(%arg7 : memref<128x64xf32, #tpu.memory_space<vmem>>) dst(%dma_wait3A_82 : memref<128x64xf32, #tpu.memory_space<vmem_shared>>)
      tpu.yield
    }) : () -> ()
    %mul3A_36 = arith.constant 1280 : i32
    %mul3A_37 = arith.muli %arg1, %mul3A_36 : i32
    %add3A_38 = arith.constant 1024 : i32
    %add3A_39 = arith.addi %mul3A_37, %add3A_38 : i32
    "tpu.region"() ({
      %run_scoped3A_75 = tpu.sem_alloc : memref<!tpu.dma_semaphore, #tpu.memory_space<semaphore_mem>>
      %dma_start3A_76 = arith.constant 0 : i32
      %dma_start3A_77 = tpu.memref_slice %arg11[%add3A_39, %dma_start3A_76] : memref<20480x64xf32, #tpu.memory_space<vmem_shared>> -> memref<128x64xf32, #tpu.memory_space<vmem_shared>>
      %dma_start3A_78 = arith.constant 0 : i32
      %dma_start3A_79 = tpu.memref_slice %arg11[%add3A_39, %dma_start3A_78] : memref<20480x64xf32, #tpu.memory_space<vmem_shared>> -> memref<128x64xf32, #tpu.memory_space<vmem_shared>>
      tpu.enqueue_dma source(%arg7 : memref<128x64xf32, #tpu.memory_space<vmem>>) target(%dma_start3A_79 : memref<128x64xf32, #tpu.memory_space<vmem_shared>>) target_semaphore(%run_scoped3A_75 : memref<!tpu.dma_semaphore, #tpu.memory_space<semaphore_mem>>)
      %dma_wait3A = arith.constant 0 : i32
      %dma_wait3A_80 = tpu.memref_slice %arg11[%add3A_39, %dma_wait3A] : memref<20480x64xf32, #tpu.memory_space<vmem_shared>> -> memref<128x64xf32, #tpu.memory_space<vmem_shared>>
      %dma_wait3A_81 = arith.constant 0 : i32
      %dma_wait3A_82 = tpu.memref_slice %arg11[%add3A_39, %dma_wait3A_81] : memref<20480x64xf32, #tpu.memory_space<vmem_shared>> -> memref<128x64xf32, #tpu.memory_space<vmem_shared>>
      tpu.wait_dma2 semaphore(%run_scoped3A_75 : memref<!tpu.dma_semaphore, #tpu.memory_space<semaphore_mem>>) src(%arg7 : memref<128x64xf32, #tpu.memory_space<vmem>>) dst(%dma_wait3A_82 : memref<128x64xf32, #tpu.memory_space<vmem_shared>>)
      tpu.yield
    }) : () -> ()
    %mul3A_40 = arith.constant 1280 : i32
    %mul3A_41 = arith.muli %arg1, %mul3A_40 : i32
    %add3A_42 = arith.constant 1152 : i32
    %add3A_43 = arith.addi %mul3A_41, %add3A_42 : i32
    "tpu.region"() ({
      %run_scoped3A_75 = tpu.sem_alloc : memref<!tpu.dma_semaphore, #tpu.memory_space<semaphore_mem>>
      %dma_start3A_76 = arith.constant 0 : i32
      %dma_start3A_77 = tpu.memref_slice %arg11[%add3A_43, %dma_start3A_76] : memref<20480x64xf32, #tpu.memory_space<vmem_shared>> -> memref<128x64xf32, #tpu.memory_space<vmem_shared>>
      %dma_start3A_78 = arith.constant 0 : i32
      %dma_start3A_79 = tpu.memref_slice %arg11[%add3A_43, %dma_start3A_78] : memref<20480x64xf32, #tpu.memory_space<vmem_shared>> -> memref<128x64xf32, #tpu.memory_space<vmem_shared>>
      tpu.enqueue_dma source(%arg7 : memref<128x64xf32, #tpu.memory_space<vmem>>) target(%dma_start3A_79 : memref<128x64xf32, #tpu.memory_space<vmem_shared>>) target_semaphore(%run_scoped3A_75 : memref<!tpu.dma_semaphore, #tpu.memory_space<semaphore_mem>>)
      %dma_wait3A = arith.constant 0 : i32
      %dma_wait3A_80 = tpu.memref_slice %arg11[%add3A_43, %dma_wait3A] : memref<20480x64xf32, #tpu.memory_space<vmem_shared>> -> memref<128x64xf32, #tpu.memory_space<vmem_shared>>
      %dma_wait3A_81 = arith.constant 0 : i32
      %dma_wait3A_82 = tpu.memref_slice %arg11[%add3A_43, %dma_wait3A_81] : memref<20480x64xf32, #tpu.memory_space<vmem_shared>> -> memref<128x64xf32, #tpu.memory_space<vmem_shared>>
      tpu.wait_dma2 semaphore(%run_scoped3A_75 : memref<!tpu.dma_semaphore, #tpu.memory_space<semaphore_mem>>) src(%arg7 : memref<128x64xf32, #tpu.memory_space<vmem>>) dst(%dma_wait3A_82 : memref<128x64xf32, #tpu.memory_space<vmem_shared>>)
      tpu.yield
    }) : () -> ()
    %barrier3A = arith.constant 0 : index
    tpu.barrier barrier_id(%barrier3A)
    %mul3A_44 = arith.constant 16 : i32
    %mul3A_45 = arith.muli %arg0, %mul3A_44 : i32
    %add3A_46 = arith.addi %mul3A_45, %arg1 : i32
    %mul3A_47 = arith.constant 64 : i32
    %mul3A_48 = arith.muli %add3A_46, %mul3A_47 : i32
    %run_scoped3A = arith.constant 0 : i32
    "tpu.region"() ({
      %run_scoped3A_75 = tpu.sem_alloc : memref<!tpu.dma_semaphore, #tpu.memory_space<semaphore_mem>>
      %dma_start3A_76 = arith.constant 0 : i32
      %dma_start3A_77 = tpu.memref_slice %arg2[%run_scoped3A, %mul3A_48, %dma_start3A_76] : memref<2x2048x128xi32, #tpu.memory_space<hbm>> -> memref<1x64x128xi32, #tpu.memory_space<hbm>>
      %dma_start3A_78 = tpu.memref_squeeze %dma_start3A_77 : memref<1x64x128xi32, #tpu.memory_space<hbm>> -> memref<64x128xi32, #tpu.memory_space<hbm>>
      %dma_start3A_79 = arith.constant 0 : i32
      %dma_start3A_80 = tpu.memref_slice %arg2[%run_scoped3A, %mul3A_48, %dma_start3A_79] : memref<2x2048x128xi32, #tpu.memory_space<hbm>> -> memref<1x64x128xi32, #tpu.memory_space<hbm>>
      %dma_start3A_81 = tpu.memref_squeeze %dma_start3A_80 : memref<1x64x128xi32, #tpu.memory_space<hbm>> -> memref<64x128xi32, #tpu.memory_space<hbm>>
      tpu.enqueue_dma source(%dma_start3A_81 : memref<64x128xi32, #tpu.memory_space<hbm>>) target(%arg5 : memref<64x128xi32, #tpu.memory_space<vmem>>) target_semaphore(%run_scoped3A_75 : memref<!tpu.dma_semaphore, #tpu.memory_space<semaphore_mem>>)
      %dma_wait3A = arith.constant 0 : i32
      %dma_wait3A_82 = tpu.memref_slice %arg2[%run_scoped3A, %mul3A_48, %dma_wait3A] : memref<2x2048x128xi32, #tpu.memory_space<hbm>> -> memref<1x64x128xi32, #tpu.memory_space<hbm>>
      %dma_wait3A_83 = tpu.memref_squeeze %dma_wait3A_82 : memref<1x64x128xi32, #tpu.memory_space<hbm>> -> memref<64x128xi32, #tpu.memory_space<hbm>>
      %dma_wait3A_84 = arith.constant 0 : i32
      %dma_wait3A_85 = tpu.memref_slice %arg2[%run_scoped3A, %mul3A_48, %dma_wait3A_84] : memref<2x2048x128xi32, #tpu.memory_space<hbm>> -> memref<1x64x128xi32, #tpu.memory_space<hbm>>
      %dma_wait3A_86 = tpu.memref_squeeze %dma_wait3A_85 : memref<1x64x128xi32, #tpu.memory_space<hbm>> -> memref<64x128xi32, #tpu.memory_space<hbm>>
      tpu.wait_dma2 semaphore(%run_scoped3A_75 : memref<!tpu.dma_semaphore, #tpu.memory_space<semaphore_mem>>) src(%dma_wait3A_86 : memref<64x128xi32, #tpu.memory_space<hbm>>) dst(%arg5 : memref<64x128xi32, #tpu.memory_space<vmem>>)
      tpu.yield
    }) : () -> ()
    %run_scoped3A_49 = arith.constant 1 : i32
    "tpu.region"() ({
      %run_scoped3A_75 = tpu.sem_alloc : memref<!tpu.dma_semaphore, #tpu.memory_space<semaphore_mem>>
      %dma_start3A_76 = arith.constant 0 : i32
      %dma_start3A_77 = tpu.memref_slice %arg2[%run_scoped3A_49, %mul3A_48, %dma_start3A_76] : memref<2x2048x128xi32, #tpu.memory_space<hbm>> -> memref<1x64x128xi32, #tpu.memory_space<hbm>>
      %dma_start3A_78 = tpu.memref_squeeze %dma_start3A_77 : memref<1x64x128xi32, #tpu.memory_space<hbm>> -> memref<64x128xi32, #tpu.memory_space<hbm>>
      %dma_start3A_79 = arith.constant 0 : i32
      %dma_start3A_80 = tpu.memref_slice %arg2[%run_scoped3A_49, %mul3A_48, %dma_start3A_79] : memref<2x2048x128xi32, #tpu.memory_space<hbm>> -> memref<1x64x128xi32, #tpu.memory_space<hbm>>
      %dma_start3A_81 = tpu.memref_squeeze %dma_start3A_80 : memref<1x64x128xi32, #tpu.memory_space<hbm>> -> memref<64x128xi32, #tpu.memory_space<hbm>>
      tpu.enqueue_dma source(%dma_start3A_81 : memref<64x128xi32, #tpu.memory_space<hbm>>) target(%arg6 : memref<64x128xi32, #tpu.memory_space<vmem>>) target_semaphore(%run_scoped3A_75 : memref<!tpu.dma_semaphore, #tpu.memory_space<semaphore_mem>>)
      %dma_wait3A = arith.constant 0 : i32
      %dma_wait3A_82 = tpu.memref_slice %arg2[%run_scoped3A_49, %mul3A_48, %dma_wait3A] : memref<2x2048x128xi32, #tpu.memory_space<hbm>> -> memref<1x64x128xi32, #tpu.memory_space<hbm>>
      %dma_wait3A_83 = tpu.memref_squeeze %dma_wait3A_82 : memref<1x64x128xi32, #tpu.memory_space<hbm>> -> memref<64x128xi32, #tpu.memory_space<hbm>>
      %dma_wait3A_84 = arith.constant 0 : i32
      %dma_wait3A_85 = tpu.memref_slice %arg2[%run_scoped3A_49, %mul3A_48, %dma_wait3A_84] : memref<2x2048x128xi32, #tpu.memory_space<hbm>> -> memref<1x64x128xi32, #tpu.memory_space<hbm>>
      %dma_wait3A_86 = tpu.memref_squeeze %dma_wait3A_85 : memref<1x64x128xi32, #tpu.memory_space<hbm>> -> memref<64x128xi32, #tpu.memory_space<hbm>>
      tpu.wait_dma2 semaphore(%run_scoped3A_75 : memref<!tpu.dma_semaphore, #tpu.memory_space<semaphore_mem>>) src(%dma_wait3A_86 : memref<64x128xi32, #tpu.memory_space<hbm>>) dst(%arg6 : memref<64x128xi32, #tpu.memory_space<vmem>>)
      tpu.yield
    }) : () -> ()
    %dma_start3A = arith.constant 0 : i32
    %dma_start3A_50 = arith.constant 0 : i32
    %dma_start3A_51 = tpu.memref_slice %arg5[%dma_start3A, %dma_start3A_50] : memref<64x128xi32, #tpu.memory_space<vmem>> -> memref<1x128xi32, #tpu.memory_space<vmem>>
    %dma_start3A_52 = tpu.memref_squeeze %dma_start3A_51 : memref<1x128xi32, #tpu.memory_space<vmem>> -> memref<128xi32, #tpu.memory_space<vmem>>
    %dma_start3A_53 = arith.constant 0 : i32
    %dma_start3A_54 = arith.constant 0 : i32
    %dma_start3A_55 = tpu.memref_slice %arg3[%dma_start3A_53, %dma_start3A_54] : memref<20480x64xf32, #tpu.memory_space<hbm>> -> memref<20480x64xf32, #tpu.memory_space<hbm>>
    tpu.enqueue_indirect_dma source(%dma_start3A_55 : memref<20480x64xf32, #tpu.memory_space<hbm>>) target(%arg7 : memref<128x64xf32, #tpu.memory_space<vmem>>) offsets(%dma_start3A_52 : memref<128xi32, #tpu.memory_space<vmem>>) semaphore(%arg12 : memref<!tpu.dma_semaphore, #tpu.memory_space<semaphore_mem>>)
    %dma_start3A_56 = arith.constant 0 : i32
    %dma_start3A_57 = arith.constant 0 : i32
    %dma_start3A_58 = tpu.memref_slice %arg6[%dma_start3A_56, %dma_start3A_57] : memref<64x128xi32, #tpu.memory_space<vmem>> -> memref<1x128xi32, #tpu.memory_space<vmem>>
    %dma_start3A_59 = tpu.memref_squeeze %dma_start3A_58 : memref<1x128xi32, #tpu.memory_space<vmem>> -> memref<128xi32, #tpu.memory_space<vmem>>
    %dma_start3A_60 = arith.constant 0 : i32
    %dma_start3A_61 = arith.constant 0 : i32
    %dma_start3A_62 = tpu.memref_slice %arg3[%dma_start3A_60, %dma_start3A_61] : memref<20480x64xf32, #tpu.memory_space<hbm>> -> memref<20480x64xf32, #tpu.memory_space<hbm>>
    tpu.enqueue_indirect_dma source(%dma_start3A_62 : memref<20480x64xf32, #tpu.memory_space<hbm>>) target(%arg8 : memref<128x64xf32, #tpu.memory_space<vmem>>) offsets(%dma_start3A_59 : memref<128xi32, #tpu.memory_space<vmem>>) semaphore(%arg12 : memref<!tpu.dma_semaphore, #tpu.memory_space<semaphore_mem>>)
    %scan3A_63 = arith.constant 0 : i32
    %scan3A_64 = arith.constant 0 : i32
    %scan3A_65 = arith.constant 32 : i32
    %scan3A_66 = arith.addi %scan3A_64, %scan3A_65 : i32
    %scan3A_67 = arith.constant 1 : i32
    %scan3A_68 = scf.for %scan3A_75 = %scan3A_64 to %scan3A_66 step %scan3A_67 iter_args(%scan3A_76 = %scan3A_63) -> (i32)  : i32 {
      %mul3A_77 = arith.constant 2 : i32
      %mul3A_78 = arith.muli %mul3A_77, %scan3A_75 : i32
      %mul3A_79 = arith.constant 2 : i32
      %mul3A_80 = arith.muli %mul3A_79, %scan3A_75 : i32
      %add3A_81 = arith.constant 1 : i32
      %add3A_82 = arith.addi %mul3A_80, %add3A_81 : i32
      %dma_wait3A = arith.constant 0 : i32
      %dma_wait3A_83 = arith.constant 0 : i32
      %dma_wait3A_84 = tpu.memref_slice %arg5[%dma_wait3A, %dma_wait3A_83] : memref<64x128xi32, #tpu.memory_space<vmem>> -> memref<1x128xi32, #tpu.memory_space<vmem>>
      %dma_wait3A_85 = tpu.memref_squeeze %dma_wait3A_84 : memref<1x128xi32, #tpu.memory_space<vmem>> -> memref<128xi32, #tpu.memory_space<vmem>>
      %dma_wait3A_86 = arith.constant 0 : i32
      %dma_wait3A_87 = arith.constant 0 : i32
      %dma_wait3A_88 = tpu.memref_slice %arg3[%dma_wait3A_86, %dma_wait3A_87] : memref<20480x64xf32, #tpu.memory_space<hbm>> -> memref<20480x64xf32, #tpu.memory_space<hbm>>
      tpu.wait_indirect_dma semaphore(%arg12 : memref<!tpu.dma_semaphore, #tpu.memory_space<semaphore_mem>>) src(%dma_wait3A_88 : memref<20480x64xf32, #tpu.memory_space<hbm>>) dst(%arg7 : memref<128x64xf32, #tpu.memory_space<vmem>>)
      %dma_wait3A_89 = arith.constant 0 : i32
      %dma_wait3A_90 = arith.constant 0 : i32
      %dma_wait3A_91 = tpu.memref_slice %arg6[%dma_wait3A_89, %dma_wait3A_90] : memref<64x128xi32, #tpu.memory_space<vmem>> -> memref<1x128xi32, #tpu.memory_space<vmem>>
      %dma_wait3A_92 = tpu.memref_squeeze %dma_wait3A_91 : memref<1x128xi32, #tpu.memory_space<vmem>> -> memref<128xi32, #tpu.memory_space<vmem>>
      %dma_wait3A_93 = arith.constant 0 : i32
      %dma_wait3A_94 = arith.constant 0 : i32
      %dma_wait3A_95 = tpu.memref_slice %arg3[%dma_wait3A_93, %dma_wait3A_94] : memref<20480x64xf32, #tpu.memory_space<hbm>> -> memref<20480x64xf32, #tpu.memory_space<hbm>>
      tpu.wait_indirect_dma semaphore(%arg12 : memref<!tpu.dma_semaphore, #tpu.memory_space<semaphore_mem>>) src(%dma_wait3A_95 : memref<20480x64xf32, #tpu.memory_space<hbm>>) dst(%arg8 : memref<128x64xf32, #tpu.memory_space<vmem>>)
      %dma_start3A_96 = arith.constant 0 : i32
      %dma_start3A_97 = tpu.memref_slice %arg5[%add3A_82, %dma_start3A_96] : memref<64x128xi32, #tpu.memory_space<vmem>> -> memref<1x128xi32, #tpu.memory_space<vmem>>
      %dma_start3A_98 = tpu.memref_squeeze %dma_start3A_97 : memref<1x128xi32, #tpu.memory_space<vmem>> -> memref<128xi32, #tpu.memory_space<vmem>>
      %dma_start3A_99 = arith.constant 0 : i32
      %dma_start3A_100 = arith.constant 0 : i32
      %dma_start3A_101 = tpu.memref_slice %arg3[%dma_start3A_99, %dma_start3A_100] : memref<20480x64xf32, #tpu.memory_space<hbm>> -> memref<20480x64xf32, #tpu.memory_space<hbm>>
      tpu.enqueue_indirect_dma source(%dma_start3A_101 : memref<20480x64xf32, #tpu.memory_space<hbm>>) target(%arg9 : memref<128x64xf32, #tpu.memory_space<vmem>>) offsets(%dma_start3A_98 : memref<128xi32, #tpu.memory_space<vmem>>) semaphore(%arg12 : memref<!tpu.dma_semaphore, #tpu.memory_space<semaphore_mem>>)
      %dma_start3A_102 = arith.constant 0 : i32
      %dma_start3A_103 = tpu.memref_slice %arg6[%add3A_82, %dma_start3A_102] : memref<64x128xi32, #tpu.memory_space<vmem>> -> memref<1x128xi32, #tpu.memory_space<vmem>>
      %dma_start3A_104 = tpu.memref_squeeze %dma_start3A_103 : memref<1x128xi32, #tpu.memory_space<vmem>> -> memref<128xi32, #tpu.memory_space<vmem>>
      %dma_start3A_105 = arith.constant 0 : i32
      %dma_start3A_106 = arith.constant 0 : i32
      %dma_start3A_107 = tpu.memref_slice %arg3[%dma_start3A_105, %dma_start3A_106] : memref<20480x64xf32, #tpu.memory_space<hbm>> -> memref<20480x64xf32, #tpu.memory_space<hbm>>
      tpu.enqueue_indirect_dma source(%dma_start3A_107 : memref<20480x64xf32, #tpu.memory_space<hbm>>) target(%arg10 : memref<128x64xf32, #tpu.memory_space<vmem>>) offsets(%dma_start3A_104 : memref<128xi32, #tpu.memory_space<vmem>>) semaphore(%arg12 : memref<!tpu.dma_semaphore, #tpu.memory_space<semaphore_mem>>)
      %dma_start3A_108 = arith.constant 0 : i32
      %dma_start3A_109 = tpu.memref_slice %arg6[%mul3A_78, %dma_start3A_108] : memref<64x128xi32, #tpu.memory_space<vmem>> -> memref<1x128xi32, #tpu.memory_space<vmem>>
      %dma_start3A_110 = tpu.memref_squeeze %dma_start3A_109 : memref<1x128xi32, #tpu.memory_space<vmem>> -> memref<128xi32, #tpu.memory_space<vmem>>
      %dma_start3A_111 = arith.constant 0 : i32
      %dma_start3A_112 = arith.constant 0 : i32
      %dma_start3A_113 = tpu.memref_slice %arg11[%dma_start3A_111, %dma_start3A_112] : memref<20480x64xf32, #tpu.memory_space<vmem_shared>> -> memref<20480x64xf32, #tpu.memory_space<vmem_shared>>
      tpu.enqueue_indirect_dma source(%arg7 : memref<128x64xf32, #tpu.memory_space<vmem>>) target(%dma_start3A_113 : memref<20480x64xf32, #tpu.memory_space<vmem_shared>>) offsets(%dma_start3A_110 : memref<128xi32, #tpu.memory_space<vmem>>) semaphore(%arg13 : memref<!tpu.dma_semaphore, #tpu.memory_space<semaphore_mem>>) {add = true}
      %dma_start3A_114 = arith.constant 0 : i32
      %dma_start3A_115 = tpu.memref_slice %arg5[%mul3A_78, %dma_start3A_114] : memref<64x128xi32, #tpu.memory_space<vmem>> -> memref<1x128xi32, #tpu.memory_space<vmem>>
      %dma_start3A_116 = tpu.memref_squeeze %dma_start3A_115 : memref<1x128xi32, #tpu.memory_space<vmem>> -> memref<128xi32, #tpu.memory_space<vmem>>
      %dma_start3A_117 = arith.constant 0 : i32
      %dma_start3A_118 = arith.constant 0 : i32
      %dma_start3A_119 = tpu.memref_slice %arg11[%dma_start3A_117, %dma_start3A_118] : memref<20480x64xf32, #tpu.memory_space<vmem_shared>> -> memref<20480x64xf32, #tpu.memory_space<vmem_shared>>
      tpu.enqueue_indirect_dma source(%arg8 : memref<128x64xf32, #tpu.memory_space<vmem>>) target(%dma_start3A_119 : memref<20480x64xf32, #tpu.memory_space<vmem_shared>>) offsets(%dma_start3A_116 : memref<128xi32, #tpu.memory_space<vmem>>) semaphore(%arg13 : memref<!tpu.dma_semaphore, #tpu.memory_space<semaphore_mem>>) {add = true}
      %dma_wait3A_120 = arith.constant 0 : i32
      %dma_wait3A_121 = arith.constant 0 : i32
      %dma_wait3A_122 = tpu.memref_slice %arg5[%dma_wait3A_120, %dma_wait3A_121] : memref<64x128xi32, #tpu.memory_space<vmem>> -> memref<1x128xi32, #tpu.memory_space<vmem>>
      %dma_wait3A_123 = tpu.memref_squeeze %dma_wait3A_122 : memref<1x128xi32, #tpu.memory_space<vmem>> -> memref<128xi32, #tpu.memory_space<vmem>>
      %dma_wait3A_124 = arith.constant 0 : i32
      %dma_wait3A_125 = arith.constant 0 : i32
      %dma_wait3A_126 = tpu.memref_slice %arg3[%dma_wait3A_124, %dma_wait3A_125] : memref<20480x64xf32, #tpu.memory_space<hbm>> -> memref<20480x64xf32, #tpu.memory_space<hbm>>
      tpu.wait_indirect_dma semaphore(%arg12 : memref<!tpu.dma_semaphore, #tpu.memory_space<semaphore_mem>>) src(%dma_wait3A_126 : memref<20480x64xf32, #tpu.memory_space<hbm>>) dst(%arg9 : memref<128x64xf32, #tpu.memory_space<vmem>>)
      %dma_wait3A_127 = arith.constant 0 : i32
      %dma_wait3A_128 = arith.constant 0 : i32
      %dma_wait3A_129 = tpu.memref_slice %arg6[%dma_wait3A_127, %dma_wait3A_128] : memref<64x128xi32, #tpu.memory_space<vmem>> -> memref<1x128xi32, #tpu.memory_space<vmem>>
      %dma_wait3A_130 = tpu.memref_squeeze %dma_wait3A_129 : memref<1x128xi32, #tpu.memory_space<vmem>> -> memref<128xi32, #tpu.memory_space<vmem>>
      %dma_wait3A_131 = arith.constant 0 : i32
      %dma_wait3A_132 = arith.constant 0 : i32
      %dma_wait3A_133 = tpu.memref_slice %arg3[%dma_wait3A_131, %dma_wait3A_132] : memref<20480x64xf32, #tpu.memory_space<hbm>> -> memref<20480x64xf32, #tpu.memory_space<hbm>>
      tpu.wait_indirect_dma semaphore(%arg12 : memref<!tpu.dma_semaphore, #tpu.memory_space<semaphore_mem>>) src(%dma_wait3A_133 : memref<20480x64xf32, #tpu.memory_space<hbm>>) dst(%arg10 : memref<128x64xf32, #tpu.memory_space<vmem>>)
      %dma_start3A_134 = arith.constant 0 : i32
      %dma_start3A_135 = tpu.memref_slice %arg6[%add3A_82, %dma_start3A_134] : memref<64x128xi32, #tpu.memory_space<vmem>> -> memref<1x128xi32, #tpu.memory_space<vmem>>
      %dma_start3A_136 = tpu.memref_squeeze %dma_start3A_135 : memref<1x128xi32, #tpu.memory_space<vmem>> -> memref<128xi32, #tpu.memory_space<vmem>>
      %dma_start3A_137 = arith.constant 0 : i32
      %dma_start3A_138 = arith.constant 0 : i32
      %dma_start3A_139 = tpu.memref_slice %arg11[%dma_start3A_137, %dma_start3A_138] : memref<20480x64xf32, #tpu.memory_space<vmem_shared>> -> memref<20480x64xf32, #tpu.memory_space<vmem_shared>>
      tpu.enqueue_indirect_dma source(%arg9 : memref<128x64xf32, #tpu.memory_space<vmem>>) target(%dma_start3A_139 : memref<20480x64xf32, #tpu.memory_space<vmem_shared>>) offsets(%dma_start3A_136 : memref<128xi32, #tpu.memory_space<vmem>>) semaphore(%arg13 : memref<!tpu.dma_semaphore, #tpu.memory_space<semaphore_mem>>) {add = true}
      %dma_start3A_140 = arith.constant 0 : i32
      %dma_start3A_141 = tpu.memref_slice %arg5[%add3A_82, %dma_start3A_140] : memref<64x128xi32, #tpu.memory_space<vmem>> -> memref<1x128xi32, #tpu.memory_space<vmem>>
      %dma_start3A_142 = tpu.memref_squeeze %dma_start3A_141 : memref<1x128xi32, #tpu.memory_space<vmem>> -> memref<128xi32, #tpu.memory_space<vmem>>
      %dma_start3A_143 = arith.constant 0 : i32
      %dma_start3A_144 = arith.constant 0 : i32
      %dma_start3A_145 = tpu.memref_slice %arg11[%dma_start3A_143, %dma_start3A_144] : memref<20480x64xf32, #tpu.memory_space<vmem_shared>> -> memref<20480x64xf32, #tpu.memory_space<vmem_shared>>
      tpu.enqueue_indirect_dma source(%arg10 : memref<128x64xf32, #tpu.memory_space<vmem>>) target(%dma_start3A_145 : memref<20480x64xf32, #tpu.memory_space<vmem_shared>>) offsets(%dma_start3A_142 : memref<128xi32, #tpu.memory_space<vmem>>) semaphore(%arg13 : memref<!tpu.dma_semaphore, #tpu.memory_space<semaphore_mem>>) {add = true}
      %dma_wait3A_146 = arith.constant 0 : i32
      %dma_wait3A_147 = arith.constant 0 : i32
      %dma_wait3A_148 = tpu.memref_slice %arg6[%dma_wait3A_146, %dma_wait3A_147] : memref<64x128xi32, #tpu.memory_space<vmem>> -> memref<1x128xi32, #tpu.memory_space<vmem>>
      %dma_wait3A_149 = tpu.memref_squeeze %dma_wait3A_148 : memref<1x128xi32, #tpu.memory_space<vmem>> -> memref<128xi32, #tpu.memory_space<vmem>>
      %dma_wait3A_150 = arith.constant 0 : i32
      %dma_wait3A_151 = arith.constant 0 : i32
      %dma_wait3A_152 = tpu.memref_slice %arg11[%dma_wait3A_150, %dma_wait3A_151] : memref<20480x64xf32, #tpu.memory_space<vmem_shared>> -> memref<20480x64xf32, #tpu.memory_space<vmem_shared>>
      tpu.wait_indirect_dma semaphore(%arg13 : memref<!tpu.dma_semaphore, #tpu.memory_space<semaphore_mem>>) src(%arg7 : memref<128x64xf32, #tpu.memory_space<vmem>>) dst(%dma_wait3A_152 : memref<20480x64xf32, #tpu.memory_space<vmem_shared>>)
      %dma_wait3A_153 = arith.constant 0 : i32
      %dma_wait3A_154 = arith.constant 0 : i32
      %dma_wait3A_155 = tpu.memref_slice %arg5[%dma_wait3A_153, %dma_wait3A_154] : memref<64x128xi32, #tpu.memory_space<vmem>> -> memref<1x128xi32, #tpu.memory_space<vmem>>
      %dma_wait3A_156 = tpu.memref_squeeze %dma_wait3A_155 : memref<1x128xi32, #tpu.memory_space<vmem>> -> memref<128xi32, #tpu.memory_space<vmem>>
      %dma_wait3A_157 = arith.constant 0 : i32
      %dma_wait3A_158 = arith.constant 0 : i32
      %dma_wait3A_159 = tpu.memref_slice %arg11[%dma_wait3A_157, %dma_wait3A_158] : memref<20480x64xf32, #tpu.memory_space<vmem_shared>> -> memref<20480x64xf32, #tpu.memory_space<vmem_shared>>
      tpu.wait_indirect_dma semaphore(%arg13 : memref<!tpu.dma_semaphore, #tpu.memory_space<semaphore_mem>>) src(%arg8 : memref<128x64xf32, #tpu.memory_space<vmem>>) dst(%dma_wait3A_159 : memref<20480x64xf32, #tpu.memory_space<vmem_shared>>)
      %lt3A = arith.constant 31 : i32
      %lt3A_160 = arith.cmpi slt, %scan3A_75, %lt3A : i32
      %convert_element_type3A = arith.extui %lt3A_160 : i1 to i32
      %cond3A = arith.constant 0 : i32
      %cond3A_161 = arith.cmpi ne, %convert_element_type3A, %cond3A : i32
      scf.if %cond3A_161 {
        %add3A_177 = arith.constant 2 : i32
        %add3A_178 = arith.addi %mul3A_78, %add3A_177 : i32
        %dma_start3A_179 = arith.constant 0 : i32
        %dma_start3A_180 = tpu.memref_slice %arg5[%add3A_178, %dma_start3A_179] : memref<64x128xi32, #tpu.memory_space<vmem>> -> memref<1x128xi32, #tpu.memory_space<vmem>>
        %dma_start3A_181 = tpu.memref_squeeze %dma_start3A_180 : memref<1x128xi32, #tpu.memory_space<vmem>> -> memref<128xi32, #tpu.memory_space<vmem>>
        %dma_start3A_182 = arith.constant 0 : i32
        %dma_start3A_183 = arith.constant 0 : i32
        %dma_start3A_184 = tpu.memref_slice %arg3[%dma_start3A_182, %dma_start3A_183] : memref<20480x64xf32, #tpu.memory_space<hbm>> -> memref<20480x64xf32, #tpu.memory_space<hbm>>
        tpu.enqueue_indirect_dma source(%dma_start3A_184 : memref<20480x64xf32, #tpu.memory_space<hbm>>) target(%arg7 : memref<128x64xf32, #tpu.memory_space<vmem>>) offsets(%dma_start3A_181 : memref<128xi32, #tpu.memory_space<vmem>>) semaphore(%arg12 : memref<!tpu.dma_semaphore, #tpu.memory_space<semaphore_mem>>)
        %dma_start3A_185 = arith.constant 0 : i32
        %dma_start3A_186 = tpu.memref_slice %arg6[%add3A_178, %dma_start3A_185] : memref<64x128xi32, #tpu.memory_space<vmem>> -> memref<1x128xi32, #tpu.memory_space<vmem>>
        %dma_start3A_187 = tpu.memref_squeeze %dma_start3A_186 : memref<1x128xi32, #tpu.memory_space<vmem>> -> memref<128xi32, #tpu.memory_space<vmem>>
        %dma_start3A_188 = arith.constant 0 : i32
        %dma_start3A_189 = arith.constant 0 : i32
        %dma_start3A_190 = tpu.memref_slice %arg3[%dma_start3A_188, %dma_start3A_189] : memref<20480x64xf32, #tpu.memory_space<hbm>> -> memref<20480x64xf32, #tpu.memory_space<hbm>>
        tpu.enqueue_indirect_dma source(%dma_start3A_190 : memref<20480x64xf32, #tpu.memory_space<hbm>>) target(%arg8 : memref<128x64xf32, #tpu.memory_space<vmem>>) offsets(%dma_start3A_187 : memref<128xi32, #tpu.memory_space<vmem>>) semaphore(%arg12 : memref<!tpu.dma_semaphore, #tpu.memory_space<semaphore_mem>>)
      } else {
      }
      %dma_wait3A_162 = arith.constant 0 : i32
      %dma_wait3A_163 = arith.constant 0 : i32
      %dma_wait3A_164 = tpu.memref_slice %arg6[%dma_wait3A_162, %dma_wait3A_163] : memref<64x128xi32, #tpu.memory_space<vmem>> -> memref<1x128xi32, #tpu.memory_space<vmem>>
      %dma_wait3A_165 = tpu.memref_squeeze %dma_wait3A_164 : memref<1x128xi32, #tpu.memory_space<vmem>> -> memref<128xi32, #tpu.memory_space<vmem>>
      %dma_wait3A_166 = arith.constant 0 : i32
      %dma_wait3A_167 = arith.constant 0 : i32
      %dma_wait3A_168 = tpu.memref_slice %arg11[%dma_wait3A_166, %dma_wait3A_167] : memref<20480x64xf32, #tpu.memory_space<vmem_shared>> -> memref<20480x64xf32, #tpu.memory_space<vmem_shared>>
      tpu.wait_indirect_dma semaphore(%arg13 : memref<!tpu.dma_semaphore, #tpu.memory_space<semaphore_mem>>) src(%arg9 : memref<128x64xf32, #tpu.memory_space<vmem>>) dst(%dma_wait3A_168 : memref<20480x64xf32, #tpu.memory_space<vmem_shared>>)
      %dma_wait3A_169 = arith.constant 0 : i32
      %dma_wait3A_170 = arith.constant 0 : i32
      %dma_wait3A_171 = tpu.memref_slice %arg5[%dma_wait3A_169, %dma_wait3A_170] : memref<64x128xi32, #tpu.memory_space<vmem>> -> memref<1x128xi32, #tpu.memory_space<vmem>>
      %dma_wait3A_172 = tpu.memref_squeeze %dma_wait3A_171 : memref<1x128xi32, #tpu.memory_space<vmem>> -> memref<128xi32, #tpu.memory_space<vmem>>
      %dma_wait3A_173 = arith.constant 0 : i32
      %dma_wait3A_174 = arith.constant 0 : i32
      %dma_wait3A_175 = tpu.memref_slice %arg11[%dma_wait3A_173, %dma_wait3A_174] : memref<20480x64xf32, #tpu.memory_space<vmem_shared>> -> memref<20480x64xf32, #tpu.memory_space<vmem_shared>>
      tpu.wait_indirect_dma semaphore(%arg13 : memref<!tpu.dma_semaphore, #tpu.memory_space<semaphore_mem>>) src(%arg10 : memref<128x64xf32, #tpu.memory_space<vmem>>) dst(%dma_wait3A_175 : memref<20480x64xf32, #tpu.memory_space<vmem_shared>>)
      %scan3A_176 = arith.constant 0 : i32
      scf.yield %scan3A_176 : i32
    }
    %scan3A_69 = arith.constant 32 : i32
    %barrier3A_70 = arith.constant 0 : index
    tpu.barrier barrier_id(%barrier3A_70)
    %mul3A_71 = arith.constant 1280 : i32
    %mul3A_72 = arith.muli %arg1, %mul3A_71 : i32
    %mul3A_73 = arith.constant 1280 : i32
    %mul3A_74 = arith.muli %arg1, %mul3A_73 : i32
    "tpu.region"() ({
      %run_scoped3A_75 = tpu.sem_alloc : memref<!tpu.dma_semaphore, #tpu.memory_space<semaphore_mem>>
      %dma_start3A_76 = arith.constant 0 : i32
      %dma_start3A_77 = tpu.memref_slice %arg4[%arg0, %mul3A_74, %dma_start3A_76] : memref<2x20480x64xf32, #tpu.memory_space<hbm>> -> memref<1x1280x64xf32, #tpu.memory_space<hbm>>
      %dma_start3A_78 = tpu.memref_squeeze %dma_start3A_77 : memref<1x1280x64xf32, #tpu.memory_space<hbm>> -> memref<1280x64xf32, #tpu.memory_space<hbm>>
      %dma_start3A_79 = arith.constant 0 : i32
      %dma_start3A_80 = tpu.memref_slice %arg11[%mul3A_72, %dma_start3A_79] : memref<20480x64xf32, #tpu.memory_space<vmem_shared>> -> memref<1280x64xf32, #tpu.memory_space<vmem_shared>>
      tpu.enqueue_dma source(%dma_start3A_80 : memref<1280x64xf32, #tpu.memory_space<vmem_shared>>) target(%dma_start3A_78 : memref<1280x64xf32, #tpu.memory_space<hbm>>) target_semaphore(%run_scoped3A_75 : memref<!tpu.dma_semaphore, #tpu.memory_space<semaphore_mem>>)
      %dma_wait3A = arith.constant 0 : i32
      %dma_wait3A_81 = tpu.memref_slice %arg4[%arg0, %mul3A_74, %dma_wait3A] : memref<2x20480x64xf32, #tpu.memory_space<hbm>> -> memref<1x1280x64xf32, #tpu.memory_space<hbm>>
      %dma_wait3A_82 = tpu.memref_squeeze %dma_wait3A_81 : memref<1x1280x64xf32, #tpu.memory_space<hbm>> -> memref<1280x64xf32, #tpu.memory_space<hbm>>
      %dma_wait3A_83 = arith.constant 0 : i32
      %dma_wait3A_84 = tpu.memref_slice %arg11[%mul3A_72, %dma_wait3A_83] : memref<20480x64xf32, #tpu.memory_space<vmem_shared>> -> memref<1280x64xf32, #tpu.memory_space<vmem_shared>>
      tpu.wait_dma2 semaphore(%run_scoped3A_75 : memref<!tpu.dma_semaphore, #tpu.memory_space<semaphore_mem>>) src(%dma_wait3A_84 : memref<1280x64xf32, #tpu.memory_space<vmem_shared>>) dst(%dma_wait3A_82 : memref<1280x64xf32, #tpu.memory_space<hbm>>)
      tpu.yield
    }) : () -> ()
    return
  }
}

#map = affine_map<(d0, d1) -> (0, 0, 0)>
#map1 = affine_map<(d0, d1) -> (0, 0)>
module attributes {stable_mosaic.version = 14 : i64} {
  func.func @_ospmm_sc_body(%arg0: i32, %arg1: i32, %arg2: memref<2x320x128xi32, #tpu.memory_space<hbm>>, %arg3: memref<2x320x128xf32, #tpu.memory_space<hbm>>, %arg4: memref<4096x64xf32, #tpu.memory_space<hbm>>, %arg5: memref<2x4096x64xf32, #tpu.memory_space<hbm>>, %arg6: memref<10x128xi32, #tpu.memory_space<vmem>>, %arg7: memref<10x128xf32, #tpu.memory_space<vmem>>, %arg8: memref<1280x64xf32, #tpu.memory_space<vmem>>, %arg9: memref<128x64xf32, #tpu.memory_space<vmem>>, %arg10: memref<!tpu.dma_semaphore, #tpu.memory_space<semaphore_mem>>) attributes {dimension_semantics = [#tpu.dimension_semantics<core_parallel>, #tpu.dimension_semantics<subcore_parallel>], iteration_bounds = array<i64: 2, 16>, scalar_prefetch = 0 : i64, scratch_operands = 5 : i64, tpu.core_type = #tpu.core_type<sc_vector_subcore>, window_params = [{transform_indices = #map}, {transform_indices = #map}, {transform_indices = #map1}, {transform_indices = #map}]} {
    %mul3A = arith.constant 16 : i32
    %mul3A_0 = arith.muli %arg0, %mul3A : i32
    %add3A = arith.addi %mul3A_0, %arg1 : i32
    %mul3A_1 = arith.constant 10 : i32
    %mul3A_2 = arith.muli %add3A, %mul3A_1 : i32
    %run_scoped3A = arith.constant 0 : i32
    "tpu.region"() ({
      %run_scoped3A_429 = tpu.sem_alloc : memref<!tpu.dma_semaphore, #tpu.memory_space<semaphore_mem>>
      %dma_start3A_430 = arith.constant 0 : i32
      %dma_start3A_431 = tpu.memref_slice %arg2[%run_scoped3A, %mul3A_2, %dma_start3A_430] : memref<2x320x128xi32, #tpu.memory_space<hbm>> -> memref<1x10x128xi32, #tpu.memory_space<hbm>>
      %dma_start3A_432 = tpu.memref_squeeze %dma_start3A_431 : memref<1x10x128xi32, #tpu.memory_space<hbm>> -> memref<10x128xi32, #tpu.memory_space<hbm>>
      %dma_start3A_433 = arith.constant 0 : i32
      %dma_start3A_434 = tpu.memref_slice %arg2[%run_scoped3A, %mul3A_2, %dma_start3A_433] : memref<2x320x128xi32, #tpu.memory_space<hbm>> -> memref<1x10x128xi32, #tpu.memory_space<hbm>>
      %dma_start3A_435 = tpu.memref_squeeze %dma_start3A_434 : memref<1x10x128xi32, #tpu.memory_space<hbm>> -> memref<10x128xi32, #tpu.memory_space<hbm>>
      tpu.enqueue_dma source(%dma_start3A_435 : memref<10x128xi32, #tpu.memory_space<hbm>>) target(%arg6 : memref<10x128xi32, #tpu.memory_space<vmem>>) target_semaphore(%run_scoped3A_429 : memref<!tpu.dma_semaphore, #tpu.memory_space<semaphore_mem>>)
      %dma_wait3A_436 = arith.constant 0 : i32
      %dma_wait3A_437 = tpu.memref_slice %arg2[%run_scoped3A, %mul3A_2, %dma_wait3A_436] : memref<2x320x128xi32, #tpu.memory_space<hbm>> -> memref<1x10x128xi32, #tpu.memory_space<hbm>>
      %dma_wait3A_438 = tpu.memref_squeeze %dma_wait3A_437 : memref<1x10x128xi32, #tpu.memory_space<hbm>> -> memref<10x128xi32, #tpu.memory_space<hbm>>
      %dma_wait3A_439 = arith.constant 0 : i32
      %dma_wait3A_440 = tpu.memref_slice %arg2[%run_scoped3A, %mul3A_2, %dma_wait3A_439] : memref<2x320x128xi32, #tpu.memory_space<hbm>> -> memref<1x10x128xi32, #tpu.memory_space<hbm>>
      %dma_wait3A_441 = tpu.memref_squeeze %dma_wait3A_440 : memref<1x10x128xi32, #tpu.memory_space<hbm>> -> memref<10x128xi32, #tpu.memory_space<hbm>>
      tpu.wait_dma2 semaphore(%run_scoped3A_429 : memref<!tpu.dma_semaphore, #tpu.memory_space<semaphore_mem>>) src(%dma_wait3A_441 : memref<10x128xi32, #tpu.memory_space<hbm>>) dst(%arg6 : memref<10x128xi32, #tpu.memory_space<vmem>>)
      tpu.yield
    }) : () -> ()
    %mul3A_3 = arith.constant 10 : i32
    %mul3A_4 = arith.muli %add3A, %mul3A_3 : i32
    %run_scoped3A_5 = arith.constant 0 : i32
    "tpu.region"() ({
      %run_scoped3A_429 = tpu.sem_alloc : memref<!tpu.dma_semaphore, #tpu.memory_space<semaphore_mem>>
      %dma_start3A_430 = arith.constant 0 : i32
      %dma_start3A_431 = tpu.memref_slice %arg3[%run_scoped3A_5, %mul3A_4, %dma_start3A_430] : memref<2x320x128xf32, #tpu.memory_space<hbm>> -> memref<1x10x128xf32, #tpu.memory_space<hbm>>
      %dma_start3A_432 = tpu.memref_squeeze %dma_start3A_431 : memref<1x10x128xf32, #tpu.memory_space<hbm>> -> memref<10x128xf32, #tpu.memory_space<hbm>>
      %dma_start3A_433 = arith.constant 0 : i32
      %dma_start3A_434 = tpu.memref_slice %arg3[%run_scoped3A_5, %mul3A_4, %dma_start3A_433] : memref<2x320x128xf32, #tpu.memory_space<hbm>> -> memref<1x10x128xf32, #tpu.memory_space<hbm>>
      %dma_start3A_435 = tpu.memref_squeeze %dma_start3A_434 : memref<1x10x128xf32, #tpu.memory_space<hbm>> -> memref<10x128xf32, #tpu.memory_space<hbm>>
      tpu.enqueue_dma source(%dma_start3A_435 : memref<10x128xf32, #tpu.memory_space<hbm>>) target(%arg7 : memref<10x128xf32, #tpu.memory_space<vmem>>) target_semaphore(%run_scoped3A_429 : memref<!tpu.dma_semaphore, #tpu.memory_space<semaphore_mem>>)
      %dma_wait3A_436 = arith.constant 0 : i32
      %dma_wait3A_437 = tpu.memref_slice %arg3[%run_scoped3A_5, %mul3A_4, %dma_wait3A_436] : memref<2x320x128xf32, #tpu.memory_space<hbm>> -> memref<1x10x128xf32, #tpu.memory_space<hbm>>
      %dma_wait3A_438 = tpu.memref_squeeze %dma_wait3A_437 : memref<1x10x128xf32, #tpu.memory_space<hbm>> -> memref<10x128xf32, #tpu.memory_space<hbm>>
      %dma_wait3A_439 = arith.constant 0 : i32
      %dma_wait3A_440 = tpu.memref_slice %arg3[%run_scoped3A_5, %mul3A_4, %dma_wait3A_439] : memref<2x320x128xf32, #tpu.memory_space<hbm>> -> memref<1x10x128xf32, #tpu.memory_space<hbm>>
      %dma_wait3A_441 = tpu.memref_squeeze %dma_wait3A_440 : memref<1x10x128xf32, #tpu.memory_space<hbm>> -> memref<10x128xf32, #tpu.memory_space<hbm>>
      tpu.wait_dma2 semaphore(%run_scoped3A_429 : memref<!tpu.dma_semaphore, #tpu.memory_space<semaphore_mem>>) src(%dma_wait3A_441 : memref<10x128xf32, #tpu.memory_space<hbm>>) dst(%arg7 : memref<10x128xf32, #tpu.memory_space<vmem>>)
      tpu.yield
    }) : () -> ()
    %dma_start3A = arith.constant 0 : i32
    %dma_start3A_6 = arith.constant 0 : i32
    %dma_start3A_7 = arith.constant 0 : i32
    %dma_start3A_8 = tpu.memref_slice %arg8[%dma_start3A_6, %dma_start3A_7] : memref<1280x64xf32, #tpu.memory_space<vmem>> -> memref<128x64xf32, #tpu.memory_space<vmem>>
    %dma_start3A_9 = arith.constant 0 : i32
    %dma_start3A_10 = tpu.memref_slice %arg6[%dma_start3A, %dma_start3A_9] : memref<10x128xi32, #tpu.memory_space<vmem>> -> memref<1x128xi32, #tpu.memory_space<vmem>>
    %dma_start3A_11 = tpu.memref_squeeze %dma_start3A_10 : memref<1x128xi32, #tpu.memory_space<vmem>> -> memref<128xi32, #tpu.memory_space<vmem>>
    %dma_start3A_12 = arith.constant 0 : i32
    %dma_start3A_13 = arith.constant 0 : i32
    %dma_start3A_14 = tpu.memref_slice %arg4[%dma_start3A_12, %dma_start3A_13] : memref<4096x64xf32, #tpu.memory_space<hbm>> -> memref<4096x64xf32, #tpu.memory_space<hbm>>
    tpu.enqueue_indirect_dma source(%dma_start3A_14 : memref<4096x64xf32, #tpu.memory_space<hbm>>) target(%dma_start3A_8 : memref<128x64xf32, #tpu.memory_space<vmem>>) offsets(%dma_start3A_11 : memref<128xi32, #tpu.memory_space<vmem>>) semaphore(%arg10 : memref<!tpu.dma_semaphore, #tpu.memory_space<semaphore_mem>>)
    %dma_start3A_15 = arith.constant 1 : i32
    %dma_start3A_16 = arith.constant 128 : i32
    %dma_start3A_17 = arith.constant 0 : i32
    %dma_start3A_18 = tpu.memref_slice %arg8[%dma_start3A_16, %dma_start3A_17] : memref<1280x64xf32, #tpu.memory_space<vmem>> -> memref<128x64xf32, #tpu.memory_space<vmem>>
    %dma_start3A_19 = arith.constant 0 : i32
    %dma_start3A_20 = tpu.memref_slice %arg6[%dma_start3A_15, %dma_start3A_19] : memref<10x128xi32, #tpu.memory_space<vmem>> -> memref<1x128xi32, #tpu.memory_space<vmem>>
    %dma_start3A_21 = tpu.memref_squeeze %dma_start3A_20 : memref<1x128xi32, #tpu.memory_space<vmem>> -> memref<128xi32, #tpu.memory_space<vmem>>
    %dma_start3A_22 = arith.constant 0 : i32
    %dma_start3A_23 = arith.constant 0 : i32
    %dma_start3A_24 = tpu.memref_slice %arg4[%dma_start3A_22, %dma_start3A_23] : memref<4096x64xf32, #tpu.memory_space<hbm>> -> memref<4096x64xf32, #tpu.memory_space<hbm>>
    tpu.enqueue_indirect_dma source(%dma_start3A_24 : memref<4096x64xf32, #tpu.memory_space<hbm>>) target(%dma_start3A_18 : memref<128x64xf32, #tpu.memory_space<vmem>>) offsets(%dma_start3A_21 : memref<128xi32, #tpu.memory_space<vmem>>) semaphore(%arg10 : memref<!tpu.dma_semaphore, #tpu.memory_space<semaphore_mem>>)
    %dma_start3A_25 = arith.constant 2 : i32
    %dma_start3A_26 = arith.constant 256 : i32
    %dma_start3A_27 = arith.constant 0 : i32
    %dma_start3A_28 = tpu.memref_slice %arg8[%dma_start3A_26, %dma_start3A_27] : memref<1280x64xf32, #tpu.memory_space<vmem>> -> memref<128x64xf32, #tpu.memory_space<vmem>>
    %dma_start3A_29 = arith.constant 0 : i32
    %dma_start3A_30 = tpu.memref_slice %arg6[%dma_start3A_25, %dma_start3A_29] : memref<10x128xi32, #tpu.memory_space<vmem>> -> memref<1x128xi32, #tpu.memory_space<vmem>>
    %dma_start3A_31 = tpu.memref_squeeze %dma_start3A_30 : memref<1x128xi32, #tpu.memory_space<vmem>> -> memref<128xi32, #tpu.memory_space<vmem>>
    %dma_start3A_32 = arith.constant 0 : i32
    %dma_start3A_33 = arith.constant 0 : i32
    %dma_start3A_34 = tpu.memref_slice %arg4[%dma_start3A_32, %dma_start3A_33] : memref<4096x64xf32, #tpu.memory_space<hbm>> -> memref<4096x64xf32, #tpu.memory_space<hbm>>
    tpu.enqueue_indirect_dma source(%dma_start3A_34 : memref<4096x64xf32, #tpu.memory_space<hbm>>) target(%dma_start3A_28 : memref<128x64xf32, #tpu.memory_space<vmem>>) offsets(%dma_start3A_31 : memref<128xi32, #tpu.memory_space<vmem>>) semaphore(%arg10 : memref<!tpu.dma_semaphore, #tpu.memory_space<semaphore_mem>>)
    %dma_start3A_35 = arith.constant 3 : i32
    %dma_start3A_36 = arith.constant 384 : i32
    %dma_start3A_37 = arith.constant 0 : i32
    %dma_start3A_38 = tpu.memref_slice %arg8[%dma_start3A_36, %dma_start3A_37] : memref<1280x64xf32, #tpu.memory_space<vmem>> -> memref<128x64xf32, #tpu.memory_space<vmem>>
    %dma_start3A_39 = arith.constant 0 : i32
    %dma_start3A_40 = tpu.memref_slice %arg6[%dma_start3A_35, %dma_start3A_39] : memref<10x128xi32, #tpu.memory_space<vmem>> -> memref<1x128xi32, #tpu.memory_space<vmem>>
    %dma_start3A_41 = tpu.memref_squeeze %dma_start3A_40 : memref<1x128xi32, #tpu.memory_space<vmem>> -> memref<128xi32, #tpu.memory_space<vmem>>
    %dma_start3A_42 = arith.constant 0 : i32
    %dma_start3A_43 = arith.constant 0 : i32
    %dma_start3A_44 = tpu.memref_slice %arg4[%dma_start3A_42, %dma_start3A_43] : memref<4096x64xf32, #tpu.memory_space<hbm>> -> memref<4096x64xf32, #tpu.memory_space<hbm>>
    tpu.enqueue_indirect_dma source(%dma_start3A_44 : memref<4096x64xf32, #tpu.memory_space<hbm>>) target(%dma_start3A_38 : memref<128x64xf32, #tpu.memory_space<vmem>>) offsets(%dma_start3A_41 : memref<128xi32, #tpu.memory_space<vmem>>) semaphore(%arg10 : memref<!tpu.dma_semaphore, #tpu.memory_space<semaphore_mem>>)
    %dma_start3A_45 = arith.constant 4 : i32
    %dma_start3A_46 = arith.constant 512 : i32
    %dma_start3A_47 = arith.constant 0 : i32
    %dma_start3A_48 = tpu.memref_slice %arg8[%dma_start3A_46, %dma_start3A_47] : memref<1280x64xf32, #tpu.memory_space<vmem>> -> memref<128x64xf32, #tpu.memory_space<vmem>>
    %dma_start3A_49 = arith.constant 0 : i32
    %dma_start3A_50 = tpu.memref_slice %arg6[%dma_start3A_45, %dma_start3A_49] : memref<10x128xi32, #tpu.memory_space<vmem>> -> memref<1x128xi32, #tpu.memory_space<vmem>>
    %dma_start3A_51 = tpu.memref_squeeze %dma_start3A_50 : memref<1x128xi32, #tpu.memory_space<vmem>> -> memref<128xi32, #tpu.memory_space<vmem>>
    %dma_start3A_52 = arith.constant 0 : i32
    %dma_start3A_53 = arith.constant 0 : i32
    %dma_start3A_54 = tpu.memref_slice %arg4[%dma_start3A_52, %dma_start3A_53] : memref<4096x64xf32, #tpu.memory_space<hbm>> -> memref<4096x64xf32, #tpu.memory_space<hbm>>
    tpu.enqueue_indirect_dma source(%dma_start3A_54 : memref<4096x64xf32, #tpu.memory_space<hbm>>) target(%dma_start3A_48 : memref<128x64xf32, #tpu.memory_space<vmem>>) offsets(%dma_start3A_51 : memref<128xi32, #tpu.memory_space<vmem>>) semaphore(%arg10 : memref<!tpu.dma_semaphore, #tpu.memory_space<semaphore_mem>>)
    %dma_start3A_55 = arith.constant 5 : i32
    %dma_start3A_56 = arith.constant 640 : i32
    %dma_start3A_57 = arith.constant 0 : i32
    %dma_start3A_58 = tpu.memref_slice %arg8[%dma_start3A_56, %dma_start3A_57] : memref<1280x64xf32, #tpu.memory_space<vmem>> -> memref<128x64xf32, #tpu.memory_space<vmem>>
    %dma_start3A_59 = arith.constant 0 : i32
    %dma_start3A_60 = tpu.memref_slice %arg6[%dma_start3A_55, %dma_start3A_59] : memref<10x128xi32, #tpu.memory_space<vmem>> -> memref<1x128xi32, #tpu.memory_space<vmem>>
    %dma_start3A_61 = tpu.memref_squeeze %dma_start3A_60 : memref<1x128xi32, #tpu.memory_space<vmem>> -> memref<128xi32, #tpu.memory_space<vmem>>
    %dma_start3A_62 = arith.constant 0 : i32
    %dma_start3A_63 = arith.constant 0 : i32
    %dma_start3A_64 = tpu.memref_slice %arg4[%dma_start3A_62, %dma_start3A_63] : memref<4096x64xf32, #tpu.memory_space<hbm>> -> memref<4096x64xf32, #tpu.memory_space<hbm>>
    tpu.enqueue_indirect_dma source(%dma_start3A_64 : memref<4096x64xf32, #tpu.memory_space<hbm>>) target(%dma_start3A_58 : memref<128x64xf32, #tpu.memory_space<vmem>>) offsets(%dma_start3A_61 : memref<128xi32, #tpu.memory_space<vmem>>) semaphore(%arg10 : memref<!tpu.dma_semaphore, #tpu.memory_space<semaphore_mem>>)
    %dma_start3A_65 = arith.constant 6 : i32
    %dma_start3A_66 = arith.constant 768 : i32
    %dma_start3A_67 = arith.constant 0 : i32
    %dma_start3A_68 = tpu.memref_slice %arg8[%dma_start3A_66, %dma_start3A_67] : memref<1280x64xf32, #tpu.memory_space<vmem>> -> memref<128x64xf32, #tpu.memory_space<vmem>>
    %dma_start3A_69 = arith.constant 0 : i32
    %dma_start3A_70 = tpu.memref_slice %arg6[%dma_start3A_65, %dma_start3A_69] : memref<10x128xi32, #tpu.memory_space<vmem>> -> memref<1x128xi32, #tpu.memory_space<vmem>>
    %dma_start3A_71 = tpu.memref_squeeze %dma_start3A_70 : memref<1x128xi32, #tpu.memory_space<vmem>> -> memref<128xi32, #tpu.memory_space<vmem>>
    %dma_start3A_72 = arith.constant 0 : i32
    %dma_start3A_73 = arith.constant 0 : i32
    %dma_start3A_74 = tpu.memref_slice %arg4[%dma_start3A_72, %dma_start3A_73] : memref<4096x64xf32, #tpu.memory_space<hbm>> -> memref<4096x64xf32, #tpu.memory_space<hbm>>
    tpu.enqueue_indirect_dma source(%dma_start3A_74 : memref<4096x64xf32, #tpu.memory_space<hbm>>) target(%dma_start3A_68 : memref<128x64xf32, #tpu.memory_space<vmem>>) offsets(%dma_start3A_71 : memref<128xi32, #tpu.memory_space<vmem>>) semaphore(%arg10 : memref<!tpu.dma_semaphore, #tpu.memory_space<semaphore_mem>>)
    %dma_start3A_75 = arith.constant 7 : i32
    %dma_start3A_76 = arith.constant 896 : i32
    %dma_start3A_77 = arith.constant 0 : i32
    %dma_start3A_78 = tpu.memref_slice %arg8[%dma_start3A_76, %dma_start3A_77] : memref<1280x64xf32, #tpu.memory_space<vmem>> -> memref<128x64xf32, #tpu.memory_space<vmem>>
    %dma_start3A_79 = arith.constant 0 : i32
    %dma_start3A_80 = tpu.memref_slice %arg6[%dma_start3A_75, %dma_start3A_79] : memref<10x128xi32, #tpu.memory_space<vmem>> -> memref<1x128xi32, #tpu.memory_space<vmem>>
    %dma_start3A_81 = tpu.memref_squeeze %dma_start3A_80 : memref<1x128xi32, #tpu.memory_space<vmem>> -> memref<128xi32, #tpu.memory_space<vmem>>
    %dma_start3A_82 = arith.constant 0 : i32
    %dma_start3A_83 = arith.constant 0 : i32
    %dma_start3A_84 = tpu.memref_slice %arg4[%dma_start3A_82, %dma_start3A_83] : memref<4096x64xf32, #tpu.memory_space<hbm>> -> memref<4096x64xf32, #tpu.memory_space<hbm>>
    tpu.enqueue_indirect_dma source(%dma_start3A_84 : memref<4096x64xf32, #tpu.memory_space<hbm>>) target(%dma_start3A_78 : memref<128x64xf32, #tpu.memory_space<vmem>>) offsets(%dma_start3A_81 : memref<128xi32, #tpu.memory_space<vmem>>) semaphore(%arg10 : memref<!tpu.dma_semaphore, #tpu.memory_space<semaphore_mem>>)
    %dma_start3A_85 = arith.constant 8 : i32
    %dma_start3A_86 = arith.constant 1024 : i32
    %dma_start3A_87 = arith.constant 0 : i32
    %dma_start3A_88 = tpu.memref_slice %arg8[%dma_start3A_86, %dma_start3A_87] : memref<1280x64xf32, #tpu.memory_space<vmem>> -> memref<128x64xf32, #tpu.memory_space<vmem>>
    %dma_start3A_89 = arith.constant 0 : i32
    %dma_start3A_90 = tpu.memref_slice %arg6[%dma_start3A_85, %dma_start3A_89] : memref<10x128xi32, #tpu.memory_space<vmem>> -> memref<1x128xi32, #tpu.memory_space<vmem>>
    %dma_start3A_91 = tpu.memref_squeeze %dma_start3A_90 : memref<1x128xi32, #tpu.memory_space<vmem>> -> memref<128xi32, #tpu.memory_space<vmem>>
    %dma_start3A_92 = arith.constant 0 : i32
    %dma_start3A_93 = arith.constant 0 : i32
    %dma_start3A_94 = tpu.memref_slice %arg4[%dma_start3A_92, %dma_start3A_93] : memref<4096x64xf32, #tpu.memory_space<hbm>> -> memref<4096x64xf32, #tpu.memory_space<hbm>>
    tpu.enqueue_indirect_dma source(%dma_start3A_94 : memref<4096x64xf32, #tpu.memory_space<hbm>>) target(%dma_start3A_88 : memref<128x64xf32, #tpu.memory_space<vmem>>) offsets(%dma_start3A_91 : memref<128xi32, #tpu.memory_space<vmem>>) semaphore(%arg10 : memref<!tpu.dma_semaphore, #tpu.memory_space<semaphore_mem>>)
    %dma_start3A_95 = arith.constant 9 : i32
    %dma_start3A_96 = arith.constant 1152 : i32
    %dma_start3A_97 = arith.constant 0 : i32
    %dma_start3A_98 = tpu.memref_slice %arg8[%dma_start3A_96, %dma_start3A_97] : memref<1280x64xf32, #tpu.memory_space<vmem>> -> memref<128x64xf32, #tpu.memory_space<vmem>>
    %dma_start3A_99 = arith.constant 0 : i32
    %dma_start3A_100 = tpu.memref_slice %arg6[%dma_start3A_95, %dma_start3A_99] : memref<10x128xi32, #tpu.memory_space<vmem>> -> memref<1x128xi32, #tpu.memory_space<vmem>>
    %dma_start3A_101 = tpu.memref_squeeze %dma_start3A_100 : memref<1x128xi32, #tpu.memory_space<vmem>> -> memref<128xi32, #tpu.memory_space<vmem>>
    %dma_start3A_102 = arith.constant 0 : i32
    %dma_start3A_103 = arith.constant 0 : i32
    %dma_start3A_104 = tpu.memref_slice %arg4[%dma_start3A_102, %dma_start3A_103] : memref<4096x64xf32, #tpu.memory_space<hbm>> -> memref<4096x64xf32, #tpu.memory_space<hbm>>
    tpu.enqueue_indirect_dma source(%dma_start3A_104 : memref<4096x64xf32, #tpu.memory_space<hbm>>) target(%dma_start3A_98 : memref<128x64xf32, #tpu.memory_space<vmem>>) offsets(%dma_start3A_101 : memref<128xi32, #tpu.memory_space<vmem>>) semaphore(%arg10 : memref<!tpu.dma_semaphore, #tpu.memory_space<semaphore_mem>>)
    %dma_wait3A = arith.constant 0 : i32
    %dma_wait3A_105 = arith.constant 0 : i32
    %dma_wait3A_106 = arith.constant 0 : i32
    %dma_wait3A_107 = tpu.memref_slice %arg8[%dma_wait3A_105, %dma_wait3A_106] : memref<1280x64xf32, #tpu.memory_space<vmem>> -> memref<128x64xf32, #tpu.memory_space<vmem>>
    %dma_wait3A_108 = arith.constant 0 : i32
    %dma_wait3A_109 = tpu.memref_slice %arg6[%dma_wait3A, %dma_wait3A_108] : memref<10x128xi32, #tpu.memory_space<vmem>> -> memref<1x128xi32, #tpu.memory_space<vmem>>
    %dma_wait3A_110 = tpu.memref_squeeze %dma_wait3A_109 : memref<1x128xi32, #tpu.memory_space<vmem>> -> memref<128xi32, #tpu.memory_space<vmem>>
    %dma_wait3A_111 = arith.constant 0 : i32
    %dma_wait3A_112 = arith.constant 0 : i32
    %dma_wait3A_113 = tpu.memref_slice %arg4[%dma_wait3A_111, %dma_wait3A_112] : memref<4096x64xf32, #tpu.memory_space<hbm>> -> memref<4096x64xf32, #tpu.memory_space<hbm>>
    tpu.wait_indirect_dma semaphore(%arg10 : memref<!tpu.dma_semaphore, #tpu.memory_space<semaphore_mem>>) src(%dma_wait3A_113 : memref<4096x64xf32, #tpu.memory_space<hbm>>) dst(%dma_wait3A_107 : memref<128x64xf32, #tpu.memory_space<vmem>>)
    %dma_wait3A_114 = arith.constant 1 : i32
    %dma_wait3A_115 = arith.constant 128 : i32
    %dma_wait3A_116 = arith.constant 0 : i32
    %dma_wait3A_117 = tpu.memref_slice %arg8[%dma_wait3A_115, %dma_wait3A_116] : memref<1280x64xf32, #tpu.memory_space<vmem>> -> memref<128x64xf32, #tpu.memory_space<vmem>>
    %dma_wait3A_118 = arith.constant 0 : i32
    %dma_wait3A_119 = tpu.memref_slice %arg6[%dma_wait3A_114, %dma_wait3A_118] : memref<10x128xi32, #tpu.memory_space<vmem>> -> memref<1x128xi32, #tpu.memory_space<vmem>>
    %dma_wait3A_120 = tpu.memref_squeeze %dma_wait3A_119 : memref<1x128xi32, #tpu.memory_space<vmem>> -> memref<128xi32, #tpu.memory_space<vmem>>
    %dma_wait3A_121 = arith.constant 0 : i32
    %dma_wait3A_122 = arith.constant 0 : i32
    %dma_wait3A_123 = tpu.memref_slice %arg4[%dma_wait3A_121, %dma_wait3A_122] : memref<4096x64xf32, #tpu.memory_space<hbm>> -> memref<4096x64xf32, #tpu.memory_space<hbm>>
    tpu.wait_indirect_dma semaphore(%arg10 : memref<!tpu.dma_semaphore, #tpu.memory_space<semaphore_mem>>) src(%dma_wait3A_123 : memref<4096x64xf32, #tpu.memory_space<hbm>>) dst(%dma_wait3A_117 : memref<128x64xf32, #tpu.memory_space<vmem>>)
    %dma_wait3A_124 = arith.constant 2 : i32
    %dma_wait3A_125 = arith.constant 256 : i32
    %dma_wait3A_126 = arith.constant 0 : i32
    %dma_wait3A_127 = tpu.memref_slice %arg8[%dma_wait3A_125, %dma_wait3A_126] : memref<1280x64xf32, #tpu.memory_space<vmem>> -> memref<128x64xf32, #tpu.memory_space<vmem>>
    %dma_wait3A_128 = arith.constant 0 : i32
    %dma_wait3A_129 = tpu.memref_slice %arg6[%dma_wait3A_124, %dma_wait3A_128] : memref<10x128xi32, #tpu.memory_space<vmem>> -> memref<1x128xi32, #tpu.memory_space<vmem>>
    %dma_wait3A_130 = tpu.memref_squeeze %dma_wait3A_129 : memref<1x128xi32, #tpu.memory_space<vmem>> -> memref<128xi32, #tpu.memory_space<vmem>>
    %dma_wait3A_131 = arith.constant 0 : i32
    %dma_wait3A_132 = arith.constant 0 : i32
    %dma_wait3A_133 = tpu.memref_slice %arg4[%dma_wait3A_131, %dma_wait3A_132] : memref<4096x64xf32, #tpu.memory_space<hbm>> -> memref<4096x64xf32, #tpu.memory_space<hbm>>
    tpu.wait_indirect_dma semaphore(%arg10 : memref<!tpu.dma_semaphore, #tpu.memory_space<semaphore_mem>>) src(%dma_wait3A_133 : memref<4096x64xf32, #tpu.memory_space<hbm>>) dst(%dma_wait3A_127 : memref<128x64xf32, #tpu.memory_space<vmem>>)
    %dma_wait3A_134 = arith.constant 3 : i32
    %dma_wait3A_135 = arith.constant 384 : i32
    %dma_wait3A_136 = arith.constant 0 : i32
    %dma_wait3A_137 = tpu.memref_slice %arg8[%dma_wait3A_135, %dma_wait3A_136] : memref<1280x64xf32, #tpu.memory_space<vmem>> -> memref<128x64xf32, #tpu.memory_space<vmem>>
    %dma_wait3A_138 = arith.constant 0 : i32
    %dma_wait3A_139 = tpu.memref_slice %arg6[%dma_wait3A_134, %dma_wait3A_138] : memref<10x128xi32, #tpu.memory_space<vmem>> -> memref<1x128xi32, #tpu.memory_space<vmem>>
    %dma_wait3A_140 = tpu.memref_squeeze %dma_wait3A_139 : memref<1x128xi32, #tpu.memory_space<vmem>> -> memref<128xi32, #tpu.memory_space<vmem>>
    %dma_wait3A_141 = arith.constant 0 : i32
    %dma_wait3A_142 = arith.constant 0 : i32
    %dma_wait3A_143 = tpu.memref_slice %arg4[%dma_wait3A_141, %dma_wait3A_142] : memref<4096x64xf32, #tpu.memory_space<hbm>> -> memref<4096x64xf32, #tpu.memory_space<hbm>>
    tpu.wait_indirect_dma semaphore(%arg10 : memref<!tpu.dma_semaphore, #tpu.memory_space<semaphore_mem>>) src(%dma_wait3A_143 : memref<4096x64xf32, #tpu.memory_space<hbm>>) dst(%dma_wait3A_137 : memref<128x64xf32, #tpu.memory_space<vmem>>)
    %dma_wait3A_144 = arith.constant 4 : i32
    %dma_wait3A_145 = arith.constant 512 : i32
    %dma_wait3A_146 = arith.constant 0 : i32
    %dma_wait3A_147 = tpu.memref_slice %arg8[%dma_wait3A_145, %dma_wait3A_146] : memref<1280x64xf32, #tpu.memory_space<vmem>> -> memref<128x64xf32, #tpu.memory_space<vmem>>
    %dma_wait3A_148 = arith.constant 0 : i32
    %dma_wait3A_149 = tpu.memref_slice %arg6[%dma_wait3A_144, %dma_wait3A_148] : memref<10x128xi32, #tpu.memory_space<vmem>> -> memref<1x128xi32, #tpu.memory_space<vmem>>
    %dma_wait3A_150 = tpu.memref_squeeze %dma_wait3A_149 : memref<1x128xi32, #tpu.memory_space<vmem>> -> memref<128xi32, #tpu.memory_space<vmem>>
    %dma_wait3A_151 = arith.constant 0 : i32
    %dma_wait3A_152 = arith.constant 0 : i32
    %dma_wait3A_153 = tpu.memref_slice %arg4[%dma_wait3A_151, %dma_wait3A_152] : memref<4096x64xf32, #tpu.memory_space<hbm>> -> memref<4096x64xf32, #tpu.memory_space<hbm>>
    tpu.wait_indirect_dma semaphore(%arg10 : memref<!tpu.dma_semaphore, #tpu.memory_space<semaphore_mem>>) src(%dma_wait3A_153 : memref<4096x64xf32, #tpu.memory_space<hbm>>) dst(%dma_wait3A_147 : memref<128x64xf32, #tpu.memory_space<vmem>>)
    %dma_wait3A_154 = arith.constant 5 : i32
    %dma_wait3A_155 = arith.constant 640 : i32
    %dma_wait3A_156 = arith.constant 0 : i32
    %dma_wait3A_157 = tpu.memref_slice %arg8[%dma_wait3A_155, %dma_wait3A_156] : memref<1280x64xf32, #tpu.memory_space<vmem>> -> memref<128x64xf32, #tpu.memory_space<vmem>>
    %dma_wait3A_158 = arith.constant 0 : i32
    %dma_wait3A_159 = tpu.memref_slice %arg6[%dma_wait3A_154, %dma_wait3A_158] : memref<10x128xi32, #tpu.memory_space<vmem>> -> memref<1x128xi32, #tpu.memory_space<vmem>>
    %dma_wait3A_160 = tpu.memref_squeeze %dma_wait3A_159 : memref<1x128xi32, #tpu.memory_space<vmem>> -> memref<128xi32, #tpu.memory_space<vmem>>
    %dma_wait3A_161 = arith.constant 0 : i32
    %dma_wait3A_162 = arith.constant 0 : i32
    %dma_wait3A_163 = tpu.memref_slice %arg4[%dma_wait3A_161, %dma_wait3A_162] : memref<4096x64xf32, #tpu.memory_space<hbm>> -> memref<4096x64xf32, #tpu.memory_space<hbm>>
    tpu.wait_indirect_dma semaphore(%arg10 : memref<!tpu.dma_semaphore, #tpu.memory_space<semaphore_mem>>) src(%dma_wait3A_163 : memref<4096x64xf32, #tpu.memory_space<hbm>>) dst(%dma_wait3A_157 : memref<128x64xf32, #tpu.memory_space<vmem>>)
    %dma_wait3A_164 = arith.constant 6 : i32
    %dma_wait3A_165 = arith.constant 768 : i32
    %dma_wait3A_166 = arith.constant 0 : i32
    %dma_wait3A_167 = tpu.memref_slice %arg8[%dma_wait3A_165, %dma_wait3A_166] : memref<1280x64xf32, #tpu.memory_space<vmem>> -> memref<128x64xf32, #tpu.memory_space<vmem>>
    %dma_wait3A_168 = arith.constant 0 : i32
    %dma_wait3A_169 = tpu.memref_slice %arg6[%dma_wait3A_164, %dma_wait3A_168] : memref<10x128xi32, #tpu.memory_space<vmem>> -> memref<1x128xi32, #tpu.memory_space<vmem>>
    %dma_wait3A_170 = tpu.memref_squeeze %dma_wait3A_169 : memref<1x128xi32, #tpu.memory_space<vmem>> -> memref<128xi32, #tpu.memory_space<vmem>>
    %dma_wait3A_171 = arith.constant 0 : i32
    %dma_wait3A_172 = arith.constant 0 : i32
    %dma_wait3A_173 = tpu.memref_slice %arg4[%dma_wait3A_171, %dma_wait3A_172] : memref<4096x64xf32, #tpu.memory_space<hbm>> -> memref<4096x64xf32, #tpu.memory_space<hbm>>
    tpu.wait_indirect_dma semaphore(%arg10 : memref<!tpu.dma_semaphore, #tpu.memory_space<semaphore_mem>>) src(%dma_wait3A_173 : memref<4096x64xf32, #tpu.memory_space<hbm>>) dst(%dma_wait3A_167 : memref<128x64xf32, #tpu.memory_space<vmem>>)
    %dma_wait3A_174 = arith.constant 7 : i32
    %dma_wait3A_175 = arith.constant 896 : i32
    %dma_wait3A_176 = arith.constant 0 : i32
    %dma_wait3A_177 = tpu.memref_slice %arg8[%dma_wait3A_175, %dma_wait3A_176] : memref<1280x64xf32, #tpu.memory_space<vmem>> -> memref<128x64xf32, #tpu.memory_space<vmem>>
    %dma_wait3A_178 = arith.constant 0 : i32
    %dma_wait3A_179 = tpu.memref_slice %arg6[%dma_wait3A_174, %dma_wait3A_178] : memref<10x128xi32, #tpu.memory_space<vmem>> -> memref<1x128xi32, #tpu.memory_space<vmem>>
    %dma_wait3A_180 = tpu.memref_squeeze %dma_wait3A_179 : memref<1x128xi32, #tpu.memory_space<vmem>> -> memref<128xi32, #tpu.memory_space<vmem>>
    %dma_wait3A_181 = arith.constant 0 : i32
    %dma_wait3A_182 = arith.constant 0 : i32
    %dma_wait3A_183 = tpu.memref_slice %arg4[%dma_wait3A_181, %dma_wait3A_182] : memref<4096x64xf32, #tpu.memory_space<hbm>> -> memref<4096x64xf32, #tpu.memory_space<hbm>>
    tpu.wait_indirect_dma semaphore(%arg10 : memref<!tpu.dma_semaphore, #tpu.memory_space<semaphore_mem>>) src(%dma_wait3A_183 : memref<4096x64xf32, #tpu.memory_space<hbm>>) dst(%dma_wait3A_177 : memref<128x64xf32, #tpu.memory_space<vmem>>)
    %dma_wait3A_184 = arith.constant 8 : i32
    %dma_wait3A_185 = arith.constant 1024 : i32
    %dma_wait3A_186 = arith.constant 0 : i32
    %dma_wait3A_187 = tpu.memref_slice %arg8[%dma_wait3A_185, %dma_wait3A_186] : memref<1280x64xf32, #tpu.memory_space<vmem>> -> memref<128x64xf32, #tpu.memory_space<vmem>>
    %dma_wait3A_188 = arith.constant 0 : i32
    %dma_wait3A_189 = tpu.memref_slice %arg6[%dma_wait3A_184, %dma_wait3A_188] : memref<10x128xi32, #tpu.memory_space<vmem>> -> memref<1x128xi32, #tpu.memory_space<vmem>>
    %dma_wait3A_190 = tpu.memref_squeeze %dma_wait3A_189 : memref<1x128xi32, #tpu.memory_space<vmem>> -> memref<128xi32, #tpu.memory_space<vmem>>
    %dma_wait3A_191 = arith.constant 0 : i32
    %dma_wait3A_192 = arith.constant 0 : i32
    %dma_wait3A_193 = tpu.memref_slice %arg4[%dma_wait3A_191, %dma_wait3A_192] : memref<4096x64xf32, #tpu.memory_space<hbm>> -> memref<4096x64xf32, #tpu.memory_space<hbm>>
    tpu.wait_indirect_dma semaphore(%arg10 : memref<!tpu.dma_semaphore, #tpu.memory_space<semaphore_mem>>) src(%dma_wait3A_193 : memref<4096x64xf32, #tpu.memory_space<hbm>>) dst(%dma_wait3A_187 : memref<128x64xf32, #tpu.memory_space<vmem>>)
    %dma_wait3A_194 = arith.constant 9 : i32
    %dma_wait3A_195 = arith.constant 1152 : i32
    %dma_wait3A_196 = arith.constant 0 : i32
    %dma_wait3A_197 = tpu.memref_slice %arg8[%dma_wait3A_195, %dma_wait3A_196] : memref<1280x64xf32, #tpu.memory_space<vmem>> -> memref<128x64xf32, #tpu.memory_space<vmem>>
    %dma_wait3A_198 = arith.constant 0 : i32
    %dma_wait3A_199 = tpu.memref_slice %arg6[%dma_wait3A_194, %dma_wait3A_198] : memref<10x128xi32, #tpu.memory_space<vmem>> -> memref<1x128xi32, #tpu.memory_space<vmem>>
    %dma_wait3A_200 = tpu.memref_squeeze %dma_wait3A_199 : memref<1x128xi32, #tpu.memory_space<vmem>> -> memref<128xi32, #tpu.memory_space<vmem>>
    %dma_wait3A_201 = arith.constant 0 : i32
    %dma_wait3A_202 = arith.constant 0 : i32
    %dma_wait3A_203 = tpu.memref_slice %arg4[%dma_wait3A_201, %dma_wait3A_202] : memref<4096x64xf32, #tpu.memory_space<hbm>> -> memref<4096x64xf32, #tpu.memory_space<hbm>>
    tpu.wait_indirect_dma semaphore(%arg10 : memref<!tpu.dma_semaphore, #tpu.memory_space<semaphore_mem>>) src(%dma_wait3A_203 : memref<4096x64xf32, #tpu.memory_space<hbm>>) dst(%dma_wait3A_197 : memref<128x64xf32, #tpu.memory_space<vmem>>)
    %scan3A = arith.constant 0 : i32
    %scan3A_204 = arith.constant 0 : i32
    %scan3A_205 = arith.constant 128 : i32
    %scan3A_206 = arith.addi %scan3A_204, %scan3A_205 : i32
    %scan3A_207 = arith.constant 1 : i32
    %scan3A_208 = scf.for %scan3A_429 = %scan3A_204 to %scan3A_206 step %scan3A_207 iter_args(%scan3A_430 = %scan3A) -> (i32)  : i32 {
      %broadcast_in_dim3A = arith.constant 0.000000e+00 : f32
      %broadcast_in_dim3A_431 = vector.broadcast %broadcast_in_dim3A : f32 to vector<16xf32>
      %broadcast_in_dim3A_432 = arith.constant 0.000000e+00 : f32
      %broadcast_in_dim3A_433 = vector.broadcast %broadcast_in_dim3A_432 : f32 to vector<16xf32>
      %broadcast_in_dim3A_434 = arith.constant 0.000000e+00 : f32
      %broadcast_in_dim3A_435 = vector.broadcast %broadcast_in_dim3A_434 : f32 to vector<16xf32>
      %broadcast_in_dim3A_436 = arith.constant 0.000000e+00 : f32
      %broadcast_in_dim3A_437 = vector.broadcast %broadcast_in_dim3A_436 : f32 to vector<16xf32>
      %mul3A_438 = arith.constant 10 : i32
      %mul3A_439 = arith.muli %scan3A_429, %mul3A_438 : i32
      %add3A_440 = arith.constant 0 : i32
      %add3A_441 = arith.addi %mul3A_439, %add3A_440 : i32
      %jit3A = arith.constant 128 : i32
      %div3A = arith.divsi %add3A_441, %jit3A : i32
      %sign3A = arith.constant 0 : i32
      %sign3A_442 = arith.cmpi sgt, %add3A_441, %sign3A : i32
      %sign3A_443 = arith.extui %sign3A_442 : i1 to i32
      %sign3A_444 = arith.constant 0 : i32
      %sign3A_445 = arith.cmpi slt, %add3A_441, %sign3A_444 : i32
      %sign3A_446 = arith.extui %sign3A_445 : i1 to i32
      %sign3A_447 = arith.subi %sign3A_443, %sign3A_446 : i32
      %sign3A_448 = arith.constant 0 : i32
      %sign3A_449 = arith.cmpi sgt, %jit3A, %sign3A_448 : i32
      %sign3A_450 = arith.extui %sign3A_449 : i1 to i32
      %sign3A_451 = arith.constant 0 : i32
      %sign3A_452 = arith.cmpi slt, %jit3A, %sign3A_451 : i32
      %sign3A_453 = arith.extui %sign3A_452 : i1 to i32
      %sign3A_454 = arith.subi %sign3A_450, %sign3A_453 : i32
      %ne3A = arith.cmpi ne, %sign3A_447, %sign3A_454 : i32
      %rem3A = arith.remsi %add3A_441, %jit3A : i32
      %ne3A_455 = arith.constant 0 : i32
      %ne3A_456 = arith.cmpi ne, %rem3A, %ne3A_455 : i32
      %and3A = arith.andi %ne3A, %ne3A_456 : i1
      %sub3A = arith.constant 1 : i32
      %sub3A_457 = arith.subi %div3A, %sub3A : i32
      %select_n3A = arith.select %and3A, %sub3A_457, %div3A : i32
      %broadcast_in_dim3A_458 = vector.broadcast %select_n3A : i32 to vector<16xi32>
      %jit3A_459 = arith.constant 128 : i32
      %eq3A = arith.constant 0 : i32
      %eq3A_460 = arith.cmpi eq, %jit3A_459, %eq3A : i32
      %jit3A_461 = arith.constant 1 : i32
      %select_n3A_462 = arith.select %eq3A_460, %jit3A_461, %jit3A_459 : i32
      %rem3A_463 = arith.remsi %add3A_441, %select_n3A_462 : i32
      %ne3A_464 = arith.constant 0 : i32
      %ne3A_465 = arith.cmpi ne, %rem3A_463, %ne3A_464 : i32
      %lt3A = arith.constant 0 : i32
      %lt3A_466 = arith.cmpi slt, %rem3A_463, %lt3A : i32
      %lt3A_467 = arith.constant 0 : i32
      %lt3A_468 = arith.cmpi slt, %select_n3A_462, %lt3A_467 : i32
      %ne3A_469 = arith.xori %lt3A_466, %lt3A_468 : i1
      %and3A_470 = arith.andi %ne3A_469, %ne3A_465 : i1
      %add3A_471 = arith.addi %rem3A_463, %select_n3A_462 : i32
      %select_n3A_472 = arith.select %and3A_470, %add3A_471, %rem3A_463 : i32
      %broadcast_in_dim3A_473 = vector.broadcast %select_n3A_472 : i32 to vector<16xi32>
      %gather3A = tpu.vector_load_idx %arg7[%broadcast_in_dim3A_458, %broadcast_in_dim3A_473] : memref<10x128xf32, #tpu.memory_space<vmem>>[vector<16xi32>, vector<16xi32>], vector<16xf32>,
      %get3A = arith.index_cast %add3A_441 : i32 to index
      %get3A_474 = arith.constant 0 : index
      %get3A_475 = tpu.vector_load %arg8[%get3A, %get3A_474] {strides = array<i32>} : memref<1280x64xf32, #tpu.memory_space<vmem>>, vector<16xf32>,
      %mul3A_476 = arith.mulf %gather3A, %get3A_475 : vector<16xf32>
      %add3A_477 = arith.addf %broadcast_in_dim3A_431, %mul3A_476 : vector<16xf32>
      %get3A_478 = arith.index_cast %add3A_441 : i32 to index
      %get3A_479 = arith.constant 16 : index
      %get3A_480 = tpu.vector_load %arg8[%get3A_478, %get3A_479] {strides = array<i32>} : memref<1280x64xf32, #tpu.memory_space<vmem>>, vector<16xf32>,
      %mul3A_481 = arith.mulf %gather3A, %get3A_480 : vector<16xf32>
      %add3A_482 = arith.addf %broadcast_in_dim3A_433, %mul3A_481 : vector<16xf32>
      %get3A_483 = arith.index_cast %add3A_441 : i32 to index
      %get3A_484 = arith.constant 32 : index
      %get3A_485 = tpu.vector_load %arg8[%get3A_483, %get3A_484] {strides = array<i32>} : memref<1280x64xf32, #tpu.memory_space<vmem>>, vector<16xf32>,
      %mul3A_486 = arith.mulf %gather3A, %get3A_485 : vector<16xf32>
      %add3A_487 = arith.addf %broadcast_in_dim3A_435, %mul3A_486 : vector<16xf32>
      %get3A_488 = arith.index_cast %add3A_441 : i32 to index
      %get3A_489 = arith.constant 48 : index
      %get3A_490 = tpu.vector_load %arg8[%get3A_488, %get3A_489] {strides = array<i32>} : memref<1280x64xf32, #tpu.memory_space<vmem>>, vector<16xf32>,
      %mul3A_491 = arith.mulf %gather3A, %get3A_490 : vector<16xf32>
      %add3A_492 = arith.addf %broadcast_in_dim3A_437, %mul3A_491 : vector<16xf32>
      %mul3A_493 = arith.constant 10 : i32
      %mul3A_494 = arith.muli %scan3A_429, %mul3A_493 : i32
      %add3A_495 = arith.constant 1 : i32
      %add3A_496 = arith.addi %mul3A_494, %add3A_495 : i32
      %jit3A_497 = arith.constant 128 : i32
      %div3A_498 = arith.divsi %add3A_496, %jit3A_497 : i32
      %sign3A_499 = arith.constant 0 : i32
      %sign3A_500 = arith.cmpi sgt, %add3A_496, %sign3A_499 : i32
      %sign3A_501 = arith.extui %sign3A_500 : i1 to i32
      %sign3A_502 = arith.constant 0 : i32
      %sign3A_503 = arith.cmpi slt, %add3A_496, %sign3A_502 : i32
      %sign3A_504 = arith.extui %sign3A_503 : i1 to i32
      %sign3A_505 = arith.subi %sign3A_501, %sign3A_504 : i32
      %sign3A_506 = arith.constant 0 : i32
      %sign3A_507 = arith.cmpi sgt, %jit3A_497, %sign3A_506 : i32
      %sign3A_508 = arith.extui %sign3A_507 : i1 to i32
      %sign3A_509 = arith.constant 0 : i32
      %sign3A_510 = arith.cmpi slt, %jit3A_497, %sign3A_509 : i32
      %sign3A_511 = arith.extui %sign3A_510 : i1 to i32
      %sign3A_512 = arith.subi %sign3A_508, %sign3A_511 : i32
      %ne3A_513 = arith.cmpi ne, %sign3A_505, %sign3A_512 : i32
      %rem3A_514 = arith.remsi %add3A_496, %jit3A_497 : i32
      %ne3A_515 = arith.constant 0 : i32
      %ne3A_516 = arith.cmpi ne, %rem3A_514, %ne3A_515 : i32
      %and3A_517 = arith.andi %ne3A_513, %ne3A_516 : i1
      %sub3A_518 = arith.constant 1 : i32
      %sub3A_519 = arith.subi %div3A_498, %sub3A_518 : i32
      %select_n3A_520 = arith.select %and3A_517, %sub3A_519, %div3A_498 : i32
      %broadcast_in_dim3A_521 = vector.broadcast %select_n3A_520 : i32 to vector<16xi32>
      %jit3A_522 = arith.constant 128 : i32
      %eq3A_523 = arith.constant 0 : i32
      %eq3A_524 = arith.cmpi eq, %jit3A_522, %eq3A_523 : i32
      %jit3A_525 = arith.constant 1 : i32
      %select_n3A_526 = arith.select %eq3A_524, %jit3A_525, %jit3A_522 : i32
      %rem3A_527 = arith.remsi %add3A_496, %select_n3A_526 : i32
      %ne3A_528 = arith.constant 0 : i32
      %ne3A_529 = arith.cmpi ne, %rem3A_527, %ne3A_528 : i32
      %lt3A_530 = arith.constant 0 : i32
      %lt3A_531 = arith.cmpi slt, %rem3A_527, %lt3A_530 : i32
      %lt3A_532 = arith.constant 0 : i32
      %lt3A_533 = arith.cmpi slt, %select_n3A_526, %lt3A_532 : i32
      %ne3A_534 = arith.xori %lt3A_531, %lt3A_533 : i1
      %and3A_535 = arith.andi %ne3A_534, %ne3A_529 : i1
      %add3A_536 = arith.addi %rem3A_527, %select_n3A_526 : i32
      %select_n3A_537 = arith.select %and3A_535, %add3A_536, %rem3A_527 : i32
      %broadcast_in_dim3A_538 = vector.broadcast %select_n3A_537 : i32 to vector<16xi32>
      %gather3A_539 = tpu.vector_load_idx %arg7[%broadcast_in_dim3A_521, %broadcast_in_dim3A_538] : memref<10x128xf32, #tpu.memory_space<vmem>>[vector<16xi32>, vector<16xi32>], vector<16xf32>,
      %get3A_540 = arith.index_cast %add3A_496 : i32 to index
      %get3A_541 = arith.constant 0 : index
      %get3A_542 = tpu.vector_load %arg8[%get3A_540, %get3A_541] {strides = array<i32>} : memref<1280x64xf32, #tpu.memory_space<vmem>>, vector<16xf32>,
      %mul3A_543 = arith.mulf %gather3A_539, %get3A_542 : vector<16xf32>
      %add3A_544 = arith.addf %add3A_477, %mul3A_543 : vector<16xf32>
      %get3A_545 = arith.index_cast %add3A_496 : i32 to index
      %get3A_546 = arith.constant 16 : index
      %get3A_547 = tpu.vector_load %arg8[%get3A_545, %get3A_546] {strides = array<i32>} : memref<1280x64xf32, #tpu.memory_space<vmem>>, vector<16xf32>,
      %mul3A_548 = arith.mulf %gather3A_539, %get3A_547 : vector<16xf32>
      %add3A_549 = arith.addf %add3A_482, %mul3A_548 : vector<16xf32>
      %get3A_550 = arith.index_cast %add3A_496 : i32 to index
      %get3A_551 = arith.constant 32 : index
      %get3A_552 = tpu.vector_load %arg8[%get3A_550, %get3A_551] {strides = array<i32>} : memref<1280x64xf32, #tpu.memory_space<vmem>>, vector<16xf32>,
      %mul3A_553 = arith.mulf %gather3A_539, %get3A_552 : vector<16xf32>
      %add3A_554 = arith.addf %add3A_487, %mul3A_553 : vector<16xf32>
      %get3A_555 = arith.index_cast %add3A_496 : i32 to index
      %get3A_556 = arith.constant 48 : index
      %get3A_557 = tpu.vector_load %arg8[%get3A_555, %get3A_556] {strides = array<i32>} : memref<1280x64xf32, #tpu.memory_space<vmem>>, vector<16xf32>,
      %mul3A_558 = arith.mulf %gather3A_539, %get3A_557 : vector<16xf32>
      %add3A_559 = arith.addf %add3A_492, %mul3A_558 : vector<16xf32>
      %mul3A_560 = arith.constant 10 : i32
      %mul3A_561 = arith.muli %scan3A_429, %mul3A_560 : i32
      %add3A_562 = arith.constant 2 : i32
      %add3A_563 = arith.addi %mul3A_561, %add3A_562 : i32
      %jit3A_564 = arith.constant 128 : i32
      %div3A_565 = arith.divsi %add3A_563, %jit3A_564 : i32
      %sign3A_566 = arith.constant 0 : i32
      %sign3A_567 = arith.cmpi sgt, %add3A_563, %sign3A_566 : i32
      %sign3A_568 = arith.extui %sign3A_567 : i1 to i32
      %sign3A_569 = arith.constant 0 : i32
      %sign3A_570 = arith.cmpi slt, %add3A_563, %sign3A_569 : i32
      %sign3A_571 = arith.extui %sign3A_570 : i1 to i32
      %sign3A_572 = arith.subi %sign3A_568, %sign3A_571 : i32
      %sign3A_573 = arith.constant 0 : i32
      %sign3A_574 = arith.cmpi sgt, %jit3A_564, %sign3A_573 : i32
      %sign3A_575 = arith.extui %sign3A_574 : i1 to i32
      %sign3A_576 = arith.constant 0 : i32
      %sign3A_577 = arith.cmpi slt, %jit3A_564, %sign3A_576 : i32
      %sign3A_578 = arith.extui %sign3A_577 : i1 to i32
      %sign3A_579 = arith.subi %sign3A_575, %sign3A_578 : i32
      %ne3A_580 = arith.cmpi ne, %sign3A_572, %sign3A_579 : i32
      %rem3A_581 = arith.remsi %add3A_563, %jit3A_564 : i32
      %ne3A_582 = arith.constant 0 : i32
      %ne3A_583 = arith.cmpi ne, %rem3A_581, %ne3A_582 : i32
      %and3A_584 = arith.andi %ne3A_580, %ne3A_583 : i1
      %sub3A_585 = arith.constant 1 : i32
      %sub3A_586 = arith.subi %div3A_565, %sub3A_585 : i32
      %select_n3A_587 = arith.select %and3A_584, %sub3A_586, %div3A_565 : i32
      %broadcast_in_dim3A_588 = vector.broadcast %select_n3A_587 : i32 to vector<16xi32>
      %jit3A_589 = arith.constant 128 : i32
      %eq3A_590 = arith.constant 0 : i32
      %eq3A_591 = arith.cmpi eq, %jit3A_589, %eq3A_590 : i32
      %jit3A_592 = arith.constant 1 : i32
      %select_n3A_593 = arith.select %eq3A_591, %jit3A_592, %jit3A_589 : i32
      %rem3A_594 = arith.remsi %add3A_563, %select_n3A_593 : i32
      %ne3A_595 = arith.constant 0 : i32
      %ne3A_596 = arith.cmpi ne, %rem3A_594, %ne3A_595 : i32
      %lt3A_597 = arith.constant 0 : i32
      %lt3A_598 = arith.cmpi slt, %rem3A_594, %lt3A_597 : i32
      %lt3A_599 = arith.constant 0 : i32
      %lt3A_600 = arith.cmpi slt, %select_n3A_593, %lt3A_599 : i32
      %ne3A_601 = arith.xori %lt3A_598, %lt3A_600 : i1
      %and3A_602 = arith.andi %ne3A_601, %ne3A_596 : i1
      %add3A_603 = arith.addi %rem3A_594, %select_n3A_593 : i32
      %select_n3A_604 = arith.select %and3A_602, %add3A_603, %rem3A_594 : i32
      %broadcast_in_dim3A_605 = vector.broadcast %select_n3A_604 : i32 to vector<16xi32>
      %gather3A_606 = tpu.vector_load_idx %arg7[%broadcast_in_dim3A_588, %broadcast_in_dim3A_605] : memref<10x128xf32, #tpu.memory_space<vmem>>[vector<16xi32>, vector<16xi32>], vector<16xf32>,
      %get3A_607 = arith.index_cast %add3A_563 : i32 to index
      %get3A_608 = arith.constant 0 : index
      %get3A_609 = tpu.vector_load %arg8[%get3A_607, %get3A_608] {strides = array<i32>} : memref<1280x64xf32, #tpu.memory_space<vmem>>, vector<16xf32>,
      %mul3A_610 = arith.mulf %gather3A_606, %get3A_609 : vector<16xf32>
      %add3A_611 = arith.addf %add3A_544, %mul3A_610 : vector<16xf32>
      %get3A_612 = arith.index_cast %add3A_563 : i32 to index
      %get3A_613 = arith.constant 16 : index
      %get3A_614 = tpu.vector_load %arg8[%get3A_612, %get3A_613] {strides = array<i32>} : memref<1280x64xf32, #tpu.memory_space<vmem>>, vector<16xf32>,
      %mul3A_615 = arith.mulf %gather3A_606, %get3A_614 : vector<16xf32>
      %add3A_616 = arith.addf %add3A_549, %mul3A_615 : vector<16xf32>
      %get3A_617 = arith.index_cast %add3A_563 : i32 to index
      %get3A_618 = arith.constant 32 : index
      %get3A_619 = tpu.vector_load %arg8[%get3A_617, %get3A_618] {strides = array<i32>} : memref<1280x64xf32, #tpu.memory_space<vmem>>, vector<16xf32>,
      %mul3A_620 = arith.mulf %gather3A_606, %get3A_619 : vector<16xf32>
      %add3A_621 = arith.addf %add3A_554, %mul3A_620 : vector<16xf32>
      %get3A_622 = arith.index_cast %add3A_563 : i32 to index
      %get3A_623 = arith.constant 48 : index
      %get3A_624 = tpu.vector_load %arg8[%get3A_622, %get3A_623] {strides = array<i32>} : memref<1280x64xf32, #tpu.memory_space<vmem>>, vector<16xf32>,
      %mul3A_625 = arith.mulf %gather3A_606, %get3A_624 : vector<16xf32>
      %add3A_626 = arith.addf %add3A_559, %mul3A_625 : vector<16xf32>
      %mul3A_627 = arith.constant 10 : i32
      %mul3A_628 = arith.muli %scan3A_429, %mul3A_627 : i32
      %add3A_629 = arith.constant 3 : i32
      %add3A_630 = arith.addi %mul3A_628, %add3A_629 : i32
      %jit3A_631 = arith.constant 128 : i32
      %div3A_632 = arith.divsi %add3A_630, %jit3A_631 : i32
      %sign3A_633 = arith.constant 0 : i32
      %sign3A_634 = arith.cmpi sgt, %add3A_630, %sign3A_633 : i32
      %sign3A_635 = arith.extui %sign3A_634 : i1 to i32
      %sign3A_636 = arith.constant 0 : i32
      %sign3A_637 = arith.cmpi slt, %add3A_630, %sign3A_636 : i32
      %sign3A_638 = arith.extui %sign3A_637 : i1 to i32
      %sign3A_639 = arith.subi %sign3A_635, %sign3A_638 : i32
      %sign3A_640 = arith.constant 0 : i32
      %sign3A_641 = arith.cmpi sgt, %jit3A_631, %sign3A_640 : i32
      %sign3A_642 = arith.extui %sign3A_641 : i1 to i32
      %sign3A_643 = arith.constant 0 : i32
      %sign3A_644 = arith.cmpi slt, %jit3A_631, %sign3A_643 : i32
      %sign3A_645 = arith.extui %sign3A_644 : i1 to i32
      %sign3A_646 = arith.subi %sign3A_642, %sign3A_645 : i32
      %ne3A_647 = arith.cmpi ne, %sign3A_639, %sign3A_646 : i32
      %rem3A_648 = arith.remsi %add3A_630, %jit3A_631 : i32
      %ne3A_649 = arith.constant 0 : i32
      %ne3A_650 = arith.cmpi ne, %rem3A_648, %ne3A_649 : i32
      %and3A_651 = arith.andi %ne3A_647, %ne3A_650 : i1
      %sub3A_652 = arith.constant 1 : i32
      %sub3A_653 = arith.subi %div3A_632, %sub3A_652 : i32
      %select_n3A_654 = arith.select %and3A_651, %sub3A_653, %div3A_632 : i32
      %broadcast_in_dim3A_655 = vector.broadcast %select_n3A_654 : i32 to vector<16xi32>
      %jit3A_656 = arith.constant 128 : i32
      %eq3A_657 = arith.constant 0 : i32
      %eq3A_658 = arith.cmpi eq, %jit3A_656, %eq3A_657 : i32
      %jit3A_659 = arith.constant 1 : i32
      %select_n3A_660 = arith.select %eq3A_658, %jit3A_659, %jit3A_656 : i32
      %rem3A_661 = arith.remsi %add3A_630, %select_n3A_660 : i32
      %ne3A_662 = arith.constant 0 : i32
      %ne3A_663 = arith.cmpi ne, %rem3A_661, %ne3A_662 : i32
      %lt3A_664 = arith.constant 0 : i32
      %lt3A_665 = arith.cmpi slt, %rem3A_661, %lt3A_664 : i32
      %lt3A_666 = arith.constant 0 : i32
      %lt3A_667 = arith.cmpi slt, %select_n3A_660, %lt3A_666 : i32
      %ne3A_668 = arith.xori %lt3A_665, %lt3A_667 : i1
      %and3A_669 = arith.andi %ne3A_668, %ne3A_663 : i1
      %add3A_670 = arith.addi %rem3A_661, %select_n3A_660 : i32
      %select_n3A_671 = arith.select %and3A_669, %add3A_670, %rem3A_661 : i32
      %broadcast_in_dim3A_672 = vector.broadcast %select_n3A_671 : i32 to vector<16xi32>
      %gather3A_673 = tpu.vector_load_idx %arg7[%broadcast_in_dim3A_655, %broadcast_in_dim3A_672] : memref<10x128xf32, #tpu.memory_space<vmem>>[vector<16xi32>, vector<16xi32>], vector<16xf32>,
      %get3A_674 = arith.index_cast %add3A_630 : i32 to index
      %get3A_675 = arith.constant 0 : index
      %get3A_676 = tpu.vector_load %arg8[%get3A_674, %get3A_675] {strides = array<i32>} : memref<1280x64xf32, #tpu.memory_space<vmem>>, vector<16xf32>,
      %mul3A_677 = arith.mulf %gather3A_673, %get3A_676 : vector<16xf32>
      %add3A_678 = arith.addf %add3A_611, %mul3A_677 : vector<16xf32>
      %get3A_679 = arith.index_cast %add3A_630 : i32 to index
      %get3A_680 = arith.constant 16 : index
      %get3A_681 = tpu.vector_load %arg8[%get3A_679, %get3A_680] {strides = array<i32>} : memref<1280x64xf32, #tpu.memory_space<vmem>>, vector<16xf32>,
      %mul3A_682 = arith.mulf %gather3A_673, %get3A_681 : vector<16xf32>
      %add3A_683 = arith.addf %add3A_616, %mul3A_682 : vector<16xf32>
      %get3A_684 = arith.index_cast %add3A_630 : i32 to index
      %get3A_685 = arith.constant 32 : index
      %get3A_686 = tpu.vector_load %arg8[%get3A_684, %get3A_685] {strides = array<i32>} : memref<1280x64xf32, #tpu.memory_space<vmem>>, vector<16xf32>,
      %mul3A_687 = arith.mulf %gather3A_673, %get3A_686 : vector<16xf32>
      %add3A_688 = arith.addf %add3A_621, %mul3A_687 : vector<16xf32>
      %get3A_689 = arith.index_cast %add3A_630 : i32 to index
      %get3A_690 = arith.constant 48 : index
      %get3A_691 = tpu.vector_load %arg8[%get3A_689, %get3A_690] {strides = array<i32>} : memref<1280x64xf32, #tpu.memory_space<vmem>>, vector<16xf32>,
      %mul3A_692 = arith.mulf %gather3A_673, %get3A_691 : vector<16xf32>
      %add3A_693 = arith.addf %add3A_626, %mul3A_692 : vector<16xf32>
      %mul3A_694 = arith.constant 10 : i32
      %mul3A_695 = arith.muli %scan3A_429, %mul3A_694 : i32
      %add3A_696 = arith.constant 4 : i32
      %add3A_697 = arith.addi %mul3A_695, %add3A_696 : i32
      %jit3A_698 = arith.constant 128 : i32
      %div3A_699 = arith.divsi %add3A_697, %jit3A_698 : i32
      %sign3A_700 = arith.constant 0 : i32
      %sign3A_701 = arith.cmpi sgt, %add3A_697, %sign3A_700 : i32
      %sign3A_702 = arith.extui %sign3A_701 : i1 to i32
      %sign3A_703 = arith.constant 0 : i32
      %sign3A_704 = arith.cmpi slt, %add3A_697, %sign3A_703 : i32
      %sign3A_705 = arith.extui %sign3A_704 : i1 to i32
      %sign3A_706 = arith.subi %sign3A_702, %sign3A_705 : i32
      %sign3A_707 = arith.constant 0 : i32
      %sign3A_708 = arith.cmpi sgt, %jit3A_698, %sign3A_707 : i32
      %sign3A_709 = arith.extui %sign3A_708 : i1 to i32
      %sign3A_710 = arith.constant 0 : i32
      %sign3A_711 = arith.cmpi slt, %jit3A_698, %sign3A_710 : i32
      %sign3A_712 = arith.extui %sign3A_711 : i1 to i32
      %sign3A_713 = arith.subi %sign3A_709, %sign3A_712 : i32
      %ne3A_714 = arith.cmpi ne, %sign3A_706, %sign3A_713 : i32
      %rem3A_715 = arith.remsi %add3A_697, %jit3A_698 : i32
      %ne3A_716 = arith.constant 0 : i32
      %ne3A_717 = arith.cmpi ne, %rem3A_715, %ne3A_716 : i32
      %and3A_718 = arith.andi %ne3A_714, %ne3A_717 : i1
      %sub3A_719 = arith.constant 1 : i32
      %sub3A_720 = arith.subi %div3A_699, %sub3A_719 : i32
      %select_n3A_721 = arith.select %and3A_718, %sub3A_720, %div3A_699 : i32
      %broadcast_in_dim3A_722 = vector.broadcast %select_n3A_721 : i32 to vector<16xi32>
      %jit3A_723 = arith.constant 128 : i32
      %eq3A_724 = arith.constant 0 : i32
      %eq3A_725 = arith.cmpi eq, %jit3A_723, %eq3A_724 : i32
      %jit3A_726 = arith.constant 1 : i32
      %select_n3A_727 = arith.select %eq3A_725, %jit3A_726, %jit3A_723 : i32
      %rem3A_728 = arith.remsi %add3A_697, %select_n3A_727 : i32
      %ne3A_729 = arith.constant 0 : i32
      %ne3A_730 = arith.cmpi ne, %rem3A_728, %ne3A_729 : i32
      %lt3A_731 = arith.constant 0 : i32
      %lt3A_732 = arith.cmpi slt, %rem3A_728, %lt3A_731 : i32
      %lt3A_733 = arith.constant 0 : i32
      %lt3A_734 = arith.cmpi slt, %select_n3A_727, %lt3A_733 : i32
      %ne3A_735 = arith.xori %lt3A_732, %lt3A_734 : i1
      %and3A_736 = arith.andi %ne3A_735, %ne3A_730 : i1
      %add3A_737 = arith.addi %rem3A_728, %select_n3A_727 : i32
      %select_n3A_738 = arith.select %and3A_736, %add3A_737, %rem3A_728 : i32
      %broadcast_in_dim3A_739 = vector.broadcast %select_n3A_738 : i32 to vector<16xi32>
      %gather3A_740 = tpu.vector_load_idx %arg7[%broadcast_in_dim3A_722, %broadcast_in_dim3A_739] : memref<10x128xf32, #tpu.memory_space<vmem>>[vector<16xi32>, vector<16xi32>], vector<16xf32>,
      %get3A_741 = arith.index_cast %add3A_697 : i32 to index
      %get3A_742 = arith.constant 0 : index
      %get3A_743 = tpu.vector_load %arg8[%get3A_741, %get3A_742] {strides = array<i32>} : memref<1280x64xf32, #tpu.memory_space<vmem>>, vector<16xf32>,
      %mul3A_744 = arith.mulf %gather3A_740, %get3A_743 : vector<16xf32>
      %add3A_745 = arith.addf %add3A_678, %mul3A_744 : vector<16xf32>
      %get3A_746 = arith.index_cast %add3A_697 : i32 to index
      %get3A_747 = arith.constant 16 : index
      %get3A_748 = tpu.vector_load %arg8[%get3A_746, %get3A_747] {strides = array<i32>} : memref<1280x64xf32, #tpu.memory_space<vmem>>, vector<16xf32>,
      %mul3A_749 = arith.mulf %gather3A_740, %get3A_748 : vector<16xf32>
      %add3A_750 = arith.addf %add3A_683, %mul3A_749 : vector<16xf32>
      %get3A_751 = arith.index_cast %add3A_697 : i32 to index
      %get3A_752 = arith.constant 32 : index
      %get3A_753 = tpu.vector_load %arg8[%get3A_751, %get3A_752] {strides = array<i32>} : memref<1280x64xf32, #tpu.memory_space<vmem>>, vector<16xf32>,
      %mul3A_754 = arith.mulf %gather3A_740, %get3A_753 : vector<16xf32>
      %add3A_755 = arith.addf %add3A_688, %mul3A_754 : vector<16xf32>
      %get3A_756 = arith.index_cast %add3A_697 : i32 to index
      %get3A_757 = arith.constant 48 : index
      %get3A_758 = tpu.vector_load %arg8[%get3A_756, %get3A_757] {strides = array<i32>} : memref<1280x64xf32, #tpu.memory_space<vmem>>, vector<16xf32>,
      %mul3A_759 = arith.mulf %gather3A_740, %get3A_758 : vector<16xf32>
      %add3A_760 = arith.addf %add3A_693, %mul3A_759 : vector<16xf32>
      %mul3A_761 = arith.constant 10 : i32
      %mul3A_762 = arith.muli %scan3A_429, %mul3A_761 : i32
      %add3A_763 = arith.constant 5 : i32
      %add3A_764 = arith.addi %mul3A_762, %add3A_763 : i32
      %jit3A_765 = arith.constant 128 : i32
      %div3A_766 = arith.divsi %add3A_764, %jit3A_765 : i32
      %sign3A_767 = arith.constant 0 : i32
      %sign3A_768 = arith.cmpi sgt, %add3A_764, %sign3A_767 : i32
      %sign3A_769 = arith.extui %sign3A_768 : i1 to i32
      %sign3A_770 = arith.constant 0 : i32
      %sign3A_771 = arith.cmpi slt, %add3A_764, %sign3A_770 : i32
      %sign3A_772 = arith.extui %sign3A_771 : i1 to i32
      %sign3A_773 = arith.subi %sign3A_769, %sign3A_772 : i32
      %sign3A_774 = arith.constant 0 : i32
      %sign3A_775 = arith.cmpi sgt, %jit3A_765, %sign3A_774 : i32
      %sign3A_776 = arith.extui %sign3A_775 : i1 to i32
      %sign3A_777 = arith.constant 0 : i32
      %sign3A_778 = arith.cmpi slt, %jit3A_765, %sign3A_777 : i32
      %sign3A_779 = arith.extui %sign3A_778 : i1 to i32
      %sign3A_780 = arith.subi %sign3A_776, %sign3A_779 : i32
      %ne3A_781 = arith.cmpi ne, %sign3A_773, %sign3A_780 : i32
      %rem3A_782 = arith.remsi %add3A_764, %jit3A_765 : i32
      %ne3A_783 = arith.constant 0 : i32
      %ne3A_784 = arith.cmpi ne, %rem3A_782, %ne3A_783 : i32
      %and3A_785 = arith.andi %ne3A_781, %ne3A_784 : i1
      %sub3A_786 = arith.constant 1 : i32
      %sub3A_787 = arith.subi %div3A_766, %sub3A_786 : i32
      %select_n3A_788 = arith.select %and3A_785, %sub3A_787, %div3A_766 : i32
      %broadcast_in_dim3A_789 = vector.broadcast %select_n3A_788 : i32 to vector<16xi32>
      %jit3A_790 = arith.constant 128 : i32
      %eq3A_791 = arith.constant 0 : i32
      %eq3A_792 = arith.cmpi eq, %jit3A_790, %eq3A_791 : i32
      %jit3A_793 = arith.constant 1 : i32
      %select_n3A_794 = arith.select %eq3A_792, %jit3A_793, %jit3A_790 : i32
      %rem3A_795 = arith.remsi %add3A_764, %select_n3A_794 : i32
      %ne3A_796 = arith.constant 0 : i32
      %ne3A_797 = arith.cmpi ne, %rem3A_795, %ne3A_796 : i32
      %lt3A_798 = arith.constant 0 : i32
      %lt3A_799 = arith.cmpi slt, %rem3A_795, %lt3A_798 : i32
      %lt3A_800 = arith.constant 0 : i32
      %lt3A_801 = arith.cmpi slt, %select_n3A_794, %lt3A_800 : i32
      %ne3A_802 = arith.xori %lt3A_799, %lt3A_801 : i1
      %and3A_803 = arith.andi %ne3A_802, %ne3A_797 : i1
      %add3A_804 = arith.addi %rem3A_795, %select_n3A_794 : i32
      %select_n3A_805 = arith.select %and3A_803, %add3A_804, %rem3A_795 : i32
      %broadcast_in_dim3A_806 = vector.broadcast %select_n3A_805 : i32 to vector<16xi32>
      %gather3A_807 = tpu.vector_load_idx %arg7[%broadcast_in_dim3A_789, %broadcast_in_dim3A_806] : memref<10x128xf32, #tpu.memory_space<vmem>>[vector<16xi32>, vector<16xi32>], vector<16xf32>,
      %get3A_808 = arith.index_cast %add3A_764 : i32 to index
      %get3A_809 = arith.constant 0 : index
      %get3A_810 = tpu.vector_load %arg8[%get3A_808, %get3A_809] {strides = array<i32>} : memref<1280x64xf32, #tpu.memory_space<vmem>>, vector<16xf32>,
      %mul3A_811 = arith.mulf %gather3A_807, %get3A_810 : vector<16xf32>
      %add3A_812 = arith.addf %add3A_745, %mul3A_811 : vector<16xf32>
      %get3A_813 = arith.index_cast %add3A_764 : i32 to index
      %get3A_814 = arith.constant 16 : index
      %get3A_815 = tpu.vector_load %arg8[%get3A_813, %get3A_814] {strides = array<i32>} : memref<1280x64xf32, #tpu.memory_space<vmem>>, vector<16xf32>,
      %mul3A_816 = arith.mulf %gather3A_807, %get3A_815 : vector<16xf32>
      %add3A_817 = arith.addf %add3A_750, %mul3A_816 : vector<16xf32>
      %get3A_818 = arith.index_cast %add3A_764 : i32 to index
      %get3A_819 = arith.constant 32 : index
      %get3A_820 = tpu.vector_load %arg8[%get3A_818, %get3A_819] {strides = array<i32>} : memref<1280x64xf32, #tpu.memory_space<vmem>>, vector<16xf32>,
      %mul3A_821 = arith.mulf %gather3A_807, %get3A_820 : vector<16xf32>
      %add3A_822 = arith.addf %add3A_755, %mul3A_821 : vector<16xf32>
      %get3A_823 = arith.index_cast %add3A_764 : i32 to index
      %get3A_824 = arith.constant 48 : index
      %get3A_825 = tpu.vector_load %arg8[%get3A_823, %get3A_824] {strides = array<i32>} : memref<1280x64xf32, #tpu.memory_space<vmem>>, vector<16xf32>,
      %mul3A_826 = arith.mulf %gather3A_807, %get3A_825 : vector<16xf32>
      %add3A_827 = arith.addf %add3A_760, %mul3A_826 : vector<16xf32>
      %mul3A_828 = arith.constant 10 : i32
      %mul3A_829 = arith.muli %scan3A_429, %mul3A_828 : i32
      %add3A_830 = arith.constant 6 : i32
      %add3A_831 = arith.addi %mul3A_829, %add3A_830 : i32
      %jit3A_832 = arith.constant 128 : i32
      %div3A_833 = arith.divsi %add3A_831, %jit3A_832 : i32
      %sign3A_834 = arith.constant 0 : i32
      %sign3A_835 = arith.cmpi sgt, %add3A_831, %sign3A_834 : i32
      %sign3A_836 = arith.extui %sign3A_835 : i1 to i32
      %sign3A_837 = arith.constant 0 : i32
      %sign3A_838 = arith.cmpi slt, %add3A_831, %sign3A_837 : i32
      %sign3A_839 = arith.extui %sign3A_838 : i1 to i32
      %sign3A_840 = arith.subi %sign3A_836, %sign3A_839 : i32
      %sign3A_841 = arith.constant 0 : i32
      %sign3A_842 = arith.cmpi sgt, %jit3A_832, %sign3A_841 : i32
      %sign3A_843 = arith.extui %sign3A_842 : i1 to i32
      %sign3A_844 = arith.constant 0 : i32
      %sign3A_845 = arith.cmpi slt, %jit3A_832, %sign3A_844 : i32
      %sign3A_846 = arith.extui %sign3A_845 : i1 to i32
      %sign3A_847 = arith.subi %sign3A_843, %sign3A_846 : i32
      %ne3A_848 = arith.cmpi ne, %sign3A_840, %sign3A_847 : i32
      %rem3A_849 = arith.remsi %add3A_831, %jit3A_832 : i32
      %ne3A_850 = arith.constant 0 : i32
      %ne3A_851 = arith.cmpi ne, %rem3A_849, %ne3A_850 : i32
      %and3A_852 = arith.andi %ne3A_848, %ne3A_851 : i1
      %sub3A_853 = arith.constant 1 : i32
      %sub3A_854 = arith.subi %div3A_833, %sub3A_853 : i32
      %select_n3A_855 = arith.select %and3A_852, %sub3A_854, %div3A_833 : i32
      %broadcast_in_dim3A_856 = vector.broadcast %select_n3A_855 : i32 to vector<16xi32>
      %jit3A_857 = arith.constant 128 : i32
      %eq3A_858 = arith.constant 0 : i32
      %eq3A_859 = arith.cmpi eq, %jit3A_857, %eq3A_858 : i32
      %jit3A_860 = arith.constant 1 : i32
      %select_n3A_861 = arith.select %eq3A_859, %jit3A_860, %jit3A_857 : i32
      %rem3A_862 = arith.remsi %add3A_831, %select_n3A_861 : i32
      %ne3A_863 = arith.constant 0 : i32
      %ne3A_864 = arith.cmpi ne, %rem3A_862, %ne3A_863 : i32
      %lt3A_865 = arith.constant 0 : i32
      %lt3A_866 = arith.cmpi slt, %rem3A_862, %lt3A_865 : i32
      %lt3A_867 = arith.constant 0 : i32
      %lt3A_868 = arith.cmpi slt, %select_n3A_861, %lt3A_867 : i32
      %ne3A_869 = arith.xori %lt3A_866, %lt3A_868 : i1
      %and3A_870 = arith.andi %ne3A_869, %ne3A_864 : i1
      %add3A_871 = arith.addi %rem3A_862, %select_n3A_861 : i32
      %select_n3A_872 = arith.select %and3A_870, %add3A_871, %rem3A_862 : i32
      %broadcast_in_dim3A_873 = vector.broadcast %select_n3A_872 : i32 to vector<16xi32>
      %gather3A_874 = tpu.vector_load_idx %arg7[%broadcast_in_dim3A_856, %broadcast_in_dim3A_873] : memref<10x128xf32, #tpu.memory_space<vmem>>[vector<16xi32>, vector<16xi32>], vector<16xf32>,
      %get3A_875 = arith.index_cast %add3A_831 : i32 to index
      %get3A_876 = arith.constant 0 : index
      %get3A_877 = tpu.vector_load %arg8[%get3A_875, %get3A_876] {strides = array<i32>} : memref<1280x64xf32, #tpu.memory_space<vmem>>, vector<16xf32>,
      %mul3A_878 = arith.mulf %gather3A_874, %get3A_877 : vector<16xf32>
      %add3A_879 = arith.addf %add3A_812, %mul3A_878 : vector<16xf32>
      %get3A_880 = arith.index_cast %add3A_831 : i32 to index
      %get3A_881 = arith.constant 16 : index
      %get3A_882 = tpu.vector_load %arg8[%get3A_880, %get3A_881] {strides = array<i32>} : memref<1280x64xf32, #tpu.memory_space<vmem>>, vector<16xf32>,
      %mul3A_883 = arith.mulf %gather3A_874, %get3A_882 : vector<16xf32>
      %add3A_884 = arith.addf %add3A_817, %mul3A_883 : vector<16xf32>
      %get3A_885 = arith.index_cast %add3A_831 : i32 to index
      %get3A_886 = arith.constant 32 : index
      %get3A_887 = tpu.vector_load %arg8[%get3A_885, %get3A_886] {strides = array<i32>} : memref<1280x64xf32, #tpu.memory_space<vmem>>, vector<16xf32>,
      %mul3A_888 = arith.mulf %gather3A_874, %get3A_887 : vector<16xf32>
      %add3A_889 = arith.addf %add3A_822, %mul3A_888 : vector<16xf32>
      %get3A_890 = arith.index_cast %add3A_831 : i32 to index
      %get3A_891 = arith.constant 48 : index
      %get3A_892 = tpu.vector_load %arg8[%get3A_890, %get3A_891] {strides = array<i32>} : memref<1280x64xf32, #tpu.memory_space<vmem>>, vector<16xf32>,
      %mul3A_893 = arith.mulf %gather3A_874, %get3A_892 : vector<16xf32>
      %add3A_894 = arith.addf %add3A_827, %mul3A_893 : vector<16xf32>
      %mul3A_895 = arith.constant 10 : i32
      %mul3A_896 = arith.muli %scan3A_429, %mul3A_895 : i32
      %add3A_897 = arith.constant 7 : i32
      %add3A_898 = arith.addi %mul3A_896, %add3A_897 : i32
      %jit3A_899 = arith.constant 128 : i32
      %div3A_900 = arith.divsi %add3A_898, %jit3A_899 : i32
      %sign3A_901 = arith.constant 0 : i32
      %sign3A_902 = arith.cmpi sgt, %add3A_898, %sign3A_901 : i32
      %sign3A_903 = arith.extui %sign3A_902 : i1 to i32
      %sign3A_904 = arith.constant 0 : i32
      %sign3A_905 = arith.cmpi slt, %add3A_898, %sign3A_904 : i32
      %sign3A_906 = arith.extui %sign3A_905 : i1 to i32
      %sign3A_907 = arith.subi %sign3A_903, %sign3A_906 : i32
      %sign3A_908 = arith.constant 0 : i32
      %sign3A_909 = arith.cmpi sgt, %jit3A_899, %sign3A_908 : i32
      %sign3A_910 = arith.extui %sign3A_909 : i1 to i32
      %sign3A_911 = arith.constant 0 : i32
      %sign3A_912 = arith.cmpi slt, %jit3A_899, %sign3A_911 : i32
      %sign3A_913 = arith.extui %sign3A_912 : i1 to i32
      %sign3A_914 = arith.subi %sign3A_910, %sign3A_913 : i32
      %ne3A_915 = arith.cmpi ne, %sign3A_907, %sign3A_914 : i32
      %rem3A_916 = arith.remsi %add3A_898, %jit3A_899 : i32
      %ne3A_917 = arith.constant 0 : i32
      %ne3A_918 = arith.cmpi ne, %rem3A_916, %ne3A_917 : i32
      %and3A_919 = arith.andi %ne3A_915, %ne3A_918 : i1
      %sub3A_920 = arith.constant 1 : i32
      %sub3A_921 = arith.subi %div3A_900, %sub3A_920 : i32
      %select_n3A_922 = arith.select %and3A_919, %sub3A_921, %div3A_900 : i32
      %broadcast_in_dim3A_923 = vector.broadcast %select_n3A_922 : i32 to vector<16xi32>
      %jit3A_924 = arith.constant 128 : i32
      %eq3A_925 = arith.constant 0 : i32
      %eq3A_926 = arith.cmpi eq, %jit3A_924, %eq3A_925 : i32
      %jit3A_927 = arith.constant 1 : i32
      %select_n3A_928 = arith.select %eq3A_926, %jit3A_927, %jit3A_924 : i32
      %rem3A_929 = arith.remsi %add3A_898, %select_n3A_928 : i32
      %ne3A_930 = arith.constant 0 : i32
      %ne3A_931 = arith.cmpi ne, %rem3A_929, %ne3A_930 : i32
      %lt3A_932 = arith.constant 0 : i32
      %lt3A_933 = arith.cmpi slt, %rem3A_929, %lt3A_932 : i32
      %lt3A_934 = arith.constant 0 : i32
      %lt3A_935 = arith.cmpi slt, %select_n3A_928, %lt3A_934 : i32
      %ne3A_936 = arith.xori %lt3A_933, %lt3A_935 : i1
      %and3A_937 = arith.andi %ne3A_936, %ne3A_931 : i1
      %add3A_938 = arith.addi %rem3A_929, %select_n3A_928 : i32
      %select_n3A_939 = arith.select %and3A_937, %add3A_938, %rem3A_929 : i32
      %broadcast_in_dim3A_940 = vector.broadcast %select_n3A_939 : i32 to vector<16xi32>
      %gather3A_941 = tpu.vector_load_idx %arg7[%broadcast_in_dim3A_923, %broadcast_in_dim3A_940] : memref<10x128xf32, #tpu.memory_space<vmem>>[vector<16xi32>, vector<16xi32>], vector<16xf32>,
      %get3A_942 = arith.index_cast %add3A_898 : i32 to index
      %get3A_943 = arith.constant 0 : index
      %get3A_944 = tpu.vector_load %arg8[%get3A_942, %get3A_943] {strides = array<i32>} : memref<1280x64xf32, #tpu.memory_space<vmem>>, vector<16xf32>,
      %mul3A_945 = arith.mulf %gather3A_941, %get3A_944 : vector<16xf32>
      %add3A_946 = arith.addf %add3A_879, %mul3A_945 : vector<16xf32>
      %get3A_947 = arith.index_cast %add3A_898 : i32 to index
      %get3A_948 = arith.constant 16 : index
      %get3A_949 = tpu.vector_load %arg8[%get3A_947, %get3A_948] {strides = array<i32>} : memref<1280x64xf32, #tpu.memory_space<vmem>>, vector<16xf32>,
      %mul3A_950 = arith.mulf %gather3A_941, %get3A_949 : vector<16xf32>
      %add3A_951 = arith.addf %add3A_884, %mul3A_950 : vector<16xf32>
      %get3A_952 = arith.index_cast %add3A_898 : i32 to index
      %get3A_953 = arith.constant 32 : index
      %get3A_954 = tpu.vector_load %arg8[%get3A_952, %get3A_953] {strides = array<i32>} : memref<1280x64xf32, #tpu.memory_space<vmem>>, vector<16xf32>,
      %mul3A_955 = arith.mulf %gather3A_941, %get3A_954 : vector<16xf32>
      %add3A_956 = arith.addf %add3A_889, %mul3A_955 : vector<16xf32>
      %get3A_957 = arith.index_cast %add3A_898 : i32 to index
      %get3A_958 = arith.constant 48 : index
      %get3A_959 = tpu.vector_load %arg8[%get3A_957, %get3A_958] {strides = array<i32>} : memref<1280x64xf32, #tpu.memory_space<vmem>>, vector<16xf32>,
      %mul3A_960 = arith.mulf %gather3A_941, %get3A_959 : vector<16xf32>
      %add3A_961 = arith.addf %add3A_894, %mul3A_960 : vector<16xf32>
      %mul3A_962 = arith.constant 10 : i32
      %mul3A_963 = arith.muli %scan3A_429, %mul3A_962 : i32
      %add3A_964 = arith.constant 8 : i32
      %add3A_965 = arith.addi %mul3A_963, %add3A_964 : i32
      %jit3A_966 = arith.constant 128 : i32
      %div3A_967 = arith.divsi %add3A_965, %jit3A_966 : i32
      %sign3A_968 = arith.constant 0 : i32
      %sign3A_969 = arith.cmpi sgt, %add3A_965, %sign3A_968 : i32
      %sign3A_970 = arith.extui %sign3A_969 : i1 to i32
      %sign3A_971 = arith.constant 0 : i32
      %sign3A_972 = arith.cmpi slt, %add3A_965, %sign3A_971 : i32
      %sign3A_973 = arith.extui %sign3A_972 : i1 to i32
      %sign3A_974 = arith.subi %sign3A_970, %sign3A_973 : i32
      %sign3A_975 = arith.constant 0 : i32
      %sign3A_976 = arith.cmpi sgt, %jit3A_966, %sign3A_975 : i32
      %sign3A_977 = arith.extui %sign3A_976 : i1 to i32
      %sign3A_978 = arith.constant 0 : i32
      %sign3A_979 = arith.cmpi slt, %jit3A_966, %sign3A_978 : i32
      %sign3A_980 = arith.extui %sign3A_979 : i1 to i32
      %sign3A_981 = arith.subi %sign3A_977, %sign3A_980 : i32
      %ne3A_982 = arith.cmpi ne, %sign3A_974, %sign3A_981 : i32
      %rem3A_983 = arith.remsi %add3A_965, %jit3A_966 : i32
      %ne3A_984 = arith.constant 0 : i32
      %ne3A_985 = arith.cmpi ne, %rem3A_983, %ne3A_984 : i32
      %and3A_986 = arith.andi %ne3A_982, %ne3A_985 : i1
      %sub3A_987 = arith.constant 1 : i32
      %sub3A_988 = arith.subi %div3A_967, %sub3A_987 : i32
      %select_n3A_989 = arith.select %and3A_986, %sub3A_988, %div3A_967 : i32
      %broadcast_in_dim3A_990 = vector.broadcast %select_n3A_989 : i32 to vector<16xi32>
      %jit3A_991 = arith.constant 128 : i32
      %eq3A_992 = arith.constant 0 : i32
      %eq3A_993 = arith.cmpi eq, %jit3A_991, %eq3A_992 : i32
      %jit3A_994 = arith.constant 1 : i32
      %select_n3A_995 = arith.select %eq3A_993, %jit3A_994, %jit3A_991 : i32
      %rem3A_996 = arith.remsi %add3A_965, %select_n3A_995 : i32
      %ne3A_997 = arith.constant 0 : i32
      %ne3A_998 = arith.cmpi ne, %rem3A_996, %ne3A_997 : i32
      %lt3A_999 = arith.constant 0 : i32
      %lt3A_1000 = arith.cmpi slt, %rem3A_996, %lt3A_999 : i32
      %lt3A_1001 = arith.constant 0 : i32
      %lt3A_1002 = arith.cmpi slt, %select_n3A_995, %lt3A_1001 : i32
      %ne3A_1003 = arith.xori %lt3A_1000, %lt3A_1002 : i1
      %and3A_1004 = arith.andi %ne3A_1003, %ne3A_998 : i1
      %add3A_1005 = arith.addi %rem3A_996, %select_n3A_995 : i32
      %select_n3A_1006 = arith.select %and3A_1004, %add3A_1005, %rem3A_996 : i32
      %broadcast_in_dim3A_1007 = vector.broadcast %select_n3A_1006 : i32 to vector<16xi32>
      %gather3A_1008 = tpu.vector_load_idx %arg7[%broadcast_in_dim3A_990, %broadcast_in_dim3A_1007] : memref<10x128xf32, #tpu.memory_space<vmem>>[vector<16xi32>, vector<16xi32>], vector<16xf32>,
      %get3A_1009 = arith.index_cast %add3A_965 : i32 to index
      %get3A_1010 = arith.constant 0 : index
      %get3A_1011 = tpu.vector_load %arg8[%get3A_1009, %get3A_1010] {strides = array<i32>} : memref<1280x64xf32, #tpu.memory_space<vmem>>, vector<16xf32>,
      %mul3A_1012 = arith.mulf %gather3A_1008, %get3A_1011 : vector<16xf32>
      %add3A_1013 = arith.addf %add3A_946, %mul3A_1012 : vector<16xf32>
      %get3A_1014 = arith.index_cast %add3A_965 : i32 to index
      %get3A_1015 = arith.constant 16 : index
      %get3A_1016 = tpu.vector_load %arg8[%get3A_1014, %get3A_1015] {strides = array<i32>} : memref<1280x64xf32, #tpu.memory_space<vmem>>, vector<16xf32>,
      %mul3A_1017 = arith.mulf %gather3A_1008, %get3A_1016 : vector<16xf32>
      %add3A_1018 = arith.addf %add3A_951, %mul3A_1017 : vector<16xf32>
      %get3A_1019 = arith.index_cast %add3A_965 : i32 to index
      %get3A_1020 = arith.constant 32 : index
      %get3A_1021 = tpu.vector_load %arg8[%get3A_1019, %get3A_1020] {strides = array<i32>} : memref<1280x64xf32, #tpu.memory_space<vmem>>, vector<16xf32>,
      %mul3A_1022 = arith.mulf %gather3A_1008, %get3A_1021 : vector<16xf32>
      %add3A_1023 = arith.addf %add3A_956, %mul3A_1022 : vector<16xf32>
      %get3A_1024 = arith.index_cast %add3A_965 : i32 to index
      %get3A_1025 = arith.constant 48 : index
      %get3A_1026 = tpu.vector_load %arg8[%get3A_1024, %get3A_1025] {strides = array<i32>} : memref<1280x64xf32, #tpu.memory_space<vmem>>, vector<16xf32>,
      %mul3A_1027 = arith.mulf %gather3A_1008, %get3A_1026 : vector<16xf32>
      %add3A_1028 = arith.addf %add3A_961, %mul3A_1027 : vector<16xf32>
      %mul3A_1029 = arith.constant 10 : i32
      %mul3A_1030 = arith.muli %scan3A_429, %mul3A_1029 : i32
      %add3A_1031 = arith.constant 9 : i32
      %add3A_1032 = arith.addi %mul3A_1030, %add3A_1031 : i32
      %jit3A_1033 = arith.constant 128 : i32
      %div3A_1034 = arith.divsi %add3A_1032, %jit3A_1033 : i32
      %sign3A_1035 = arith.constant 0 : i32
      %sign3A_1036 = arith.cmpi sgt, %add3A_1032, %sign3A_1035 : i32
      %sign3A_1037 = arith.extui %sign3A_1036 : i1 to i32
      %sign3A_1038 = arith.constant 0 : i32
      %sign3A_1039 = arith.cmpi slt, %add3A_1032, %sign3A_1038 : i32
      %sign3A_1040 = arith.extui %sign3A_1039 : i1 to i32
      %sign3A_1041 = arith.subi %sign3A_1037, %sign3A_1040 : i32
      %sign3A_1042 = arith.constant 0 : i32
      %sign3A_1043 = arith.cmpi sgt, %jit3A_1033, %sign3A_1042 : i32
      %sign3A_1044 = arith.extui %sign3A_1043 : i1 to i32
      %sign3A_1045 = arith.constant 0 : i32
      %sign3A_1046 = arith.cmpi slt, %jit3A_1033, %sign3A_1045 : i32
      %sign3A_1047 = arith.extui %sign3A_1046 : i1 to i32
      %sign3A_1048 = arith.subi %sign3A_1044, %sign3A_1047 : i32
      %ne3A_1049 = arith.cmpi ne, %sign3A_1041, %sign3A_1048 : i32
      %rem3A_1050 = arith.remsi %add3A_1032, %jit3A_1033 : i32
      %ne3A_1051 = arith.constant 0 : i32
      %ne3A_1052 = arith.cmpi ne, %rem3A_1050, %ne3A_1051 : i32
      %and3A_1053 = arith.andi %ne3A_1049, %ne3A_1052 : i1
      %sub3A_1054 = arith.constant 1 : i32
      %sub3A_1055 = arith.subi %div3A_1034, %sub3A_1054 : i32
      %select_n3A_1056 = arith.select %and3A_1053, %sub3A_1055, %div3A_1034 : i32
      %broadcast_in_dim3A_1057 = vector.broadcast %select_n3A_1056 : i32 to vector<16xi32>
      %jit3A_1058 = arith.constant 128 : i32
      %eq3A_1059 = arith.constant 0 : i32
      %eq3A_1060 = arith.cmpi eq, %jit3A_1058, %eq3A_1059 : i32
      %jit3A_1061 = arith.constant 1 : i32
      %select_n3A_1062 = arith.select %eq3A_1060, %jit3A_1061, %jit3A_1058 : i32
      %rem3A_1063 = arith.remsi %add3A_1032, %select_n3A_1062 : i32
      %ne3A_1064 = arith.constant 0 : i32
      %ne3A_1065 = arith.cmpi ne, %rem3A_1063, %ne3A_1064 : i32
      %lt3A_1066 = arith.constant 0 : i32
      %lt3A_1067 = arith.cmpi slt, %rem3A_1063, %lt3A_1066 : i32
      %lt3A_1068 = arith.constant 0 : i32
      %lt3A_1069 = arith.cmpi slt, %select_n3A_1062, %lt3A_1068 : i32
      %ne3A_1070 = arith.xori %lt3A_1067, %lt3A_1069 : i1
      %and3A_1071 = arith.andi %ne3A_1070, %ne3A_1065 : i1
      %add3A_1072 = arith.addi %rem3A_1063, %select_n3A_1062 : i32
      %select_n3A_1073 = arith.select %and3A_1071, %add3A_1072, %rem3A_1063 : i32
      %broadcast_in_dim3A_1074 = vector.broadcast %select_n3A_1073 : i32 to vector<16xi32>
      %gather3A_1075 = tpu.vector_load_idx %arg7[%broadcast_in_dim3A_1057, %broadcast_in_dim3A_1074] : memref<10x128xf32, #tpu.memory_space<vmem>>[vector<16xi32>, vector<16xi32>], vector<16xf32>,
      %get3A_1076 = arith.index_cast %add3A_1032 : i32 to index
      %get3A_1077 = arith.constant 0 : index
      %get3A_1078 = tpu.vector_load %arg8[%get3A_1076, %get3A_1077] {strides = array<i32>} : memref<1280x64xf32, #tpu.memory_space<vmem>>, vector<16xf32>,
      %mul3A_1079 = arith.mulf %gather3A_1075, %get3A_1078 : vector<16xf32>
      %add3A_1080 = arith.addf %add3A_1013, %mul3A_1079 : vector<16xf32>
      %get3A_1081 = arith.index_cast %add3A_1032 : i32 to index
      %get3A_1082 = arith.constant 16 : index
      %get3A_1083 = tpu.vector_load %arg8[%get3A_1081, %get3A_1082] {strides = array<i32>} : memref<1280x64xf32, #tpu.memory_space<vmem>>, vector<16xf32>,
      %mul3A_1084 = arith.mulf %gather3A_1075, %get3A_1083 : vector<16xf32>
      %add3A_1085 = arith.addf %add3A_1018, %mul3A_1084 : vector<16xf32>
      %get3A_1086 = arith.index_cast %add3A_1032 : i32 to index
      %get3A_1087 = arith.constant 32 : index
      %get3A_1088 = tpu.vector_load %arg8[%get3A_1086, %get3A_1087] {strides = array<i32>} : memref<1280x64xf32, #tpu.memory_space<vmem>>, vector<16xf32>,
      %mul3A_1089 = arith.mulf %gather3A_1075, %get3A_1088 : vector<16xf32>
      %add3A_1090 = arith.addf %add3A_1023, %mul3A_1089 : vector<16xf32>
      %get3A_1091 = arith.index_cast %add3A_1032 : i32 to index
      %get3A_1092 = arith.constant 48 : index
      %get3A_1093 = tpu.vector_load %arg8[%get3A_1091, %get3A_1092] {strides = array<i32>} : memref<1280x64xf32, #tpu.memory_space<vmem>>, vector<16xf32>,
      %mul3A_1094 = arith.mulf %gather3A_1075, %get3A_1093 : vector<16xf32>
      %add3A_1095 = arith.addf %add3A_1028, %mul3A_1094 : vector<16xf32>
      %swap3A = arith.index_cast %scan3A_429 : i32 to index
      %swap3A_1096 = arith.constant 0 : index
      %swap3A_1097 = tpu.vector_load %arg9[%swap3A, %swap3A_1096] {strides = array<i32>} : memref<128x64xf32, #tpu.memory_space<vmem>>, vector<16xf32>,
      tpu.vector_store %arg9[%swap3A, %swap3A_1096], %add3A_1080 {strides = array<i32>} : memref<128x64xf32, #tpu.memory_space<vmem>>, vector<16xf32>,
      %swap3A_1098 = arith.index_cast %scan3A_429 : i32 to index
      %swap3A_1099 = arith.constant 16 : index
      %swap3A_1100 = tpu.vector_load %arg9[%swap3A_1098, %swap3A_1099] {strides = array<i32>} : memref<128x64xf32, #tpu.memory_space<vmem>>, vector<16xf32>,
      tpu.vector_store %arg9[%swap3A_1098, %swap3A_1099], %add3A_1085 {strides = array<i32>} : memref<128x64xf32, #tpu.memory_space<vmem>>, vector<16xf32>,
      %swap3A_1101 = arith.index_cast %scan3A_429 : i32 to index
      %swap3A_1102 = arith.constant 32 : index
      %swap3A_1103 = tpu.vector_load %arg9[%swap3A_1101, %swap3A_1102] {strides = array<i32>} : memref<128x64xf32, #tpu.memory_space<vmem>>, vector<16xf32>,
      tpu.vector_store %arg9[%swap3A_1101, %swap3A_1102], %add3A_1090 {strides = array<i32>} : memref<128x64xf32, #tpu.memory_space<vmem>>, vector<16xf32>,
      %swap3A_1104 = arith.index_cast %scan3A_429 : i32 to index
      %swap3A_1105 = arith.constant 48 : index
      %swap3A_1106 = tpu.vector_load %arg9[%swap3A_1104, %swap3A_1105] {strides = array<i32>} : memref<128x64xf32, #tpu.memory_space<vmem>>, vector<16xf32>,
      tpu.vector_store %arg9[%swap3A_1104, %swap3A_1105], %add3A_1095 {strides = array<i32>} : memref<128x64xf32, #tpu.memory_space<vmem>>, vector<16xf32>,
      %scan3A_1107 = arith.constant 0 : i32
      scf.yield %scan3A_1107 : i32
    }
    %scan3A_209 = arith.constant 128 : i32
    %mul3A_210 = arith.constant 128 : i32
    %mul3A_211 = arith.muli %add3A, %mul3A_210 : i32
    %run_scoped3A_212 = arith.constant 0 : i32
    "tpu.region"() ({
      %run_scoped3A_429 = tpu.sem_alloc : memref<!tpu.dma_semaphore, #tpu.memory_space<semaphore_mem>>
      %dma_start3A_430 = arith.constant 0 : i32
      %dma_start3A_431 = tpu.memref_slice %arg5[%run_scoped3A_212, %mul3A_211, %dma_start3A_430] : memref<2x4096x64xf32, #tpu.memory_space<hbm>> -> memref<1x128x64xf32, #tpu.memory_space<hbm>>
      %dma_start3A_432 = tpu.memref_squeeze %dma_start3A_431 : memref<1x128x64xf32, #tpu.memory_space<hbm>> -> memref<128x64xf32, #tpu.memory_space<hbm>>
      %dma_start3A_433 = arith.constant 0 : i32
      %dma_start3A_434 = tpu.memref_slice %arg5[%run_scoped3A_212, %mul3A_211, %dma_start3A_433] : memref<2x4096x64xf32, #tpu.memory_space<hbm>> -> memref<1x128x64xf32, #tpu.memory_space<hbm>>
      %dma_start3A_435 = tpu.memref_squeeze %dma_start3A_434 : memref<1x128x64xf32, #tpu.memory_space<hbm>> -> memref<128x64xf32, #tpu.memory_space<hbm>>
      tpu.enqueue_dma source(%arg9 : memref<128x64xf32, #tpu.memory_space<vmem>>) target(%dma_start3A_435 : memref<128x64xf32, #tpu.memory_space<hbm>>) target_semaphore(%run_scoped3A_429 : memref<!tpu.dma_semaphore, #tpu.memory_space<semaphore_mem>>)
      %dma_wait3A_436 = arith.constant 0 : i32
      %dma_wait3A_437 = tpu.memref_slice %arg5[%run_scoped3A_212, %mul3A_211, %dma_wait3A_436] : memref<2x4096x64xf32, #tpu.memory_space<hbm>> -> memref<1x128x64xf32, #tpu.memory_space<hbm>>
      %dma_wait3A_438 = tpu.memref_squeeze %dma_wait3A_437 : memref<1x128x64xf32, #tpu.memory_space<hbm>> -> memref<128x64xf32, #tpu.memory_space<hbm>>
      %dma_wait3A_439 = arith.constant 0 : i32
      %dma_wait3A_440 = tpu.memref_slice %arg5[%run_scoped3A_212, %mul3A_211, %dma_wait3A_439] : memref<2x4096x64xf32, #tpu.memory_space<hbm>> -> memref<1x128x64xf32, #tpu.memory_space<hbm>>
      %dma_wait3A_441 = tpu.memref_squeeze %dma_wait3A_440 : memref<1x128x64xf32, #tpu.memory_space<hbm>> -> memref<128x64xf32, #tpu.memory_space<hbm>>
      tpu.wait_dma2 semaphore(%run_scoped3A_429 : memref<!tpu.dma_semaphore, #tpu.memory_space<semaphore_mem>>) src(%arg9 : memref<128x64xf32, #tpu.memory_space<vmem>>) dst(%dma_wait3A_441 : memref<128x64xf32, #tpu.memory_space<hbm>>)
      tpu.yield
    }) : () -> ()
    %mul3A_213 = arith.constant 10 : i32
    %mul3A_214 = arith.muli %add3A, %mul3A_213 : i32
    %run_scoped3A_215 = arith.constant 1 : i32
    "tpu.region"() ({
      %run_scoped3A_429 = tpu.sem_alloc : memref<!tpu.dma_semaphore, #tpu.memory_space<semaphore_mem>>
      %dma_start3A_430 = arith.constant 0 : i32
      %dma_start3A_431 = tpu.memref_slice %arg2[%run_scoped3A_215, %mul3A_214, %dma_start3A_430] : memref<2x320x128xi32, #tpu.memory_space<hbm>> -> memref<1x10x128xi32, #tpu.memory_space<hbm>>
      %dma_start3A_432 = tpu.memref_squeeze %dma_start3A_431 : memref<1x10x128xi32, #tpu.memory_space<hbm>> -> memref<10x128xi32, #tpu.memory_space<hbm>>
      %dma_start3A_433 = arith.constant 0 : i32
      %dma_start3A_434 = tpu.memref_slice %arg2[%run_scoped3A_215, %mul3A_214, %dma_start3A_433] : memref<2x320x128xi32, #tpu.memory_space<hbm>> -> memref<1x10x128xi32, #tpu.memory_space<hbm>>
      %dma_start3A_435 = tpu.memref_squeeze %dma_start3A_434 : memref<1x10x128xi32, #tpu.memory_space<hbm>> -> memref<10x128xi32, #tpu.memory_space<hbm>>
      tpu.enqueue_dma source(%dma_start3A_435 : memref<10x128xi32, #tpu.memory_space<hbm>>) target(%arg6 : memref<10x128xi32, #tpu.memory_space<vmem>>) target_semaphore(%run_scoped3A_429 : memref<!tpu.dma_semaphore, #tpu.memory_space<semaphore_mem>>)
      %dma_wait3A_436 = arith.constant 0 : i32
      %dma_wait3A_437 = tpu.memref_slice %arg2[%run_scoped3A_215, %mul3A_214, %dma_wait3A_436] : memref<2x320x128xi32, #tpu.memory_space<hbm>> -> memref<1x10x128xi32, #tpu.memory_space<hbm>>
      %dma_wait3A_438 = tpu.memref_squeeze %dma_wait3A_437 : memref<1x10x128xi32, #tpu.memory_space<hbm>> -> memref<10x128xi32, #tpu.memory_space<hbm>>
      %dma_wait3A_439 = arith.constant 0 : i32
      %dma_wait3A_440 = tpu.memref_slice %arg2[%run_scoped3A_215, %mul3A_214, %dma_wait3A_439] : memref<2x320x128xi32, #tpu.memory_space<hbm>> -> memref<1x10x128xi32, #tpu.memory_space<hbm>>
      %dma_wait3A_441 = tpu.memref_squeeze %dma_wait3A_440 : memref<1x10x128xi32, #tpu.memory_space<hbm>> -> memref<10x128xi32, #tpu.memory_space<hbm>>
      tpu.wait_dma2 semaphore(%run_scoped3A_429 : memref<!tpu.dma_semaphore, #tpu.memory_space<semaphore_mem>>) src(%dma_wait3A_441 : memref<10x128xi32, #tpu.memory_space<hbm>>) dst(%arg6 : memref<10x128xi32, #tpu.memory_space<vmem>>)
      tpu.yield
    }) : () -> ()
    %mul3A_216 = arith.constant 10 : i32
    %mul3A_217 = arith.muli %add3A, %mul3A_216 : i32
    %run_scoped3A_218 = arith.constant 1 : i32
    "tpu.region"() ({
      %run_scoped3A_429 = tpu.sem_alloc : memref<!tpu.dma_semaphore, #tpu.memory_space<semaphore_mem>>
      %dma_start3A_430 = arith.constant 0 : i32
      %dma_start3A_431 = tpu.memref_slice %arg3[%run_scoped3A_218, %mul3A_217, %dma_start3A_430] : memref<2x320x128xf32, #tpu.memory_space<hbm>> -> memref<1x10x128xf32, #tpu.memory_space<hbm>>
      %dma_start3A_432 = tpu.memref_squeeze %dma_start3A_431 : memref<1x10x128xf32, #tpu.memory_space<hbm>> -> memref<10x128xf32, #tpu.memory_space<hbm>>
      %dma_start3A_433 = arith.constant 0 : i32
      %dma_start3A_434 = tpu.memref_slice %arg3[%run_scoped3A_218, %mul3A_217, %dma_start3A_433] : memref<2x320x128xf32, #tpu.memory_space<hbm>> -> memref<1x10x128xf32, #tpu.memory_space<hbm>>
      %dma_start3A_435 = tpu.memref_squeeze %dma_start3A_434 : memref<1x10x128xf32, #tpu.memory_space<hbm>> -> memref<10x128xf32, #tpu.memory_space<hbm>>
      tpu.enqueue_dma source(%dma_start3A_435 : memref<10x128xf32, #tpu.memory_space<hbm>>) target(%arg7 : memref<10x128xf32, #tpu.memory_space<vmem>>) target_semaphore(%run_scoped3A_429 : memref<!tpu.dma_semaphore, #tpu.memory_space<semaphore_mem>>)
      %dma_wait3A_436 = arith.constant 0 : i32
      %dma_wait3A_437 = tpu.memref_slice %arg3[%run_scoped3A_218, %mul3A_217, %dma_wait3A_436] : memref<2x320x128xf32, #tpu.memory_space<hbm>> -> memref<1x10x128xf32, #tpu.memory_space<hbm>>
      %dma_wait3A_438 = tpu.memref_squeeze %dma_wait3A_437 : memref<1x10x128xf32, #tpu.memory_space<hbm>> -> memref<10x128xf32, #tpu.memory_space<hbm>>
      %dma_wait3A_439 = arith.constant 0 : i32
      %dma_wait3A_440 = tpu.memref_slice %arg3[%run_scoped3A_218, %mul3A_217, %dma_wait3A_439] : memref<2x320x128xf32, #tpu.memory_space<hbm>> -> memref<1x10x128xf32, #tpu.memory_space<hbm>>
      %dma_wait3A_441 = tpu.memref_squeeze %dma_wait3A_440 : memref<1x10x128xf32, #tpu.memory_space<hbm>> -> memref<10x128xf32, #tpu.memory_space<hbm>>
      tpu.wait_dma2 semaphore(%run_scoped3A_429 : memref<!tpu.dma_semaphore, #tpu.memory_space<semaphore_mem>>) src(%dma_wait3A_441 : memref<10x128xf32, #tpu.memory_space<hbm>>) dst(%arg7 : memref<10x128xf32, #tpu.memory_space<vmem>>)
      tpu.yield
    }) : () -> ()
    %dma_start3A_219 = arith.constant 0 : i32
    %dma_start3A_220 = arith.constant 0 : i32
    %dma_start3A_221 = arith.constant 0 : i32
    %dma_start3A_222 = tpu.memref_slice %arg8[%dma_start3A_220, %dma_start3A_221] : memref<1280x64xf32, #tpu.memory_space<vmem>> -> memref<128x64xf32, #tpu.memory_space<vmem>>
    %dma_start3A_223 = arith.constant 0 : i32
    %dma_start3A_224 = tpu.memref_slice %arg6[%dma_start3A_219, %dma_start3A_223] : memref<10x128xi32, #tpu.memory_space<vmem>> -> memref<1x128xi32, #tpu.memory_space<vmem>>
    %dma_start3A_225 = tpu.memref_squeeze %dma_start3A_224 : memref<1x128xi32, #tpu.memory_space<vmem>> -> memref<128xi32, #tpu.memory_space<vmem>>
    %dma_start3A_226 = arith.constant 0 : i32
    %dma_start3A_227 = arith.constant 0 : i32
    %dma_start3A_228 = tpu.memref_slice %arg4[%dma_start3A_226, %dma_start3A_227] : memref<4096x64xf32, #tpu.memory_space<hbm>> -> memref<4096x64xf32, #tpu.memory_space<hbm>>
    tpu.enqueue_indirect_dma source(%dma_start3A_228 : memref<4096x64xf32, #tpu.memory_space<hbm>>) target(%dma_start3A_222 : memref<128x64xf32, #tpu.memory_space<vmem>>) offsets(%dma_start3A_225 : memref<128xi32, #tpu.memory_space<vmem>>) semaphore(%arg10 : memref<!tpu.dma_semaphore, #tpu.memory_space<semaphore_mem>>)
    %dma_start3A_229 = arith.constant 1 : i32
    %dma_start3A_230 = arith.constant 128 : i32
    %dma_start3A_231 = arith.constant 0 : i32
    %dma_start3A_232 = tpu.memref_slice %arg8[%dma_start3A_230, %dma_start3A_231] : memref<1280x64xf32, #tpu.memory_space<vmem>> -> memref<128x64xf32, #tpu.memory_space<vmem>>
    %dma_start3A_233 = arith.constant 0 : i32
    %dma_start3A_234 = tpu.memref_slice %arg6[%dma_start3A_229, %dma_start3A_233] : memref<10x128xi32, #tpu.memory_space<vmem>> -> memref<1x128xi32, #tpu.memory_space<vmem>>
    %dma_start3A_235 = tpu.memref_squeeze %dma_start3A_234 : memref<1x128xi32, #tpu.memory_space<vmem>> -> memref<128xi32, #tpu.memory_space<vmem>>
    %dma_start3A_236 = arith.constant 0 : i32
    %dma_start3A_237 = arith.constant 0 : i32
    %dma_start3A_238 = tpu.memref_slice %arg4[%dma_start3A_236, %dma_start3A_237] : memref<4096x64xf32, #tpu.memory_space<hbm>> -> memref<4096x64xf32, #tpu.memory_space<hbm>>
    tpu.enqueue_indirect_dma source(%dma_start3A_238 : memref<4096x64xf32, #tpu.memory_space<hbm>>) target(%dma_start3A_232 : memref<128x64xf32, #tpu.memory_space<vmem>>) offsets(%dma_start3A_235 : memref<128xi32, #tpu.memory_space<vmem>>) semaphore(%arg10 : memref<!tpu.dma_semaphore, #tpu.memory_space<semaphore_mem>>)
    %dma_start3A_239 = arith.constant 2 : i32
    %dma_start3A_240 = arith.constant 256 : i32
    %dma_start3A_241 = arith.constant 0 : i32
    %dma_start3A_242 = tpu.memref_slice %arg8[%dma_start3A_240, %dma_start3A_241] : memref<1280x64xf32, #tpu.memory_space<vmem>> -> memref<128x64xf32, #tpu.memory_space<vmem>>
    %dma_start3A_243 = arith.constant 0 : i32
    %dma_start3A_244 = tpu.memref_slice %arg6[%dma_start3A_239, %dma_start3A_243] : memref<10x128xi32, #tpu.memory_space<vmem>> -> memref<1x128xi32, #tpu.memory_space<vmem>>
    %dma_start3A_245 = tpu.memref_squeeze %dma_start3A_244 : memref<1x128xi32, #tpu.memory_space<vmem>> -> memref<128xi32, #tpu.memory_space<vmem>>
    %dma_start3A_246 = arith.constant 0 : i32
    %dma_start3A_247 = arith.constant 0 : i32
    %dma_start3A_248 = tpu.memref_slice %arg4[%dma_start3A_246, %dma_start3A_247] : memref<4096x64xf32, #tpu.memory_space<hbm>> -> memref<4096x64xf32, #tpu.memory_space<hbm>>
    tpu.enqueue_indirect_dma source(%dma_start3A_248 : memref<4096x64xf32, #tpu.memory_space<hbm>>) target(%dma_start3A_242 : memref<128x64xf32, #tpu.memory_space<vmem>>) offsets(%dma_start3A_245 : memref<128xi32, #tpu.memory_space<vmem>>) semaphore(%arg10 : memref<!tpu.dma_semaphore, #tpu.memory_space<semaphore_mem>>)
    %dma_start3A_249 = arith.constant 3 : i32
    %dma_start3A_250 = arith.constant 384 : i32
    %dma_start3A_251 = arith.constant 0 : i32
    %dma_start3A_252 = tpu.memref_slice %arg8[%dma_start3A_250, %dma_start3A_251] : memref<1280x64xf32, #tpu.memory_space<vmem>> -> memref<128x64xf32, #tpu.memory_space<vmem>>
    %dma_start3A_253 = arith.constant 0 : i32
    %dma_start3A_254 = tpu.memref_slice %arg6[%dma_start3A_249, %dma_start3A_253] : memref<10x128xi32, #tpu.memory_space<vmem>> -> memref<1x128xi32, #tpu.memory_space<vmem>>
    %dma_start3A_255 = tpu.memref_squeeze %dma_start3A_254 : memref<1x128xi32, #tpu.memory_space<vmem>> -> memref<128xi32, #tpu.memory_space<vmem>>
    %dma_start3A_256 = arith.constant 0 : i32
    %dma_start3A_257 = arith.constant 0 : i32
    %dma_start3A_258 = tpu.memref_slice %arg4[%dma_start3A_256, %dma_start3A_257] : memref<4096x64xf32, #tpu.memory_space<hbm>> -> memref<4096x64xf32, #tpu.memory_space<hbm>>
    tpu.enqueue_indirect_dma source(%dma_start3A_258 : memref<4096x64xf32, #tpu.memory_space<hbm>>) target(%dma_start3A_252 : memref<128x64xf32, #tpu.memory_space<vmem>>) offsets(%dma_start3A_255 : memref<128xi32, #tpu.memory_space<vmem>>) semaphore(%arg10 : memref<!tpu.dma_semaphore, #tpu.memory_space<semaphore_mem>>)
    %dma_start3A_259 = arith.constant 4 : i32
    %dma_start3A_260 = arith.constant 512 : i32
    %dma_start3A_261 = arith.constant 0 : i32
    %dma_start3A_262 = tpu.memref_slice %arg8[%dma_start3A_260, %dma_start3A_261] : memref<1280x64xf32, #tpu.memory_space<vmem>> -> memref<128x64xf32, #tpu.memory_space<vmem>>
    %dma_start3A_263 = arith.constant 0 : i32
    %dma_start3A_264 = tpu.memref_slice %arg6[%dma_start3A_259, %dma_start3A_263] : memref<10x128xi32, #tpu.memory_space<vmem>> -> memref<1x128xi32, #tpu.memory_space<vmem>>
    %dma_start3A_265 = tpu.memref_squeeze %dma_start3A_264 : memref<1x128xi32, #tpu.memory_space<vmem>> -> memref<128xi32, #tpu.memory_space<vmem>>
    %dma_start3A_266 = arith.constant 0 : i32
    %dma_start3A_267 = arith.constant 0 : i32
    %dma_start3A_268 = tpu.memref_slice %arg4[%dma_start3A_266, %dma_start3A_267] : memref<4096x64xf32, #tpu.memory_space<hbm>> -> memref<4096x64xf32, #tpu.memory_space<hbm>>
    tpu.enqueue_indirect_dma source(%dma_start3A_268 : memref<4096x64xf32, #tpu.memory_space<hbm>>) target(%dma_start3A_262 : memref<128x64xf32, #tpu.memory_space<vmem>>) offsets(%dma_start3A_265 : memref<128xi32, #tpu.memory_space<vmem>>) semaphore(%arg10 : memref<!tpu.dma_semaphore, #tpu.memory_space<semaphore_mem>>)
    %dma_start3A_269 = arith.constant 5 : i32
    %dma_start3A_270 = arith.constant 640 : i32
    %dma_start3A_271 = arith.constant 0 : i32
    %dma_start3A_272 = tpu.memref_slice %arg8[%dma_start3A_270, %dma_start3A_271] : memref<1280x64xf32, #tpu.memory_space<vmem>> -> memref<128x64xf32, #tpu.memory_space<vmem>>
    %dma_start3A_273 = arith.constant 0 : i32
    %dma_start3A_274 = tpu.memref_slice %arg6[%dma_start3A_269, %dma_start3A_273] : memref<10x128xi32, #tpu.memory_space<vmem>> -> memref<1x128xi32, #tpu.memory_space<vmem>>
    %dma_start3A_275 = tpu.memref_squeeze %dma_start3A_274 : memref<1x128xi32, #tpu.memory_space<vmem>> -> memref<128xi32, #tpu.memory_space<vmem>>
    %dma_start3A_276 = arith.constant 0 : i32
    %dma_start3A_277 = arith.constant 0 : i32
    %dma_start3A_278 = tpu.memref_slice %arg4[%dma_start3A_276, %dma_start3A_277] : memref<4096x64xf32, #tpu.memory_space<hbm>> -> memref<4096x64xf32, #tpu.memory_space<hbm>>
    tpu.enqueue_indirect_dma source(%dma_start3A_278 : memref<4096x64xf32, #tpu.memory_space<hbm>>) target(%dma_start3A_272 : memref<128x64xf32, #tpu.memory_space<vmem>>) offsets(%dma_start3A_275 : memref<128xi32, #tpu.memory_space<vmem>>) semaphore(%arg10 : memref<!tpu.dma_semaphore, #tpu.memory_space<semaphore_mem>>)
    %dma_start3A_279 = arith.constant 6 : i32
    %dma_start3A_280 = arith.constant 768 : i32
    %dma_start3A_281 = arith.constant 0 : i32
    %dma_start3A_282 = tpu.memref_slice %arg8[%dma_start3A_280, %dma_start3A_281] : memref<1280x64xf32, #tpu.memory_space<vmem>> -> memref<128x64xf32, #tpu.memory_space<vmem>>
    %dma_start3A_283 = arith.constant 0 : i32
    %dma_start3A_284 = tpu.memref_slice %arg6[%dma_start3A_279, %dma_start3A_283] : memref<10x128xi32, #tpu.memory_space<vmem>> -> memref<1x128xi32, #tpu.memory_space<vmem>>
    %dma_start3A_285 = tpu.memref_squeeze %dma_start3A_284 : memref<1x128xi32, #tpu.memory_space<vmem>> -> memref<128xi32, #tpu.memory_space<vmem>>
    %dma_start3A_286 = arith.constant 0 : i32
    %dma_start3A_287 = arith.constant 0 : i32
    %dma_start3A_288 = tpu.memref_slice %arg4[%dma_start3A_286, %dma_start3A_287] : memref<4096x64xf32, #tpu.memory_space<hbm>> -> memref<4096x64xf32, #tpu.memory_space<hbm>>
    tpu.enqueue_indirect_dma source(%dma_start3A_288 : memref<4096x64xf32, #tpu.memory_space<hbm>>) target(%dma_start3A_282 : memref<128x64xf32, #tpu.memory_space<vmem>>) offsets(%dma_start3A_285 : memref<128xi32, #tpu.memory_space<vmem>>) semaphore(%arg10 : memref<!tpu.dma_semaphore, #tpu.memory_space<semaphore_mem>>)
    %dma_start3A_289 = arith.constant 7 : i32
    %dma_start3A_290 = arith.constant 896 : i32
    %dma_start3A_291 = arith.constant 0 : i32
    %dma_start3A_292 = tpu.memref_slice %arg8[%dma_start3A_290, %dma_start3A_291] : memref<1280x64xf32, #tpu.memory_space<vmem>> -> memref<128x64xf32, #tpu.memory_space<vmem>>
    %dma_start3A_293 = arith.constant 0 : i32
    %dma_start3A_294 = tpu.memref_slice %arg6[%dma_start3A_289, %dma_start3A_293] : memref<10x128xi32, #tpu.memory_space<vmem>> -> memref<1x128xi32, #tpu.memory_space<vmem>>
    %dma_start3A_295 = tpu.memref_squeeze %dma_start3A_294 : memref<1x128xi32, #tpu.memory_space<vmem>> -> memref<128xi32, #tpu.memory_space<vmem>>
    %dma_start3A_296 = arith.constant 0 : i32
    %dma_start3A_297 = arith.constant 0 : i32
    %dma_start3A_298 = tpu.memref_slice %arg4[%dma_start3A_296, %dma_start3A_297] : memref<4096x64xf32, #tpu.memory_space<hbm>> -> memref<4096x64xf32, #tpu.memory_space<hbm>>
    tpu.enqueue_indirect_dma source(%dma_start3A_298 : memref<4096x64xf32, #tpu.memory_space<hbm>>) target(%dma_start3A_292 : memref<128x64xf32, #tpu.memory_space<vmem>>) offsets(%dma_start3A_295 : memref<128xi32, #tpu.memory_space<vmem>>) semaphore(%arg10 : memref<!tpu.dma_semaphore, #tpu.memory_space<semaphore_mem>>)
    %dma_start3A_299 = arith.constant 8 : i32
    %dma_start3A_300 = arith.constant 1024 : i32
    %dma_start3A_301 = arith.constant 0 : i32
    %dma_start3A_302 = tpu.memref_slice %arg8[%dma_start3A_300, %dma_start3A_301] : memref<1280x64xf32, #tpu.memory_space<vmem>> -> memref<128x64xf32, #tpu.memory_space<vmem>>
    %dma_start3A_303 = arith.constant 0 : i32
    %dma_start3A_304 = tpu.memref_slice %arg6[%dma_start3A_299, %dma_start3A_303] : memref<10x128xi32, #tpu.memory_space<vmem>> -> memref<1x128xi32, #tpu.memory_space<vmem>>
    %dma_start3A_305 = tpu.memref_squeeze %dma_start3A_304 : memref<1x128xi32, #tpu.memory_space<vmem>> -> memref<128xi32, #tpu.memory_space<vmem>>
    %dma_start3A_306 = arith.constant 0 : i32
    %dma_start3A_307 = arith.constant 0 : i32
    %dma_start3A_308 = tpu.memref_slice %arg4[%dma_start3A_306, %dma_start3A_307] : memref<4096x64xf32, #tpu.memory_space<hbm>> -> memref<4096x64xf32, #tpu.memory_space<hbm>>
    tpu.enqueue_indirect_dma source(%dma_start3A_308 : memref<4096x64xf32, #tpu.memory_space<hbm>>) target(%dma_start3A_302 : memref<128x64xf32, #tpu.memory_space<vmem>>) offsets(%dma_start3A_305 : memref<128xi32, #tpu.memory_space<vmem>>) semaphore(%arg10 : memref<!tpu.dma_semaphore, #tpu.memory_space<semaphore_mem>>)
    %dma_start3A_309 = arith.constant 9 : i32
    %dma_start3A_310 = arith.constant 1152 : i32
    %dma_start3A_311 = arith.constant 0 : i32
    %dma_start3A_312 = tpu.memref_slice %arg8[%dma_start3A_310, %dma_start3A_311] : memref<1280x64xf32, #tpu.memory_space<vmem>> -> memref<128x64xf32, #tpu.memory_space<vmem>>
    %dma_start3A_313 = arith.constant 0 : i32
    %dma_start3A_314 = tpu.memref_slice %arg6[%dma_start3A_309, %dma_start3A_313] : memref<10x128xi32, #tpu.memory_space<vmem>> -> memref<1x128xi32, #tpu.memory_space<vmem>>
    %dma_start3A_315 = tpu.memref_squeeze %dma_start3A_314 : memref<1x128xi32, #tpu.memory_space<vmem>> -> memref<128xi32, #tpu.memory_space<vmem>>
    %dma_start3A_316 = arith.constant 0 : i32
    %dma_start3A_317 = arith.constant 0 : i32
    %dma_start3A_318 = tpu.memref_slice %arg4[%dma_start3A_316, %dma_start3A_317] : memref<4096x64xf32, #tpu.memory_space<hbm>> -> memref<4096x64xf32, #tpu.memory_space<hbm>>
    tpu.enqueue_indirect_dma source(%dma_start3A_318 : memref<4096x64xf32, #tpu.memory_space<hbm>>) target(%dma_start3A_312 : memref<128x64xf32, #tpu.memory_space<vmem>>) offsets(%dma_start3A_315 : memref<128xi32, #tpu.memory_space<vmem>>) semaphore(%arg10 : memref<!tpu.dma_semaphore, #tpu.memory_space<semaphore_mem>>)
    %dma_wait3A_319 = arith.constant 0 : i32
    %dma_wait3A_320 = arith.constant 0 : i32
    %dma_wait3A_321 = arith.constant 0 : i32
    %dma_wait3A_322 = tpu.memref_slice %arg8[%dma_wait3A_320, %dma_wait3A_321] : memref<1280x64xf32, #tpu.memory_space<vmem>> -> memref<128x64xf32, #tpu.memory_space<vmem>>
    %dma_wait3A_323 = arith.constant 0 : i32
    %dma_wait3A_324 = tpu.memref_slice %arg6[%dma_wait3A_319, %dma_wait3A_323] : memref<10x128xi32, #tpu.memory_space<vmem>> -> memref<1x128xi32, #tpu.memory_space<vmem>>
    %dma_wait3A_325 = tpu.memref_squeeze %dma_wait3A_324 : memref<1x128xi32, #tpu.memory_space<vmem>> -> memref<128xi32, #tpu.memory_space<vmem>>
    %dma_wait3A_326 = arith.constant 0 : i32
    %dma_wait3A_327 = arith.constant 0 : i32
    %dma_wait3A_328 = tpu.memref_slice %arg4[%dma_wait3A_326, %dma_wait3A_327] : memref<4096x64xf32, #tpu.memory_space<hbm>> -> memref<4096x64xf32, #tpu.memory_space<hbm>>
    tpu.wait_indirect_dma semaphore(%arg10 : memref<!tpu.dma_semaphore, #tpu.memory_space<semaphore_mem>>) src(%dma_wait3A_328 : memref<4096x64xf32, #tpu.memory_space<hbm>>) dst(%dma_wait3A_322 : memref<128x64xf32, #tpu.memory_space<vmem>>)
    %dma_wait3A_329 = arith.constant 1 : i32
    %dma_wait3A_330 = arith.constant 128 : i32
    %dma_wait3A_331 = arith.constant 0 : i32
    %dma_wait3A_332 = tpu.memref_slice %arg8[%dma_wait3A_330, %dma_wait3A_331] : memref<1280x64xf32, #tpu.memory_space<vmem>> -> memref<128x64xf32, #tpu.memory_space<vmem>>
    %dma_wait3A_333 = arith.constant 0 : i32
    %dma_wait3A_334 = tpu.memref_slice %arg6[%dma_wait3A_329, %dma_wait3A_333] : memref<10x128xi32, #tpu.memory_space<vmem>> -> memref<1x128xi32, #tpu.memory_space<vmem>>
    %dma_wait3A_335 = tpu.memref_squeeze %dma_wait3A_334 : memref<1x128xi32, #tpu.memory_space<vmem>> -> memref<128xi32, #tpu.memory_space<vmem>>
    %dma_wait3A_336 = arith.constant 0 : i32
    %dma_wait3A_337 = arith.constant 0 : i32
    %dma_wait3A_338 = tpu.memref_slice %arg4[%dma_wait3A_336, %dma_wait3A_337] : memref<4096x64xf32, #tpu.memory_space<hbm>> -> memref<4096x64xf32, #tpu.memory_space<hbm>>
    tpu.wait_indirect_dma semaphore(%arg10 : memref<!tpu.dma_semaphore, #tpu.memory_space<semaphore_mem>>) src(%dma_wait3A_338 : memref<4096x64xf32, #tpu.memory_space<hbm>>) dst(%dma_wait3A_332 : memref<128x64xf32, #tpu.memory_space<vmem>>)
    %dma_wait3A_339 = arith.constant 2 : i32
    %dma_wait3A_340 = arith.constant 256 : i32
    %dma_wait3A_341 = arith.constant 0 : i32
    %dma_wait3A_342 = tpu.memref_slice %arg8[%dma_wait3A_340, %dma_wait3A_341] : memref<1280x64xf32, #tpu.memory_space<vmem>> -> memref<128x64xf32, #tpu.memory_space<vmem>>
    %dma_wait3A_343 = arith.constant 0 : i32
    %dma_wait3A_344 = tpu.memref_slice %arg6[%dma_wait3A_339, %dma_wait3A_343] : memref<10x128xi32, #tpu.memory_space<vmem>> -> memref<1x128xi32, #tpu.memory_space<vmem>>
    %dma_wait3A_345 = tpu.memref_squeeze %dma_wait3A_344 : memref<1x128xi32, #tpu.memory_space<vmem>> -> memref<128xi32, #tpu.memory_space<vmem>>
    %dma_wait3A_346 = arith.constant 0 : i32
    %dma_wait3A_347 = arith.constant 0 : i32
    %dma_wait3A_348 = tpu.memref_slice %arg4[%dma_wait3A_346, %dma_wait3A_347] : memref<4096x64xf32, #tpu.memory_space<hbm>> -> memref<4096x64xf32, #tpu.memory_space<hbm>>
    tpu.wait_indirect_dma semaphore(%arg10 : memref<!tpu.dma_semaphore, #tpu.memory_space<semaphore_mem>>) src(%dma_wait3A_348 : memref<4096x64xf32, #tpu.memory_space<hbm>>) dst(%dma_wait3A_342 : memref<128x64xf32, #tpu.memory_space<vmem>>)
    %dma_wait3A_349 = arith.constant 3 : i32
    %dma_wait3A_350 = arith.constant 384 : i32
    %dma_wait3A_351 = arith.constant 0 : i32
    %dma_wait3A_352 = tpu.memref_slice %arg8[%dma_wait3A_350, %dma_wait3A_351] : memref<1280x64xf32, #tpu.memory_space<vmem>> -> memref<128x64xf32, #tpu.memory_space<vmem>>
    %dma_wait3A_353 = arith.constant 0 : i32
    %dma_wait3A_354 = tpu.memref_slice %arg6[%dma_wait3A_349, %dma_wait3A_353] : memref<10x128xi32, #tpu.memory_space<vmem>> -> memref<1x128xi32, #tpu.memory_space<vmem>>
    %dma_wait3A_355 = tpu.memref_squeeze %dma_wait3A_354 : memref<1x128xi32, #tpu.memory_space<vmem>> -> memref<128xi32, #tpu.memory_space<vmem>>
    %dma_wait3A_356 = arith.constant 0 : i32
    %dma_wait3A_357 = arith.constant 0 : i32
    %dma_wait3A_358 = tpu.memref_slice %arg4[%dma_wait3A_356, %dma_wait3A_357] : memref<4096x64xf32, #tpu.memory_space<hbm>> -> memref<4096x64xf32, #tpu.memory_space<hbm>>
    tpu.wait_indirect_dma semaphore(%arg10 : memref<!tpu.dma_semaphore, #tpu.memory_space<semaphore_mem>>) src(%dma_wait3A_358 : memref<4096x64xf32, #tpu.memory_space<hbm>>) dst(%dma_wait3A_352 : memref<128x64xf32, #tpu.memory_space<vmem>>)
    %dma_wait3A_359 = arith.constant 4 : i32
    %dma_wait3A_360 = arith.constant 512 : i32
    %dma_wait3A_361 = arith.constant 0 : i32
    %dma_wait3A_362 = tpu.memref_slice %arg8[%dma_wait3A_360, %dma_wait3A_361] : memref<1280x64xf32, #tpu.memory_space<vmem>> -> memref<128x64xf32, #tpu.memory_space<vmem>>
    %dma_wait3A_363 = arith.constant 0 : i32
    %dma_wait3A_364 = tpu.memref_slice %arg6[%dma_wait3A_359, %dma_wait3A_363] : memref<10x128xi32, #tpu.memory_space<vmem>> -> memref<1x128xi32, #tpu.memory_space<vmem>>
    %dma_wait3A_365 = tpu.memref_squeeze %dma_wait3A_364 : memref<1x128xi32, #tpu.memory_space<vmem>> -> memref<128xi32, #tpu.memory_space<vmem>>
    %dma_wait3A_366 = arith.constant 0 : i32
    %dma_wait3A_367 = arith.constant 0 : i32
    %dma_wait3A_368 = tpu.memref_slice %arg4[%dma_wait3A_366, %dma_wait3A_367] : memref<4096x64xf32, #tpu.memory_space<hbm>> -> memref<4096x64xf32, #tpu.memory_space<hbm>>
    tpu.wait_indirect_dma semaphore(%arg10 : memref<!tpu.dma_semaphore, #tpu.memory_space<semaphore_mem>>) src(%dma_wait3A_368 : memref<4096x64xf32, #tpu.memory_space<hbm>>) dst(%dma_wait3A_362 : memref<128x64xf32, #tpu.memory_space<vmem>>)
    %dma_wait3A_369 = arith.constant 5 : i32
    %dma_wait3A_370 = arith.constant 640 : i32
    %dma_wait3A_371 = arith.constant 0 : i32
    %dma_wait3A_372 = tpu.memref_slice %arg8[%dma_wait3A_370, %dma_wait3A_371] : memref<1280x64xf32, #tpu.memory_space<vmem>> -> memref<128x64xf32, #tpu.memory_space<vmem>>
    %dma_wait3A_373 = arith.constant 0 : i32
    %dma_wait3A_374 = tpu.memref_slice %arg6[%dma_wait3A_369, %dma_wait3A_373] : memref<10x128xi32, #tpu.memory_space<vmem>> -> memref<1x128xi32, #tpu.memory_space<vmem>>
    %dma_wait3A_375 = tpu.memref_squeeze %dma_wait3A_374 : memref<1x128xi32, #tpu.memory_space<vmem>> -> memref<128xi32, #tpu.memory_space<vmem>>
    %dma_wait3A_376 = arith.constant 0 : i32
    %dma_wait3A_377 = arith.constant 0 : i32
    %dma_wait3A_378 = tpu.memref_slice %arg4[%dma_wait3A_376, %dma_wait3A_377] : memref<4096x64xf32, #tpu.memory_space<hbm>> -> memref<4096x64xf32, #tpu.memory_space<hbm>>
    tpu.wait_indirect_dma semaphore(%arg10 : memref<!tpu.dma_semaphore, #tpu.memory_space<semaphore_mem>>) src(%dma_wait3A_378 : memref<4096x64xf32, #tpu.memory_space<hbm>>) dst(%dma_wait3A_372 : memref<128x64xf32, #tpu.memory_space<vmem>>)
    %dma_wait3A_379 = arith.constant 6 : i32
    %dma_wait3A_380 = arith.constant 768 : i32
    %dma_wait3A_381 = arith.constant 0 : i32
    %dma_wait3A_382 = tpu.memref_slice %arg8[%dma_wait3A_380, %dma_wait3A_381] : memref<1280x64xf32, #tpu.memory_space<vmem>> -> memref<128x64xf32, #tpu.memory_space<vmem>>
    %dma_wait3A_383 = arith.constant 0 : i32
    %dma_wait3A_384 = tpu.memref_slice %arg6[%dma_wait3A_379, %dma_wait3A_383] : memref<10x128xi32, #tpu.memory_space<vmem>> -> memref<1x128xi32, #tpu.memory_space<vmem>>
    %dma_wait3A_385 = tpu.memref_squeeze %dma_wait3A_384 : memref<1x128xi32, #tpu.memory_space<vmem>> -> memref<128xi32, #tpu.memory_space<vmem>>
    %dma_wait3A_386 = arith.constant 0 : i32
    %dma_wait3A_387 = arith.constant 0 : i32
    %dma_wait3A_388 = tpu.memref_slice %arg4[%dma_wait3A_386, %dma_wait3A_387] : memref<4096x64xf32, #tpu.memory_space<hbm>> -> memref<4096x64xf32, #tpu.memory_space<hbm>>
    tpu.wait_indirect_dma semaphore(%arg10 : memref<!tpu.dma_semaphore, #tpu.memory_space<semaphore_mem>>) src(%dma_wait3A_388 : memref<4096x64xf32, #tpu.memory_space<hbm>>) dst(%dma_wait3A_382 : memref<128x64xf32, #tpu.memory_space<vmem>>)
    %dma_wait3A_389 = arith.constant 7 : i32
    %dma_wait3A_390 = arith.constant 896 : i32
    %dma_wait3A_391 = arith.constant 0 : i32
    %dma_wait3A_392 = tpu.memref_slice %arg8[%dma_wait3A_390, %dma_wait3A_391] : memref<1280x64xf32, #tpu.memory_space<vmem>> -> memref<128x64xf32, #tpu.memory_space<vmem>>
    %dma_wait3A_393 = arith.constant 0 : i32
    %dma_wait3A_394 = tpu.memref_slice %arg6[%dma_wait3A_389, %dma_wait3A_393] : memref<10x128xi32, #tpu.memory_space<vmem>> -> memref<1x128xi32, #tpu.memory_space<vmem>>
    %dma_wait3A_395 = tpu.memref_squeeze %dma_wait3A_394 : memref<1x128xi32, #tpu.memory_space<vmem>> -> memref<128xi32, #tpu.memory_space<vmem>>
    %dma_wait3A_396 = arith.constant 0 : i32
    %dma_wait3A_397 = arith.constant 0 : i32
    %dma_wait3A_398 = tpu.memref_slice %arg4[%dma_wait3A_396, %dma_wait3A_397] : memref<4096x64xf32, #tpu.memory_space<hbm>> -> memref<4096x64xf32, #tpu.memory_space<hbm>>
    tpu.wait_indirect_dma semaphore(%arg10 : memref<!tpu.dma_semaphore, #tpu.memory_space<semaphore_mem>>) src(%dma_wait3A_398 : memref<4096x64xf32, #tpu.memory_space<hbm>>) dst(%dma_wait3A_392 : memref<128x64xf32, #tpu.memory_space<vmem>>)
    %dma_wait3A_399 = arith.constant 8 : i32
    %dma_wait3A_400 = arith.constant 1024 : i32
    %dma_wait3A_401 = arith.constant 0 : i32
    %dma_wait3A_402 = tpu.memref_slice %arg8[%dma_wait3A_400, %dma_wait3A_401] : memref<1280x64xf32, #tpu.memory_space<vmem>> -> memref<128x64xf32, #tpu.memory_space<vmem>>
    %dma_wait3A_403 = arith.constant 0 : i32
    %dma_wait3A_404 = tpu.memref_slice %arg6[%dma_wait3A_399, %dma_wait3A_403] : memref<10x128xi32, #tpu.memory_space<vmem>> -> memref<1x128xi32, #tpu.memory_space<vmem>>
    %dma_wait3A_405 = tpu.memref_squeeze %dma_wait3A_404 : memref<1x128xi32, #tpu.memory_space<vmem>> -> memref<128xi32, #tpu.memory_space<vmem>>
    %dma_wait3A_406 = arith.constant 0 : i32
    %dma_wait3A_407 = arith.constant 0 : i32
    %dma_wait3A_408 = tpu.memref_slice %arg4[%dma_wait3A_406, %dma_wait3A_407] : memref<4096x64xf32, #tpu.memory_space<hbm>> -> memref<4096x64xf32, #tpu.memory_space<hbm>>
    tpu.wait_indirect_dma semaphore(%arg10 : memref<!tpu.dma_semaphore, #tpu.memory_space<semaphore_mem>>) src(%dma_wait3A_408 : memref<4096x64xf32, #tpu.memory_space<hbm>>) dst(%dma_wait3A_402 : memref<128x64xf32, #tpu.memory_space<vmem>>)
    %dma_wait3A_409 = arith.constant 9 : i32
    %dma_wait3A_410 = arith.constant 1152 : i32
    %dma_wait3A_411 = arith.constant 0 : i32
    %dma_wait3A_412 = tpu.memref_slice %arg8[%dma_wait3A_410, %dma_wait3A_411] : memref<1280x64xf32, #tpu.memory_space<vmem>> -> memref<128x64xf32, #tpu.memory_space<vmem>>
    %dma_wait3A_413 = arith.constant 0 : i32
    %dma_wait3A_414 = tpu.memref_slice %arg6[%dma_wait3A_409, %dma_wait3A_413] : memref<10x128xi32, #tpu.memory_space<vmem>> -> memref<1x128xi32, #tpu.memory_space<vmem>>
    %dma_wait3A_415 = tpu.memref_squeeze %dma_wait3A_414 : memref<1x128xi32, #tpu.memory_space<vmem>> -> memref<128xi32, #tpu.memory_space<vmem>>
    %dma_wait3A_416 = arith.constant 0 : i32
    %dma_wait3A_417 = arith.constant 0 : i32
    %dma_wait3A_418 = tpu.memref_slice %arg4[%dma_wait3A_416, %dma_wait3A_417] : memref<4096x64xf32, #tpu.memory_space<hbm>> -> memref<4096x64xf32, #tpu.memory_space<hbm>>
    tpu.wait_indirect_dma semaphore(%arg10 : memref<!tpu.dma_semaphore, #tpu.memory_space<semaphore_mem>>) src(%dma_wait3A_418 : memref<4096x64xf32, #tpu.memory_space<hbm>>) dst(%dma_wait3A_412 : memref<128x64xf32, #tpu.memory_space<vmem>>)
    %scan3A_419 = arith.constant 0 : i32
    %scan3A_420 = arith.constant 0 : i32
    %scan3A_421 = arith.constant 128 : i32
    %scan3A_422 = arith.addi %scan3A_420, %scan3A_421 : i32
    %scan3A_423 = arith.constant 1 : i32
    %scan3A_424 = scf.for %scan3A_429 = %scan3A_420 to %scan3A_422 step %scan3A_423 iter_args(%scan3A_430 = %scan3A_419) -> (i32)  : i32 {
      %broadcast_in_dim3A = arith.constant 0.000000e+00 : f32
      %broadcast_in_dim3A_431 = vector.broadcast %broadcast_in_dim3A : f32 to vector<16xf32>
      %broadcast_in_dim3A_432 = arith.constant 0.000000e+00 : f32
      %broadcast_in_dim3A_433 = vector.broadcast %broadcast_in_dim3A_432 : f32 to vector<16xf32>
      %broadcast_in_dim3A_434 = arith.constant 0.000000e+00 : f32
      %broadcast_in_dim3A_435 = vector.broadcast %broadcast_in_dim3A_434 : f32 to vector<16xf32>
      %broadcast_in_dim3A_436 = arith.constant 0.000000e+00 : f32
      %broadcast_in_dim3A_437 = vector.broadcast %broadcast_in_dim3A_436 : f32 to vector<16xf32>
      %mul3A_438 = arith.constant 10 : i32
      %mul3A_439 = arith.muli %scan3A_429, %mul3A_438 : i32
      %add3A_440 = arith.constant 0 : i32
      %add3A_441 = arith.addi %mul3A_439, %add3A_440 : i32
      %jit3A = arith.constant 128 : i32
      %div3A = arith.divsi %add3A_441, %jit3A : i32
      %sign3A = arith.constant 0 : i32
      %sign3A_442 = arith.cmpi sgt, %add3A_441, %sign3A : i32
      %sign3A_443 = arith.extui %sign3A_442 : i1 to i32
      %sign3A_444 = arith.constant 0 : i32
      %sign3A_445 = arith.cmpi slt, %add3A_441, %sign3A_444 : i32
      %sign3A_446 = arith.extui %sign3A_445 : i1 to i32
      %sign3A_447 = arith.subi %sign3A_443, %sign3A_446 : i32
      %sign3A_448 = arith.constant 0 : i32
      %sign3A_449 = arith.cmpi sgt, %jit3A, %sign3A_448 : i32
      %sign3A_450 = arith.extui %sign3A_449 : i1 to i32
      %sign3A_451 = arith.constant 0 : i32
      %sign3A_452 = arith.cmpi slt, %jit3A, %sign3A_451 : i32
      %sign3A_453 = arith.extui %sign3A_452 : i1 to i32
      %sign3A_454 = arith.subi %sign3A_450, %sign3A_453 : i32
      %ne3A = arith.cmpi ne, %sign3A_447, %sign3A_454 : i32
      %rem3A = arith.remsi %add3A_441, %jit3A : i32
      %ne3A_455 = arith.constant 0 : i32
      %ne3A_456 = arith.cmpi ne, %rem3A, %ne3A_455 : i32
      %and3A = arith.andi %ne3A, %ne3A_456 : i1
      %sub3A = arith.constant 1 : i32
      %sub3A_457 = arith.subi %div3A, %sub3A : i32
      %select_n3A = arith.select %and3A, %sub3A_457, %div3A : i32
      %broadcast_in_dim3A_458 = vector.broadcast %select_n3A : i32 to vector<16xi32>
      %jit3A_459 = arith.constant 128 : i32
      %eq3A = arith.constant 0 : i32
      %eq3A_460 = arith.cmpi eq, %jit3A_459, %eq3A : i32
      %jit3A_461 = arith.constant 1 : i32
      %select_n3A_462 = arith.select %eq3A_460, %jit3A_461, %jit3A_459 : i32
      %rem3A_463 = arith.remsi %add3A_441, %select_n3A_462 : i32
      %ne3A_464 = arith.constant 0 : i32
      %ne3A_465 = arith.cmpi ne, %rem3A_463, %ne3A_464 : i32
      %lt3A = arith.constant 0 : i32
      %lt3A_466 = arith.cmpi slt, %rem3A_463, %lt3A : i32
      %lt3A_467 = arith.constant 0 : i32
      %lt3A_468 = arith.cmpi slt, %select_n3A_462, %lt3A_467 : i32
      %ne3A_469 = arith.xori %lt3A_466, %lt3A_468 : i1
      %and3A_470 = arith.andi %ne3A_469, %ne3A_465 : i1
      %add3A_471 = arith.addi %rem3A_463, %select_n3A_462 : i32
      %select_n3A_472 = arith.select %and3A_470, %add3A_471, %rem3A_463 : i32
      %broadcast_in_dim3A_473 = vector.broadcast %select_n3A_472 : i32 to vector<16xi32>
      %gather3A = tpu.vector_load_idx %arg7[%broadcast_in_dim3A_458, %broadcast_in_dim3A_473] : memref<10x128xf32, #tpu.memory_space<vmem>>[vector<16xi32>, vector<16xi32>], vector<16xf32>,
      %get3A = arith.index_cast %add3A_441 : i32 to index
      %get3A_474 = arith.constant 0 : index
      %get3A_475 = tpu.vector_load %arg8[%get3A, %get3A_474] {strides = array<i32>} : memref<1280x64xf32, #tpu.memory_space<vmem>>, vector<16xf32>,
      %mul3A_476 = arith.mulf %gather3A, %get3A_475 : vector<16xf32>
      %add3A_477 = arith.addf %broadcast_in_dim3A_431, %mul3A_476 : vector<16xf32>
      %get3A_478 = arith.index_cast %add3A_441 : i32 to index
      %get3A_479 = arith.constant 16 : index
      %get3A_480 = tpu.vector_load %arg8[%get3A_478, %get3A_479] {strides = array<i32>} : memref<1280x64xf32, #tpu.memory_space<vmem>>, vector<16xf32>,
      %mul3A_481 = arith.mulf %gather3A, %get3A_480 : vector<16xf32>
      %add3A_482 = arith.addf %broadcast_in_dim3A_433, %mul3A_481 : vector<16xf32>
      %get3A_483 = arith.index_cast %add3A_441 : i32 to index
      %get3A_484 = arith.constant 32 : index
      %get3A_485 = tpu.vector_load %arg8[%get3A_483, %get3A_484] {strides = array<i32>} : memref<1280x64xf32, #tpu.memory_space<vmem>>, vector<16xf32>,
      %mul3A_486 = arith.mulf %gather3A, %get3A_485 : vector<16xf32>
      %add3A_487 = arith.addf %broadcast_in_dim3A_435, %mul3A_486 : vector<16xf32>
      %get3A_488 = arith.index_cast %add3A_441 : i32 to index
      %get3A_489 = arith.constant 48 : index
      %get3A_490 = tpu.vector_load %arg8[%get3A_488, %get3A_489] {strides = array<i32>} : memref<1280x64xf32, #tpu.memory_space<vmem>>, vector<16xf32>,
      %mul3A_491 = arith.mulf %gather3A, %get3A_490 : vector<16xf32>
      %add3A_492 = arith.addf %broadcast_in_dim3A_437, %mul3A_491 : vector<16xf32>
      %mul3A_493 = arith.constant 10 : i32
      %mul3A_494 = arith.muli %scan3A_429, %mul3A_493 : i32
      %add3A_495 = arith.constant 1 : i32
      %add3A_496 = arith.addi %mul3A_494, %add3A_495 : i32
      %jit3A_497 = arith.constant 128 : i32
      %div3A_498 = arith.divsi %add3A_496, %jit3A_497 : i32
      %sign3A_499 = arith.constant 0 : i32
      %sign3A_500 = arith.cmpi sgt, %add3A_496, %sign3A_499 : i32
      %sign3A_501 = arith.extui %sign3A_500 : i1 to i32
      %sign3A_502 = arith.constant 0 : i32
      %sign3A_503 = arith.cmpi slt, %add3A_496, %sign3A_502 : i32
      %sign3A_504 = arith.extui %sign3A_503 : i1 to i32
      %sign3A_505 = arith.subi %sign3A_501, %sign3A_504 : i32
      %sign3A_506 = arith.constant 0 : i32
      %sign3A_507 = arith.cmpi sgt, %jit3A_497, %sign3A_506 : i32
      %sign3A_508 = arith.extui %sign3A_507 : i1 to i32
      %sign3A_509 = arith.constant 0 : i32
      %sign3A_510 = arith.cmpi slt, %jit3A_497, %sign3A_509 : i32
      %sign3A_511 = arith.extui %sign3A_510 : i1 to i32
      %sign3A_512 = arith.subi %sign3A_508, %sign3A_511 : i32
      %ne3A_513 = arith.cmpi ne, %sign3A_505, %sign3A_512 : i32
      %rem3A_514 = arith.remsi %add3A_496, %jit3A_497 : i32
      %ne3A_515 = arith.constant 0 : i32
      %ne3A_516 = arith.cmpi ne, %rem3A_514, %ne3A_515 : i32
      %and3A_517 = arith.andi %ne3A_513, %ne3A_516 : i1
      %sub3A_518 = arith.constant 1 : i32
      %sub3A_519 = arith.subi %div3A_498, %sub3A_518 : i32
      %select_n3A_520 = arith.select %and3A_517, %sub3A_519, %div3A_498 : i32
      %broadcast_in_dim3A_521 = vector.broadcast %select_n3A_520 : i32 to vector<16xi32>
      %jit3A_522 = arith.constant 128 : i32
      %eq3A_523 = arith.constant 0 : i32
      %eq3A_524 = arith.cmpi eq, %jit3A_522, %eq3A_523 : i32
      %jit3A_525 = arith.constant 1 : i32
      %select_n3A_526 = arith.select %eq3A_524, %jit3A_525, %jit3A_522 : i32
      %rem3A_527 = arith.remsi %add3A_496, %select_n3A_526 : i32
      %ne3A_528 = arith.constant 0 : i32
      %ne3A_529 = arith.cmpi ne, %rem3A_527, %ne3A_528 : i32
      %lt3A_530 = arith.constant 0 : i32
      %lt3A_531 = arith.cmpi slt, %rem3A_527, %lt3A_530 : i32
      %lt3A_532 = arith.constant 0 : i32
      %lt3A_533 = arith.cmpi slt, %select_n3A_526, %lt3A_532 : i32
      %ne3A_534 = arith.xori %lt3A_531, %lt3A_533 : i1
      %and3A_535 = arith.andi %ne3A_534, %ne3A_529 : i1
      %add3A_536 = arith.addi %rem3A_527, %select_n3A_526 : i32
      %select_n3A_537 = arith.select %and3A_535, %add3A_536, %rem3A_527 : i32
      %broadcast_in_dim3A_538 = vector.broadcast %select_n3A_537 : i32 to vector<16xi32>
      %gather3A_539 = tpu.vector_load_idx %arg7[%broadcast_in_dim3A_521, %broadcast_in_dim3A_538] : memref<10x128xf32, #tpu.memory_space<vmem>>[vector<16xi32>, vector<16xi32>], vector<16xf32>,
      %get3A_540 = arith.index_cast %add3A_496 : i32 to index
      %get3A_541 = arith.constant 0 : index
      %get3A_542 = tpu.vector_load %arg8[%get3A_540, %get3A_541] {strides = array<i32>} : memref<1280x64xf32, #tpu.memory_space<vmem>>, vector<16xf32>,
      %mul3A_543 = arith.mulf %gather3A_539, %get3A_542 : vector<16xf32>
      %add3A_544 = arith.addf %add3A_477, %mul3A_543 : vector<16xf32>
      %get3A_545 = arith.index_cast %add3A_496 : i32 to index
      %get3A_546 = arith.constant 16 : index
      %get3A_547 = tpu.vector_load %arg8[%get3A_545, %get3A_546] {strides = array<i32>} : memref<1280x64xf32, #tpu.memory_space<vmem>>, vector<16xf32>,
      %mul3A_548 = arith.mulf %gather3A_539, %get3A_547 : vector<16xf32>
      %add3A_549 = arith.addf %add3A_482, %mul3A_548 : vector<16xf32>
      %get3A_550 = arith.index_cast %add3A_496 : i32 to index
      %get3A_551 = arith.constant 32 : index
      %get3A_552 = tpu.vector_load %arg8[%get3A_550, %get3A_551] {strides = array<i32>} : memref<1280x64xf32, #tpu.memory_space<vmem>>, vector<16xf32>,
      %mul3A_553 = arith.mulf %gather3A_539, %get3A_552 : vector<16xf32>
      %add3A_554 = arith.addf %add3A_487, %mul3A_553 : vector<16xf32>
      %get3A_555 = arith.index_cast %add3A_496 : i32 to index
      %get3A_556 = arith.constant 48 : index
      %get3A_557 = tpu.vector_load %arg8[%get3A_555, %get3A_556] {strides = array<i32>} : memref<1280x64xf32, #tpu.memory_space<vmem>>, vector<16xf32>,
      %mul3A_558 = arith.mulf %gather3A_539, %get3A_557 : vector<16xf32>
      %add3A_559 = arith.addf %add3A_492, %mul3A_558 : vector<16xf32>
      %mul3A_560 = arith.constant 10 : i32
      %mul3A_561 = arith.muli %scan3A_429, %mul3A_560 : i32
      %add3A_562 = arith.constant 2 : i32
      %add3A_563 = arith.addi %mul3A_561, %add3A_562 : i32
      %jit3A_564 = arith.constant 128 : i32
      %div3A_565 = arith.divsi %add3A_563, %jit3A_564 : i32
      %sign3A_566 = arith.constant 0 : i32
      %sign3A_567 = arith.cmpi sgt, %add3A_563, %sign3A_566 : i32
      %sign3A_568 = arith.extui %sign3A_567 : i1 to i32
      %sign3A_569 = arith.constant 0 : i32
      %sign3A_570 = arith.cmpi slt, %add3A_563, %sign3A_569 : i32
      %sign3A_571 = arith.extui %sign3A_570 : i1 to i32
      %sign3A_572 = arith.subi %sign3A_568, %sign3A_571 : i32
      %sign3A_573 = arith.constant 0 : i32
      %sign3A_574 = arith.cmpi sgt, %jit3A_564, %sign3A_573 : i32
      %sign3A_575 = arith.extui %sign3A_574 : i1 to i32
      %sign3A_576 = arith.constant 0 : i32
      %sign3A_577 = arith.cmpi slt, %jit3A_564, %sign3A_576 : i32
      %sign3A_578 = arith.extui %sign3A_577 : i1 to i32
      %sign3A_579 = arith.subi %sign3A_575, %sign3A_578 : i32
      %ne3A_580 = arith.cmpi ne, %sign3A_572, %sign3A_579 : i32
      %rem3A_581 = arith.remsi %add3A_563, %jit3A_564 : i32
      %ne3A_582 = arith.constant 0 : i32
      %ne3A_583 = arith.cmpi ne, %rem3A_581, %ne3A_582 : i32
      %and3A_584 = arith.andi %ne3A_580, %ne3A_583 : i1
      %sub3A_585 = arith.constant 1 : i32
      %sub3A_586 = arith.subi %div3A_565, %sub3A_585 : i32
      %select_n3A_587 = arith.select %and3A_584, %sub3A_586, %div3A_565 : i32
      %broadcast_in_dim3A_588 = vector.broadcast %select_n3A_587 : i32 to vector<16xi32>
      %jit3A_589 = arith.constant 128 : i32
      %eq3A_590 = arith.constant 0 : i32
      %eq3A_591 = arith.cmpi eq, %jit3A_589, %eq3A_590 : i32
      %jit3A_592 = arith.constant 1 : i32
      %select_n3A_593 = arith.select %eq3A_591, %jit3A_592, %jit3A_589 : i32
      %rem3A_594 = arith.remsi %add3A_563, %select_n3A_593 : i32
      %ne3A_595 = arith.constant 0 : i32
      %ne3A_596 = arith.cmpi ne, %rem3A_594, %ne3A_595 : i32
      %lt3A_597 = arith.constant 0 : i32
      %lt3A_598 = arith.cmpi slt, %rem3A_594, %lt3A_597 : i32
      %lt3A_599 = arith.constant 0 : i32
      %lt3A_600 = arith.cmpi slt, %select_n3A_593, %lt3A_599 : i32
      %ne3A_601 = arith.xori %lt3A_598, %lt3A_600 : i1
      %and3A_602 = arith.andi %ne3A_601, %ne3A_596 : i1
      %add3A_603 = arith.addi %rem3A_594, %select_n3A_593 : i32
      %select_n3A_604 = arith.select %and3A_602, %add3A_603, %rem3A_594 : i32
      %broadcast_in_dim3A_605 = vector.broadcast %select_n3A_604 : i32 to vector<16xi32>
      %gather3A_606 = tpu.vector_load_idx %arg7[%broadcast_in_dim3A_588, %broadcast_in_dim3A_605] : memref<10x128xf32, #tpu.memory_space<vmem>>[vector<16xi32>, vector<16xi32>], vector<16xf32>,
      %get3A_607 = arith.index_cast %add3A_563 : i32 to index
      %get3A_608 = arith.constant 0 : index
      %get3A_609 = tpu.vector_load %arg8[%get3A_607, %get3A_608] {strides = array<i32>} : memref<1280x64xf32, #tpu.memory_space<vmem>>, vector<16xf32>,
      %mul3A_610 = arith.mulf %gather3A_606, %get3A_609 : vector<16xf32>
      %add3A_611 = arith.addf %add3A_544, %mul3A_610 : vector<16xf32>
      %get3A_612 = arith.index_cast %add3A_563 : i32 to index
      %get3A_613 = arith.constant 16 : index
      %get3A_614 = tpu.vector_load %arg8[%get3A_612, %get3A_613] {strides = array<i32>} : memref<1280x64xf32, #tpu.memory_space<vmem>>, vector<16xf32>,
      %mul3A_615 = arith.mulf %gather3A_606, %get3A_614 : vector<16xf32>
      %add3A_616 = arith.addf %add3A_549, %mul3A_615 : vector<16xf32>
      %get3A_617 = arith.index_cast %add3A_563 : i32 to index
      %get3A_618 = arith.constant 32 : index
      %get3A_619 = tpu.vector_load %arg8[%get3A_617, %get3A_618] {strides = array<i32>} : memref<1280x64xf32, #tpu.memory_space<vmem>>, vector<16xf32>,
      %mul3A_620 = arith.mulf %gather3A_606, %get3A_619 : vector<16xf32>
      %add3A_621 = arith.addf %add3A_554, %mul3A_620 : vector<16xf32>
      %get3A_622 = arith.index_cast %add3A_563 : i32 to index
      %get3A_623 = arith.constant 48 : index
      %get3A_624 = tpu.vector_load %arg8[%get3A_622, %get3A_623] {strides = array<i32>} : memref<1280x64xf32, #tpu.memory_space<vmem>>, vector<16xf32>,
      %mul3A_625 = arith.mulf %gather3A_606, %get3A_624 : vector<16xf32>
      %add3A_626 = arith.addf %add3A_559, %mul3A_625 : vector<16xf32>
      %mul3A_627 = arith.constant 10 : i32
      %mul3A_628 = arith.muli %scan3A_429, %mul3A_627 : i32
      %add3A_629 = arith.constant 3 : i32
      %add3A_630 = arith.addi %mul3A_628, %add3A_629 : i32
      %jit3A_631 = arith.constant 128 : i32
      %div3A_632 = arith.divsi %add3A_630, %jit3A_631 : i32
      %sign3A_633 = arith.constant 0 : i32
      %sign3A_634 = arith.cmpi sgt, %add3A_630, %sign3A_633 : i32
      %sign3A_635 = arith.extui %sign3A_634 : i1 to i32
      %sign3A_636 = arith.constant 0 : i32
      %sign3A_637 = arith.cmpi slt, %add3A_630, %sign3A_636 : i32
      %sign3A_638 = arith.extui %sign3A_637 : i1 to i32
      %sign3A_639 = arith.subi %sign3A_635, %sign3A_638 : i32
      %sign3A_640 = arith.constant 0 : i32
      %sign3A_641 = arith.cmpi sgt, %jit3A_631, %sign3A_640 : i32
      %sign3A_642 = arith.extui %sign3A_641 : i1 to i32
      %sign3A_643 = arith.constant 0 : i32
      %sign3A_644 = arith.cmpi slt, %jit3A_631, %sign3A_643 : i32
      %sign3A_645 = arith.extui %sign3A_644 : i1 to i32
      %sign3A_646 = arith.subi %sign3A_642, %sign3A_645 : i32
      %ne3A_647 = arith.cmpi ne, %sign3A_639, %sign3A_646 : i32
      %rem3A_648 = arith.remsi %add3A_630, %jit3A_631 : i32
      %ne3A_649 = arith.constant 0 : i32
      %ne3A_650 = arith.cmpi ne, %rem3A_648, %ne3A_649 : i32
      %and3A_651 = arith.andi %ne3A_647, %ne3A_650 : i1
      %sub3A_652 = arith.constant 1 : i32
      %sub3A_653 = arith.subi %div3A_632, %sub3A_652 : i32
      %select_n3A_654 = arith.select %and3A_651, %sub3A_653, %div3A_632 : i32
      %broadcast_in_dim3A_655 = vector.broadcast %select_n3A_654 : i32 to vector<16xi32>
      %jit3A_656 = arith.constant 128 : i32
      %eq3A_657 = arith.constant 0 : i32
      %eq3A_658 = arith.cmpi eq, %jit3A_656, %eq3A_657 : i32
      %jit3A_659 = arith.constant 1 : i32
      %select_n3A_660 = arith.select %eq3A_658, %jit3A_659, %jit3A_656 : i32
      %rem3A_661 = arith.remsi %add3A_630, %select_n3A_660 : i32
      %ne3A_662 = arith.constant 0 : i32
      %ne3A_663 = arith.cmpi ne, %rem3A_661, %ne3A_662 : i32
      %lt3A_664 = arith.constant 0 : i32
      %lt3A_665 = arith.cmpi slt, %rem3A_661, %lt3A_664 : i32
      %lt3A_666 = arith.constant 0 : i32
      %lt3A_667 = arith.cmpi slt, %select_n3A_660, %lt3A_666 : i32
      %ne3A_668 = arith.xori %lt3A_665, %lt3A_667 : i1
      %and3A_669 = arith.andi %ne3A_668, %ne3A_663 : i1
      %add3A_670 = arith.addi %rem3A_661, %select_n3A_660 : i32
      %select_n3A_671 = arith.select %and3A_669, %add3A_670, %rem3A_661 : i32
      %broadcast_in_dim3A_672 = vector.broadcast %select_n3A_671 : i32 to vector<16xi32>
      %gather3A_673 = tpu.vector_load_idx %arg7[%broadcast_in_dim3A_655, %broadcast_in_dim3A_672] : memref<10x128xf32, #tpu.memory_space<vmem>>[vector<16xi32>, vector<16xi32>], vector<16xf32>,
      %get3A_674 = arith.index_cast %add3A_630 : i32 to index
      %get3A_675 = arith.constant 0 : index
      %get3A_676 = tpu.vector_load %arg8[%get3A_674, %get3A_675] {strides = array<i32>} : memref<1280x64xf32, #tpu.memory_space<vmem>>, vector<16xf32>,
      %mul3A_677 = arith.mulf %gather3A_673, %get3A_676 : vector<16xf32>
      %add3A_678 = arith.addf %add3A_611, %mul3A_677 : vector<16xf32>
      %get3A_679 = arith.index_cast %add3A_630 : i32 to index
      %get3A_680 = arith.constant 16 : index
      %get3A_681 = tpu.vector_load %arg8[%get3A_679, %get3A_680] {strides = array<i32>} : memref<1280x64xf32, #tpu.memory_space<vmem>>, vector<16xf32>,
      %mul3A_682 = arith.mulf %gather3A_673, %get3A_681 : vector<16xf32>
      %add3A_683 = arith.addf %add3A_616, %mul3A_682 : vector<16xf32>
      %get3A_684 = arith.index_cast %add3A_630 : i32 to index
      %get3A_685 = arith.constant 32 : index
      %get3A_686 = tpu.vector_load %arg8[%get3A_684, %get3A_685] {strides = array<i32>} : memref<1280x64xf32, #tpu.memory_space<vmem>>, vector<16xf32>,
      %mul3A_687 = arith.mulf %gather3A_673, %get3A_686 : vector<16xf32>
      %add3A_688 = arith.addf %add3A_621, %mul3A_687 : vector<16xf32>
      %get3A_689 = arith.index_cast %add3A_630 : i32 to index
      %get3A_690 = arith.constant 48 : index
      %get3A_691 = tpu.vector_load %arg8[%get3A_689, %get3A_690] {strides = array<i32>} : memref<1280x64xf32, #tpu.memory_space<vmem>>, vector<16xf32>,
      %mul3A_692 = arith.mulf %gather3A_673, %get3A_691 : vector<16xf32>
      %add3A_693 = arith.addf %add3A_626, %mul3A_692 : vector<16xf32>
      %mul3A_694 = arith.constant 10 : i32
      %mul3A_695 = arith.muli %scan3A_429, %mul3A_694 : i32
      %add3A_696 = arith.constant 4 : i32
      %add3A_697 = arith.addi %mul3A_695, %add3A_696 : i32
      %jit3A_698 = arith.constant 128 : i32
      %div3A_699 = arith.divsi %add3A_697, %jit3A_698 : i32
      %sign3A_700 = arith.constant 0 : i32
      %sign3A_701 = arith.cmpi sgt, %add3A_697, %sign3A_700 : i32
      %sign3A_702 = arith.extui %sign3A_701 : i1 to i32
      %sign3A_703 = arith.constant 0 : i32
      %sign3A_704 = arith.cmpi slt, %add3A_697, %sign3A_703 : i32
      %sign3A_705 = arith.extui %sign3A_704 : i1 to i32
      %sign3A_706 = arith.subi %sign3A_702, %sign3A_705 : i32
      %sign3A_707 = arith.constant 0 : i32
      %sign3A_708 = arith.cmpi sgt, %jit3A_698, %sign3A_707 : i32
      %sign3A_709 = arith.extui %sign3A_708 : i1 to i32
      %sign3A_710 = arith.constant 0 : i32
      %sign3A_711 = arith.cmpi slt, %jit3A_698, %sign3A_710 : i32
      %sign3A_712 = arith.extui %sign3A_711 : i1 to i32
      %sign3A_713 = arith.subi %sign3A_709, %sign3A_712 : i32
      %ne3A_714 = arith.cmpi ne, %sign3A_706, %sign3A_713 : i32
      %rem3A_715 = arith.remsi %add3A_697, %jit3A_698 : i32
      %ne3A_716 = arith.constant 0 : i32
      %ne3A_717 = arith.cmpi ne, %rem3A_715, %ne3A_716 : i32
      %and3A_718 = arith.andi %ne3A_714, %ne3A_717 : i1
      %sub3A_719 = arith.constant 1 : i32
      %sub3A_720 = arith.subi %div3A_699, %sub3A_719 : i32
      %select_n3A_721 = arith.select %and3A_718, %sub3A_720, %div3A_699 : i32
      %broadcast_in_dim3A_722 = vector.broadcast %select_n3A_721 : i32 to vector<16xi32>
      %jit3A_723 = arith.constant 128 : i32
      %eq3A_724 = arith.constant 0 : i32
      %eq3A_725 = arith.cmpi eq, %jit3A_723, %eq3A_724 : i32
      %jit3A_726 = arith.constant 1 : i32
      %select_n3A_727 = arith.select %eq3A_725, %jit3A_726, %jit3A_723 : i32
      %rem3A_728 = arith.remsi %add3A_697, %select_n3A_727 : i32
      %ne3A_729 = arith.constant 0 : i32
      %ne3A_730 = arith.cmpi ne, %rem3A_728, %ne3A_729 : i32
      %lt3A_731 = arith.constant 0 : i32
      %lt3A_732 = arith.cmpi slt, %rem3A_728, %lt3A_731 : i32
      %lt3A_733 = arith.constant 0 : i32
      %lt3A_734 = arith.cmpi slt, %select_n3A_727, %lt3A_733 : i32
      %ne3A_735 = arith.xori %lt3A_732, %lt3A_734 : i1
      %and3A_736 = arith.andi %ne3A_735, %ne3A_730 : i1
      %add3A_737 = arith.addi %rem3A_728, %select_n3A_727 : i32
      %select_n3A_738 = arith.select %and3A_736, %add3A_737, %rem3A_728 : i32
      %broadcast_in_dim3A_739 = vector.broadcast %select_n3A_738 : i32 to vector<16xi32>
      %gather3A_740 = tpu.vector_load_idx %arg7[%broadcast_in_dim3A_722, %broadcast_in_dim3A_739] : memref<10x128xf32, #tpu.memory_space<vmem>>[vector<16xi32>, vector<16xi32>], vector<16xf32>,
      %get3A_741 = arith.index_cast %add3A_697 : i32 to index
      %get3A_742 = arith.constant 0 : index
      %get3A_743 = tpu.vector_load %arg8[%get3A_741, %get3A_742] {strides = array<i32>} : memref<1280x64xf32, #tpu.memory_space<vmem>>, vector<16xf32>,
      %mul3A_744 = arith.mulf %gather3A_740, %get3A_743 : vector<16xf32>
      %add3A_745 = arith.addf %add3A_678, %mul3A_744 : vector<16xf32>
      %get3A_746 = arith.index_cast %add3A_697 : i32 to index
      %get3A_747 = arith.constant 16 : index
      %get3A_748 = tpu.vector_load %arg8[%get3A_746, %get3A_747] {strides = array<i32>} : memref<1280x64xf32, #tpu.memory_space<vmem>>, vector<16xf32>,
      %mul3A_749 = arith.mulf %gather3A_740, %get3A_748 : vector<16xf32>
      %add3A_750 = arith.addf %add3A_683, %mul3A_749 : vector<16xf32>
      %get3A_751 = arith.index_cast %add3A_697 : i32 to index
      %get3A_752 = arith.constant 32 : index
      %get3A_753 = tpu.vector_load %arg8[%get3A_751, %get3A_752] {strides = array<i32>} : memref<1280x64xf32, #tpu.memory_space<vmem>>, vector<16xf32>,
      %mul3A_754 = arith.mulf %gather3A_740, %get3A_753 : vector<16xf32>
      %add3A_755 = arith.addf %add3A_688, %mul3A_754 : vector<16xf32>
      %get3A_756 = arith.index_cast %add3A_697 : i32 to index
      %get3A_757 = arith.constant 48 : index
      %get3A_758 = tpu.vector_load %arg8[%get3A_756, %get3A_757] {strides = array<i32>} : memref<1280x64xf32, #tpu.memory_space<vmem>>, vector<16xf32>,
      %mul3A_759 = arith.mulf %gather3A_740, %get3A_758 : vector<16xf32>
      %add3A_760 = arith.addf %add3A_693, %mul3A_759 : vector<16xf32>
      %mul3A_761 = arith.constant 10 : i32
      %mul3A_762 = arith.muli %scan3A_429, %mul3A_761 : i32
      %add3A_763 = arith.constant 5 : i32
      %add3A_764 = arith.addi %mul3A_762, %add3A_763 : i32
      %jit3A_765 = arith.constant 128 : i32
      %div3A_766 = arith.divsi %add3A_764, %jit3A_765 : i32
      %sign3A_767 = arith.constant 0 : i32
      %sign3A_768 = arith.cmpi sgt, %add3A_764, %sign3A_767 : i32
      %sign3A_769 = arith.extui %sign3A_768 : i1 to i32
      %sign3A_770 = arith.constant 0 : i32
      %sign3A_771 = arith.cmpi slt, %add3A_764, %sign3A_770 : i32
      %sign3A_772 = arith.extui %sign3A_771 : i1 to i32
      %sign3A_773 = arith.subi %sign3A_769, %sign3A_772 : i32
      %sign3A_774 = arith.constant 0 : i32
      %sign3A_775 = arith.cmpi sgt, %jit3A_765, %sign3A_774 : i32
      %sign3A_776 = arith.extui %sign3A_775 : i1 to i32
      %sign3A_777 = arith.constant 0 : i32
      %sign3A_778 = arith.cmpi slt, %jit3A_765, %sign3A_777 : i32
      %sign3A_779 = arith.extui %sign3A_778 : i1 to i32
      %sign3A_780 = arith.subi %sign3A_776, %sign3A_779 : i32
      %ne3A_781 = arith.cmpi ne, %sign3A_773, %sign3A_780 : i32
      %rem3A_782 = arith.remsi %add3A_764, %jit3A_765 : i32
      %ne3A_783 = arith.constant 0 : i32
      %ne3A_784 = arith.cmpi ne, %rem3A_782, %ne3A_783 : i32
      %and3A_785 = arith.andi %ne3A_781, %ne3A_784 : i1
      %sub3A_786 = arith.constant 1 : i32
      %sub3A_787 = arith.subi %div3A_766, %sub3A_786 : i32
      %select_n3A_788 = arith.select %and3A_785, %sub3A_787, %div3A_766 : i32
      %broadcast_in_dim3A_789 = vector.broadcast %select_n3A_788 : i32 to vector<16xi32>
      %jit3A_790 = arith.constant 128 : i32
      %eq3A_791 = arith.constant 0 : i32
      %eq3A_792 = arith.cmpi eq, %jit3A_790, %eq3A_791 : i32
      %jit3A_793 = arith.constant 1 : i32
      %select_n3A_794 = arith.select %eq3A_792, %jit3A_793, %jit3A_790 : i32
      %rem3A_795 = arith.remsi %add3A_764, %select_n3A_794 : i32
      %ne3A_796 = arith.constant 0 : i32
      %ne3A_797 = arith.cmpi ne, %rem3A_795, %ne3A_796 : i32
      %lt3A_798 = arith.constant 0 : i32
      %lt3A_799 = arith.cmpi slt, %rem3A_795, %lt3A_798 : i32
      %lt3A_800 = arith.constant 0 : i32
      %lt3A_801 = arith.cmpi slt, %select_n3A_794, %lt3A_800 : i32
      %ne3A_802 = arith.xori %lt3A_799, %lt3A_801 : i1
      %and3A_803 = arith.andi %ne3A_802, %ne3A_797 : i1
      %add3A_804 = arith.addi %rem3A_795, %select_n3A_794 : i32
      %select_n3A_805 = arith.select %and3A_803, %add3A_804, %rem3A_795 : i32
      %broadcast_in_dim3A_806 = vector.broadcast %select_n3A_805 : i32 to vector<16xi32>
      %gather3A_807 = tpu.vector_load_idx %arg7[%broadcast_in_dim3A_789, %broadcast_in_dim3A_806] : memref<10x128xf32, #tpu.memory_space<vmem>>[vector<16xi32>, vector<16xi32>], vector<16xf32>,
      %get3A_808 = arith.index_cast %add3A_764 : i32 to index
      %get3A_809 = arith.constant 0 : index
      %get3A_810 = tpu.vector_load %arg8[%get3A_808, %get3A_809] {strides = array<i32>} : memref<1280x64xf32, #tpu.memory_space<vmem>>, vector<16xf32>,
      %mul3A_811 = arith.mulf %gather3A_807, %get3A_810 : vector<16xf32>
      %add3A_812 = arith.addf %add3A_745, %mul3A_811 : vector<16xf32>
      %get3A_813 = arith.index_cast %add3A_764 : i32 to index
      %get3A_814 = arith.constant 16 : index
      %get3A_815 = tpu.vector_load %arg8[%get3A_813, %get3A_814] {strides = array<i32>} : memref<1280x64xf32, #tpu.memory_space<vmem>>, vector<16xf32>,
      %mul3A_816 = arith.mulf %gather3A_807, %get3A_815 : vector<16xf32>
      %add3A_817 = arith.addf %add3A_750, %mul3A_816 : vector<16xf32>
      %get3A_818 = arith.index_cast %add3A_764 : i32 to index
      %get3A_819 = arith.constant 32 : index
      %get3A_820 = tpu.vector_load %arg8[%get3A_818, %get3A_819] {strides = array<i32>} : memref<1280x64xf32, #tpu.memory_space<vmem>>, vector<16xf32>,
      %mul3A_821 = arith.mulf %gather3A_807, %get3A_820 : vector<16xf32>
      %add3A_822 = arith.addf %add3A_755, %mul3A_821 : vector<16xf32>
      %get3A_823 = arith.index_cast %add3A_764 : i32 to index
      %get3A_824 = arith.constant 48 : index
      %get3A_825 = tpu.vector_load %arg8[%get3A_823, %get3A_824] {strides = array<i32>} : memref<1280x64xf32, #tpu.memory_space<vmem>>, vector<16xf32>,
      %mul3A_826 = arith.mulf %gather3A_807, %get3A_825 : vector<16xf32>
      %add3A_827 = arith.addf %add3A_760, %mul3A_826 : vector<16xf32>
      %mul3A_828 = arith.constant 10 : i32
      %mul3A_829 = arith.muli %scan3A_429, %mul3A_828 : i32
      %add3A_830 = arith.constant 6 : i32
      %add3A_831 = arith.addi %mul3A_829, %add3A_830 : i32
      %jit3A_832 = arith.constant 128 : i32
      %div3A_833 = arith.divsi %add3A_831, %jit3A_832 : i32
      %sign3A_834 = arith.constant 0 : i32
      %sign3A_835 = arith.cmpi sgt, %add3A_831, %sign3A_834 : i32
      %sign3A_836 = arith.extui %sign3A_835 : i1 to i32
      %sign3A_837 = arith.constant 0 : i32
      %sign3A_838 = arith.cmpi slt, %add3A_831, %sign3A_837 : i32
      %sign3A_839 = arith.extui %sign3A_838 : i1 to i32
      %sign3A_840 = arith.subi %sign3A_836, %sign3A_839 : i32
      %sign3A_841 = arith.constant 0 : i32
      %sign3A_842 = arith.cmpi sgt, %jit3A_832, %sign3A_841 : i32
      %sign3A_843 = arith.extui %sign3A_842 : i1 to i32
      %sign3A_844 = arith.constant 0 : i32
      %sign3A_845 = arith.cmpi slt, %jit3A_832, %sign3A_844 : i32
      %sign3A_846 = arith.extui %sign3A_845 : i1 to i32
      %sign3A_847 = arith.subi %sign3A_843, %sign3A_846 : i32
      %ne3A_848 = arith.cmpi ne, %sign3A_840, %sign3A_847 : i32
      %rem3A_849 = arith.remsi %add3A_831, %jit3A_832 : i32
      %ne3A_850 = arith.constant 0 : i32
      %ne3A_851 = arith.cmpi ne, %rem3A_849, %ne3A_850 : i32
      %and3A_852 = arith.andi %ne3A_848, %ne3A_851 : i1
      %sub3A_853 = arith.constant 1 : i32
      %sub3A_854 = arith.subi %div3A_833, %sub3A_853 : i32
      %select_n3A_855 = arith.select %and3A_852, %sub3A_854, %div3A_833 : i32
      %broadcast_in_dim3A_856 = vector.broadcast %select_n3A_855 : i32 to vector<16xi32>
      %jit3A_857 = arith.constant 128 : i32
      %eq3A_858 = arith.constant 0 : i32
      %eq3A_859 = arith.cmpi eq, %jit3A_857, %eq3A_858 : i32
      %jit3A_860 = arith.constant 1 : i32
      %select_n3A_861 = arith.select %eq3A_859, %jit3A_860, %jit3A_857 : i32
      %rem3A_862 = arith.remsi %add3A_831, %select_n3A_861 : i32
      %ne3A_863 = arith.constant 0 : i32
      %ne3A_864 = arith.cmpi ne, %rem3A_862, %ne3A_863 : i32
      %lt3A_865 = arith.constant 0 : i32
      %lt3A_866 = arith.cmpi slt, %rem3A_862, %lt3A_865 : i32
      %lt3A_867 = arith.constant 0 : i32
      %lt3A_868 = arith.cmpi slt, %select_n3A_861, %lt3A_867 : i32
      %ne3A_869 = arith.xori %lt3A_866, %lt3A_868 : i1
      %and3A_870 = arith.andi %ne3A_869, %ne3A_864 : i1
      %add3A_871 = arith.addi %rem3A_862, %select_n3A_861 : i32
      %select_n3A_872 = arith.select %and3A_870, %add3A_871, %rem3A_862 : i32
      %broadcast_in_dim3A_873 = vector.broadcast %select_n3A_872 : i32 to vector<16xi32>
      %gather3A_874 = tpu.vector_load_idx %arg7[%broadcast_in_dim3A_856, %broadcast_in_dim3A_873] : memref<10x128xf32, #tpu.memory_space<vmem>>[vector<16xi32>, vector<16xi32>], vector<16xf32>,
      %get3A_875 = arith.index_cast %add3A_831 : i32 to index
      %get3A_876 = arith.constant 0 : index
      %get3A_877 = tpu.vector_load %arg8[%get3A_875, %get3A_876] {strides = array<i32>} : memref<1280x64xf32, #tpu.memory_space<vmem>>, vector<16xf32>,
      %mul3A_878 = arith.mulf %gather3A_874, %get3A_877 : vector<16xf32>
      %add3A_879 = arith.addf %add3A_812, %mul3A_878 : vector<16xf32>
      %get3A_880 = arith.index_cast %add3A_831 : i32 to index
      %get3A_881 = arith.constant 16 : index
      %get3A_882 = tpu.vector_load %arg8[%get3A_880, %get3A_881] {strides = array<i32>} : memref<1280x64xf32, #tpu.memory_space<vmem>>, vector<16xf32>,
      %mul3A_883 = arith.mulf %gather3A_874, %get3A_882 : vector<16xf32>
      %add3A_884 = arith.addf %add3A_817, %mul3A_883 : vector<16xf32>
      %get3A_885 = arith.index_cast %add3A_831 : i32 to index
      %get3A_886 = arith.constant 32 : index
      %get3A_887 = tpu.vector_load %arg8[%get3A_885, %get3A_886] {strides = array<i32>} : memref<1280x64xf32, #tpu.memory_space<vmem>>, vector<16xf32>,
      %mul3A_888 = arith.mulf %gather3A_874, %get3A_887 : vector<16xf32>
      %add3A_889 = arith.addf %add3A_822, %mul3A_888 : vector<16xf32>
      %get3A_890 = arith.index_cast %add3A_831 : i32 to index
      %get3A_891 = arith.constant 48 : index
      %get3A_892 = tpu.vector_load %arg8[%get3A_890, %get3A_891] {strides = array<i32>} : memref<1280x64xf32, #tpu.memory_space<vmem>>, vector<16xf32>,
      %mul3A_893 = arith.mulf %gather3A_874, %get3A_892 : vector<16xf32>
      %add3A_894 = arith.addf %add3A_827, %mul3A_893 : vector<16xf32>
      %mul3A_895 = arith.constant 10 : i32
      %mul3A_896 = arith.muli %scan3A_429, %mul3A_895 : i32
      %add3A_897 = arith.constant 7 : i32
      %add3A_898 = arith.addi %mul3A_896, %add3A_897 : i32
      %jit3A_899 = arith.constant 128 : i32
      %div3A_900 = arith.divsi %add3A_898, %jit3A_899 : i32
      %sign3A_901 = arith.constant 0 : i32
      %sign3A_902 = arith.cmpi sgt, %add3A_898, %sign3A_901 : i32
      %sign3A_903 = arith.extui %sign3A_902 : i1 to i32
      %sign3A_904 = arith.constant 0 : i32
      %sign3A_905 = arith.cmpi slt, %add3A_898, %sign3A_904 : i32
      %sign3A_906 = arith.extui %sign3A_905 : i1 to i32
      %sign3A_907 = arith.subi %sign3A_903, %sign3A_906 : i32
      %sign3A_908 = arith.constant 0 : i32
      %sign3A_909 = arith.cmpi sgt, %jit3A_899, %sign3A_908 : i32
      %sign3A_910 = arith.extui %sign3A_909 : i1 to i32
      %sign3A_911 = arith.constant 0 : i32
      %sign3A_912 = arith.cmpi slt, %jit3A_899, %sign3A_911 : i32
      %sign3A_913 = arith.extui %sign3A_912 : i1 to i32
      %sign3A_914 = arith.subi %sign3A_910, %sign3A_913 : i32
      %ne3A_915 = arith.cmpi ne, %sign3A_907, %sign3A_914 : i32
      %rem3A_916 = arith.remsi %add3A_898, %jit3A_899 : i32
      %ne3A_917 = arith.constant 0 : i32
      %ne3A_918 = arith.cmpi ne, %rem3A_916, %ne3A_917 : i32
      %and3A_919 = arith.andi %ne3A_915, %ne3A_918 : i1
      %sub3A_920 = arith.constant 1 : i32
      %sub3A_921 = arith.subi %div3A_900, %sub3A_920 : i32
      %select_n3A_922 = arith.select %and3A_919, %sub3A_921, %div3A_900 : i32
      %broadcast_in_dim3A_923 = vector.broadcast %select_n3A_922 : i32 to vector<16xi32>
      %jit3A_924 = arith.constant 128 : i32
      %eq3A_925 = arith.constant 0 : i32
      %eq3A_926 = arith.cmpi eq, %jit3A_924, %eq3A_925 : i32
      %jit3A_927 = arith.constant 1 : i32
      %select_n3A_928 = arith.select %eq3A_926, %jit3A_927, %jit3A_924 : i32
      %rem3A_929 = arith.remsi %add3A_898, %select_n3A_928 : i32
      %ne3A_930 = arith.constant 0 : i32
      %ne3A_931 = arith.cmpi ne, %rem3A_929, %ne3A_930 : i32
      %lt3A_932 = arith.constant 0 : i32
      %lt3A_933 = arith.cmpi slt, %rem3A_929, %lt3A_932 : i32
      %lt3A_934 = arith.constant 0 : i32
      %lt3A_935 = arith.cmpi slt, %select_n3A_928, %lt3A_934 : i32
      %ne3A_936 = arith.xori %lt3A_933, %lt3A_935 : i1
      %and3A_937 = arith.andi %ne3A_936, %ne3A_931 : i1
      %add3A_938 = arith.addi %rem3A_929, %select_n3A_928 : i32
      %select_n3A_939 = arith.select %and3A_937, %add3A_938, %rem3A_929 : i32
      %broadcast_in_dim3A_940 = vector.broadcast %select_n3A_939 : i32 to vector<16xi32>
      %gather3A_941 = tpu.vector_load_idx %arg7[%broadcast_in_dim3A_923, %broadcast_in_dim3A_940] : memref<10x128xf32, #tpu.memory_space<vmem>>[vector<16xi32>, vector<16xi32>], vector<16xf32>,
      %get3A_942 = arith.index_cast %add3A_898 : i32 to index
      %get3A_943 = arith.constant 0 : index
      %get3A_944 = tpu.vector_load %arg8[%get3A_942, %get3A_943] {strides = array<i32>} : memref<1280x64xf32, #tpu.memory_space<vmem>>, vector<16xf32>,
      %mul3A_945 = arith.mulf %gather3A_941, %get3A_944 : vector<16xf32>
      %add3A_946 = arith.addf %add3A_879, %mul3A_945 : vector<16xf32>
      %get3A_947 = arith.index_cast %add3A_898 : i32 to index
      %get3A_948 = arith.constant 16 : index
      %get3A_949 = tpu.vector_load %arg8[%get3A_947, %get3A_948] {strides = array<i32>} : memref<1280x64xf32, #tpu.memory_space<vmem>>, vector<16xf32>,
      %mul3A_950 = arith.mulf %gather3A_941, %get3A_949 : vector<16xf32>
      %add3A_951 = arith.addf %add3A_884, %mul3A_950 : vector<16xf32>
      %get3A_952 = arith.index_cast %add3A_898 : i32 to index
      %get3A_953 = arith.constant 32 : index
      %get3A_954 = tpu.vector_load %arg8[%get3A_952, %get3A_953] {strides = array<i32>} : memref<1280x64xf32, #tpu.memory_space<vmem>>, vector<16xf32>,
      %mul3A_955 = arith.mulf %gather3A_941, %get3A_954 : vector<16xf32>
      %add3A_956 = arith.addf %add3A_889, %mul3A_955 : vector<16xf32>
      %get3A_957 = arith.index_cast %add3A_898 : i32 to index
      %get3A_958 = arith.constant 48 : index
      %get3A_959 = tpu.vector_load %arg8[%get3A_957, %get3A_958] {strides = array<i32>} : memref<1280x64xf32, #tpu.memory_space<vmem>>, vector<16xf32>,
      %mul3A_960 = arith.mulf %gather3A_941, %get3A_959 : vector<16xf32>
      %add3A_961 = arith.addf %add3A_894, %mul3A_960 : vector<16xf32>
      %mul3A_962 = arith.constant 10 : i32
      %mul3A_963 = arith.muli %scan3A_429, %mul3A_962 : i32
      %add3A_964 = arith.constant 8 : i32
      %add3A_965 = arith.addi %mul3A_963, %add3A_964 : i32
      %jit3A_966 = arith.constant 128 : i32
      %div3A_967 = arith.divsi %add3A_965, %jit3A_966 : i32
      %sign3A_968 = arith.constant 0 : i32
      %sign3A_969 = arith.cmpi sgt, %add3A_965, %sign3A_968 : i32
      %sign3A_970 = arith.extui %sign3A_969 : i1 to i32
      %sign3A_971 = arith.constant 0 : i32
      %sign3A_972 = arith.cmpi slt, %add3A_965, %sign3A_971 : i32
      %sign3A_973 = arith.extui %sign3A_972 : i1 to i32
      %sign3A_974 = arith.subi %sign3A_970, %sign3A_973 : i32
      %sign3A_975 = arith.constant 0 : i32
      %sign3A_976 = arith.cmpi sgt, %jit3A_966, %sign3A_975 : i32
      %sign3A_977 = arith.extui %sign3A_976 : i1 to i32
      %sign3A_978 = arith.constant 0 : i32
      %sign3A_979 = arith.cmpi slt, %jit3A_966, %sign3A_978 : i32
      %sign3A_980 = arith.extui %sign3A_979 : i1 to i32
      %sign3A_981 = arith.subi %sign3A_977, %sign3A_980 : i32
      %ne3A_982 = arith.cmpi ne, %sign3A_974, %sign3A_981 : i32
      %rem3A_983 = arith.remsi %add3A_965, %jit3A_966 : i32
      %ne3A_984 = arith.constant 0 : i32
      %ne3A_985 = arith.cmpi ne, %rem3A_983, %ne3A_984 : i32
      %and3A_986 = arith.andi %ne3A_982, %ne3A_985 : i1
      %sub3A_987 = arith.constant 1 : i32
      %sub3A_988 = arith.subi %div3A_967, %sub3A_987 : i32
      %select_n3A_989 = arith.select %and3A_986, %sub3A_988, %div3A_967 : i32
      %broadcast_in_dim3A_990 = vector.broadcast %select_n3A_989 : i32 to vector<16xi32>
      %jit3A_991 = arith.constant 128 : i32
      %eq3A_992 = arith.constant 0 : i32
      %eq3A_993 = arith.cmpi eq, %jit3A_991, %eq3A_992 : i32
      %jit3A_994 = arith.constant 1 : i32
      %select_n3A_995 = arith.select %eq3A_993, %jit3A_994, %jit3A_991 : i32
      %rem3A_996 = arith.remsi %add3A_965, %select_n3A_995 : i32
      %ne3A_997 = arith.constant 0 : i32
      %ne3A_998 = arith.cmpi ne, %rem3A_996, %ne3A_997 : i32
      %lt3A_999 = arith.constant 0 : i32
      %lt3A_1000 = arith.cmpi slt, %rem3A_996, %lt3A_999 : i32
      %lt3A_1001 = arith.constant 0 : i32
      %lt3A_1002 = arith.cmpi slt, %select_n3A_995, %lt3A_1001 : i32
      %ne3A_1003 = arith.xori %lt3A_1000, %lt3A_1002 : i1
      %and3A_1004 = arith.andi %ne3A_1003, %ne3A_998 : i1
      %add3A_1005 = arith.addi %rem3A_996, %select_n3A_995 : i32
      %select_n3A_1006 = arith.select %and3A_1004, %add3A_1005, %rem3A_996 : i32
      %broadcast_in_dim3A_1007 = vector.broadcast %select_n3A_1006 : i32 to vector<16xi32>
      %gather3A_1008 = tpu.vector_load_idx %arg7[%broadcast_in_dim3A_990, %broadcast_in_dim3A_1007] : memref<10x128xf32, #tpu.memory_space<vmem>>[vector<16xi32>, vector<16xi32>], vector<16xf32>,
      %get3A_1009 = arith.index_cast %add3A_965 : i32 to index
      %get3A_1010 = arith.constant 0 : index
      %get3A_1011 = tpu.vector_load %arg8[%get3A_1009, %get3A_1010] {strides = array<i32>} : memref<1280x64xf32, #tpu.memory_space<vmem>>, vector<16xf32>,
      %mul3A_1012 = arith.mulf %gather3A_1008, %get3A_1011 : vector<16xf32>
      %add3A_1013 = arith.addf %add3A_946, %mul3A_1012 : vector<16xf32>
      %get3A_1014 = arith.index_cast %add3A_965 : i32 to index
      %get3A_1015 = arith.constant 16 : index
      %get3A_1016 = tpu.vector_load %arg8[%get3A_1014, %get3A_1015] {strides = array<i32>} : memref<1280x64xf32, #tpu.memory_space<vmem>>, vector<16xf32>,
      %mul3A_1017 = arith.mulf %gather3A_1008, %get3A_1016 : vector<16xf32>
      %add3A_1018 = arith.addf %add3A_951, %mul3A_1017 : vector<16xf32>
      %get3A_1019 = arith.index_cast %add3A_965 : i32 to index
      %get3A_1020 = arith.constant 32 : index
      %get3A_1021 = tpu.vector_load %arg8[%get3A_1019, %get3A_1020] {strides = array<i32>} : memref<1280x64xf32, #tpu.memory_space<vmem>>, vector<16xf32>,
      %mul3A_1022 = arith.mulf %gather3A_1008, %get3A_1021 : vector<16xf32>
      %add3A_1023 = arith.addf %add3A_956, %mul3A_1022 : vector<16xf32>
      %get3A_1024 = arith.index_cast %add3A_965 : i32 to index
      %get3A_1025 = arith.constant 48 : index
      %get3A_1026 = tpu.vector_load %arg8[%get3A_1024, %get3A_1025] {strides = array<i32>} : memref<1280x64xf32, #tpu.memory_space<vmem>>, vector<16xf32>,
      %mul3A_1027 = arith.mulf %gather3A_1008, %get3A_1026 : vector<16xf32>
      %add3A_1028 = arith.addf %add3A_961, %mul3A_1027 : vector<16xf32>
      %mul3A_1029 = arith.constant 10 : i32
      %mul3A_1030 = arith.muli %scan3A_429, %mul3A_1029 : i32
      %add3A_1031 = arith.constant 9 : i32
      %add3A_1032 = arith.addi %mul3A_1030, %add3A_1031 : i32
      %jit3A_1033 = arith.constant 128 : i32
      %div3A_1034 = arith.divsi %add3A_1032, %jit3A_1033 : i32
      %sign3A_1035 = arith.constant 0 : i32
      %sign3A_1036 = arith.cmpi sgt, %add3A_1032, %sign3A_1035 : i32
      %sign3A_1037 = arith.extui %sign3A_1036 : i1 to i32
      %sign3A_1038 = arith.constant 0 : i32
      %sign3A_1039 = arith.cmpi slt, %add3A_1032, %sign3A_1038 : i32
      %sign3A_1040 = arith.extui %sign3A_1039 : i1 to i32
      %sign3A_1041 = arith.subi %sign3A_1037, %sign3A_1040 : i32
      %sign3A_1042 = arith.constant 0 : i32
      %sign3A_1043 = arith.cmpi sgt, %jit3A_1033, %sign3A_1042 : i32
      %sign3A_1044 = arith.extui %sign3A_1043 : i1 to i32
      %sign3A_1045 = arith.constant 0 : i32
      %sign3A_1046 = arith.cmpi slt, %jit3A_1033, %sign3A_1045 : i32
      %sign3A_1047 = arith.extui %sign3A_1046 : i1 to i32
      %sign3A_1048 = arith.subi %sign3A_1044, %sign3A_1047 : i32
      %ne3A_1049 = arith.cmpi ne, %sign3A_1041, %sign3A_1048 : i32
      %rem3A_1050 = arith.remsi %add3A_1032, %jit3A_1033 : i32
      %ne3A_1051 = arith.constant 0 : i32
      %ne3A_1052 = arith.cmpi ne, %rem3A_1050, %ne3A_1051 : i32
      %and3A_1053 = arith.andi %ne3A_1049, %ne3A_1052 : i1
      %sub3A_1054 = arith.constant 1 : i32
      %sub3A_1055 = arith.subi %div3A_1034, %sub3A_1054 : i32
      %select_n3A_1056 = arith.select %and3A_1053, %sub3A_1055, %div3A_1034 : i32
      %broadcast_in_dim3A_1057 = vector.broadcast %select_n3A_1056 : i32 to vector<16xi32>
      %jit3A_1058 = arith.constant 128 : i32
      %eq3A_1059 = arith.constant 0 : i32
      %eq3A_1060 = arith.cmpi eq, %jit3A_1058, %eq3A_1059 : i32
      %jit3A_1061 = arith.constant 1 : i32
      %select_n3A_1062 = arith.select %eq3A_1060, %jit3A_1061, %jit3A_1058 : i32
      %rem3A_1063 = arith.remsi %add3A_1032, %select_n3A_1062 : i32
      %ne3A_1064 = arith.constant 0 : i32
      %ne3A_1065 = arith.cmpi ne, %rem3A_1063, %ne3A_1064 : i32
      %lt3A_1066 = arith.constant 0 : i32
      %lt3A_1067 = arith.cmpi slt, %rem3A_1063, %lt3A_1066 : i32
      %lt3A_1068 = arith.constant 0 : i32
      %lt3A_1069 = arith.cmpi slt, %select_n3A_1062, %lt3A_1068 : i32
      %ne3A_1070 = arith.xori %lt3A_1067, %lt3A_1069 : i1
      %and3A_1071 = arith.andi %ne3A_1070, %ne3A_1065 : i1
      %add3A_1072 = arith.addi %rem3A_1063, %select_n3A_1062 : i32
      %select_n3A_1073 = arith.select %and3A_1071, %add3A_1072, %rem3A_1063 : i32
      %broadcast_in_dim3A_1074 = vector.broadcast %select_n3A_1073 : i32 to vector<16xi32>
      %gather3A_1075 = tpu.vector_load_idx %arg7[%broadcast_in_dim3A_1057, %broadcast_in_dim3A_1074] : memref<10x128xf32, #tpu.memory_space<vmem>>[vector<16xi32>, vector<16xi32>], vector<16xf32>,
      %get3A_1076 = arith.index_cast %add3A_1032 : i32 to index
      %get3A_1077 = arith.constant 0 : index
      %get3A_1078 = tpu.vector_load %arg8[%get3A_1076, %get3A_1077] {strides = array<i32>} : memref<1280x64xf32, #tpu.memory_space<vmem>>, vector<16xf32>,
      %mul3A_1079 = arith.mulf %gather3A_1075, %get3A_1078 : vector<16xf32>
      %add3A_1080 = arith.addf %add3A_1013, %mul3A_1079 : vector<16xf32>
      %get3A_1081 = arith.index_cast %add3A_1032 : i32 to index
      %get3A_1082 = arith.constant 16 : index
      %get3A_1083 = tpu.vector_load %arg8[%get3A_1081, %get3A_1082] {strides = array<i32>} : memref<1280x64xf32, #tpu.memory_space<vmem>>, vector<16xf32>,
      %mul3A_1084 = arith.mulf %gather3A_1075, %get3A_1083 : vector<16xf32>
      %add3A_1085 = arith.addf %add3A_1018, %mul3A_1084 : vector<16xf32>
      %get3A_1086 = arith.index_cast %add3A_1032 : i32 to index
      %get3A_1087 = arith.constant 32 : index
      %get3A_1088 = tpu.vector_load %arg8[%get3A_1086, %get3A_1087] {strides = array<i32>} : memref<1280x64xf32, #tpu.memory_space<vmem>>, vector<16xf32>,
      %mul3A_1089 = arith.mulf %gather3A_1075, %get3A_1088 : vector<16xf32>
      %add3A_1090 = arith.addf %add3A_1023, %mul3A_1089 : vector<16xf32>
      %get3A_1091 = arith.index_cast %add3A_1032 : i32 to index
      %get3A_1092 = arith.constant 48 : index
      %get3A_1093 = tpu.vector_load %arg8[%get3A_1091, %get3A_1092] {strides = array<i32>} : memref<1280x64xf32, #tpu.memory_space<vmem>>, vector<16xf32>,
      %mul3A_1094 = arith.mulf %gather3A_1075, %get3A_1093 : vector<16xf32>
      %add3A_1095 = arith.addf %add3A_1028, %mul3A_1094 : vector<16xf32>
      %swap3A = arith.index_cast %scan3A_429 : i32 to index
      %swap3A_1096 = arith.constant 0 : index
      %swap3A_1097 = tpu.vector_load %arg9[%swap3A, %swap3A_1096] {strides = array<i32>} : memref<128x64xf32, #tpu.memory_space<vmem>>, vector<16xf32>,
      tpu.vector_store %arg9[%swap3A, %swap3A_1096], %add3A_1080 {strides = array<i32>} : memref<128x64xf32, #tpu.memory_space<vmem>>, vector<16xf32>,
      %swap3A_1098 = arith.index_cast %scan3A_429 : i32 to index
      %swap3A_1099 = arith.constant 16 : index
      %swap3A_1100 = tpu.vector_load %arg9[%swap3A_1098, %swap3A_1099] {strides = array<i32>} : memref<128x64xf32, #tpu.memory_space<vmem>>, vector<16xf32>,
      tpu.vector_store %arg9[%swap3A_1098, %swap3A_1099], %add3A_1085 {strides = array<i32>} : memref<128x64xf32, #tpu.memory_space<vmem>>, vector<16xf32>,
      %swap3A_1101 = arith.index_cast %scan3A_429 : i32 to index
      %swap3A_1102 = arith.constant 32 : index
      %swap3A_1103 = tpu.vector_load %arg9[%swap3A_1101, %swap3A_1102] {strides = array<i32>} : memref<128x64xf32, #tpu.memory_space<vmem>>, vector<16xf32>,
      tpu.vector_store %arg9[%swap3A_1101, %swap3A_1102], %add3A_1090 {strides = array<i32>} : memref<128x64xf32, #tpu.memory_space<vmem>>, vector<16xf32>,
      %swap3A_1104 = arith.index_cast %scan3A_429 : i32 to index
      %swap3A_1105 = arith.constant 48 : index
      %swap3A_1106 = tpu.vector_load %arg9[%swap3A_1104, %swap3A_1105] {strides = array<i32>} : memref<128x64xf32, #tpu.memory_space<vmem>>, vector<16xf32>,
      tpu.vector_store %arg9[%swap3A_1104, %swap3A_1105], %add3A_1095 {strides = array<i32>} : memref<128x64xf32, #tpu.memory_space<vmem>>, vector<16xf32>,
      %scan3A_1107 = arith.constant 0 : i32
      scf.yield %scan3A_1107 : i32
    }
    %scan3A_425 = arith.constant 128 : i32
    %mul3A_426 = arith.constant 128 : i32
    %mul3A_427 = arith.muli %add3A, %mul3A_426 : i32
    %run_scoped3A_428 = arith.constant 1 : i32
    "tpu.region"() ({
      %run_scoped3A_429 = tpu.sem_alloc : memref<!tpu.dma_semaphore, #tpu.memory_space<semaphore_mem>>
      %dma_start3A_430 = arith.constant 0 : i32
      %dma_start3A_431 = tpu.memref_slice %arg5[%run_scoped3A_428, %mul3A_427, %dma_start3A_430] : memref<2x4096x64xf32, #tpu.memory_space<hbm>> -> memref<1x128x64xf32, #tpu.memory_space<hbm>>
      %dma_start3A_432 = tpu.memref_squeeze %dma_start3A_431 : memref<1x128x64xf32, #tpu.memory_space<hbm>> -> memref<128x64xf32, #tpu.memory_space<hbm>>
      %dma_start3A_433 = arith.constant 0 : i32
      %dma_start3A_434 = tpu.memref_slice %arg5[%run_scoped3A_428, %mul3A_427, %dma_start3A_433] : memref<2x4096x64xf32, #tpu.memory_space<hbm>> -> memref<1x128x64xf32, #tpu.memory_space<hbm>>
      %dma_start3A_435 = tpu.memref_squeeze %dma_start3A_434 : memref<1x128x64xf32, #tpu.memory_space<hbm>> -> memref<128x64xf32, #tpu.memory_space<hbm>>
      tpu.enqueue_dma source(%arg9 : memref<128x64xf32, #tpu.memory_space<vmem>>) target(%dma_start3A_435 : memref<128x64xf32, #tpu.memory_space<hbm>>) target_semaphore(%run_scoped3A_429 : memref<!tpu.dma_semaphore, #tpu.memory_space<semaphore_mem>>)
      %dma_wait3A_436 = arith.constant 0 : i32
      %dma_wait3A_437 = tpu.memref_slice %arg5[%run_scoped3A_428, %mul3A_427, %dma_wait3A_436] : memref<2x4096x64xf32, #tpu.memory_space<hbm>> -> memref<1x128x64xf32, #tpu.memory_space<hbm>>
      %dma_wait3A_438 = tpu.memref_squeeze %dma_wait3A_437 : memref<1x128x64xf32, #tpu.memory_space<hbm>> -> memref<128x64xf32, #tpu.memory_space<hbm>>
      %dma_wait3A_439 = arith.constant 0 : i32
      %dma_wait3A_440 = tpu.memref_slice %arg5[%run_scoped3A_428, %mul3A_427, %dma_wait3A_439] : memref<2x4096x64xf32, #tpu.memory_space<hbm>> -> memref<1x128x64xf32, #tpu.memory_space<hbm>>
      %dma_wait3A_441 = tpu.memref_squeeze %dma_wait3A_440 : memref<1x128x64xf32, #tpu.memory_space<hbm>> -> memref<128x64xf32, #tpu.memory_space<hbm>>
      tpu.wait_dma2 semaphore(%run_scoped3A_429 : memref<!tpu.dma_semaphore, #tpu.memory_space<semaphore_mem>>) src(%arg9 : memref<128x64xf32, #tpu.memory_space<vmem>>) dst(%dma_wait3A_441 : memref<128x64xf32, #tpu.memory_space<hbm>>)
      tpu.yield
    }) : () -> ()
    return
  }
}

#map = affine_map<(d0, d1) -> (0, 0, 0)>
#map1 = affine_map<(d0, d1) -> (0, 0)>
module attributes {stable_mosaic.version = 14 : i64} {
  func.func @_deg_sc_body(%arg0: i32, %arg1: i32, %arg2: memref<2x2048x128xi32, #tpu.memory_space<hbm>>, %arg3: memref<2x20480xf32, #tpu.memory_space<hbm>>, %arg4: memref<64x128xi32, #tpu.memory_space<vmem>>, %arg5: memref<64x128xi32, #tpu.memory_space<vmem>>, %arg6: memref<128xf32, #tpu.memory_space<vmem>>, %arg7: memref<128xf32, #tpu.memory_space<vmem>>, %arg8: memref<20480xf32, #tpu.memory_space<vmem_shared>>, %arg9: memref<!tpu.dma_semaphore, #tpu.memory_space<semaphore_mem>>) attributes {dimension_semantics = [#tpu.dimension_semantics<core_parallel>, #tpu.dimension_semantics<subcore_parallel>], iteration_bounds = array<i64: 2, 16>, scalar_prefetch = 0 : i64, scratch_operands = 6 : i64, tpu.core_type = #tpu.core_type<sc_vector_subcore>, window_params = [{transform_indices = #map}, {transform_indices = #map1}]} {
    %broadcast_in_dim3A = arith.constant 1.000000e+00 : f32
    %broadcast_in_dim3A_0 = vector.broadcast %broadcast_in_dim3A : f32 to vector<16xf32>
    %swap3A = arith.constant 0 : index
    %swap3A_1 = tpu.vector_load %arg6[%swap3A] {strides = array<i32>} : memref<128xf32, #tpu.memory_space<vmem>>, vector<16xf32>,
    tpu.vector_store %arg6[%swap3A], %broadcast_in_dim3A_0 {strides = array<i32>} : memref<128xf32, #tpu.memory_space<vmem>>, vector<16xf32>,
    %broadcast_in_dim3A_2 = arith.constant 0.000000e+00 : f32
    %broadcast_in_dim3A_3 = vector.broadcast %broadcast_in_dim3A_2 : f32 to vector<16xf32>
    %swap3A_4 = arith.constant 0 : index
    %swap3A_5 = tpu.vector_load %arg7[%swap3A_4] {strides = array<i32>} : memref<128xf32, #tpu.memory_space<vmem>>, vector<16xf32>,
    tpu.vector_store %arg7[%swap3A_4], %broadcast_in_dim3A_3 {strides = array<i32>} : memref<128xf32, #tpu.memory_space<vmem>>, vector<16xf32>,
    %broadcast_in_dim3A_6 = arith.constant 1.000000e+00 : f32
    %broadcast_in_dim3A_7 = vector.broadcast %broadcast_in_dim3A_6 : f32 to vector<16xf32>
    %swap3A_8 = arith.constant 16 : index
    %swap3A_9 = tpu.vector_load %arg6[%swap3A_8] {strides = array<i32>} : memref<128xf32, #tpu.memory_space<vmem>>, vector<16xf32>,
    tpu.vector_store %arg6[%swap3A_8], %broadcast_in_dim3A_7 {strides = array<i32>} : memref<128xf32, #tpu.memory_space<vmem>>, vector<16xf32>,
    %broadcast_in_dim3A_10 = arith.constant 0.000000e+00 : f32
    %broadcast_in_dim3A_11 = vector.broadcast %broadcast_in_dim3A_10 : f32 to vector<16xf32>
    %swap3A_12 = arith.constant 16 : index
    %swap3A_13 = tpu.vector_load %arg7[%swap3A_12] {strides = array<i32>} : memref<128xf32, #tpu.memory_space<vmem>>, vector<16xf32>,
    tpu.vector_store %arg7[%swap3A_12], %broadcast_in_dim3A_11 {strides = array<i32>} : memref<128xf32, #tpu.memory_space<vmem>>, vector<16xf32>,
    %broadcast_in_dim3A_14 = arith.constant 1.000000e+00 : f32
    %broadcast_in_dim3A_15 = vector.broadcast %broadcast_in_dim3A_14 : f32 to vector<16xf32>
    %swap3A_16 = arith.constant 32 : index
    %swap3A_17 = tpu.vector_load %arg6[%swap3A_16] {strides = array<i32>} : memref<128xf32, #tpu.memory_space<vmem>>, vector<16xf32>,
    tpu.vector_store %arg6[%swap3A_16], %broadcast_in_dim3A_15 {strides = array<i32>} : memref<128xf32, #tpu.memory_space<vmem>>, vector<16xf32>,
    %broadcast_in_dim3A_18 = arith.constant 0.000000e+00 : f32
    %broadcast_in_dim3A_19 = vector.broadcast %broadcast_in_dim3A_18 : f32 to vector<16xf32>
    %swap3A_20 = arith.constant 32 : index
    %swap3A_21 = tpu.vector_load %arg7[%swap3A_20] {strides = array<i32>} : memref<128xf32, #tpu.memory_space<vmem>>, vector<16xf32>,
    tpu.vector_store %arg7[%swap3A_20], %broadcast_in_dim3A_19 {strides = array<i32>} : memref<128xf32, #tpu.memory_space<vmem>>, vector<16xf32>,
    %broadcast_in_dim3A_22 = arith.constant 1.000000e+00 : f32
    %broadcast_in_dim3A_23 = vector.broadcast %broadcast_in_dim3A_22 : f32 to vector<16xf32>
    %swap3A_24 = arith.constant 48 : index
    %swap3A_25 = tpu.vector_load %arg6[%swap3A_24] {strides = array<i32>} : memref<128xf32, #tpu.memory_space<vmem>>, vector<16xf32>,
    tpu.vector_store %arg6[%swap3A_24], %broadcast_in_dim3A_23 {strides = array<i32>} : memref<128xf32, #tpu.memory_space<vmem>>, vector<16xf32>,
    %broadcast_in_dim3A_26 = arith.constant 0.000000e+00 : f32
    %broadcast_in_dim3A_27 = vector.broadcast %broadcast_in_dim3A_26 : f32 to vector<16xf32>
    %swap3A_28 = arith.constant 48 : index
    %swap3A_29 = tpu.vector_load %arg7[%swap3A_28] {strides = array<i32>} : memref<128xf32, #tpu.memory_space<vmem>>, vector<16xf32>,
    tpu.vector_store %arg7[%swap3A_28], %broadcast_in_dim3A_27 {strides = array<i32>} : memref<128xf32, #tpu.memory_space<vmem>>, vector<16xf32>,
    %broadcast_in_dim3A_30 = arith.constant 1.000000e+00 : f32
    %broadcast_in_dim3A_31 = vector.broadcast %broadcast_in_dim3A_30 : f32 to vector<16xf32>
    %swap3A_32 = arith.constant 64 : index
    %swap3A_33 = tpu.vector_load %arg6[%swap3A_32] {strides = array<i32>} : memref<128xf32, #tpu.memory_space<vmem>>, vector<16xf32>,
    tpu.vector_store %arg6[%swap3A_32], %broadcast_in_dim3A_31 {strides = array<i32>} : memref<128xf32, #tpu.memory_space<vmem>>, vector<16xf32>,
    %broadcast_in_dim3A_34 = arith.constant 0.000000e+00 : f32
    %broadcast_in_dim3A_35 = vector.broadcast %broadcast_in_dim3A_34 : f32 to vector<16xf32>
    %swap3A_36 = arith.constant 64 : index
    %swap3A_37 = tpu.vector_load %arg7[%swap3A_36] {strides = array<i32>} : memref<128xf32, #tpu.memory_space<vmem>>, vector<16xf32>,
    tpu.vector_store %arg7[%swap3A_36], %broadcast_in_dim3A_35 {strides = array<i32>} : memref<128xf32, #tpu.memory_space<vmem>>, vector<16xf32>,
    %broadcast_in_dim3A_38 = arith.constant 1.000000e+00 : f32
    %broadcast_in_dim3A_39 = vector.broadcast %broadcast_in_dim3A_38 : f32 to vector<16xf32>
    %swap3A_40 = arith.constant 80 : index
    %swap3A_41 = tpu.vector_load %arg6[%swap3A_40] {strides = array<i32>} : memref<128xf32, #tpu.memory_space<vmem>>, vector<16xf32>,
    tpu.vector_store %arg6[%swap3A_40], %broadcast_in_dim3A_39 {strides = array<i32>} : memref<128xf32, #tpu.memory_space<vmem>>, vector<16xf32>,
    %broadcast_in_dim3A_42 = arith.constant 0.000000e+00 : f32
    %broadcast_in_dim3A_43 = vector.broadcast %broadcast_in_dim3A_42 : f32 to vector<16xf32>
    %swap3A_44 = arith.constant 80 : index
    %swap3A_45 = tpu.vector_load %arg7[%swap3A_44] {strides = array<i32>} : memref<128xf32, #tpu.memory_space<vmem>>, vector<16xf32>,
    tpu.vector_store %arg7[%swap3A_44], %broadcast_in_dim3A_43 {strides = array<i32>} : memref<128xf32, #tpu.memory_space<vmem>>, vector<16xf32>,
    %broadcast_in_dim3A_46 = arith.constant 1.000000e+00 : f32
    %broadcast_in_dim3A_47 = vector.broadcast %broadcast_in_dim3A_46 : f32 to vector<16xf32>
    %swap3A_48 = arith.constant 96 : index
    %swap3A_49 = tpu.vector_load %arg6[%swap3A_48] {strides = array<i32>} : memref<128xf32, #tpu.memory_space<vmem>>, vector<16xf32>,
    tpu.vector_store %arg6[%swap3A_48], %broadcast_in_dim3A_47 {strides = array<i32>} : memref<128xf32, #tpu.memory_space<vmem>>, vector<16xf32>,
    %broadcast_in_dim3A_50 = arith.constant 0.000000e+00 : f32
    %broadcast_in_dim3A_51 = vector.broadcast %broadcast_in_dim3A_50 : f32 to vector<16xf32>
    %swap3A_52 = arith.constant 96 : index
    %swap3A_53 = tpu.vector_load %arg7[%swap3A_52] {strides = array<i32>} : memref<128xf32, #tpu.memory_space<vmem>>, vector<16xf32>,
    tpu.vector_store %arg7[%swap3A_52], %broadcast_in_dim3A_51 {strides = array<i32>} : memref<128xf32, #tpu.memory_space<vmem>>, vector<16xf32>,
    %broadcast_in_dim3A_54 = arith.constant 1.000000e+00 : f32
    %broadcast_in_dim3A_55 = vector.broadcast %broadcast_in_dim3A_54 : f32 to vector<16xf32>
    %swap3A_56 = arith.constant 112 : index
    %swap3A_57 = tpu.vector_load %arg6[%swap3A_56] {strides = array<i32>} : memref<128xf32, #tpu.memory_space<vmem>>, vector<16xf32>,
    tpu.vector_store %arg6[%swap3A_56], %broadcast_in_dim3A_55 {strides = array<i32>} : memref<128xf32, #tpu.memory_space<vmem>>, vector<16xf32>,
    %broadcast_in_dim3A_58 = arith.constant 0.000000e+00 : f32
    %broadcast_in_dim3A_59 = vector.broadcast %broadcast_in_dim3A_58 : f32 to vector<16xf32>
    %swap3A_60 = arith.constant 112 : index
    %swap3A_61 = tpu.vector_load %arg7[%swap3A_60] {strides = array<i32>} : memref<128xf32, #tpu.memory_space<vmem>>, vector<16xf32>,
    tpu.vector_store %arg7[%swap3A_60], %broadcast_in_dim3A_59 {strides = array<i32>} : memref<128xf32, #tpu.memory_space<vmem>>, vector<16xf32>,
    %mul3A = arith.constant 1280 : i32
    %mul3A_62 = arith.muli %arg1, %mul3A : i32
    %add3A = arith.constant 0 : i32
    %add3A_63 = arith.addi %mul3A_62, %add3A : i32
    "tpu.region"() ({
      %run_scoped3A_117 = tpu.sem_alloc : memref<!tpu.dma_semaphore, #tpu.memory_space<semaphore_mem>>
      %dma_start3A = tpu.memref_slice %arg8[%add3A_63] : memref<20480xf32, #tpu.memory_space<vmem_shared>> -> memref<128xf32, #tpu.memory_space<vmem_shared>>
      %dma_start3A_118 = tpu.memref_slice %arg8[%add3A_63] : memref<20480xf32, #tpu.memory_space<vmem_shared>> -> memref<128xf32, #tpu.memory_space<vmem_shared>>
      tpu.enqueue_dma source(%arg7 : memref<128xf32, #tpu.memory_space<vmem>>) target(%dma_start3A_118 : memref<128xf32, #tpu.memory_space<vmem_shared>>) target_semaphore(%run_scoped3A_117 : memref<!tpu.dma_semaphore, #tpu.memory_space<semaphore_mem>>)
      %dma_wait3A = tpu.memref_slice %arg8[%add3A_63] : memref<20480xf32, #tpu.memory_space<vmem_shared>> -> memref<128xf32, #tpu.memory_space<vmem_shared>>
      %dma_wait3A_119 = tpu.memref_slice %arg8[%add3A_63] : memref<20480xf32, #tpu.memory_space<vmem_shared>> -> memref<128xf32, #tpu.memory_space<vmem_shared>>
      tpu.wait_dma2 semaphore(%run_scoped3A_117 : memref<!tpu.dma_semaphore, #tpu.memory_space<semaphore_mem>>) src(%arg7 : memref<128xf32, #tpu.memory_space<vmem>>) dst(%dma_wait3A_119 : memref<128xf32, #tpu.memory_space<vmem_shared>>)
      tpu.yield
    }) : () -> ()
    %mul3A_64 = arith.constant 1280 : i32
    %mul3A_65 = arith.muli %arg1, %mul3A_64 : i32
    %add3A_66 = arith.constant 128 : i32
    %add3A_67 = arith.addi %mul3A_65, %add3A_66 : i32
    "tpu.region"() ({
      %run_scoped3A_117 = tpu.sem_alloc : memref<!tpu.dma_semaphore, #tpu.memory_space<semaphore_mem>>
      %dma_start3A = tpu.memref_slice %arg8[%add3A_67] : memref<20480xf32, #tpu.memory_space<vmem_shared>> -> memref<128xf32, #tpu.memory_space<vmem_shared>>
      %dma_start3A_118 = tpu.memref_slice %arg8[%add3A_67] : memref<20480xf32, #tpu.memory_space<vmem_shared>> -> memref<128xf32, #tpu.memory_space<vmem_shared>>
      tpu.enqueue_dma source(%arg7 : memref<128xf32, #tpu.memory_space<vmem>>) target(%dma_start3A_118 : memref<128xf32, #tpu.memory_space<vmem_shared>>) target_semaphore(%run_scoped3A_117 : memref<!tpu.dma_semaphore, #tpu.memory_space<semaphore_mem>>)
      %dma_wait3A = tpu.memref_slice %arg8[%add3A_67] : memref<20480xf32, #tpu.memory_space<vmem_shared>> -> memref<128xf32, #tpu.memory_space<vmem_shared>>
      %dma_wait3A_119 = tpu.memref_slice %arg8[%add3A_67] : memref<20480xf32, #tpu.memory_space<vmem_shared>> -> memref<128xf32, #tpu.memory_space<vmem_shared>>
      tpu.wait_dma2 semaphore(%run_scoped3A_117 : memref<!tpu.dma_semaphore, #tpu.memory_space<semaphore_mem>>) src(%arg7 : memref<128xf32, #tpu.memory_space<vmem>>) dst(%dma_wait3A_119 : memref<128xf32, #tpu.memory_space<vmem_shared>>)
      tpu.yield
    }) : () -> ()
    %mul3A_68 = arith.constant 1280 : i32
    %mul3A_69 = arith.muli %arg1, %mul3A_68 : i32
    %add3A_70 = arith.constant 256 : i32
    %add3A_71 = arith.addi %mul3A_69, %add3A_70 : i32
    "tpu.region"() ({
      %run_scoped3A_117 = tpu.sem_alloc : memref<!tpu.dma_semaphore, #tpu.memory_space<semaphore_mem>>
      %dma_start3A = tpu.memref_slice %arg8[%add3A_71] : memref<20480xf32, #tpu.memory_space<vmem_shared>> -> memref<128xf32, #tpu.memory_space<vmem_shared>>
      %dma_start3A_118 = tpu.memref_slice %arg8[%add3A_71] : memref<20480xf32, #tpu.memory_space<vmem_shared>> -> memref<128xf32, #tpu.memory_space<vmem_shared>>
      tpu.enqueue_dma source(%arg7 : memref<128xf32, #tpu.memory_space<vmem>>) target(%dma_start3A_118 : memref<128xf32, #tpu.memory_space<vmem_shared>>) target_semaphore(%run_scoped3A_117 : memref<!tpu.dma_semaphore, #tpu.memory_space<semaphore_mem>>)
      %dma_wait3A = tpu.memref_slice %arg8[%add3A_71] : memref<20480xf32, #tpu.memory_space<vmem_shared>> -> memref<128xf32, #tpu.memory_space<vmem_shared>>
      %dma_wait3A_119 = tpu.memref_slice %arg8[%add3A_71] : memref<20480xf32, #tpu.memory_space<vmem_shared>> -> memref<128xf32, #tpu.memory_space<vmem_shared>>
      tpu.wait_dma2 semaphore(%run_scoped3A_117 : memref<!tpu.dma_semaphore, #tpu.memory_space<semaphore_mem>>) src(%arg7 : memref<128xf32, #tpu.memory_space<vmem>>) dst(%dma_wait3A_119 : memref<128xf32, #tpu.memory_space<vmem_shared>>)
      tpu.yield
    }) : () -> ()
    %mul3A_72 = arith.constant 1280 : i32
    %mul3A_73 = arith.muli %arg1, %mul3A_72 : i32
    %add3A_74 = arith.constant 384 : i32
    %add3A_75 = arith.addi %mul3A_73, %add3A_74 : i32
    "tpu.region"() ({
      %run_scoped3A_117 = tpu.sem_alloc : memref<!tpu.dma_semaphore, #tpu.memory_space<semaphore_mem>>
      %dma_start3A = tpu.memref_slice %arg8[%add3A_75] : memref<20480xf32, #tpu.memory_space<vmem_shared>> -> memref<128xf32, #tpu.memory_space<vmem_shared>>
      %dma_start3A_118 = tpu.memref_slice %arg8[%add3A_75] : memref<20480xf32, #tpu.memory_space<vmem_shared>> -> memref<128xf32, #tpu.memory_space<vmem_shared>>
      tpu.enqueue_dma source(%arg7 : memref<128xf32, #tpu.memory_space<vmem>>) target(%dma_start3A_118 : memref<128xf32, #tpu.memory_space<vmem_shared>>) target_semaphore(%run_scoped3A_117 : memref<!tpu.dma_semaphore, #tpu.memory_space<semaphore_mem>>)
      %dma_wait3A = tpu.memref_slice %arg8[%add3A_75] : memref<20480xf32, #tpu.memory_space<vmem_shared>> -> memref<128xf32, #tpu.memory_space<vmem_shared>>
      %dma_wait3A_119 = tpu.memref_slice %arg8[%add3A_75] : memref<20480xf32, #tpu.memory_space<vmem_shared>> -> memref<128xf32, #tpu.memory_space<vmem_shared>>
      tpu.wait_dma2 semaphore(%run_scoped3A_117 : memref<!tpu.dma_semaphore, #tpu.memory_space<semaphore_mem>>) src(%arg7 : memref<128xf32, #tpu.memory_space<vmem>>) dst(%dma_wait3A_119 : memref<128xf32, #tpu.memory_space<vmem_shared>>)
      tpu.yield
    }) : () -> ()
    %mul3A_76 = arith.constant 1280 : i32
    %mul3A_77 = arith.muli %arg1, %mul3A_76 : i32
    %add3A_78 = arith.constant 512 : i32
    %add3A_79 = arith.addi %mul3A_77, %add3A_78 : i32
    "tpu.region"() ({
      %run_scoped3A_117 = tpu.sem_alloc : memref<!tpu.dma_semaphore, #tpu.memory_space<semaphore_mem>>
      %dma_start3A = tpu.memref_slice %arg8[%add3A_79] : memref<20480xf32, #tpu.memory_space<vmem_shared>> -> memref<128xf32, #tpu.memory_space<vmem_shared>>
      %dma_start3A_118 = tpu.memref_slice %arg8[%add3A_79] : memref<20480xf32, #tpu.memory_space<vmem_shared>> -> memref<128xf32, #tpu.memory_space<vmem_shared>>
      tpu.enqueue_dma source(%arg7 : memref<128xf32, #tpu.memory_space<vmem>>) target(%dma_start3A_118 : memref<128xf32, #tpu.memory_space<vmem_shared>>) target_semaphore(%run_scoped3A_117 : memref<!tpu.dma_semaphore, #tpu.memory_space<semaphore_mem>>)
      %dma_wait3A = tpu.memref_slice %arg8[%add3A_79] : memref<20480xf32, #tpu.memory_space<vmem_shared>> -> memref<128xf32, #tpu.memory_space<vmem_shared>>
      %dma_wait3A_119 = tpu.memref_slice %arg8[%add3A_79] : memref<20480xf32, #tpu.memory_space<vmem_shared>> -> memref<128xf32, #tpu.memory_space<vmem_shared>>
      tpu.wait_dma2 semaphore(%run_scoped3A_117 : memref<!tpu.dma_semaphore, #tpu.memory_space<semaphore_mem>>) src(%arg7 : memref<128xf32, #tpu.memory_space<vmem>>) dst(%dma_wait3A_119 : memref<128xf32, #tpu.memory_space<vmem_shared>>)
      tpu.yield
    }) : () -> ()
    %mul3A_80 = arith.constant 1280 : i32
    %mul3A_81 = arith.muli %arg1, %mul3A_80 : i32
    %add3A_82 = arith.constant 640 : i32
    %add3A_83 = arith.addi %mul3A_81, %add3A_82 : i32
    "tpu.region"() ({
      %run_scoped3A_117 = tpu.sem_alloc : memref<!tpu.dma_semaphore, #tpu.memory_space<semaphore_mem>>
      %dma_start3A = tpu.memref_slice %arg8[%add3A_83] : memref<20480xf32, #tpu.memory_space<vmem_shared>> -> memref<128xf32, #tpu.memory_space<vmem_shared>>
      %dma_start3A_118 = tpu.memref_slice %arg8[%add3A_83] : memref<20480xf32, #tpu.memory_space<vmem_shared>> -> memref<128xf32, #tpu.memory_space<vmem_shared>>
      tpu.enqueue_dma source(%arg7 : memref<128xf32, #tpu.memory_space<vmem>>) target(%dma_start3A_118 : memref<128xf32, #tpu.memory_space<vmem_shared>>) target_semaphore(%run_scoped3A_117 : memref<!tpu.dma_semaphore, #tpu.memory_space<semaphore_mem>>)
      %dma_wait3A = tpu.memref_slice %arg8[%add3A_83] : memref<20480xf32, #tpu.memory_space<vmem_shared>> -> memref<128xf32, #tpu.memory_space<vmem_shared>>
      %dma_wait3A_119 = tpu.memref_slice %arg8[%add3A_83] : memref<20480xf32, #tpu.memory_space<vmem_shared>> -> memref<128xf32, #tpu.memory_space<vmem_shared>>
      tpu.wait_dma2 semaphore(%run_scoped3A_117 : memref<!tpu.dma_semaphore, #tpu.memory_space<semaphore_mem>>) src(%arg7 : memref<128xf32, #tpu.memory_space<vmem>>) dst(%dma_wait3A_119 : memref<128xf32, #tpu.memory_space<vmem_shared>>)
      tpu.yield
    }) : () -> ()
    %mul3A_84 = arith.constant 1280 : i32
    %mul3A_85 = arith.muli %arg1, %mul3A_84 : i32
    %add3A_86 = arith.constant 768 : i32
    %add3A_87 = arith.addi %mul3A_85, %add3A_86 : i32
    "tpu.region"() ({
      %run_scoped3A_117 = tpu.sem_alloc : memref<!tpu.dma_semaphore, #tpu.memory_space<semaphore_mem>>
      %dma_start3A = tpu.memref_slice %arg8[%add3A_87] : memref<20480xf32, #tpu.memory_space<vmem_shared>> -> memref<128xf32, #tpu.memory_space<vmem_shared>>
      %dma_start3A_118 = tpu.memref_slice %arg8[%add3A_87] : memref<20480xf32, #tpu.memory_space<vmem_shared>> -> memref<128xf32, #tpu.memory_space<vmem_shared>>
      tpu.enqueue_dma source(%arg7 : memref<128xf32, #tpu.memory_space<vmem>>) target(%dma_start3A_118 : memref<128xf32, #tpu.memory_space<vmem_shared>>) target_semaphore(%run_scoped3A_117 : memref<!tpu.dma_semaphore, #tpu.memory_space<semaphore_mem>>)
      %dma_wait3A = tpu.memref_slice %arg8[%add3A_87] : memref<20480xf32, #tpu.memory_space<vmem_shared>> -> memref<128xf32, #tpu.memory_space<vmem_shared>>
      %dma_wait3A_119 = tpu.memref_slice %arg8[%add3A_87] : memref<20480xf32, #tpu.memory_space<vmem_shared>> -> memref<128xf32, #tpu.memory_space<vmem_shared>>
      tpu.wait_dma2 semaphore(%run_scoped3A_117 : memref<!tpu.dma_semaphore, #tpu.memory_space<semaphore_mem>>) src(%arg7 : memref<128xf32, #tpu.memory_space<vmem>>) dst(%dma_wait3A_119 : memref<128xf32, #tpu.memory_space<vmem_shared>>)
      tpu.yield
    }) : () -> ()
    %mul3A_88 = arith.constant 1280 : i32
    %mul3A_89 = arith.muli %arg1, %mul3A_88 : i32
    %add3A_90 = arith.constant 896 : i32
    %add3A_91 = arith.addi %mul3A_89, %add3A_90 : i32
    "tpu.region"() ({
      %run_scoped3A_117 = tpu.sem_alloc : memref<!tpu.dma_semaphore, #tpu.memory_space<semaphore_mem>>
      %dma_start3A = tpu.memref_slice %arg8[%add3A_91] : memref<20480xf32, #tpu.memory_space<vmem_shared>> -> memref<128xf32, #tpu.memory_space<vmem_shared>>
      %dma_start3A_118 = tpu.memref_slice %arg8[%add3A_91] : memref<20480xf32, #tpu.memory_space<vmem_shared>> -> memref<128xf32, #tpu.memory_space<vmem_shared>>
      tpu.enqueue_dma source(%arg7 : memref<128xf32, #tpu.memory_space<vmem>>) target(%dma_start3A_118 : memref<128xf32, #tpu.memory_space<vmem_shared>>) target_semaphore(%run_scoped3A_117 : memref<!tpu.dma_semaphore, #tpu.memory_space<semaphore_mem>>)
      %dma_wait3A = tpu.memref_slice %arg8[%add3A_91] : memref<20480xf32, #tpu.memory_space<vmem_shared>> -> memref<128xf32, #tpu.memory_space<vmem_shared>>
      %dma_wait3A_119 = tpu.memref_slice %arg8[%add3A_91] : memref<20480xf32, #tpu.memory_space<vmem_shared>> -> memref<128xf32, #tpu.memory_space<vmem_shared>>
      tpu.wait_dma2 semaphore(%run_scoped3A_117 : memref<!tpu.dma_semaphore, #tpu.memory_space<semaphore_mem>>) src(%arg7 : memref<128xf32, #tpu.memory_space<vmem>>) dst(%dma_wait3A_119 : memref<128xf32, #tpu.memory_space<vmem_shared>>)
      tpu.yield
    }) : () -> ()
    %mul3A_92 = arith.constant 1280 : i32
    %mul3A_93 = arith.muli %arg1, %mul3A_92 : i32
    %add3A_94 = arith.constant 1024 : i32
    %add3A_95 = arith.addi %mul3A_93, %add3A_94 : i32
    "tpu.region"() ({
      %run_scoped3A_117 = tpu.sem_alloc : memref<!tpu.dma_semaphore, #tpu.memory_space<semaphore_mem>>
      %dma_start3A = tpu.memref_slice %arg8[%add3A_95] : memref<20480xf32, #tpu.memory_space<vmem_shared>> -> memref<128xf32, #tpu.memory_space<vmem_shared>>
      %dma_start3A_118 = tpu.memref_slice %arg8[%add3A_95] : memref<20480xf32, #tpu.memory_space<vmem_shared>> -> memref<128xf32, #tpu.memory_space<vmem_shared>>
      tpu.enqueue_dma source(%arg7 : memref<128xf32, #tpu.memory_space<vmem>>) target(%dma_start3A_118 : memref<128xf32, #tpu.memory_space<vmem_shared>>) target_semaphore(%run_scoped3A_117 : memref<!tpu.dma_semaphore, #tpu.memory_space<semaphore_mem>>)
      %dma_wait3A = tpu.memref_slice %arg8[%add3A_95] : memref<20480xf32, #tpu.memory_space<vmem_shared>> -> memref<128xf32, #tpu.memory_space<vmem_shared>>
      %dma_wait3A_119 = tpu.memref_slice %arg8[%add3A_95] : memref<20480xf32, #tpu.memory_space<vmem_shared>> -> memref<128xf32, #tpu.memory_space<vmem_shared>>
      tpu.wait_dma2 semaphore(%run_scoped3A_117 : memref<!tpu.dma_semaphore, #tpu.memory_space<semaphore_mem>>) src(%arg7 : memref<128xf32, #tpu.memory_space<vmem>>) dst(%dma_wait3A_119 : memref<128xf32, #tpu.memory_space<vmem_shared>>)
      tpu.yield
    }) : () -> ()
    %mul3A_96 = arith.constant 1280 : i32
    %mul3A_97 = arith.muli %arg1, %mul3A_96 : i32
    %add3A_98 = arith.constant 1152 : i32
    %add3A_99 = arith.addi %mul3A_97, %add3A_98 : i32
    "tpu.region"() ({
      %run_scoped3A_117 = tpu.sem_alloc : memref<!tpu.dma_semaphore, #tpu.memory_space<semaphore_mem>>
      %dma_start3A = tpu.memref_slice %arg8[%add3A_99] : memref<20480xf32, #tpu.memory_space<vmem_shared>> -> memref<128xf32, #tpu.memory_space<vmem_shared>>
      %dma_start3A_118 = tpu.memref_slice %arg8[%add3A_99] : memref<20480xf32, #tpu.memory_space<vmem_shared>> -> memref<128xf32, #tpu.memory_space<vmem_shared>>
      tpu.enqueue_dma source(%arg7 : memref<128xf32, #tpu.memory_space<vmem>>) target(%dma_start3A_118 : memref<128xf32, #tpu.memory_space<vmem_shared>>) target_semaphore(%run_scoped3A_117 : memref<!tpu.dma_semaphore, #tpu.memory_space<semaphore_mem>>)
      %dma_wait3A = tpu.memref_slice %arg8[%add3A_99] : memref<20480xf32, #tpu.memory_space<vmem_shared>> -> memref<128xf32, #tpu.memory_space<vmem_shared>>
      %dma_wait3A_119 = tpu.memref_slice %arg8[%add3A_99] : memref<20480xf32, #tpu.memory_space<vmem_shared>> -> memref<128xf32, #tpu.memory_space<vmem_shared>>
      tpu.wait_dma2 semaphore(%run_scoped3A_117 : memref<!tpu.dma_semaphore, #tpu.memory_space<semaphore_mem>>) src(%arg7 : memref<128xf32, #tpu.memory_space<vmem>>) dst(%dma_wait3A_119 : memref<128xf32, #tpu.memory_space<vmem_shared>>)
      tpu.yield
    }) : () -> ()
    %barrier3A = arith.constant 0 : index
    tpu.barrier barrier_id(%barrier3A)
    %mul3A_100 = arith.constant 16 : i32
    %mul3A_101 = arith.muli %arg0, %mul3A_100 : i32
    %add3A_102 = arith.addi %mul3A_101, %arg1 : i32
    %mul3A_103 = arith.constant 64 : i32
    %mul3A_104 = arith.muli %add3A_102, %mul3A_103 : i32
    %run_scoped3A = arith.constant 0 : i32
    "tpu.region"() ({
      %run_scoped3A_117 = tpu.sem_alloc : memref<!tpu.dma_semaphore, #tpu.memory_space<semaphore_mem>>
      %dma_start3A = arith.constant 0 : i32
      %dma_start3A_118 = tpu.memref_slice %arg2[%run_scoped3A, %mul3A_104, %dma_start3A] : memref<2x2048x128xi32, #tpu.memory_space<hbm>> -> memref<1x64x128xi32, #tpu.memory_space<hbm>>
      %dma_start3A_119 = tpu.memref_squeeze %dma_start3A_118 : memref<1x64x128xi32, #tpu.memory_space<hbm>> -> memref<64x128xi32, #tpu.memory_space<hbm>>
      %dma_start3A_120 = arith.constant 0 : i32
      %dma_start3A_121 = tpu.memref_slice %arg2[%run_scoped3A, %mul3A_104, %dma_start3A_120] : memref<2x2048x128xi32, #tpu.memory_space<hbm>> -> memref<1x64x128xi32, #tpu.memory_space<hbm>>
      %dma_start3A_122 = tpu.memref_squeeze %dma_start3A_121 : memref<1x64x128xi32, #tpu.memory_space<hbm>> -> memref<64x128xi32, #tpu.memory_space<hbm>>
      tpu.enqueue_dma source(%dma_start3A_122 : memref<64x128xi32, #tpu.memory_space<hbm>>) target(%arg4 : memref<64x128xi32, #tpu.memory_space<vmem>>) target_semaphore(%run_scoped3A_117 : memref<!tpu.dma_semaphore, #tpu.memory_space<semaphore_mem>>)
      %dma_wait3A = arith.constant 0 : i32
      %dma_wait3A_123 = tpu.memref_slice %arg2[%run_scoped3A, %mul3A_104, %dma_wait3A] : memref<2x2048x128xi32, #tpu.memory_space<hbm>> -> memref<1x64x128xi32, #tpu.memory_space<hbm>>
      %dma_wait3A_124 = tpu.memref_squeeze %dma_wait3A_123 : memref<1x64x128xi32, #tpu.memory_space<hbm>> -> memref<64x128xi32, #tpu.memory_space<hbm>>
      %dma_wait3A_125 = arith.constant 0 : i32
      %dma_wait3A_126 = tpu.memref_slice %arg2[%run_scoped3A, %mul3A_104, %dma_wait3A_125] : memref<2x2048x128xi32, #tpu.memory_space<hbm>> -> memref<1x64x128xi32, #tpu.memory_space<hbm>>
      %dma_wait3A_127 = tpu.memref_squeeze %dma_wait3A_126 : memref<1x64x128xi32, #tpu.memory_space<hbm>> -> memref<64x128xi32, #tpu.memory_space<hbm>>
      tpu.wait_dma2 semaphore(%run_scoped3A_117 : memref<!tpu.dma_semaphore, #tpu.memory_space<semaphore_mem>>) src(%dma_wait3A_127 : memref<64x128xi32, #tpu.memory_space<hbm>>) dst(%arg4 : memref<64x128xi32, #tpu.memory_space<vmem>>)
      tpu.yield
    }) : () -> ()
    %run_scoped3A_105 = arith.constant 1 : i32
    "tpu.region"() ({
      %run_scoped3A_117 = tpu.sem_alloc : memref<!tpu.dma_semaphore, #tpu.memory_space<semaphore_mem>>
      %dma_start3A = arith.constant 0 : i32
      %dma_start3A_118 = tpu.memref_slice %arg2[%run_scoped3A_105, %mul3A_104, %dma_start3A] : memref<2x2048x128xi32, #tpu.memory_space<hbm>> -> memref<1x64x128xi32, #tpu.memory_space<hbm>>
      %dma_start3A_119 = tpu.memref_squeeze %dma_start3A_118 : memref<1x64x128xi32, #tpu.memory_space<hbm>> -> memref<64x128xi32, #tpu.memory_space<hbm>>
      %dma_start3A_120 = arith.constant 0 : i32
      %dma_start3A_121 = tpu.memref_slice %arg2[%run_scoped3A_105, %mul3A_104, %dma_start3A_120] : memref<2x2048x128xi32, #tpu.memory_space<hbm>> -> memref<1x64x128xi32, #tpu.memory_space<hbm>>
      %dma_start3A_122 = tpu.memref_squeeze %dma_start3A_121 : memref<1x64x128xi32, #tpu.memory_space<hbm>> -> memref<64x128xi32, #tpu.memory_space<hbm>>
      tpu.enqueue_dma source(%dma_start3A_122 : memref<64x128xi32, #tpu.memory_space<hbm>>) target(%arg5 : memref<64x128xi32, #tpu.memory_space<vmem>>) target_semaphore(%run_scoped3A_117 : memref<!tpu.dma_semaphore, #tpu.memory_space<semaphore_mem>>)
      %dma_wait3A = arith.constant 0 : i32
      %dma_wait3A_123 = tpu.memref_slice %arg2[%run_scoped3A_105, %mul3A_104, %dma_wait3A] : memref<2x2048x128xi32, #tpu.memory_space<hbm>> -> memref<1x64x128xi32, #tpu.memory_space<hbm>>
      %dma_wait3A_124 = tpu.memref_squeeze %dma_wait3A_123 : memref<1x64x128xi32, #tpu.memory_space<hbm>> -> memref<64x128xi32, #tpu.memory_space<hbm>>
      %dma_wait3A_125 = arith.constant 0 : i32
      %dma_wait3A_126 = tpu.memref_slice %arg2[%run_scoped3A_105, %mul3A_104, %dma_wait3A_125] : memref<2x2048x128xi32, #tpu.memory_space<hbm>> -> memref<1x64x128xi32, #tpu.memory_space<hbm>>
      %dma_wait3A_127 = tpu.memref_squeeze %dma_wait3A_126 : memref<1x64x128xi32, #tpu.memory_space<hbm>> -> memref<64x128xi32, #tpu.memory_space<hbm>>
      tpu.wait_dma2 semaphore(%run_scoped3A_117 : memref<!tpu.dma_semaphore, #tpu.memory_space<semaphore_mem>>) src(%dma_wait3A_127 : memref<64x128xi32, #tpu.memory_space<hbm>>) dst(%arg5 : memref<64x128xi32, #tpu.memory_space<vmem>>)
      tpu.yield
    }) : () -> ()
    %scan3A = arith.constant 0 : i32
    %scan3A_106 = arith.constant 0 : i32
    %scan3A_107 = arith.constant 64 : i32
    %scan3A_108 = arith.addi %scan3A_106, %scan3A_107 : i32
    %scan3A_109 = arith.constant 1 : i32
    %scan3A_110 = scf.for %scan3A_117 = %scan3A_106 to %scan3A_108 step %scan3A_109 iter_args(%scan3A_118 = %scan3A) -> (i32)  : i32 {
      %dma_start3A = arith.constant 0 : i32
      %dma_start3A_119 = tpu.memref_slice %arg4[%scan3A_117, %dma_start3A] : memref<64x128xi32, #tpu.memory_space<vmem>> -> memref<1x128xi32, #tpu.memory_space<vmem>>
      %dma_start3A_120 = tpu.memref_squeeze %dma_start3A_119 : memref<1x128xi32, #tpu.memory_space<vmem>> -> memref<128xi32, #tpu.memory_space<vmem>>
      %dma_start3A_121 = arith.constant 0 : i32
      %dma_start3A_122 = tpu.memref_slice %arg8[%dma_start3A_121] : memref<20480xf32, #tpu.memory_space<vmem_shared>> -> memref<20480xf32, #tpu.memory_space<vmem_shared>>
      tpu.enqueue_indirect_dma source(%arg6 : memref<128xf32, #tpu.memory_space<vmem>>) target(%dma_start3A_122 : memref<20480xf32, #tpu.memory_space<vmem_shared>>) offsets(%dma_start3A_120 : memref<128xi32, #tpu.memory_space<vmem>>) semaphore(%arg9 : memref<!tpu.dma_semaphore, #tpu.memory_space<semaphore_mem>>) {add = true}
      %dma_start3A_123 = arith.constant 0 : i32
      %dma_start3A_124 = tpu.memref_slice %arg5[%scan3A_117, %dma_start3A_123] : memref<64x128xi32, #tpu.memory_space<vmem>> -> memref<1x128xi32, #tpu.memory_space<vmem>>
      %dma_start3A_125 = tpu.memref_squeeze %dma_start3A_124 : memref<1x128xi32, #tpu.memory_space<vmem>> -> memref<128xi32, #tpu.memory_space<vmem>>
      %dma_start3A_126 = arith.constant 0 : i32
      %dma_start3A_127 = tpu.memref_slice %arg8[%dma_start3A_126] : memref<20480xf32, #tpu.memory_space<vmem_shared>> -> memref<20480xf32, #tpu.memory_space<vmem_shared>>
      tpu.enqueue_indirect_dma source(%arg6 : memref<128xf32, #tpu.memory_space<vmem>>) target(%dma_start3A_127 : memref<20480xf32, #tpu.memory_space<vmem_shared>>) offsets(%dma_start3A_125 : memref<128xi32, #tpu.memory_space<vmem>>) semaphore(%arg9 : memref<!tpu.dma_semaphore, #tpu.memory_space<semaphore_mem>>) {add = true}
      %dma_wait3A = arith.constant 0 : i32
      %dma_wait3A_128 = tpu.memref_slice %arg4[%scan3A_117, %dma_wait3A] : memref<64x128xi32, #tpu.memory_space<vmem>> -> memref<1x128xi32, #tpu.memory_space<vmem>>
      %dma_wait3A_129 = tpu.memref_squeeze %dma_wait3A_128 : memref<1x128xi32, #tpu.memory_space<vmem>> -> memref<128xi32, #tpu.memory_space<vmem>>
      %dma_wait3A_130 = arith.constant 0 : i32
      %dma_wait3A_131 = tpu.memref_slice %arg8[%dma_wait3A_130] : memref<20480xf32, #tpu.memory_space<vmem_shared>> -> memref<20480xf32, #tpu.memory_space<vmem_shared>>
      tpu.wait_indirect_dma semaphore(%arg9 : memref<!tpu.dma_semaphore, #tpu.memory_space<semaphore_mem>>) src(%arg6 : memref<128xf32, #tpu.memory_space<vmem>>) dst(%dma_wait3A_131 : memref<20480xf32, #tpu.memory_space<vmem_shared>>)
      %dma_wait3A_132 = arith.constant 0 : i32
      %dma_wait3A_133 = tpu.memref_slice %arg5[%scan3A_117, %dma_wait3A_132] : memref<64x128xi32, #tpu.memory_space<vmem>> -> memref<1x128xi32, #tpu.memory_space<vmem>>
      %dma_wait3A_134 = tpu.memref_squeeze %dma_wait3A_133 : memref<1x128xi32, #tpu.memory_space<vmem>> -> memref<128xi32, #tpu.memory_space<vmem>>
      %dma_wait3A_135 = arith.constant 0 : i32
      %dma_wait3A_136 = tpu.memref_slice %arg8[%dma_wait3A_135] : memref<20480xf32, #tpu.memory_space<vmem_shared>> -> memref<20480xf32, #tpu.memory_space<vmem_shared>>
      tpu.wait_indirect_dma semaphore(%arg9 : memref<!tpu.dma_semaphore, #tpu.memory_space<semaphore_mem>>) src(%arg6 : memref<128xf32, #tpu.memory_space<vmem>>) dst(%dma_wait3A_136 : memref<20480xf32, #tpu.memory_space<vmem_shared>>)
      %scan3A_137 = arith.constant 0 : i32
      scf.yield %scan3A_137 : i32
    }
    %scan3A_111 = arith.constant 64 : i32
    %barrier3A_112 = arith.constant 0 : index
    tpu.barrier barrier_id(%barrier3A_112)
    %mul3A_113 = arith.constant 1280 : i32
    %mul3A_114 = arith.muli %arg1, %mul3A_113 : i32
    %mul3A_115 = arith.constant 1280 : i32
    %mul3A_116 = arith.muli %arg1, %mul3A_115 : i32
    "tpu.region"() ({
      %run_scoped3A_117 = tpu.sem_alloc : memref<!tpu.dma_semaphore, #tpu.memory_space<semaphore_mem>>
      %dma_start3A = tpu.memref_slice %arg3[%arg0, %mul3A_116] : memref<2x20480xf32, #tpu.memory_space<hbm>> -> memref<1x1280xf32, #tpu.memory_space<hbm>>
      %dma_start3A_118 = tpu.memref_squeeze %dma_start3A : memref<1x1280xf32, #tpu.memory_space<hbm>> -> memref<1280xf32, #tpu.memory_space<hbm>>
      %dma_start3A_119 = tpu.memref_slice %arg8[%mul3A_114] : memref<20480xf32, #tpu.memory_space<vmem_shared>> -> memref<1280xf32, #tpu.memory_space<vmem_shared>>
      tpu.enqueue_dma source(%dma_start3A_119 : memref<1280xf32, #tpu.memory_space<vmem_shared>>) target(%dma_start3A_118 : memref<1280xf32, #tpu.memory_space<hbm>>) target_semaphore(%run_scoped3A_117 : memref<!tpu.dma_semaphore, #tpu.memory_space<semaphore_mem>>)
      %dma_wait3A = tpu.memref_slice %arg3[%arg0, %mul3A_116] : memref<2x20480xf32, #tpu.memory_space<hbm>> -> memref<1x1280xf32, #tpu.memory_space<hbm>>
      %dma_wait3A_120 = tpu.memref_squeeze %dma_wait3A : memref<1x1280xf32, #tpu.memory_space<hbm>> -> memref<1280xf32, #tpu.memory_space<hbm>>
      %dma_wait3A_121 = tpu.memref_slice %arg8[%mul3A_114] : memref<20480xf32, #tpu.memory_space<vmem_shared>> -> memref<1280xf32, #tpu.memory_space<vmem_shared>>
      tpu.wait_dma2 semaphore(%run_scoped3A_117 : memref<!tpu.dma_semaphore, #tpu.memory_space<semaphore_mem>>) src(%dma_wait3A_121 : memref<1280xf32, #tpu.memory_space<vmem_shared>>) dst(%dma_wait3A_120 : memref<1280xf32, #tpu.memory_space<hbm>>)
      tpu.yield
    }) : () -> ()
    return
  }
}

#map = affine_map<(d0, d1) -> (0, 0, 0)>
#map1 = affine_map<(d0, d1) -> (0, 0)>
module attributes {stable_mosaic.version = 14 : i64} {
  func.func @_gcn_sc_body(%arg0: i32, %arg1: i32, %arg2: memref<2x2048x128xi32, #tpu.memory_space<hbm>>, %arg3: memref<20480x64xf32, #tpu.memory_space<hbm>>, %arg4: memref<2x20480x64xf32, #tpu.memory_space<hbm>>, %arg5: memref<64x128xi32, #tpu.memory_space<vmem>>, %arg6: memref<64x128xi32, #tpu.memory_space<vmem>>, %arg7: memref<128x64xf32, #tpu.memory_space<vmem>>, %arg8: memref<128x64xf32, #tpu.memory_space<vmem>>, %arg9: memref<128x64xf32, #tpu.memory_space<vmem>>, %arg10: memref<128x64xf32, #tpu.memory_space<vmem>>, %arg11: memref<20480x64xf32, #tpu.memory_space<vmem_shared>>, %arg12: memref<!tpu.dma_semaphore, #tpu.memory_space<semaphore_mem>>, %arg13: memref<!tpu.dma_semaphore, #tpu.memory_space<semaphore_mem>>) attributes {dimension_semantics = [#tpu.dimension_semantics<core_parallel>, #tpu.dimension_semantics<subcore_parallel>], iteration_bounds = array<i64: 2, 16>, scalar_prefetch = 0 : i64, scratch_operands = 9 : i64, tpu.core_type = #tpu.core_type<sc_vector_subcore>, window_params = [{transform_indices = #map}, {transform_indices = #map1}, {transform_indices = #map}]} {
    %scan3A = arith.constant 0 : i32
    %scan3A_0 = arith.constant 0 : i32
    %scan3A_1 = arith.constant 128 : i32
    %scan3A_2 = arith.addi %scan3A_0, %scan3A_1 : i32
    %scan3A_3 = arith.constant 1 : i32
    %scan3A_4 = scf.for %scan3A_75 = %scan3A_0 to %scan3A_2 step %scan3A_3 iter_args(%scan3A_76 = %scan3A) -> (i32)  : i32 {
      %broadcast_in_dim3A = arith.constant 0.000000e+00 : f32
      %broadcast_in_dim3A_77 = vector.broadcast %broadcast_in_dim3A : f32 to vector<16xf32>
      %swap3A = arith.index_cast %scan3A_75 : i32 to index
      %swap3A_78 = arith.constant 0 : index
      %swap3A_79 = tpu.vector_load %arg7[%swap3A, %swap3A_78] {strides = array<i32>} : memref<128x64xf32, #tpu.memory_space<vmem>>, vector<16xf32>,
      tpu.vector_store %arg7[%swap3A, %swap3A_78], %broadcast_in_dim3A_77 {strides = array<i32>} : memref<128x64xf32, #tpu.memory_space<vmem>>, vector<16xf32>,
      %broadcast_in_dim3A_80 = arith.constant 0.000000e+00 : f32
      %broadcast_in_dim3A_81 = vector.broadcast %broadcast_in_dim3A_80 : f32 to vector<16xf32>
      %swap3A_82 = arith.index_cast %scan3A_75 : i32 to index
      %swap3A_83 = arith.constant 16 : index
      %swap3A_84 = tpu.vector_load %arg7[%swap3A_82, %swap3A_83] {strides = array<i32>} : memref<128x64xf32, #tpu.memory_space<vmem>>, vector<16xf32>,
      tpu.vector_store %arg7[%swap3A_82, %swap3A_83], %broadcast_in_dim3A_81 {strides = array<i32>} : memref<128x64xf32, #tpu.memory_space<vmem>>, vector<16xf32>,
      %broadcast_in_dim3A_85 = arith.constant 0.000000e+00 : f32
      %broadcast_in_dim3A_86 = vector.broadcast %broadcast_in_dim3A_85 : f32 to vector<16xf32>
      %swap3A_87 = arith.index_cast %scan3A_75 : i32 to index
      %swap3A_88 = arith.constant 32 : index
      %swap3A_89 = tpu.vector_load %arg7[%swap3A_87, %swap3A_88] {strides = array<i32>} : memref<128x64xf32, #tpu.memory_space<vmem>>, vector<16xf32>,
      tpu.vector_store %arg7[%swap3A_87, %swap3A_88], %broadcast_in_dim3A_86 {strides = array<i32>} : memref<128x64xf32, #tpu.memory_space<vmem>>, vector<16xf32>,
      %broadcast_in_dim3A_90 = arith.constant 0.000000e+00 : f32
      %broadcast_in_dim3A_91 = vector.broadcast %broadcast_in_dim3A_90 : f32 to vector<16xf32>
      %swap3A_92 = arith.index_cast %scan3A_75 : i32 to index
      %swap3A_93 = arith.constant 48 : index
      %swap3A_94 = tpu.vector_load %arg7[%swap3A_92, %swap3A_93] {strides = array<i32>} : memref<128x64xf32, #tpu.memory_space<vmem>>, vector<16xf32>,
      tpu.vector_store %arg7[%swap3A_92, %swap3A_93], %broadcast_in_dim3A_91 {strides = array<i32>} : memref<128x64xf32, #tpu.memory_space<vmem>>, vector<16xf32>,
      %scan3A_95 = arith.constant 0 : i32
      scf.yield %scan3A_95 : i32
    }
    %scan3A_5 = arith.constant 128 : i32
    %mul3A = arith.constant 1280 : i32
    %mul3A_6 = arith.muli %arg1, %mul3A : i32
    %add3A = arith.constant 0 : i32
    %add3A_7 = arith.addi %mul3A_6, %add3A : i32
    "tpu.region"() ({
      %run_scoped3A_75 = tpu.sem_alloc : memref<!tpu.dma_semaphore, #tpu.memory_space<semaphore_mem>>
      %dma_start3A_76 = arith.constant 0 : i32
      %dma_start3A_77 = tpu.memref_slice %arg11[%add3A_7, %dma_start3A_76] : memref<20480x64xf32, #tpu.memory_space<vmem_shared>> -> memref<128x64xf32, #tpu.memory_space<vmem_shared>>
      %dma_start3A_78 = arith.constant 0 : i32
      %dma_start3A_79 = tpu.memref_slice %arg11[%add3A_7, %dma_start3A_78] : memref<20480x64xf32, #tpu.memory_space<vmem_shared>> -> memref<128x64xf32, #tpu.memory_space<vmem_shared>>
      tpu.enqueue_dma source(%arg7 : memref<128x64xf32, #tpu.memory_space<vmem>>) target(%dma_start3A_79 : memref<128x64xf32, #tpu.memory_space<vmem_shared>>) target_semaphore(%run_scoped3A_75 : memref<!tpu.dma_semaphore, #tpu.memory_space<semaphore_mem>>)
      %dma_wait3A = arith.constant 0 : i32
      %dma_wait3A_80 = tpu.memref_slice %arg11[%add3A_7, %dma_wait3A] : memref<20480x64xf32, #tpu.memory_space<vmem_shared>> -> memref<128x64xf32, #tpu.memory_space<vmem_shared>>
      %dma_wait3A_81 = arith.constant 0 : i32
      %dma_wait3A_82 = tpu.memref_slice %arg11[%add3A_7, %dma_wait3A_81] : memref<20480x64xf32, #tpu.memory_space<vmem_shared>> -> memref<128x64xf32, #tpu.memory_space<vmem_shared>>
      tpu.wait_dma2 semaphore(%run_scoped3A_75 : memref<!tpu.dma_semaphore, #tpu.memory_space<semaphore_mem>>) src(%arg7 : memref<128x64xf32, #tpu.memory_space<vmem>>) dst(%dma_wait3A_82 : memref<128x64xf32, #tpu.memory_space<vmem_shared>>)
      tpu.yield
    }) : () -> ()
    %mul3A_8 = arith.constant 1280 : i32
    %mul3A_9 = arith.muli %arg1, %mul3A_8 : i32
    %add3A_10 = arith.constant 128 : i32
    %add3A_11 = arith.addi %mul3A_9, %add3A_10 : i32
    "tpu.region"() ({
      %run_scoped3A_75 = tpu.sem_alloc : memref<!tpu.dma_semaphore, #tpu.memory_space<semaphore_mem>>
      %dma_start3A_76 = arith.constant 0 : i32
      %dma_start3A_77 = tpu.memref_slice %arg11[%add3A_11, %dma_start3A_76] : memref<20480x64xf32, #tpu.memory_space<vmem_shared>> -> memref<128x64xf32, #tpu.memory_space<vmem_shared>>
      %dma_start3A_78 = arith.constant 0 : i32
      %dma_start3A_79 = tpu.memref_slice %arg11[%add3A_11, %dma_start3A_78] : memref<20480x64xf32, #tpu.memory_space<vmem_shared>> -> memref<128x64xf32, #tpu.memory_space<vmem_shared>>
      tpu.enqueue_dma source(%arg7 : memref<128x64xf32, #tpu.memory_space<vmem>>) target(%dma_start3A_79 : memref<128x64xf32, #tpu.memory_space<vmem_shared>>) target_semaphore(%run_scoped3A_75 : memref<!tpu.dma_semaphore, #tpu.memory_space<semaphore_mem>>)
      %dma_wait3A = arith.constant 0 : i32
      %dma_wait3A_80 = tpu.memref_slice %arg11[%add3A_11, %dma_wait3A] : memref<20480x64xf32, #tpu.memory_space<vmem_shared>> -> memref<128x64xf32, #tpu.memory_space<vmem_shared>>
      %dma_wait3A_81 = arith.constant 0 : i32
      %dma_wait3A_82 = tpu.memref_slice %arg11[%add3A_11, %dma_wait3A_81] : memref<20480x64xf32, #tpu.memory_space<vmem_shared>> -> memref<128x64xf32, #tpu.memory_space<vmem_shared>>
      tpu.wait_dma2 semaphore(%run_scoped3A_75 : memref<!tpu.dma_semaphore, #tpu.memory_space<semaphore_mem>>) src(%arg7 : memref<128x64xf32, #tpu.memory_space<vmem>>) dst(%dma_wait3A_82 : memref<128x64xf32, #tpu.memory_space<vmem_shared>>)
      tpu.yield
    }) : () -> ()
    %mul3A_12 = arith.constant 1280 : i32
    %mul3A_13 = arith.muli %arg1, %mul3A_12 : i32
    %add3A_14 = arith.constant 256 : i32
    %add3A_15 = arith.addi %mul3A_13, %add3A_14 : i32
    "tpu.region"() ({
      %run_scoped3A_75 = tpu.sem_alloc : memref<!tpu.dma_semaphore, #tpu.memory_space<semaphore_mem>>
      %dma_start3A_76 = arith.constant 0 : i32
      %dma_start3A_77 = tpu.memref_slice %arg11[%add3A_15, %dma_start3A_76] : memref<20480x64xf32, #tpu.memory_space<vmem_shared>> -> memref<128x64xf32, #tpu.memory_space<vmem_shared>>
      %dma_start3A_78 = arith.constant 0 : i32
      %dma_start3A_79 = tpu.memref_slice %arg11[%add3A_15, %dma_start3A_78] : memref<20480x64xf32, #tpu.memory_space<vmem_shared>> -> memref<128x64xf32, #tpu.memory_space<vmem_shared>>
      tpu.enqueue_dma source(%arg7 : memref<128x64xf32, #tpu.memory_space<vmem>>) target(%dma_start3A_79 : memref<128x64xf32, #tpu.memory_space<vmem_shared>>) target_semaphore(%run_scoped3A_75 : memref<!tpu.dma_semaphore, #tpu.memory_space<semaphore_mem>>)
      %dma_wait3A = arith.constant 0 : i32
      %dma_wait3A_80 = tpu.memref_slice %arg11[%add3A_15, %dma_wait3A] : memref<20480x64xf32, #tpu.memory_space<vmem_shared>> -> memref<128x64xf32, #tpu.memory_space<vmem_shared>>
      %dma_wait3A_81 = arith.constant 0 : i32
      %dma_wait3A_82 = tpu.memref_slice %arg11[%add3A_15, %dma_wait3A_81] : memref<20480x64xf32, #tpu.memory_space<vmem_shared>> -> memref<128x64xf32, #tpu.memory_space<vmem_shared>>
      tpu.wait_dma2 semaphore(%run_scoped3A_75 : memref<!tpu.dma_semaphore, #tpu.memory_space<semaphore_mem>>) src(%arg7 : memref<128x64xf32, #tpu.memory_space<vmem>>) dst(%dma_wait3A_82 : memref<128x64xf32, #tpu.memory_space<vmem_shared>>)
      tpu.yield
    }) : () -> ()
    %mul3A_16 = arith.constant 1280 : i32
    %mul3A_17 = arith.muli %arg1, %mul3A_16 : i32
    %add3A_18 = arith.constant 384 : i32
    %add3A_19 = arith.addi %mul3A_17, %add3A_18 : i32
    "tpu.region"() ({
      %run_scoped3A_75 = tpu.sem_alloc : memref<!tpu.dma_semaphore, #tpu.memory_space<semaphore_mem>>
      %dma_start3A_76 = arith.constant 0 : i32
      %dma_start3A_77 = tpu.memref_slice %arg11[%add3A_19, %dma_start3A_76] : memref<20480x64xf32, #tpu.memory_space<vmem_shared>> -> memref<128x64xf32, #tpu.memory_space<vmem_shared>>
      %dma_start3A_78 = arith.constant 0 : i32
      %dma_start3A_79 = tpu.memref_slice %arg11[%add3A_19, %dma_start3A_78] : memref<20480x64xf32, #tpu.memory_space<vmem_shared>> -> memref<128x64xf32, #tpu.memory_space<vmem_shared>>
      tpu.enqueue_dma source(%arg7 : memref<128x64xf32, #tpu.memory_space<vmem>>) target(%dma_start3A_79 : memref<128x64xf32, #tpu.memory_space<vmem_shared>>) target_semaphore(%run_scoped3A_75 : memref<!tpu.dma_semaphore, #tpu.memory_space<semaphore_mem>>)
      %dma_wait3A = arith.constant 0 : i32
      %dma_wait3A_80 = tpu.memref_slice %arg11[%add3A_19, %dma_wait3A] : memref<20480x64xf32, #tpu.memory_space<vmem_shared>> -> memref<128x64xf32, #tpu.memory_space<vmem_shared>>
      %dma_wait3A_81 = arith.constant 0 : i32
      %dma_wait3A_82 = tpu.memref_slice %arg11[%add3A_19, %dma_wait3A_81] : memref<20480x64xf32, #tpu.memory_space<vmem_shared>> -> memref<128x64xf32, #tpu.memory_space<vmem_shared>>
      tpu.wait_dma2 semaphore(%run_scoped3A_75 : memref<!tpu.dma_semaphore, #tpu.memory_space<semaphore_mem>>) src(%arg7 : memref<128x64xf32, #tpu.memory_space<vmem>>) dst(%dma_wait3A_82 : memref<128x64xf32, #tpu.memory_space<vmem_shared>>)
      tpu.yield
    }) : () -> ()
    %mul3A_20 = arith.constant 1280 : i32
    %mul3A_21 = arith.muli %arg1, %mul3A_20 : i32
    %add3A_22 = arith.constant 512 : i32
    %add3A_23 = arith.addi %mul3A_21, %add3A_22 : i32
    "tpu.region"() ({
      %run_scoped3A_75 = tpu.sem_alloc : memref<!tpu.dma_semaphore, #tpu.memory_space<semaphore_mem>>
      %dma_start3A_76 = arith.constant 0 : i32
      %dma_start3A_77 = tpu.memref_slice %arg11[%add3A_23, %dma_start3A_76] : memref<20480x64xf32, #tpu.memory_space<vmem_shared>> -> memref<128x64xf32, #tpu.memory_space<vmem_shared>>
      %dma_start3A_78 = arith.constant 0 : i32
      %dma_start3A_79 = tpu.memref_slice %arg11[%add3A_23, %dma_start3A_78] : memref<20480x64xf32, #tpu.memory_space<vmem_shared>> -> memref<128x64xf32, #tpu.memory_space<vmem_shared>>
      tpu.enqueue_dma source(%arg7 : memref<128x64xf32, #tpu.memory_space<vmem>>) target(%dma_start3A_79 : memref<128x64xf32, #tpu.memory_space<vmem_shared>>) target_semaphore(%run_scoped3A_75 : memref<!tpu.dma_semaphore, #tpu.memory_space<semaphore_mem>>)
      %dma_wait3A = arith.constant 0 : i32
      %dma_wait3A_80 = tpu.memref_slice %arg11[%add3A_23, %dma_wait3A] : memref<20480x64xf32, #tpu.memory_space<vmem_shared>> -> memref<128x64xf32, #tpu.memory_space<vmem_shared>>
      %dma_wait3A_81 = arith.constant 0 : i32
      %dma_wait3A_82 = tpu.memref_slice %arg11[%add3A_23, %dma_wait3A_81] : memref<20480x64xf32, #tpu.memory_space<vmem_shared>> -> memref<128x64xf32, #tpu.memory_space<vmem_shared>>
      tpu.wait_dma2 semaphore(%run_scoped3A_75 : memref<!tpu.dma_semaphore, #tpu.memory_space<semaphore_mem>>) src(%arg7 : memref<128x64xf32, #tpu.memory_space<vmem>>) dst(%dma_wait3A_82 : memref<128x64xf32, #tpu.memory_space<vmem_shared>>)
      tpu.yield
    }) : () -> ()
    %mul3A_24 = arith.constant 1280 : i32
    %mul3A_25 = arith.muli %arg1, %mul3A_24 : i32
    %add3A_26 = arith.constant 640 : i32
    %add3A_27 = arith.addi %mul3A_25, %add3A_26 : i32
    "tpu.region"() ({
      %run_scoped3A_75 = tpu.sem_alloc : memref<!tpu.dma_semaphore, #tpu.memory_space<semaphore_mem>>
      %dma_start3A_76 = arith.constant 0 : i32
      %dma_start3A_77 = tpu.memref_slice %arg11[%add3A_27, %dma_start3A_76] : memref<20480x64xf32, #tpu.memory_space<vmem_shared>> -> memref<128x64xf32, #tpu.memory_space<vmem_shared>>
      %dma_start3A_78 = arith.constant 0 : i32
      %dma_start3A_79 = tpu.memref_slice %arg11[%add3A_27, %dma_start3A_78] : memref<20480x64xf32, #tpu.memory_space<vmem_shared>> -> memref<128x64xf32, #tpu.memory_space<vmem_shared>>
      tpu.enqueue_dma source(%arg7 : memref<128x64xf32, #tpu.memory_space<vmem>>) target(%dma_start3A_79 : memref<128x64xf32, #tpu.memory_space<vmem_shared>>) target_semaphore(%run_scoped3A_75 : memref<!tpu.dma_semaphore, #tpu.memory_space<semaphore_mem>>)
      %dma_wait3A = arith.constant 0 : i32
      %dma_wait3A_80 = tpu.memref_slice %arg11[%add3A_27, %dma_wait3A] : memref<20480x64xf32, #tpu.memory_space<vmem_shared>> -> memref<128x64xf32, #tpu.memory_space<vmem_shared>>
      %dma_wait3A_81 = arith.constant 0 : i32
      %dma_wait3A_82 = tpu.memref_slice %arg11[%add3A_27, %dma_wait3A_81] : memref<20480x64xf32, #tpu.memory_space<vmem_shared>> -> memref<128x64xf32, #tpu.memory_space<vmem_shared>>
      tpu.wait_dma2 semaphore(%run_scoped3A_75 : memref<!tpu.dma_semaphore, #tpu.memory_space<semaphore_mem>>) src(%arg7 : memref<128x64xf32, #tpu.memory_space<vmem>>) dst(%dma_wait3A_82 : memref<128x64xf32, #tpu.memory_space<vmem_shared>>)
      tpu.yield
    }) : () -> ()
    %mul3A_28 = arith.constant 1280 : i32
    %mul3A_29 = arith.muli %arg1, %mul3A_28 : i32
    %add3A_30 = arith.constant 768 : i32
    %add3A_31 = arith.addi %mul3A_29, %add3A_30 : i32
    "tpu.region"() ({
      %run_scoped3A_75 = tpu.sem_alloc : memref<!tpu.dma_semaphore, #tpu.memory_space<semaphore_mem>>
      %dma_start3A_76 = arith.constant 0 : i32
      %dma_start3A_77 = tpu.memref_slice %arg11[%add3A_31, %dma_start3A_76] : memref<20480x64xf32, #tpu.memory_space<vmem_shared>> -> memref<128x64xf32, #tpu.memory_space<vmem_shared>>
      %dma_start3A_78 = arith.constant 0 : i32
      %dma_start3A_79 = tpu.memref_slice %arg11[%add3A_31, %dma_start3A_78] : memref<20480x64xf32, #tpu.memory_space<vmem_shared>> -> memref<128x64xf32, #tpu.memory_space<vmem_shared>>
      tpu.enqueue_dma source(%arg7 : memref<128x64xf32, #tpu.memory_space<vmem>>) target(%dma_start3A_79 : memref<128x64xf32, #tpu.memory_space<vmem_shared>>) target_semaphore(%run_scoped3A_75 : memref<!tpu.dma_semaphore, #tpu.memory_space<semaphore_mem>>)
      %dma_wait3A = arith.constant 0 : i32
      %dma_wait3A_80 = tpu.memref_slice %arg11[%add3A_31, %dma_wait3A] : memref<20480x64xf32, #tpu.memory_space<vmem_shared>> -> memref<128x64xf32, #tpu.memory_space<vmem_shared>>
      %dma_wait3A_81 = arith.constant 0 : i32
      %dma_wait3A_82 = tpu.memref_slice %arg11[%add3A_31, %dma_wait3A_81] : memref<20480x64xf32, #tpu.memory_space<vmem_shared>> -> memref<128x64xf32, #tpu.memory_space<vmem_shared>>
      tpu.wait_dma2 semaphore(%run_scoped3A_75 : memref<!tpu.dma_semaphore, #tpu.memory_space<semaphore_mem>>) src(%arg7 : memref<128x64xf32, #tpu.memory_space<vmem>>) dst(%dma_wait3A_82 : memref<128x64xf32, #tpu.memory_space<vmem_shared>>)
      tpu.yield
    }) : () -> ()
    %mul3A_32 = arith.constant 1280 : i32
    %mul3A_33 = arith.muli %arg1, %mul3A_32 : i32
    %add3A_34 = arith.constant 896 : i32
    %add3A_35 = arith.addi %mul3A_33, %add3A_34 : i32
    "tpu.region"() ({
      %run_scoped3A_75 = tpu.sem_alloc : memref<!tpu.dma_semaphore, #tpu.memory_space<semaphore_mem>>
      %dma_start3A_76 = arith.constant 0 : i32
      %dma_start3A_77 = tpu.memref_slice %arg11[%add3A_35, %dma_start3A_76] : memref<20480x64xf32, #tpu.memory_space<vmem_shared>> -> memref<128x64xf32, #tpu.memory_space<vmem_shared>>
      %dma_start3A_78 = arith.constant 0 : i32
      %dma_start3A_79 = tpu.memref_slice %arg11[%add3A_35, %dma_start3A_78] : memref<20480x64xf32, #tpu.memory_space<vmem_shared>> -> memref<128x64xf32, #tpu.memory_space<vmem_shared>>
      tpu.enqueue_dma source(%arg7 : memref<128x64xf32, #tpu.memory_space<vmem>>) target(%dma_start3A_79 : memref<128x64xf32, #tpu.memory_space<vmem_shared>>) target_semaphore(%run_scoped3A_75 : memref<!tpu.dma_semaphore, #tpu.memory_space<semaphore_mem>>)
      %dma_wait3A = arith.constant 0 : i32
      %dma_wait3A_80 = tpu.memref_slice %arg11[%add3A_35, %dma_wait3A] : memref<20480x64xf32, #tpu.memory_space<vmem_shared>> -> memref<128x64xf32, #tpu.memory_space<vmem_shared>>
      %dma_wait3A_81 = arith.constant 0 : i32
      %dma_wait3A_82 = tpu.memref_slice %arg11[%add3A_35, %dma_wait3A_81] : memref<20480x64xf32, #tpu.memory_space<vmem_shared>> -> memref<128x64xf32, #tpu.memory_space<vmem_shared>>
      tpu.wait_dma2 semaphore(%run_scoped3A_75 : memref<!tpu.dma_semaphore, #tpu.memory_space<semaphore_mem>>) src(%arg7 : memref<128x64xf32, #tpu.memory_space<vmem>>) dst(%dma_wait3A_82 : memref<128x64xf32, #tpu.memory_space<vmem_shared>>)
      tpu.yield
    }) : () -> ()
    %mul3A_36 = arith.constant 1280 : i32
    %mul3A_37 = arith.muli %arg1, %mul3A_36 : i32
    %add3A_38 = arith.constant 1024 : i32
    %add3A_39 = arith.addi %mul3A_37, %add3A_38 : i32
    "tpu.region"() ({
      %run_scoped3A_75 = tpu.sem_alloc : memref<!tpu.dma_semaphore, #tpu.memory_space<semaphore_mem>>
      %dma_start3A_76 = arith.constant 0 : i32
      %dma_start3A_77 = tpu.memref_slice %arg11[%add3A_39, %dma_start3A_76] : memref<20480x64xf32, #tpu.memory_space<vmem_shared>> -> memref<128x64xf32, #tpu.memory_space<vmem_shared>>
      %dma_start3A_78 = arith.constant 0 : i32
      %dma_start3A_79 = tpu.memref_slice %arg11[%add3A_39, %dma_start3A_78] : memref<20480x64xf32, #tpu.memory_space<vmem_shared>> -> memref<128x64xf32, #tpu.memory_space<vmem_shared>>
      tpu.enqueue_dma source(%arg7 : memref<128x64xf32, #tpu.memory_space<vmem>>) target(%dma_start3A_79 : memref<128x64xf32, #tpu.memory_space<vmem_shared>>) target_semaphore(%run_scoped3A_75 : memref<!tpu.dma_semaphore, #tpu.memory_space<semaphore_mem>>)
      %dma_wait3A = arith.constant 0 : i32
      %dma_wait3A_80 = tpu.memref_slice %arg11[%add3A_39, %dma_wait3A] : memref<20480x64xf32, #tpu.memory_space<vmem_shared>> -> memref<128x64xf32, #tpu.memory_space<vmem_shared>>
      %dma_wait3A_81 = arith.constant 0 : i32
      %dma_wait3A_82 = tpu.memref_slice %arg11[%add3A_39, %dma_wait3A_81] : memref<20480x64xf32, #tpu.memory_space<vmem_shared>> -> memref<128x64xf32, #tpu.memory_space<vmem_shared>>
      tpu.wait_dma2 semaphore(%run_scoped3A_75 : memref<!tpu.dma_semaphore, #tpu.memory_space<semaphore_mem>>) src(%arg7 : memref<128x64xf32, #tpu.memory_space<vmem>>) dst(%dma_wait3A_82 : memref<128x64xf32, #tpu.memory_space<vmem_shared>>)
      tpu.yield
    }) : () -> ()
    %mul3A_40 = arith.constant 1280 : i32
    %mul3A_41 = arith.muli %arg1, %mul3A_40 : i32
    %add3A_42 = arith.constant 1152 : i32
    %add3A_43 = arith.addi %mul3A_41, %add3A_42 : i32
    "tpu.region"() ({
      %run_scoped3A_75 = tpu.sem_alloc : memref<!tpu.dma_semaphore, #tpu.memory_space<semaphore_mem>>
      %dma_start3A_76 = arith.constant 0 : i32
      %dma_start3A_77 = tpu.memref_slice %arg11[%add3A_43, %dma_start3A_76] : memref<20480x64xf32, #tpu.memory_space<vmem_shared>> -> memref<128x64xf32, #tpu.memory_space<vmem_shared>>
      %dma_start3A_78 = arith.constant 0 : i32
      %dma_start3A_79 = tpu.memref_slice %arg11[%add3A_43, %dma_start3A_78] : memref<20480x64xf32, #tpu.memory_space<vmem_shared>> -> memref<128x64xf32, #tpu.memory_space<vmem_shared>>
      tpu.enqueue_dma source(%arg7 : memref<128x64xf32, #tpu.memory_space<vmem>>) target(%dma_start3A_79 : memref<128x64xf32, #tpu.memory_space<vmem_shared>>) target_semaphore(%run_scoped3A_75 : memref<!tpu.dma_semaphore, #tpu.memory_space<semaphore_mem>>)
      %dma_wait3A = arith.constant 0 : i32
      %dma_wait3A_80 = tpu.memref_slice %arg11[%add3A_43, %dma_wait3A] : memref<20480x64xf32, #tpu.memory_space<vmem_shared>> -> memref<128x64xf32, #tpu.memory_space<vmem_shared>>
      %dma_wait3A_81 = arith.constant 0 : i32
      %dma_wait3A_82 = tpu.memref_slice %arg11[%add3A_43, %dma_wait3A_81] : memref<20480x64xf32, #tpu.memory_space<vmem_shared>> -> memref<128x64xf32, #tpu.memory_space<vmem_shared>>
      tpu.wait_dma2 semaphore(%run_scoped3A_75 : memref<!tpu.dma_semaphore, #tpu.memory_space<semaphore_mem>>) src(%arg7 : memref<128x64xf32, #tpu.memory_space<vmem>>) dst(%dma_wait3A_82 : memref<128x64xf32, #tpu.memory_space<vmem_shared>>)
      tpu.yield
    }) : () -> ()
    %barrier3A = arith.constant 0 : index
    tpu.barrier barrier_id(%barrier3A)
    %mul3A_44 = arith.constant 16 : i32
    %mul3A_45 = arith.muli %arg0, %mul3A_44 : i32
    %add3A_46 = arith.addi %mul3A_45, %arg1 : i32
    %mul3A_47 = arith.constant 64 : i32
    %mul3A_48 = arith.muli %add3A_46, %mul3A_47 : i32
    %run_scoped3A = arith.constant 0 : i32
    "tpu.region"() ({
      %run_scoped3A_75 = tpu.sem_alloc : memref<!tpu.dma_semaphore, #tpu.memory_space<semaphore_mem>>
      %dma_start3A_76 = arith.constant 0 : i32
      %dma_start3A_77 = tpu.memref_slice %arg2[%run_scoped3A, %mul3A_48, %dma_start3A_76] : memref<2x2048x128xi32, #tpu.memory_space<hbm>> -> memref<1x64x128xi32, #tpu.memory_space<hbm>>
      %dma_start3A_78 = tpu.memref_squeeze %dma_start3A_77 : memref<1x64x128xi32, #tpu.memory_space<hbm>> -> memref<64x128xi32, #tpu.memory_space<hbm>>
      %dma_start3A_79 = arith.constant 0 : i32
      %dma_start3A_80 = tpu.memref_slice %arg2[%run_scoped3A, %mul3A_48, %dma_start3A_79] : memref<2x2048x128xi32, #tpu.memory_space<hbm>> -> memref<1x64x128xi32, #tpu.memory_space<hbm>>
      %dma_start3A_81 = tpu.memref_squeeze %dma_start3A_80 : memref<1x64x128xi32, #tpu.memory_space<hbm>> -> memref<64x128xi32, #tpu.memory_space<hbm>>
      tpu.enqueue_dma source(%dma_start3A_81 : memref<64x128xi32, #tpu.memory_space<hbm>>) target(%arg5 : memref<64x128xi32, #tpu.memory_space<vmem>>) target_semaphore(%run_scoped3A_75 : memref<!tpu.dma_semaphore, #tpu.memory_space<semaphore_mem>>)
      %dma_wait3A = arith.constant 0 : i32
      %dma_wait3A_82 = tpu.memref_slice %arg2[%run_scoped3A, %mul3A_48, %dma_wait3A] : memref<2x2048x128xi32, #tpu.memory_space<hbm>> -> memref<1x64x128xi32, #tpu.memory_space<hbm>>
      %dma_wait3A_83 = tpu.memref_squeeze %dma_wait3A_82 : memref<1x64x128xi32, #tpu.memory_space<hbm>> -> memref<64x128xi32, #tpu.memory_space<hbm>>
      %dma_wait3A_84 = arith.constant 0 : i32
      %dma_wait3A_85 = tpu.memref_slice %arg2[%run_scoped3A, %mul3A_48, %dma_wait3A_84] : memref<2x2048x128xi32, #tpu.memory_space<hbm>> -> memref<1x64x128xi32, #tpu.memory_space<hbm>>
      %dma_wait3A_86 = tpu.memref_squeeze %dma_wait3A_85 : memref<1x64x128xi32, #tpu.memory_space<hbm>> -> memref<64x128xi32, #tpu.memory_space<hbm>>
      tpu.wait_dma2 semaphore(%run_scoped3A_75 : memref<!tpu.dma_semaphore, #tpu.memory_space<semaphore_mem>>) src(%dma_wait3A_86 : memref<64x128xi32, #tpu.memory_space<hbm>>) dst(%arg5 : memref<64x128xi32, #tpu.memory_space<vmem>>)
      tpu.yield
    }) : () -> ()
    %run_scoped3A_49 = arith.constant 1 : i32
    "tpu.region"() ({
      %run_scoped3A_75 = tpu.sem_alloc : memref<!tpu.dma_semaphore, #tpu.memory_space<semaphore_mem>>
      %dma_start3A_76 = arith.constant 0 : i32
      %dma_start3A_77 = tpu.memref_slice %arg2[%run_scoped3A_49, %mul3A_48, %dma_start3A_76] : memref<2x2048x128xi32, #tpu.memory_space<hbm>> -> memref<1x64x128xi32, #tpu.memory_space<hbm>>
      %dma_start3A_78 = tpu.memref_squeeze %dma_start3A_77 : memref<1x64x128xi32, #tpu.memory_space<hbm>> -> memref<64x128xi32, #tpu.memory_space<hbm>>
      %dma_start3A_79 = arith.constant 0 : i32
      %dma_start3A_80 = tpu.memref_slice %arg2[%run_scoped3A_49, %mul3A_48, %dma_start3A_79] : memref<2x2048x128xi32, #tpu.memory_space<hbm>> -> memref<1x64x128xi32, #tpu.memory_space<hbm>>
      %dma_start3A_81 = tpu.memref_squeeze %dma_start3A_80 : memref<1x64x128xi32, #tpu.memory_space<hbm>> -> memref<64x128xi32, #tpu.memory_space<hbm>>
      tpu.enqueue_dma source(%dma_start3A_81 : memref<64x128xi32, #tpu.memory_space<hbm>>) target(%arg6 : memref<64x128xi32, #tpu.memory_space<vmem>>) target_semaphore(%run_scoped3A_75 : memref<!tpu.dma_semaphore, #tpu.memory_space<semaphore_mem>>)
      %dma_wait3A = arith.constant 0 : i32
      %dma_wait3A_82 = tpu.memref_slice %arg2[%run_scoped3A_49, %mul3A_48, %dma_wait3A] : memref<2x2048x128xi32, #tpu.memory_space<hbm>> -> memref<1x64x128xi32, #tpu.memory_space<hbm>>
      %dma_wait3A_83 = tpu.memref_squeeze %dma_wait3A_82 : memref<1x64x128xi32, #tpu.memory_space<hbm>> -> memref<64x128xi32, #tpu.memory_space<hbm>>
      %dma_wait3A_84 = arith.constant 0 : i32
      %dma_wait3A_85 = tpu.memref_slice %arg2[%run_scoped3A_49, %mul3A_48, %dma_wait3A_84] : memref<2x2048x128xi32, #tpu.memory_space<hbm>> -> memref<1x64x128xi32, #tpu.memory_space<hbm>>
      %dma_wait3A_86 = tpu.memref_squeeze %dma_wait3A_85 : memref<1x64x128xi32, #tpu.memory_space<hbm>> -> memref<64x128xi32, #tpu.memory_space<hbm>>
      tpu.wait_dma2 semaphore(%run_scoped3A_75 : memref<!tpu.dma_semaphore, #tpu.memory_space<semaphore_mem>>) src(%dma_wait3A_86 : memref<64x128xi32, #tpu.memory_space<hbm>>) dst(%arg6 : memref<64x128xi32, #tpu.memory_space<vmem>>)
      tpu.yield
    }) : () -> ()
    %dma_start3A = arith.constant 0 : i32
    %dma_start3A_50 = arith.constant 0 : i32
    %dma_start3A_51 = tpu.memref_slice %arg5[%dma_start3A, %dma_start3A_50] : memref<64x128xi32, #tpu.memory_space<vmem>> -> memref<1x128xi32, #tpu.memory_space<vmem>>
    %dma_start3A_52 = tpu.memref_squeeze %dma_start3A_51 : memref<1x128xi32, #tpu.memory_space<vmem>> -> memref<128xi32, #tpu.memory_space<vmem>>
    %dma_start3A_53 = arith.constant 0 : i32
    %dma_start3A_54 = arith.constant 0 : i32
    %dma_start3A_55 = tpu.memref_slice %arg3[%dma_start3A_53, %dma_start3A_54] : memref<20480x64xf32, #tpu.memory_space<hbm>> -> memref<20480x64xf32, #tpu.memory_space<hbm>>
    tpu.enqueue_indirect_dma source(%dma_start3A_55 : memref<20480x64xf32, #tpu.memory_space<hbm>>) target(%arg7 : memref<128x64xf32, #tpu.memory_space<vmem>>) offsets(%dma_start3A_52 : memref<128xi32, #tpu.memory_space<vmem>>) semaphore(%arg12 : memref<!tpu.dma_semaphore, #tpu.memory_space<semaphore_mem>>)
    %dma_start3A_56 = arith.constant 0 : i32
    %dma_start3A_57 = arith.constant 0 : i32
    %dma_start3A_58 = tpu.memref_slice %arg6[%dma_start3A_56, %dma_start3A_57] : memref<64x128xi32, #tpu.memory_space<vmem>> -> memref<1x128xi32, #tpu.memory_space<vmem>>
    %dma_start3A_59 = tpu.memref_squeeze %dma_start3A_58 : memref<1x128xi32, #tpu.memory_space<vmem>> -> memref<128xi32, #tpu.memory_space<vmem>>
    %dma_start3A_60 = arith.constant 0 : i32
    %dma_start3A_61 = arith.constant 0 : i32
    %dma_start3A_62 = tpu.memref_slice %arg3[%dma_start3A_60, %dma_start3A_61] : memref<20480x64xf32, #tpu.memory_space<hbm>> -> memref<20480x64xf32, #tpu.memory_space<hbm>>
    tpu.enqueue_indirect_dma source(%dma_start3A_62 : memref<20480x64xf32, #tpu.memory_space<hbm>>) target(%arg8 : memref<128x64xf32, #tpu.memory_space<vmem>>) offsets(%dma_start3A_59 : memref<128xi32, #tpu.memory_space<vmem>>) semaphore(%arg12 : memref<!tpu.dma_semaphore, #tpu.memory_space<semaphore_mem>>)
    %scan3A_63 = arith.constant 0 : i32
    %scan3A_64 = arith.constant 0 : i32
    %scan3A_65 = arith.constant 32 : i32
    %scan3A_66 = arith.addi %scan3A_64, %scan3A_65 : i32
    %scan3A_67 = arith.constant 1 : i32
    %scan3A_68 = scf.for %scan3A_75 = %scan3A_64 to %scan3A_66 step %scan3A_67 iter_args(%scan3A_76 = %scan3A_63) -> (i32)  : i32 {
      %mul3A_77 = arith.constant 2 : i32
      %mul3A_78 = arith.muli %mul3A_77, %scan3A_75 : i32
      %mul3A_79 = arith.constant 2 : i32
      %mul3A_80 = arith.muli %mul3A_79, %scan3A_75 : i32
      %add3A_81 = arith.constant 1 : i32
      %add3A_82 = arith.addi %mul3A_80, %add3A_81 : i32
      %dma_wait3A = arith.constant 0 : i32
      %dma_wait3A_83 = arith.constant 0 : i32
      %dma_wait3A_84 = tpu.memref_slice %arg5[%dma_wait3A, %dma_wait3A_83] : memref<64x128xi32, #tpu.memory_space<vmem>> -> memref<1x128xi32, #tpu.memory_space<vmem>>
      %dma_wait3A_85 = tpu.memref_squeeze %dma_wait3A_84 : memref<1x128xi32, #tpu.memory_space<vmem>> -> memref<128xi32, #tpu.memory_space<vmem>>
      %dma_wait3A_86 = arith.constant 0 : i32
      %dma_wait3A_87 = arith.constant 0 : i32
      %dma_wait3A_88 = tpu.memref_slice %arg3[%dma_wait3A_86, %dma_wait3A_87] : memref<20480x64xf32, #tpu.memory_space<hbm>> -> memref<20480x64xf32, #tpu.memory_space<hbm>>
      tpu.wait_indirect_dma semaphore(%arg12 : memref<!tpu.dma_semaphore, #tpu.memory_space<semaphore_mem>>) src(%dma_wait3A_88 : memref<20480x64xf32, #tpu.memory_space<hbm>>) dst(%arg7 : memref<128x64xf32, #tpu.memory_space<vmem>>)
      %dma_wait3A_89 = arith.constant 0 : i32
      %dma_wait3A_90 = arith.constant 0 : i32
      %dma_wait3A_91 = tpu.memref_slice %arg6[%dma_wait3A_89, %dma_wait3A_90] : memref<64x128xi32, #tpu.memory_space<vmem>> -> memref<1x128xi32, #tpu.memory_space<vmem>>
      %dma_wait3A_92 = tpu.memref_squeeze %dma_wait3A_91 : memref<1x128xi32, #tpu.memory_space<vmem>> -> memref<128xi32, #tpu.memory_space<vmem>>
      %dma_wait3A_93 = arith.constant 0 : i32
      %dma_wait3A_94 = arith.constant 0 : i32
      %dma_wait3A_95 = tpu.memref_slice %arg3[%dma_wait3A_93, %dma_wait3A_94] : memref<20480x64xf32, #tpu.memory_space<hbm>> -> memref<20480x64xf32, #tpu.memory_space<hbm>>
      tpu.wait_indirect_dma semaphore(%arg12 : memref<!tpu.dma_semaphore, #tpu.memory_space<semaphore_mem>>) src(%dma_wait3A_95 : memref<20480x64xf32, #tpu.memory_space<hbm>>) dst(%arg8 : memref<128x64xf32, #tpu.memory_space<vmem>>)
      %dma_start3A_96 = arith.constant 0 : i32
      %dma_start3A_97 = tpu.memref_slice %arg5[%add3A_82, %dma_start3A_96] : memref<64x128xi32, #tpu.memory_space<vmem>> -> memref<1x128xi32, #tpu.memory_space<vmem>>
      %dma_start3A_98 = tpu.memref_squeeze %dma_start3A_97 : memref<1x128xi32, #tpu.memory_space<vmem>> -> memref<128xi32, #tpu.memory_space<vmem>>
      %dma_start3A_99 = arith.constant 0 : i32
      %dma_start3A_100 = arith.constant 0 : i32
      %dma_start3A_101 = tpu.memref_slice %arg3[%dma_start3A_99, %dma_start3A_100] : memref<20480x64xf32, #tpu.memory_space<hbm>> -> memref<20480x64xf32, #tpu.memory_space<hbm>>
      tpu.enqueue_indirect_dma source(%dma_start3A_101 : memref<20480x64xf32, #tpu.memory_space<hbm>>) target(%arg9 : memref<128x64xf32, #tpu.memory_space<vmem>>) offsets(%dma_start3A_98 : memref<128xi32, #tpu.memory_space<vmem>>) semaphore(%arg12 : memref<!tpu.dma_semaphore, #tpu.memory_space<semaphore_mem>>)
      %dma_start3A_102 = arith.constant 0 : i32
      %dma_start3A_103 = tpu.memref_slice %arg6[%add3A_82, %dma_start3A_102] : memref<64x128xi32, #tpu.memory_space<vmem>> -> memref<1x128xi32, #tpu.memory_space<vmem>>
      %dma_start3A_104 = tpu.memref_squeeze %dma_start3A_103 : memref<1x128xi32, #tpu.memory_space<vmem>> -> memref<128xi32, #tpu.memory_space<vmem>>
      %dma_start3A_105 = arith.constant 0 : i32
      %dma_start3A_106 = arith.constant 0 : i32
      %dma_start3A_107 = tpu.memref_slice %arg3[%dma_start3A_105, %dma_start3A_106] : memref<20480x64xf32, #tpu.memory_space<hbm>> -> memref<20480x64xf32, #tpu.memory_space<hbm>>
      tpu.enqueue_indirect_dma source(%dma_start3A_107 : memref<20480x64xf32, #tpu.memory_space<hbm>>) target(%arg10 : memref<128x64xf32, #tpu.memory_space<vmem>>) offsets(%dma_start3A_104 : memref<128xi32, #tpu.memory_space<vmem>>) semaphore(%arg12 : memref<!tpu.dma_semaphore, #tpu.memory_space<semaphore_mem>>)
      %dma_start3A_108 = arith.constant 0 : i32
      %dma_start3A_109 = tpu.memref_slice %arg6[%mul3A_78, %dma_start3A_108] : memref<64x128xi32, #tpu.memory_space<vmem>> -> memref<1x128xi32, #tpu.memory_space<vmem>>
      %dma_start3A_110 = tpu.memref_squeeze %dma_start3A_109 : memref<1x128xi32, #tpu.memory_space<vmem>> -> memref<128xi32, #tpu.memory_space<vmem>>
      %dma_start3A_111 = arith.constant 0 : i32
      %dma_start3A_112 = arith.constant 0 : i32
      %dma_start3A_113 = tpu.memref_slice %arg11[%dma_start3A_111, %dma_start3A_112] : memref<20480x64xf32, #tpu.memory_space<vmem_shared>> -> memref<20480x64xf32, #tpu.memory_space<vmem_shared>>
      tpu.enqueue_indirect_dma source(%arg7 : memref<128x64xf32, #tpu.memory_space<vmem>>) target(%dma_start3A_113 : memref<20480x64xf32, #tpu.memory_space<vmem_shared>>) offsets(%dma_start3A_110 : memref<128xi32, #tpu.memory_space<vmem>>) semaphore(%arg13 : memref<!tpu.dma_semaphore, #tpu.memory_space<semaphore_mem>>) {add = true}
      %dma_start3A_114 = arith.constant 0 : i32
      %dma_start3A_115 = tpu.memref_slice %arg5[%mul3A_78, %dma_start3A_114] : memref<64x128xi32, #tpu.memory_space<vmem>> -> memref<1x128xi32, #tpu.memory_space<vmem>>
      %dma_start3A_116 = tpu.memref_squeeze %dma_start3A_115 : memref<1x128xi32, #tpu.memory_space<vmem>> -> memref<128xi32, #tpu.memory_space<vmem>>
      %dma_start3A_117 = arith.constant 0 : i32
      %dma_start3A_118 = arith.constant 0 : i32
      %dma_start3A_119 = tpu.memref_slice %arg11[%dma_start3A_117, %dma_start3A_118] : memref<20480x64xf32, #tpu.memory_space<vmem_shared>> -> memref<20480x64xf32, #tpu.memory_space<vmem_shared>>
      tpu.enqueue_indirect_dma source(%arg8 : memref<128x64xf32, #tpu.memory_space<vmem>>) target(%dma_start3A_119 : memref<20480x64xf32, #tpu.memory_space<vmem_shared>>) offsets(%dma_start3A_116 : memref<128xi32, #tpu.memory_space<vmem>>) semaphore(%arg13 : memref<!tpu.dma_semaphore, #tpu.memory_space<semaphore_mem>>) {add = true}
      %dma_wait3A_120 = arith.constant 0 : i32
      %dma_wait3A_121 = arith.constant 0 : i32
      %dma_wait3A_122 = tpu.memref_slice %arg5[%dma_wait3A_120, %dma_wait3A_121] : memref<64x128xi32, #tpu.memory_space<vmem>> -> memref<1x128xi32, #tpu.memory_space<vmem>>
      %dma_wait3A_123 = tpu.memref_squeeze %dma_wait3A_122 : memref<1x128xi32, #tpu.memory_space<vmem>> -> memref<128xi32, #tpu.memory_space<vmem>>
      %dma_wait3A_124 = arith.constant 0 : i32
      %dma_wait3A_125 = arith.constant 0 : i32
      %dma_wait3A_126 = tpu.memref_slice %arg3[%dma_wait3A_124, %dma_wait3A_125] : memref<20480x64xf32, #tpu.memory_space<hbm>> -> memref<20480x64xf32, #tpu.memory_space<hbm>>
      tpu.wait_indirect_dma semaphore(%arg12 : memref<!tpu.dma_semaphore, #tpu.memory_space<semaphore_mem>>) src(%dma_wait3A_126 : memref<20480x64xf32, #tpu.memory_space<hbm>>) dst(%arg9 : memref<128x64xf32, #tpu.memory_space<vmem>>)
      %dma_wait3A_127 = arith.constant 0 : i32
      %dma_wait3A_128 = arith.constant 0 : i32
      %dma_wait3A_129 = tpu.memref_slice %arg6[%dma_wait3A_127, %dma_wait3A_128] : memref<64x128xi32, #tpu.memory_space<vmem>> -> memref<1x128xi32, #tpu.memory_space<vmem>>
      %dma_wait3A_130 = tpu.memref_squeeze %dma_wait3A_129 : memref<1x128xi32, #tpu.memory_space<vmem>> -> memref<128xi32, #tpu.memory_space<vmem>>
      %dma_wait3A_131 = arith.constant 0 : i32
      %dma_wait3A_132 = arith.constant 0 : i32
      %dma_wait3A_133 = tpu.memref_slice %arg3[%dma_wait3A_131, %dma_wait3A_132] : memref<20480x64xf32, #tpu.memory_space<hbm>> -> memref<20480x64xf32, #tpu.memory_space<hbm>>
      tpu.wait_indirect_dma semaphore(%arg12 : memref<!tpu.dma_semaphore, #tpu.memory_space<semaphore_mem>>) src(%dma_wait3A_133 : memref<20480x64xf32, #tpu.memory_space<hbm>>) dst(%arg10 : memref<128x64xf32, #tpu.memory_space<vmem>>)
      %dma_start3A_134 = arith.constant 0 : i32
      %dma_start3A_135 = tpu.memref_slice %arg6[%add3A_82, %dma_start3A_134] : memref<64x128xi32, #tpu.memory_space<vmem>> -> memref<1x128xi32, #tpu.memory_space<vmem>>
      %dma_start3A_136 = tpu.memref_squeeze %dma_start3A_135 : memref<1x128xi32, #tpu.memory_space<vmem>> -> memref<128xi32, #tpu.memory_space<vmem>>
      %dma_start3A_137 = arith.constant 0 : i32
      %dma_start3A_138 = arith.constant 0 : i32
      %dma_start3A_139 = tpu.memref_slice %arg11[%dma_start3A_137, %dma_start3A_138] : memref<20480x64xf32, #tpu.memory_space<vmem_shared>> -> memref<20480x64xf32, #tpu.memory_space<vmem_shared>>
      tpu.enqueue_indirect_dma source(%arg9 : memref<128x64xf32, #tpu.memory_space<vmem>>) target(%dma_start3A_139 : memref<20480x64xf32, #tpu.memory_space<vmem_shared>>) offsets(%dma_start3A_136 : memref<128xi32, #tpu.memory_space<vmem>>) semaphore(%arg13 : memref<!tpu.dma_semaphore, #tpu.memory_space<semaphore_mem>>) {add = true}
      %dma_start3A_140 = arith.constant 0 : i32
      %dma_start3A_141 = tpu.memref_slice %arg5[%add3A_82, %dma_start3A_140] : memref<64x128xi32, #tpu.memory_space<vmem>> -> memref<1x128xi32, #tpu.memory_space<vmem>>
      %dma_start3A_142 = tpu.memref_squeeze %dma_start3A_141 : memref<1x128xi32, #tpu.memory_space<vmem>> -> memref<128xi32, #tpu.memory_space<vmem>>
      %dma_start3A_143 = arith.constant 0 : i32
      %dma_start3A_144 = arith.constant 0 : i32
      %dma_start3A_145 = tpu.memref_slice %arg11[%dma_start3A_143, %dma_start3A_144] : memref<20480x64xf32, #tpu.memory_space<vmem_shared>> -> memref<20480x64xf32, #tpu.memory_space<vmem_shared>>
      tpu.enqueue_indirect_dma source(%arg10 : memref<128x64xf32, #tpu.memory_space<vmem>>) target(%dma_start3A_145 : memref<20480x64xf32, #tpu.memory_space<vmem_shared>>) offsets(%dma_start3A_142 : memref<128xi32, #tpu.memory_space<vmem>>) semaphore(%arg13 : memref<!tpu.dma_semaphore, #tpu.memory_space<semaphore_mem>>) {add = true}
      %dma_wait3A_146 = arith.constant 0 : i32
      %dma_wait3A_147 = arith.constant 0 : i32
      %dma_wait3A_148 = tpu.memref_slice %arg6[%dma_wait3A_146, %dma_wait3A_147] : memref<64x128xi32, #tpu.memory_space<vmem>> -> memref<1x128xi32, #tpu.memory_space<vmem>>
      %dma_wait3A_149 = tpu.memref_squeeze %dma_wait3A_148 : memref<1x128xi32, #tpu.memory_space<vmem>> -> memref<128xi32, #tpu.memory_space<vmem>>
      %dma_wait3A_150 = arith.constant 0 : i32
      %dma_wait3A_151 = arith.constant 0 : i32
      %dma_wait3A_152 = tpu.memref_slice %arg11[%dma_wait3A_150, %dma_wait3A_151] : memref<20480x64xf32, #tpu.memory_space<vmem_shared>> -> memref<20480x64xf32, #tpu.memory_space<vmem_shared>>
      tpu.wait_indirect_dma semaphore(%arg13 : memref<!tpu.dma_semaphore, #tpu.memory_space<semaphore_mem>>) src(%arg7 : memref<128x64xf32, #tpu.memory_space<vmem>>) dst(%dma_wait3A_152 : memref<20480x64xf32, #tpu.memory_space<vmem_shared>>)
      %dma_wait3A_153 = arith.constant 0 : i32
      %dma_wait3A_154 = arith.constant 0 : i32
      %dma_wait3A_155 = tpu.memref_slice %arg5[%dma_wait3A_153, %dma_wait3A_154] : memref<64x128xi32, #tpu.memory_space<vmem>> -> memref<1x128xi32, #tpu.memory_space<vmem>>
      %dma_wait3A_156 = tpu.memref_squeeze %dma_wait3A_155 : memref<1x128xi32, #tpu.memory_space<vmem>> -> memref<128xi32, #tpu.memory_space<vmem>>
      %dma_wait3A_157 = arith.constant 0 : i32
      %dma_wait3A_158 = arith.constant 0 : i32
      %dma_wait3A_159 = tpu.memref_slice %arg11[%dma_wait3A_157, %dma_wait3A_158] : memref<20480x64xf32, #tpu.memory_space<vmem_shared>> -> memref<20480x64xf32, #tpu.memory_space<vmem_shared>>
      tpu.wait_indirect_dma semaphore(%arg13 : memref<!tpu.dma_semaphore, #tpu.memory_space<semaphore_mem>>) src(%arg8 : memref<128x64xf32, #tpu.memory_space<vmem>>) dst(%dma_wait3A_159 : memref<20480x64xf32, #tpu.memory_space<vmem_shared>>)
      %lt3A = arith.constant 31 : i32
      %lt3A_160 = arith.cmpi slt, %scan3A_75, %lt3A : i32
      %convert_element_type3A = arith.extui %lt3A_160 : i1 to i32
      %cond3A = arith.constant 0 : i32
      %cond3A_161 = arith.cmpi ne, %convert_element_type3A, %cond3A : i32
      scf.if %cond3A_161 {
        %add3A_177 = arith.constant 2 : i32
        %add3A_178 = arith.addi %mul3A_78, %add3A_177 : i32
        %dma_start3A_179 = arith.constant 0 : i32
        %dma_start3A_180 = tpu.memref_slice %arg5[%add3A_178, %dma_start3A_179] : memref<64x128xi32, #tpu.memory_space<vmem>> -> memref<1x128xi32, #tpu.memory_space<vmem>>
        %dma_start3A_181 = tpu.memref_squeeze %dma_start3A_180 : memref<1x128xi32, #tpu.memory_space<vmem>> -> memref<128xi32, #tpu.memory_space<vmem>>
        %dma_start3A_182 = arith.constant 0 : i32
        %dma_start3A_183 = arith.constant 0 : i32
        %dma_start3A_184 = tpu.memref_slice %arg3[%dma_start3A_182, %dma_start3A_183] : memref<20480x64xf32, #tpu.memory_space<hbm>> -> memref<20480x64xf32, #tpu.memory_space<hbm>>
        tpu.enqueue_indirect_dma source(%dma_start3A_184 : memref<20480x64xf32, #tpu.memory_space<hbm>>) target(%arg7 : memref<128x64xf32, #tpu.memory_space<vmem>>) offsets(%dma_start3A_181 : memref<128xi32, #tpu.memory_space<vmem>>) semaphore(%arg12 : memref<!tpu.dma_semaphore, #tpu.memory_space<semaphore_mem>>)
        %dma_start3A_185 = arith.constant 0 : i32
        %dma_start3A_186 = tpu.memref_slice %arg6[%add3A_178, %dma_start3A_185] : memref<64x128xi32, #tpu.memory_space<vmem>> -> memref<1x128xi32, #tpu.memory_space<vmem>>
        %dma_start3A_187 = tpu.memref_squeeze %dma_start3A_186 : memref<1x128xi32, #tpu.memory_space<vmem>> -> memref<128xi32, #tpu.memory_space<vmem>>
        %dma_start3A_188 = arith.constant 0 : i32
        %dma_start3A_189 = arith.constant 0 : i32
        %dma_start3A_190 = tpu.memref_slice %arg3[%dma_start3A_188, %dma_start3A_189] : memref<20480x64xf32, #tpu.memory_space<hbm>> -> memref<20480x64xf32, #tpu.memory_space<hbm>>
        tpu.enqueue_indirect_dma source(%dma_start3A_190 : memref<20480x64xf32, #tpu.memory_space<hbm>>) target(%arg8 : memref<128x64xf32, #tpu.memory_space<vmem>>) offsets(%dma_start3A_187 : memref<128xi32, #tpu.memory_space<vmem>>) semaphore(%arg12 : memref<!tpu.dma_semaphore, #tpu.memory_space<semaphore_mem>>)
      } else {
      }
      %dma_wait3A_162 = arith.constant 0 : i32
      %dma_wait3A_163 = arith.constant 0 : i32
      %dma_wait3A_164 = tpu.memref_slice %arg6[%dma_wait3A_162, %dma_wait3A_163] : memref<64x128xi32, #tpu.memory_space<vmem>> -> memref<1x128xi32, #tpu.memory_space<vmem>>
      %dma_wait3A_165 = tpu.memref_squeeze %dma_wait3A_164 : memref<1x128xi32, #tpu.memory_space<vmem>> -> memref<128xi32, #tpu.memory_space<vmem>>
      %dma_wait3A_166 = arith.constant 0 : i32
      %dma_wait3A_167 = arith.constant 0 : i32
      %dma_wait3A_168 = tpu.memref_slice %arg11[%dma_wait3A_166, %dma_wait3A_167] : memref<20480x64xf32, #tpu.memory_space<vmem_shared>> -> memref<20480x64xf32, #tpu.memory_space<vmem_shared>>
      tpu.wait_indirect_dma semaphore(%arg13 : memref<!tpu.dma_semaphore, #tpu.memory_space<semaphore_mem>>) src(%arg9 : memref<128x64xf32, #tpu.memory_space<vmem>>) dst(%dma_wait3A_168 : memref<20480x64xf32, #tpu.memory_space<vmem_shared>>)
      %dma_wait3A_169 = arith.constant 0 : i32
      %dma_wait3A_170 = arith.constant 0 : i32
      %dma_wait3A_171 = tpu.memref_slice %arg5[%dma_wait3A_169, %dma_wait3A_170] : memref<64x128xi32, #tpu.memory_space<vmem>> -> memref<1x128xi32, #tpu.memory_space<vmem>>
      %dma_wait3A_172 = tpu.memref_squeeze %dma_wait3A_171 : memref<1x128xi32, #tpu.memory_space<vmem>> -> memref<128xi32, #tpu.memory_space<vmem>>
      %dma_wait3A_173 = arith.constant 0 : i32
      %dma_wait3A_174 = arith.constant 0 : i32
      %dma_wait3A_175 = tpu.memref_slice %arg11[%dma_wait3A_173, %dma_wait3A_174] : memref<20480x64xf32, #tpu.memory_space<vmem_shared>> -> memref<20480x64xf32, #tpu.memory_space<vmem_shared>>
      tpu.wait_indirect_dma semaphore(%arg13 : memref<!tpu.dma_semaphore, #tpu.memory_space<semaphore_mem>>) src(%arg10 : memref<128x64xf32, #tpu.memory_space<vmem>>) dst(%dma_wait3A_175 : memref<20480x64xf32, #tpu.memory_space<vmem_shared>>)
      %scan3A_176 = arith.constant 0 : i32
      scf.yield %scan3A_176 : i32
    }
    %scan3A_69 = arith.constant 32 : i32
    %barrier3A_70 = arith.constant 0 : index
    tpu.barrier barrier_id(%barrier3A_70)
    %mul3A_71 = arith.constant 1280 : i32
    %mul3A_72 = arith.muli %arg1, %mul3A_71 : i32
    %mul3A_73 = arith.constant 1280 : i32
    %mul3A_74 = arith.muli %arg1, %mul3A_73 : i32
    "tpu.region"() ({
      %run_scoped3A_75 = tpu.sem_alloc : memref<!tpu.dma_semaphore, #tpu.memory_space<semaphore_mem>>
      %dma_start3A_76 = arith.constant 0 : i32
      %dma_start3A_77 = tpu.memref_slice %arg4[%arg0, %mul3A_74, %dma_start3A_76] : memref<2x20480x64xf32, #tpu.memory_space<hbm>> -> memref<1x1280x64xf32, #tpu.memory_space<hbm>>
      %dma_start3A_78 = tpu.memref_squeeze %dma_start3A_77 : memref<1x1280x64xf32, #tpu.memory_space<hbm>> -> memref<1280x64xf32, #tpu.memory_space<hbm>>
      %dma_start3A_79 = arith.constant 0 : i32
      %dma_start3A_80 = tpu.memref_slice %arg11[%mul3A_72, %dma_start3A_79] : memref<20480x64xf32, #tpu.memory_space<vmem_shared>> -> memref<1280x64xf32, #tpu.memory_space<vmem_shared>>
      tpu.enqueue_dma source(%dma_start3A_80 : memref<1280x64xf32, #tpu.memory_space<vmem_shared>>) target(%dma_start3A_78 : memref<1280x64xf32, #tpu.memory_space<hbm>>) target_semaphore(%run_scoped3A_75 : memref<!tpu.dma_semaphore, #tpu.memory_space<semaphore_mem>>)
      %dma_wait3A = arith.constant 0 : i32
      %dma_wait3A_81 = tpu.memref_slice %arg4[%arg0, %mul3A_74, %dma_wait3A] : memref<2x20480x64xf32, #tpu.memory_space<hbm>> -> memref<1x1280x64xf32, #tpu.memory_space<hbm>>
      %dma_wait3A_82 = tpu.memref_squeeze %dma_wait3A_81 : memref<1x1280x64xf32, #tpu.memory_space<hbm>> -> memref<1280x64xf32, #tpu.memory_space<hbm>>
      %dma_wait3A_83 = arith.constant 0 : i32
      %dma_wait3A_84 = tpu.memref_slice %arg11[%mul3A_72, %dma_wait3A_83] : memref<20480x64xf32, #tpu.memory_space<vmem_shared>> -> memref<1280x64xf32, #tpu.memory_space<vmem_shared>>
      tpu.wait_dma2 semaphore(%run_scoped3A_75 : memref<!tpu.dma_semaphore, #tpu.memory_space<semaphore_mem>>) src(%dma_wait3A_84 : memref<1280x64xf32, #tpu.memory_space<vmem_shared>>) dst(%dma_wait3A_82 : memref<1280x64xf32, #tpu.memory_space<hbm>>)
      tpu.yield
    }) : () -> ()
    return
  }
}

module attributes {stable_mosaic.version = 14 : i64} {
  func.func @_scale_body(%arg0: i32, %arg1: memref<2048x64xf32, #tpu.memory_space<vmem>>, %arg2: memref<2048x1xf32, #tpu.memory_space<vmem>>, %arg3: memref<2048x64xf32, #tpu.memory_space<vmem>>) attributes {dimension_semantics = [#tpu.dimension_semantics<arbitrary>], iteration_bounds = array<i64: 10>, scalar_prefetch = 0 : i64, scratch_operands = 0 : i64, tpu.core_type = #tpu.core_type<tc>, window_params = [{transform_indices = @transform_0, window_bounds = array<i64: 2048, 64>}, {transform_indices = @transform_1, window_bounds = array<i64: 2048, 1>}, {transform_indices = @transform_2, window_bounds = array<i64: 2048, 64>}]} {
    %get3A = arith.constant 0 : index
    %get3A_0 = arith.constant 0 : index
    %get3A_1 = vector.load %arg1[%get3A, %get3A_0] : memref<2048x64xf32, #tpu.memory_space<vmem>>, vector<2048x64xf32>
    %get3A_2 = arith.constant 0 : index
    %get3A_3 = arith.constant 0 : index
    %get3A_4 = vector.load %arg2[%get3A_2, %get3A_3] : memref<2048x1xf32, #tpu.memory_space<vmem>>, vector<2048x1xf32>
    %mul3A = vector.broadcast %get3A_4 : vector<2048x1xf32> to vector<2048x64xf32>
    %mul3A_5 = arith.mulf %get3A_1, %mul3A : vector<2048x64xf32>
    %swap3A = arith.constant 0 : index
    %swap3A_6 = arith.constant 0 : index
    %swap3A_7 = vector.load %arg3[%swap3A, %swap3A_6] : memref<2048x64xf32, #tpu.memory_space<vmem>>, vector<2048x64xf32>
    tpu.vector_store %arg3[%swap3A, %swap3A_6], %mul3A_5 {strides = array<i32>} : memref<2048x64xf32, #tpu.memory_space<vmem>>, vector<2048x64xf32>,
    return
  }
  func.func @transform_0(%arg0: i32) -> (i32, i32) {
    %c0_i32 = arith.constant 0 : i32
    %c0_i32_0 = arith.constant 0 : i32
    return %arg0, %c0_i32 : i32, i32
  }
  func.func @transform_1(%arg0: i32) -> (i32, i32) {
    %c0_i32 = arith.constant 0 : i32
    %c0_i32_0 = arith.constant 0 : i32
    return %arg0, %c0_i32 : i32, i32
  }
  func.func @transform_2(%arg0: i32) -> (i32, i32) {
    %c0_i32 = arith.constant 0 : i32
    %c0_i32_0 = arith.constant 0 : i32
    return %arg0, %c0_i32 : i32, i32
  }
}

module attributes {stable_mosaic.version = 14 : i64} {
  func.func @_feat_body(%arg0: memref<4096x128xf32, #tpu.memory_space<vmem>>, %arg1: memref<128x64xf32, #tpu.memory_space<vmem>>, %arg2: memref<1x64xf32, #tpu.memory_space<vmem>>, %arg3: memref<4096x128xf32, #tpu.memory_space<vmem>>, %arg4: memref<128x64xf32, #tpu.memory_space<vmem>>, %arg5: memref<1x64xf32, #tpu.memory_space<vmem>>, %arg6: memref<2x4096x64xf32, #tpu.memory_space<vmem>>) attributes {dimension_semantics = [], scalar_prefetch = 0 : i64, scratch_operands = 0 : i64, tpu.core_type = #tpu.core_type<tc>} {
    %get3A = arith.constant 0 : index
    %get3A_0 = arith.constant 0 : index
    %get3A_1 = vector.load %arg0[%get3A, %get3A_0] : memref<4096x128xf32, #tpu.memory_space<vmem>>, vector<4096x128xf32>
    %get3A_2 = arith.constant 0 : index
    %get3A_3 = arith.constant 0 : index
    %get3A_4 = vector.load %arg1[%get3A_2, %get3A_3] : memref<128x64xf32, #tpu.memory_space<vmem>>, vector<128x64xf32>
    %dot_general3A = arith.constant dense<0.000000e+00> : vector<4096x64xf32>
    %dot_general3A_5 = tpu.matmul %get3A_1, %get3A_4, %dot_general3A {dimension_numbers = #tpu.dot_dimension_numbers<[1], [0], [0], [1], [0, 0, 1, 1], [], []>, transpose_lhs_hint = false} : vector<4096x128xf32>, vector<128x64xf32>, vector<4096x64xf32> -> vector<4096x64xf32>
    %get3A_6 = arith.constant 0 : index
    %get3A_7 = arith.constant 0 : index
    %get3A_8 = vector.load %arg2[%get3A_6, %get3A_7] : memref<1x64xf32, #tpu.memory_space<vmem>>, vector<1x64xf32>
    %add3A = vector.broadcast %get3A_8 : vector<1x64xf32> to vector<4096x64xf32>
    %add3A_9 = arith.addf %dot_general3A_5, %add3A : vector<4096x64xf32>
    %mul3A = arith.mulf %add3A_9, %add3A_9 : vector<4096x64xf32>
    %reduce_sum3A = arith.constant dense<0.000000e+00> : vector<4096xf32>
    %reduce_sum3A_10 = vector.multi_reduction <add>, %mul3A, %reduce_sum3A [1] : vector<4096x64xf32> to vector<4096xf32>
    %broadcast_in_dim3A = vector.shape_cast %reduce_sum3A_10 : vector<4096xf32> to vector<4096x1xf32>
    %sqrt3A = math.sqrt %broadcast_in_dim3A : vector<4096x1xf32>
    %div3A = vector.broadcast %sqrt3A : vector<4096x1xf32> to vector<4096x64xf32>
    %div3A_11 = arith.divf %add3A_9, %div3A : vector<4096x64xf32>
    %swap3A = arith.constant 0 : index
    %swap3A_12 = arith.constant 0 : index
    %swap3A_13 = arith.constant 0 : index
    %swap3A_14 = vector.load %arg6[%swap3A, %swap3A_12, %swap3A_13] : memref<2x4096x64xf32, #tpu.memory_space<vmem>>, vector<1x4096x64xf32>
    %swap3A_15 = vector.shape_cast %swap3A_14 : vector<1x4096x64xf32> to vector<4096x64xf32>
    %swap3A_16 = vector.shape_cast %div3A_11 : vector<4096x64xf32> to vector<1x4096x64xf32>
    tpu.vector_store %arg6[%swap3A, %swap3A_12, %swap3A_13], %swap3A_16 {strides = array<i32>} : memref<2x4096x64xf32, #tpu.memory_space<vmem>>, vector<1x4096x64xf32>,
    %get3A_17 = arith.constant 0 : index
    %get3A_18 = arith.constant 0 : index
    %get3A_19 = vector.load %arg3[%get3A_17, %get3A_18] : memref<4096x128xf32, #tpu.memory_space<vmem>>, vector<4096x128xf32>
    %get3A_20 = arith.constant 0 : index
    %get3A_21 = arith.constant 0 : index
    %get3A_22 = vector.load %arg4[%get3A_20, %get3A_21] : memref<128x64xf32, #tpu.memory_space<vmem>>, vector<128x64xf32>
    %dot_general3A_23 = arith.constant dense<0.000000e+00> : vector<4096x64xf32>
    %dot_general3A_24 = tpu.matmul %get3A_19, %get3A_22, %dot_general3A_23 {dimension_numbers = #tpu.dot_dimension_numbers<[1], [0], [0], [1], [0, 0, 1, 1], [], []>, transpose_lhs_hint = false} : vector<4096x128xf32>, vector<128x64xf32>, vector<4096x64xf32> -> vector<4096x64xf32>
    %get3A_25 = arith.constant 0 : index
    %get3A_26 = arith.constant 0 : index
    %get3A_27 = vector.load %arg5[%get3A_25, %get3A_26] : memref<1x64xf32, #tpu.memory_space<vmem>>, vector<1x64xf32>
    %add3A_28 = vector.broadcast %get3A_27 : vector<1x64xf32> to vector<4096x64xf32>
    %add3A_29 = arith.addf %dot_general3A_24, %add3A_28 : vector<4096x64xf32>
    %mul3A_30 = arith.mulf %add3A_29, %add3A_29 : vector<4096x64xf32>
    %reduce_sum3A_31 = arith.constant dense<0.000000e+00> : vector<4096xf32>
    %reduce_sum3A_32 = vector.multi_reduction <add>, %mul3A_30, %reduce_sum3A_31 [1] : vector<4096x64xf32> to vector<4096xf32>
    %broadcast_in_dim3A_33 = vector.shape_cast %reduce_sum3A_32 : vector<4096xf32> to vector<4096x1xf32>
    %sqrt3A_34 = math.sqrt %broadcast_in_dim3A_33 : vector<4096x1xf32>
    %div3A_35 = vector.broadcast %sqrt3A_34 : vector<4096x1xf32> to vector<4096x64xf32>
    %div3A_36 = arith.divf %add3A_29, %div3A_35 : vector<4096x64xf32>
    %swap3A_37 = arith.constant 1 : index
    %swap3A_38 = arith.constant 0 : index
    %swap3A_39 = arith.constant 0 : index
    %swap3A_40 = vector.load %arg6[%swap3A_37, %swap3A_38, %swap3A_39] : memref<2x4096x64xf32, #tpu.memory_space<vmem>>, vector<1x4096x64xf32>
    %swap3A_41 = vector.shape_cast %swap3A_40 : vector<1x4096x64xf32> to vector<4096x64xf32>
    %swap3A_42 = vector.shape_cast %div3A_36 : vector<4096x64xf32> to vector<1x4096x64xf32>
    tpu.vector_store %arg6[%swap3A_37, %swap3A_38, %swap3A_39], %swap3A_42 {strides = array<i32>} : memref<2x4096x64xf32, #tpu.memory_space<vmem>>, vector<1x4096x64xf32>,
    return
  }
}

module attributes {stable_mosaic.version = 14 : i64} {
  func.func @_topk_body(%arg0: i32, %arg1: memref<1x256x64xf32, #tpu.memory_space<vmem>>, %arg2: memref<1x4096x64xf32, #tpu.memory_space<vmem>>, %arg3: memref<256x64xf32, #tpu.memory_space<vmem>>, %arg4: memref<1x256x128xf32, #tpu.memory_space<vmem>>, %arg5: memref<1x256x128xf32, #tpu.memory_space<vmem>>, %arg6: memref<1x256x64xf32, #tpu.memory_space<vmem>>) attributes {dimension_semantics = [#tpu.dimension_semantics<arbitrary>], iteration_bounds = array<i64: 16>, scalar_prefetch = 0 : i64, scratch_operands = 0 : i64, tpu.core_type = #tpu.core_type<tc>, window_params = [{transform_indices = @transform_0, window_bounds = array<i64: 1, 256, 64>}, {transform_indices = @transform_1, window_bounds = array<i64: 1, 4096, 64>}, {transform_indices = @transform_2, window_bounds = array<i64: 256, 64>}, {transform_indices = @transform_3, window_bounds = array<i64: 1, 256, 128>}, {transform_indices = @transform_4, window_bounds = array<i64: 1, 256, 128>}, {transform_indices = @transform_5, window_bounds = array<i64: 1, 256, 64>}]} {
    %get3A = arith.constant 0 : index
    %get3A_0 = arith.constant 0 : index
    %get3A_1 = arith.constant 0 : index
    %get3A_2 = vector.load %arg1[%get3A, %get3A_0, %get3A_1] : memref<1x256x64xf32, #tpu.memory_space<vmem>>, vector<1x256x64xf32>
    %get3A_3 = vector.shape_cast %get3A_2 : vector<1x256x64xf32> to vector<256x64xf32>
    %get3A_4 = arith.constant 0 : index
    %get3A_5 = arith.constant 0 : index
    %get3A_6 = arith.constant 0 : index
    %get3A_7 = vector.load %arg2[%get3A_4, %get3A_5, %get3A_6] : memref<1x4096x64xf32, #tpu.memory_space<vmem>>, vector<1x4096x64xf32>
    %get3A_8 = vector.shape_cast %get3A_7 : vector<1x4096x64xf32> to vector<4096x64xf32>
    %dot_general3A = arith.constant dense<0.000000e+00> : vector<256x4096xf32>
    %dot_general3A_9 = tpu.matmul %get3A_3, %get3A_8, %dot_general3A {dimension_numbers = #tpu.dot_dimension_numbers<[1], [1], [0], [0], [0, 0, 1, 0], [], []>, transpose_lhs_hint = false} : vector<256x64xf32>, vector<4096x64xf32>, vector<256x4096xf32> -> vector<256x4096xf32>
    %broadcast_in_dim3A = arith.constant 0.000000e+00 : f32
    %broadcast_in_dim3A_10 = vector.broadcast %broadcast_in_dim3A : f32 to vector<256x1xf32>
    %broadcast_in_dim3A_11 = arith.constant 0x7F800000 : f32
    %broadcast_in_dim3A_12 = vector.broadcast %broadcast_in_dim3A_11 : f32 to vector<256x1xf32>
    %lt3A = vector.broadcast %broadcast_in_dim3A_12 : vector<256x1xf32> to vector<256x4096xf32>
    %lt3A_13 = arith.cmpf olt, %dot_general3A_9, %lt3A : vector<256x4096xf32>
    %jit3A = arith.constant 0xFF800000 : f32
    %broadcast_in_dim3A_14 = vector.broadcast %jit3A : f32 to vector<256x4096xf32>
    %select_n3A = arith.select %lt3A_13, %dot_general3A_9, %broadcast_in_dim3A_14 : vector<256x4096xi1>, vector<256x4096xf32>
    %reduce_max3A = arith.constant dense<0xFF800000> : vector<256xf32>
    %reduce_max3A_15 = vector.multi_reduction <maximumf>, %select_n3A, %reduce_max3A [1] : vector<256x4096xf32> to vector<256xf32>
    %broadcast_in_dim3A_16 = vector.shape_cast %reduce_max3A_15 : vector<256xf32> to vector<256x1xf32>
    %add3A = arith.addf %broadcast_in_dim3A_10, %broadcast_in_dim3A_16 : vector<256x1xf32>
    %lt3A_17 = vector.broadcast %broadcast_in_dim3A_16 : vector<256x1xf32> to vector<256x4096xf32>
    %lt3A_18 = arith.cmpf olt, %dot_general3A_9, %lt3A_17 : vector<256x4096xf32>
    %jit3A_19 = arith.constant 0xFF800000 : f32
    %broadcast_in_dim3A_20 = vector.broadcast %jit3A_19 : f32 to vector<256x4096xf32>
    %select_n3A_21 = arith.select %lt3A_18, %dot_general3A_9, %broadcast_in_dim3A_20 : vector<256x4096xi1>, vector<256x4096xf32>
    %reduce_max3A_22 = arith.constant dense<0xFF800000> : vector<256xf32>
    %reduce_max3A_23 = vector.multi_reduction <maximumf>, %select_n3A_21, %reduce_max3A_22 [1] : vector<256x4096xf32> to vector<256xf32>
    %broadcast_in_dim3A_24 = vector.shape_cast %reduce_max3A_23 : vector<256xf32> to vector<256x1xf32>
    %add3A_25 = arith.addf %add3A, %broadcast_in_dim3A_24 : vector<256x1xf32>
    %lt3A_26 = vector.broadcast %broadcast_in_dim3A_24 : vector<256x1xf32> to vector<256x4096xf32>
    %lt3A_27 = arith.cmpf olt, %dot_general3A_9, %lt3A_26 : vector<256x4096xf32>
    %jit3A_28 = arith.constant 0xFF800000 : f32
    %broadcast_in_dim3A_29 = vector.broadcast %jit3A_28 : f32 to vector<256x4096xf32>
    %select_n3A_30 = arith.select %lt3A_27, %dot_general3A_9, %broadcast_in_dim3A_29 : vector<256x4096xi1>, vector<256x4096xf32>
    %reduce_max3A_31 = arith.constant dense<0xFF800000> : vector<256xf32>
    %reduce_max3A_32 = vector.multi_reduction <maximumf>, %select_n3A_30, %reduce_max3A_31 [1] : vector<256x4096xf32> to vector<256xf32>
    %broadcast_in_dim3A_33 = vector.shape_cast %reduce_max3A_32 : vector<256xf32> to vector<256x1xf32>
    %add3A_34 = arith.addf %add3A_25, %broadcast_in_dim3A_33 : vector<256x1xf32>
    %lt3A_35 = vector.broadcast %broadcast_in_dim3A_33 : vector<256x1xf32> to vector<256x4096xf32>
    %lt3A_36 = arith.cmpf olt, %dot_general3A_9, %lt3A_35 : vector<256x4096xf32>
    %jit3A_37 = arith.constant 0xFF800000 : f32
    %broadcast_in_dim3A_38 = vector.broadcast %jit3A_37 : f32 to vector<256x4096xf32>
    %select_n3A_39 = arith.select %lt3A_36, %dot_general3A_9, %broadcast_in_dim3A_38 : vector<256x4096xi1>, vector<256x4096xf32>
    %reduce_max3A_40 = arith.constant dense<0xFF800000> : vector<256xf32>
    %reduce_max3A_41 = vector.multi_reduction <maximumf>, %select_n3A_39, %reduce_max3A_40 [1] : vector<256x4096xf32> to vector<256xf32>
    %broadcast_in_dim3A_42 = vector.shape_cast %reduce_max3A_41 : vector<256xf32> to vector<256x1xf32>
    %add3A_43 = arith.addf %add3A_34, %broadcast_in_dim3A_42 : vector<256x1xf32>
    %lt3A_44 = vector.broadcast %broadcast_in_dim3A_42 : vector<256x1xf32> to vector<256x4096xf32>
    %lt3A_45 = arith.cmpf olt, %dot_general3A_9, %lt3A_44 : vector<256x4096xf32>
    %jit3A_46 = arith.constant 0xFF800000 : f32
    %broadcast_in_dim3A_47 = vector.broadcast %jit3A_46 : f32 to vector<256x4096xf32>
    %select_n3A_48 = arith.select %lt3A_45, %dot_general3A_9, %broadcast_in_dim3A_47 : vector<256x4096xi1>, vector<256x4096xf32>
    %reduce_max3A_49 = arith.constant dense<0xFF800000> : vector<256xf32>
    %reduce_max3A_50 = vector.multi_reduction <maximumf>, %select_n3A_48, %reduce_max3A_49 [1] : vector<256x4096xf32> to vector<256xf32>
    %broadcast_in_dim3A_51 = vector.shape_cast %reduce_max3A_50 : vector<256xf32> to vector<256x1xf32>
    %add3A_52 = arith.addf %add3A_43, %broadcast_in_dim3A_51 : vector<256x1xf32>
    %lt3A_53 = vector.broadcast %broadcast_in_dim3A_51 : vector<256x1xf32> to vector<256x4096xf32>
    %lt3A_54 = arith.cmpf olt, %dot_general3A_9, %lt3A_53 : vector<256x4096xf32>
    %jit3A_55 = arith.constant 0xFF800000 : f32
    %broadcast_in_dim3A_56 = vector.broadcast %jit3A_55 : f32 to vector<256x4096xf32>
    %select_n3A_57 = arith.select %lt3A_54, %dot_general3A_9, %broadcast_in_dim3A_56 : vector<256x4096xi1>, vector<256x4096xf32>
    %reduce_max3A_58 = arith.constant dense<0xFF800000> : vector<256xf32>
    %reduce_max3A_59 = vector.multi_reduction <maximumf>, %select_n3A_57, %reduce_max3A_58 [1] : vector<256x4096xf32> to vector<256xf32>
    %broadcast_in_dim3A_60 = vector.shape_cast %reduce_max3A_59 : vector<256xf32> to vector<256x1xf32>
    %add3A_61 = arith.addf %add3A_52, %broadcast_in_dim3A_60 : vector<256x1xf32>
    %lt3A_62 = vector.broadcast %broadcast_in_dim3A_60 : vector<256x1xf32> to vector<256x4096xf32>
    %lt3A_63 = arith.cmpf olt, %dot_general3A_9, %lt3A_62 : vector<256x4096xf32>
    %jit3A_64 = arith.constant 0xFF800000 : f32
    %broadcast_in_dim3A_65 = vector.broadcast %jit3A_64 : f32 to vector<256x4096xf32>
    %select_n3A_66 = arith.select %lt3A_63, %dot_general3A_9, %broadcast_in_dim3A_65 : vector<256x4096xi1>, vector<256x4096xf32>
    %reduce_max3A_67 = arith.constant dense<0xFF800000> : vector<256xf32>
    %reduce_max3A_68 = vector.multi_reduction <maximumf>, %select_n3A_66, %reduce_max3A_67 [1] : vector<256x4096xf32> to vector<256xf32>
    %broadcast_in_dim3A_69 = vector.shape_cast %reduce_max3A_68 : vector<256xf32> to vector<256x1xf32>
    %add3A_70 = arith.addf %add3A_61, %broadcast_in_dim3A_69 : vector<256x1xf32>
    %lt3A_71 = vector.broadcast %broadcast_in_dim3A_69 : vector<256x1xf32> to vector<256x4096xf32>
    %lt3A_72 = arith.cmpf olt, %dot_general3A_9, %lt3A_71 : vector<256x4096xf32>
    %jit3A_73 = arith.constant 0xFF800000 : f32
    %broadcast_in_dim3A_74 = vector.broadcast %jit3A_73 : f32 to vector<256x4096xf32>
    %select_n3A_75 = arith.select %lt3A_72, %dot_general3A_9, %broadcast_in_dim3A_74 : vector<256x4096xi1>, vector<256x4096xf32>
    %reduce_max3A_76 = arith.constant dense<0xFF800000> : vector<256xf32>
    %reduce_max3A_77 = vector.multi_reduction <maximumf>, %select_n3A_75, %reduce_max3A_76 [1] : vector<256x4096xf32> to vector<256xf32>
    %broadcast_in_dim3A_78 = vector.shape_cast %reduce_max3A_77 : vector<256xf32> to vector<256x1xf32>
    %add3A_79 = arith.addf %add3A_70, %broadcast_in_dim3A_78 : vector<256x1xf32>
    %lt3A_80 = vector.broadcast %broadcast_in_dim3A_78 : vector<256x1xf32> to vector<256x4096xf32>
    %lt3A_81 = arith.cmpf olt, %dot_general3A_9, %lt3A_80 : vector<256x4096xf32>
    %jit3A_82 = arith.constant 0xFF800000 : f32
    %broadcast_in_dim3A_83 = vector.broadcast %jit3A_82 : f32 to vector<256x4096xf32>
    %select_n3A_84 = arith.select %lt3A_81, %dot_general3A_9, %broadcast_in_dim3A_83 : vector<256x4096xi1>, vector<256x4096xf32>
    %reduce_max3A_85 = arith.constant dense<0xFF800000> : vector<256xf32>
    %reduce_max3A_86 = vector.multi_reduction <maximumf>, %select_n3A_84, %reduce_max3A_85 [1] : vector<256x4096xf32> to vector<256xf32>
    %broadcast_in_dim3A_87 = vector.shape_cast %reduce_max3A_86 : vector<256xf32> to vector<256x1xf32>
    %add3A_88 = arith.addf %add3A_79, %broadcast_in_dim3A_87 : vector<256x1xf32>
    %lt3A_89 = vector.broadcast %broadcast_in_dim3A_87 : vector<256x1xf32> to vector<256x4096xf32>
    %lt3A_90 = arith.cmpf olt, %dot_general3A_9, %lt3A_89 : vector<256x4096xf32>
    %jit3A_91 = arith.constant 0xFF800000 : f32
    %broadcast_in_dim3A_92 = vector.broadcast %jit3A_91 : f32 to vector<256x4096xf32>
    %select_n3A_93 = arith.select %lt3A_90, %dot_general3A_9, %broadcast_in_dim3A_92 : vector<256x4096xi1>, vector<256x4096xf32>
    %reduce_max3A_94 = arith.constant dense<0xFF800000> : vector<256xf32>
    %reduce_max3A_95 = vector.multi_reduction <maximumf>, %select_n3A_93, %reduce_max3A_94 [1] : vector<256x4096xf32> to vector<256xf32>
    %broadcast_in_dim3A_96 = vector.shape_cast %reduce_max3A_95 : vector<256xf32> to vector<256x1xf32>
    %add3A_97 = arith.addf %add3A_88, %broadcast_in_dim3A_96 : vector<256x1xf32>
    %lt3A_98 = vector.broadcast %broadcast_in_dim3A_96 : vector<256x1xf32> to vector<256x4096xf32>
    %lt3A_99 = arith.cmpf olt, %dot_general3A_9, %lt3A_98 : vector<256x4096xf32>
    %jit3A_100 = arith.constant 0xFF800000 : f32
    %broadcast_in_dim3A_101 = vector.broadcast %jit3A_100 : f32 to vector<256x4096xf32>
    %select_n3A_102 = arith.select %lt3A_99, %dot_general3A_9, %broadcast_in_dim3A_101 : vector<256x4096xi1>, vector<256x4096xf32>
    %reduce_max3A_103 = arith.constant dense<0xFF800000> : vector<256xf32>
    %reduce_max3A_104 = vector.multi_reduction <maximumf>, %select_n3A_102, %reduce_max3A_103 [1] : vector<256x4096xf32> to vector<256xf32>
    %broadcast_in_dim3A_105 = vector.shape_cast %reduce_max3A_104 : vector<256xf32> to vector<256x1xf32>
    %add3A_106 = arith.addf %broadcast_in_dim3A_96, %broadcast_in_dim3A_105 : vector<256x1xf32>
    %mul3A = arith.constant 5.000000e-01 : f32
    %mul3A_107 = vector.broadcast %mul3A : f32 to vector<256x1xf32>
    %mul3A_108 = arith.mulf %mul3A_107, %add3A_106 : vector<256x1xf32>
    %gt3A = arith.constant 0.000000e+00 : f32
    %gt3A_109 = vector.broadcast %gt3A : f32 to vector<256x1xf32>
    %gt3A_110 = arith.cmpf ogt, %add3A_97, %gt3A_109 : vector<256x1xf32>
    %rsqrt3A = math.rsqrt %add3A_97 : vector<256x1xf32>
    %jit3A_111 = arith.constant 0.000000e+00 : f32
    %broadcast_in_dim3A_112 = vector.broadcast %jit3A_111 : f32 to vector<256x1xf32>
    %select_n3A_113 = arith.select %gt3A_110, %rsqrt3A, %broadcast_in_dim3A_112 : vector<256x1xi1>, vector<256x1xf32>
    %broadcast_in_dim3A_114 = vector.shape_cast %mul3A_108 : vector<256x1xf32> to vector<256x1xf32>
    %broadcast_in_dim3A_115 = vector.broadcast %broadcast_in_dim3A_114 : vector<256x1xf32> to vector<256x128xf32>
    %broadcast_in_dim3A_116 = vector.shape_cast %broadcast_in_dim3A_115 : vector<256x128xf32> to vector<1x256x128xf32>
    %swap3A = arith.constant 0 : index
    %swap3A_117 = arith.constant 0 : index
    %swap3A_118 = arith.constant 0 : index
    %swap3A_119 = vector.load %arg4[%swap3A, %swap3A_117, %swap3A_118] : memref<1x256x128xf32, #tpu.memory_space<vmem>>, vector<1x256x128xf32>
    tpu.vector_store %arg4[%swap3A, %swap3A_117, %swap3A_118], %broadcast_in_dim3A_116 {strides = array<i32>} : memref<1x256x128xf32, #tpu.memory_space<vmem>>, vector<1x256x128xf32>,
    %broadcast_in_dim3A_120 = vector.shape_cast %select_n3A_113 : vector<256x1xf32> to vector<256x1xf32>
    %broadcast_in_dim3A_121 = vector.broadcast %broadcast_in_dim3A_120 : vector<256x1xf32> to vector<256x128xf32>
    %broadcast_in_dim3A_122 = vector.shape_cast %broadcast_in_dim3A_121 : vector<256x128xf32> to vector<1x256x128xf32>
    %swap3A_123 = arith.constant 0 : index
    %swap3A_124 = arith.constant 0 : index
    %swap3A_125 = arith.constant 0 : index
    %swap3A_126 = vector.load %arg5[%swap3A_123, %swap3A_124, %swap3A_125] : memref<1x256x128xf32, #tpu.memory_space<vmem>>, vector<1x256x128xf32>
    tpu.vector_store %arg5[%swap3A_123, %swap3A_124, %swap3A_125], %broadcast_in_dim3A_122 {strides = array<i32>} : memref<1x256x128xf32, #tpu.memory_space<vmem>>, vector<1x256x128xf32>,
    %get3A_127 = arith.constant 0 : index
    %get3A_128 = arith.constant 0 : index
    %get3A_129 = vector.load %arg3[%get3A_127, %get3A_128] : memref<256x64xf32, #tpu.memory_space<vmem>>, vector<256x64xf32>
    %mul3A_130 = vector.broadcast %select_n3A_113 : vector<256x1xf32> to vector<256x64xf32>
    %mul3A_131 = arith.mulf %mul3A_130, %get3A_129 : vector<256x64xf32>
    %broadcast_in_dim3A_132 = vector.shape_cast %mul3A_131 : vector<256x64xf32> to vector<1x256x64xf32>
    %swap3A_133 = arith.constant 0 : index
    %swap3A_134 = arith.constant 0 : index
    %swap3A_135 = arith.constant 0 : index
    %swap3A_136 = vector.load %arg6[%swap3A_133, %swap3A_134, %swap3A_135] : memref<1x256x64xf32, #tpu.memory_space<vmem>>, vector<1x256x64xf32>
    tpu.vector_store %arg6[%swap3A_133, %swap3A_134, %swap3A_135], %broadcast_in_dim3A_132 {strides = array<i32>} : memref<1x256x64xf32, #tpu.memory_space<vmem>>, vector<1x256x64xf32>,
    return
  }
  func.func @transform_0(%arg0: i32) -> (i32, i32, i32) {
    %c0_i32 = arith.constant 0 : i32
    %c0_i32_0 = arith.constant 0 : i32
    %c0_i32_1 = arith.constant 0 : i32
    return %c0_i32, %arg0, %c0_i32_0 : i32, i32, i32
  }
  func.func @transform_1(%arg0: i32) -> (i32, i32, i32) {
    %c0_i32 = arith.constant 0 : i32
    %c0_i32_0 = arith.constant 0 : i32
    %c0_i32_1 = arith.constant 0 : i32
    %c0_i32_2 = arith.constant 0 : i32
    return %c0_i32, %c0_i32_0, %c0_i32_1 : i32, i32, i32
  }
  func.func @transform_2(%arg0: i32) -> (i32, i32) {
    %c0_i32 = arith.constant 0 : i32
    %c0_i32_0 = arith.constant 0 : i32
    return %arg0, %c0_i32 : i32, i32
  }
  func.func @transform_3(%arg0: i32) -> (i32, i32, i32) {
    %c0_i32 = arith.constant 0 : i32
    %c0_i32_0 = arith.constant 0 : i32
    %c0_i32_1 = arith.constant 0 : i32
    return %c0_i32, %arg0, %c0_i32_0 : i32, i32, i32
  }
  func.func @transform_4(%arg0: i32) -> (i32, i32, i32) {
    %c0_i32 = arith.constant 0 : i32
    %c0_i32_0 = arith.constant 0 : i32
    %c0_i32_1 = arith.constant 0 : i32
    return %c0_i32, %arg0, %c0_i32_0 : i32, i32, i32
  }
  func.func @transform_5(%arg0: i32) -> (i32, i32, i32) {
    %c0_i32 = arith.constant 0 : i32
    %c0_i32_0 = arith.constant 0 : i32
    %c0_i32_1 = arith.constant 0 : i32
    return %c0_i32, %arg0, %c0_i32_0 : i32, i32, i32
  }
}

module attributes {stable_mosaic.version = 14 : i64} {
  func.func @_combine_body(%arg0: i32, %arg1: memref<2x2048x64xf32, #tpu.memory_space<vmem>>, %arg2: memref<2048x1xf32, #tpu.memory_space<vmem>>, %arg3: memref<2048x64xf32, #tpu.memory_space<vmem>>, %arg4: memref<2048x64xf32, #tpu.memory_space<vmem>>) attributes {dimension_semantics = [#tpu.dimension_semantics<arbitrary>], iteration_bounds = array<i64: 10>, scalar_prefetch = 0 : i64, scratch_operands = 0 : i64, tpu.core_type = #tpu.core_type<tc>, window_params = [{transform_indices = @transform_0, window_bounds = array<i64: 2, 2048, 64>}, {transform_indices = @transform_1, window_bounds = array<i64: 2048, 1>}, {transform_indices = @transform_2, window_bounds = array<i64: 2048, 64>}, {transform_indices = @transform_3, window_bounds = array<i64: 2048, 64>}]} {
    %get3A = arith.constant 0 : index
    %get3A_0 = arith.constant 0 : index
    %get3A_1 = vector.load %arg2[%get3A, %get3A_0] : memref<2048x1xf32, #tpu.memory_space<vmem>>, vector<2048x1xf32>
    %get3A_2 = arith.constant 0 : index
    %get3A_3 = arith.constant 0 : index
    %get3A_4 = arith.constant 0 : index
    %get3A_5 = vector.load %arg1[%get3A_2, %get3A_3, %get3A_4] : memref<2x2048x64xf32, #tpu.memory_space<vmem>>, vector<1x2048x64xf32>
    %get3A_6 = vector.shape_cast %get3A_5 : vector<1x2048x64xf32> to vector<2048x64xf32>
    %get3A_7 = arith.constant 1 : index
    %get3A_8 = arith.constant 0 : index
    %get3A_9 = arith.constant 0 : index
    %get3A_10 = vector.load %arg1[%get3A_7, %get3A_8, %get3A_9] : memref<2x2048x64xf32, #tpu.memory_space<vmem>>, vector<1x2048x64xf32>
    %get3A_11 = vector.shape_cast %get3A_10 : vector<1x2048x64xf32> to vector<2048x64xf32>
    %add3A = arith.addf %get3A_6, %get3A_11 : vector<2048x64xf32>
    %mul3A = vector.broadcast %get3A_1 : vector<2048x1xf32> to vector<2048x64xf32>
    %mul3A_12 = arith.mulf %add3A, %mul3A : vector<2048x64xf32>
    %swap3A = arith.constant 0 : index
    %swap3A_13 = arith.constant 0 : index
    %swap3A_14 = vector.load %arg3[%swap3A, %swap3A_13] : memref<2048x64xf32, #tpu.memory_space<vmem>>, vector<2048x64xf32>
    tpu.vector_store %arg3[%swap3A, %swap3A_13], %mul3A_12 {strides = array<i32>} : memref<2048x64xf32, #tpu.memory_space<vmem>>, vector<2048x64xf32>,
    %mul3A_15 = vector.broadcast %get3A_1 : vector<2048x1xf32> to vector<2048x64xf32>
    %mul3A_16 = arith.mulf %mul3A_12, %mul3A_15 : vector<2048x64xf32>
    %swap3A_17 = arith.constant 0 : index
    %swap3A_18 = arith.constant 0 : index
    %swap3A_19 = vector.load %arg4[%swap3A_17, %swap3A_18] : memref<2048x64xf32, #tpu.memory_space<vmem>>, vector<2048x64xf32>
    tpu.vector_store %arg4[%swap3A_17, %swap3A_18], %mul3A_16 {strides = array<i32>} : memref<2048x64xf32, #tpu.memory_space<vmem>>, vector<2048x64xf32>,
    return
  }
  func.func @transform_0(%arg0: i32) -> (i32, i32, i32) {
    %c0_i32 = arith.constant 0 : i32
    %c0_i32_0 = arith.constant 0 : i32
    %c0_i32_1 = arith.constant 0 : i32
    return %c0_i32, %arg0, %c0_i32_0 : i32, i32, i32
  }
  func.func @transform_1(%arg0: i32) -> (i32, i32) {
    %c0_i32 = arith.constant 0 : i32
    %c0_i32_0 = arith.constant 0 : i32
    return %arg0, %c0_i32 : i32, i32
  }
  func.func @transform_2(%arg0: i32) -> (i32, i32) {
    %c0_i32 = arith.constant 0 : i32
    %c0_i32_0 = arith.constant 0 : i32
    return %arg0, %c0_i32 : i32, i32
  }
  func.func @transform_3(%arg0: i32) -> (i32, i32) {
    %c0_i32 = arith.constant 0 : i32
    %c0_i32_0 = arith.constant 0 : i32
    return %arg0, %c0_i32 : i32, i32
  }
}

module attributes {stable_mosaic.version = 14 : i64} {
  func.func @_topk_body(%arg0: i32, %arg1: memref<1x256x64xf32, #tpu.memory_space<vmem>>, %arg2: memref<1x4096x64xf32, #tpu.memory_space<vmem>>, %arg3: memref<256x64xf32, #tpu.memory_space<vmem>>, %arg4: memref<1x256x128xf32, #tpu.memory_space<vmem>>, %arg5: memref<1x256x128xf32, #tpu.memory_space<vmem>>, %arg6: memref<1x256x64xf32, #tpu.memory_space<vmem>>) attributes {dimension_semantics = [#tpu.dimension_semantics<arbitrary>], iteration_bounds = array<i64: 16>, scalar_prefetch = 0 : i64, scratch_operands = 0 : i64, tpu.core_type = #tpu.core_type<tc>, window_params = [{transform_indices = @transform_0, window_bounds = array<i64: 1, 256, 64>}, {transform_indices = @transform_1, window_bounds = array<i64: 1, 4096, 64>}, {transform_indices = @transform_2, window_bounds = array<i64: 256, 64>}, {transform_indices = @transform_3, window_bounds = array<i64: 1, 256, 128>}, {transform_indices = @transform_4, window_bounds = array<i64: 1, 256, 128>}, {transform_indices = @transform_5, window_bounds = array<i64: 1, 256, 64>}]} {
    %get3A = arith.constant 0 : index
    %get3A_0 = arith.constant 0 : index
    %get3A_1 = arith.constant 0 : index
    %get3A_2 = vector.load %arg1[%get3A, %get3A_0, %get3A_1] : memref<1x256x64xf32, #tpu.memory_space<vmem>>, vector<1x256x64xf32>
    %get3A_3 = vector.shape_cast %get3A_2 : vector<1x256x64xf32> to vector<256x64xf32>
    %get3A_4 = arith.constant 0 : index
    %get3A_5 = arith.constant 0 : index
    %get3A_6 = arith.constant 0 : index
    %get3A_7 = vector.load %arg2[%get3A_4, %get3A_5, %get3A_6] : memref<1x4096x64xf32, #tpu.memory_space<vmem>>, vector<1x4096x64xf32>
    %get3A_8 = vector.shape_cast %get3A_7 : vector<1x4096x64xf32> to vector<4096x64xf32>
    %dot_general3A = arith.constant dense<0.000000e+00> : vector<256x4096xf32>
    %dot_general3A_9 = tpu.matmul %get3A_3, %get3A_8, %dot_general3A {dimension_numbers = #tpu.dot_dimension_numbers<[1], [1], [0], [0], [0, 0, 1, 0], [], []>, transpose_lhs_hint = false} : vector<256x64xf32>, vector<4096x64xf32>, vector<256x4096xf32> -> vector<256x4096xf32>
    %broadcast_in_dim3A = arith.constant 0.000000e+00 : f32
    %broadcast_in_dim3A_10 = vector.broadcast %broadcast_in_dim3A : f32 to vector<256x1xf32>
    %broadcast_in_dim3A_11 = arith.constant 0x7F800000 : f32
    %broadcast_in_dim3A_12 = vector.broadcast %broadcast_in_dim3A_11 : f32 to vector<256x1xf32>
    %lt3A = vector.broadcast %broadcast_in_dim3A_12 : vector<256x1xf32> to vector<256x4096xf32>
    %lt3A_13 = arith.cmpf olt, %dot_general3A_9, %lt3A : vector<256x4096xf32>
    %jit3A = arith.constant 0xFF800000 : f32
    %broadcast_in_dim3A_14 = vector.broadcast %jit3A : f32 to vector<256x4096xf32>
    %select_n3A = arith.select %lt3A_13, %dot_general3A_9, %broadcast_in_dim3A_14 : vector<256x4096xi1>, vector<256x4096xf32>
    %reduce_max3A = arith.constant dense<0xFF800000> : vector<256xf32>
    %reduce_max3A_15 = vector.multi_reduction <maximumf>, %select_n3A, %reduce_max3A [1] : vector<256x4096xf32> to vector<256xf32>
    %broadcast_in_dim3A_16 = vector.shape_cast %reduce_max3A_15 : vector<256xf32> to vector<256x1xf32>
    %add3A = arith.addf %broadcast_in_dim3A_10, %broadcast_in_dim3A_16 : vector<256x1xf32>
    %lt3A_17 = vector.broadcast %broadcast_in_dim3A_16 : vector<256x1xf32> to vector<256x4096xf32>
    %lt3A_18 = arith.cmpf olt, %dot_general3A_9, %lt3A_17 : vector<256x4096xf32>
    %jit3A_19 = arith.constant 0xFF800000 : f32
    %broadcast_in_dim3A_20 = vector.broadcast %jit3A_19 : f32 to vector<256x4096xf32>
    %select_n3A_21 = arith.select %lt3A_18, %dot_general3A_9, %broadcast_in_dim3A_20 : vector<256x4096xi1>, vector<256x4096xf32>
    %reduce_max3A_22 = arith.constant dense<0xFF800000> : vector<256xf32>
    %reduce_max3A_23 = vector.multi_reduction <maximumf>, %select_n3A_21, %reduce_max3A_22 [1] : vector<256x4096xf32> to vector<256xf32>
    %broadcast_in_dim3A_24 = vector.shape_cast %reduce_max3A_23 : vector<256xf32> to vector<256x1xf32>
    %add3A_25 = arith.addf %add3A, %broadcast_in_dim3A_24 : vector<256x1xf32>
    %lt3A_26 = vector.broadcast %broadcast_in_dim3A_24 : vector<256x1xf32> to vector<256x4096xf32>
    %lt3A_27 = arith.cmpf olt, %dot_general3A_9, %lt3A_26 : vector<256x4096xf32>
    %jit3A_28 = arith.constant 0xFF800000 : f32
    %broadcast_in_dim3A_29 = vector.broadcast %jit3A_28 : f32 to vector<256x4096xf32>
    %select_n3A_30 = arith.select %lt3A_27, %dot_general3A_9, %broadcast_in_dim3A_29 : vector<256x4096xi1>, vector<256x4096xf32>
    %reduce_max3A_31 = arith.constant dense<0xFF800000> : vector<256xf32>
    %reduce_max3A_32 = vector.multi_reduction <maximumf>, %select_n3A_30, %reduce_max3A_31 [1] : vector<256x4096xf32> to vector<256xf32>
    %broadcast_in_dim3A_33 = vector.shape_cast %reduce_max3A_32 : vector<256xf32> to vector<256x1xf32>
    %add3A_34 = arith.addf %add3A_25, %broadcast_in_dim3A_33 : vector<256x1xf32>
    %lt3A_35 = vector.broadcast %broadcast_in_dim3A_33 : vector<256x1xf32> to vector<256x4096xf32>
    %lt3A_36 = arith.cmpf olt, %dot_general3A_9, %lt3A_35 : vector<256x4096xf32>
    %jit3A_37 = arith.constant 0xFF800000 : f32
    %broadcast_in_dim3A_38 = vector.broadcast %jit3A_37 : f32 to vector<256x4096xf32>
    %select_n3A_39 = arith.select %lt3A_36, %dot_general3A_9, %broadcast_in_dim3A_38 : vector<256x4096xi1>, vector<256x4096xf32>
    %reduce_max3A_40 = arith.constant dense<0xFF800000> : vector<256xf32>
    %reduce_max3A_41 = vector.multi_reduction <maximumf>, %select_n3A_39, %reduce_max3A_40 [1] : vector<256x4096xf32> to vector<256xf32>
    %broadcast_in_dim3A_42 = vector.shape_cast %reduce_max3A_41 : vector<256xf32> to vector<256x1xf32>
    %add3A_43 = arith.addf %add3A_34, %broadcast_in_dim3A_42 : vector<256x1xf32>
    %lt3A_44 = vector.broadcast %broadcast_in_dim3A_42 : vector<256x1xf32> to vector<256x4096xf32>
    %lt3A_45 = arith.cmpf olt, %dot_general3A_9, %lt3A_44 : vector<256x4096xf32>
    %jit3A_46 = arith.constant 0xFF800000 : f32
    %broadcast_in_dim3A_47 = vector.broadcast %jit3A_46 : f32 to vector<256x4096xf32>
    %select_n3A_48 = arith.select %lt3A_45, %dot_general3A_9, %broadcast_in_dim3A_47 : vector<256x4096xi1>, vector<256x4096xf32>
    %reduce_max3A_49 = arith.constant dense<0xFF800000> : vector<256xf32>
    %reduce_max3A_50 = vector.multi_reduction <maximumf>, %select_n3A_48, %reduce_max3A_49 [1] : vector<256x4096xf32> to vector<256xf32>
    %broadcast_in_dim3A_51 = vector.shape_cast %reduce_max3A_50 : vector<256xf32> to vector<256x1xf32>
    %add3A_52 = arith.addf %add3A_43, %broadcast_in_dim3A_51 : vector<256x1xf32>
    %lt3A_53 = vector.broadcast %broadcast_in_dim3A_51 : vector<256x1xf32> to vector<256x4096xf32>
    %lt3A_54 = arith.cmpf olt, %dot_general3A_9, %lt3A_53 : vector<256x4096xf32>
    %jit3A_55 = arith.constant 0xFF800000 : f32
    %broadcast_in_dim3A_56 = vector.broadcast %jit3A_55 : f32 to vector<256x4096xf32>
    %select_n3A_57 = arith.select %lt3A_54, %dot_general3A_9, %broadcast_in_dim3A_56 : vector<256x4096xi1>, vector<256x4096xf32>
    %reduce_max3A_58 = arith.constant dense<0xFF800000> : vector<256xf32>
    %reduce_max3A_59 = vector.multi_reduction <maximumf>, %select_n3A_57, %reduce_max3A_58 [1] : vector<256x4096xf32> to vector<256xf32>
    %broadcast_in_dim3A_60 = vector.shape_cast %reduce_max3A_59 : vector<256xf32> to vector<256x1xf32>
    %add3A_61 = arith.addf %add3A_52, %broadcast_in_dim3A_60 : vector<256x1xf32>
    %lt3A_62 = vector.broadcast %broadcast_in_dim3A_60 : vector<256x1xf32> to vector<256x4096xf32>
    %lt3A_63 = arith.cmpf olt, %dot_general3A_9, %lt3A_62 : vector<256x4096xf32>
    %jit3A_64 = arith.constant 0xFF800000 : f32
    %broadcast_in_dim3A_65 = vector.broadcast %jit3A_64 : f32 to vector<256x4096xf32>
    %select_n3A_66 = arith.select %lt3A_63, %dot_general3A_9, %broadcast_in_dim3A_65 : vector<256x4096xi1>, vector<256x4096xf32>
    %reduce_max3A_67 = arith.constant dense<0xFF800000> : vector<256xf32>
    %reduce_max3A_68 = vector.multi_reduction <maximumf>, %select_n3A_66, %reduce_max3A_67 [1] : vector<256x4096xf32> to vector<256xf32>
    %broadcast_in_dim3A_69 = vector.shape_cast %reduce_max3A_68 : vector<256xf32> to vector<256x1xf32>
    %add3A_70 = arith.addf %add3A_61, %broadcast_in_dim3A_69 : vector<256x1xf32>
    %lt3A_71 = vector.broadcast %broadcast_in_dim3A_69 : vector<256x1xf32> to vector<256x4096xf32>
    %lt3A_72 = arith.cmpf olt, %dot_general3A_9, %lt3A_71 : vector<256x4096xf32>
    %jit3A_73 = arith.constant 0xFF800000 : f32
    %broadcast_in_dim3A_74 = vector.broadcast %jit3A_73 : f32 to vector<256x4096xf32>
    %select_n3A_75 = arith.select %lt3A_72, %dot_general3A_9, %broadcast_in_dim3A_74 : vector<256x4096xi1>, vector<256x4096xf32>
    %reduce_max3A_76 = arith.constant dense<0xFF800000> : vector<256xf32>
    %reduce_max3A_77 = vector.multi_reduction <maximumf>, %select_n3A_75, %reduce_max3A_76 [1] : vector<256x4096xf32> to vector<256xf32>
    %broadcast_in_dim3A_78 = vector.shape_cast %reduce_max3A_77 : vector<256xf32> to vector<256x1xf32>
    %add3A_79 = arith.addf %add3A_70, %broadcast_in_dim3A_78 : vector<256x1xf32>
    %lt3A_80 = vector.broadcast %broadcast_in_dim3A_78 : vector<256x1xf32> to vector<256x4096xf32>
    %lt3A_81 = arith.cmpf olt, %dot_general3A_9, %lt3A_80 : vector<256x4096xf32>
    %jit3A_82 = arith.constant 0xFF800000 : f32
    %broadcast_in_dim3A_83 = vector.broadcast %jit3A_82 : f32 to vector<256x4096xf32>
    %select_n3A_84 = arith.select %lt3A_81, %dot_general3A_9, %broadcast_in_dim3A_83 : vector<256x4096xi1>, vector<256x4096xf32>
    %reduce_max3A_85 = arith.constant dense<0xFF800000> : vector<256xf32>
    %reduce_max3A_86 = vector.multi_reduction <maximumf>, %select_n3A_84, %reduce_max3A_85 [1] : vector<256x4096xf32> to vector<256xf32>
    %broadcast_in_dim3A_87 = vector.shape_cast %reduce_max3A_86 : vector<256xf32> to vector<256x1xf32>
    %add3A_88 = arith.addf %add3A_79, %broadcast_in_dim3A_87 : vector<256x1xf32>
    %lt3A_89 = vector.broadcast %broadcast_in_dim3A_87 : vector<256x1xf32> to vector<256x4096xf32>
    %lt3A_90 = arith.cmpf olt, %dot_general3A_9, %lt3A_89 : vector<256x4096xf32>
    %jit3A_91 = arith.constant 0xFF800000 : f32
    %broadcast_in_dim3A_92 = vector.broadcast %jit3A_91 : f32 to vector<256x4096xf32>
    %select_n3A_93 = arith.select %lt3A_90, %dot_general3A_9, %broadcast_in_dim3A_92 : vector<256x4096xi1>, vector<256x4096xf32>
    %reduce_max3A_94 = arith.constant dense<0xFF800000> : vector<256xf32>
    %reduce_max3A_95 = vector.multi_reduction <maximumf>, %select_n3A_93, %reduce_max3A_94 [1] : vector<256x4096xf32> to vector<256xf32>
    %broadcast_in_dim3A_96 = vector.shape_cast %reduce_max3A_95 : vector<256xf32> to vector<256x1xf32>
    %add3A_97 = arith.addf %add3A_88, %broadcast_in_dim3A_96 : vector<256x1xf32>
    %lt3A_98 = vector.broadcast %broadcast_in_dim3A_96 : vector<256x1xf32> to vector<256x4096xf32>
    %lt3A_99 = arith.cmpf olt, %dot_general3A_9, %lt3A_98 : vector<256x4096xf32>
    %jit3A_100 = arith.constant 0xFF800000 : f32
    %broadcast_in_dim3A_101 = vector.broadcast %jit3A_100 : f32 to vector<256x4096xf32>
    %select_n3A_102 = arith.select %lt3A_99, %dot_general3A_9, %broadcast_in_dim3A_101 : vector<256x4096xi1>, vector<256x4096xf32>
    %reduce_max3A_103 = arith.constant dense<0xFF800000> : vector<256xf32>
    %reduce_max3A_104 = vector.multi_reduction <maximumf>, %select_n3A_102, %reduce_max3A_103 [1] : vector<256x4096xf32> to vector<256xf32>
    %broadcast_in_dim3A_105 = vector.shape_cast %reduce_max3A_104 : vector<256xf32> to vector<256x1xf32>
    %add3A_106 = arith.addf %broadcast_in_dim3A_96, %broadcast_in_dim3A_105 : vector<256x1xf32>
    %mul3A = arith.constant 5.000000e-01 : f32
    %mul3A_107 = vector.broadcast %mul3A : f32 to vector<256x1xf32>
    %mul3A_108 = arith.mulf %mul3A_107, %add3A_106 : vector<256x1xf32>
    %gt3A = arith.constant 0.000000e+00 : f32
    %gt3A_109 = vector.broadcast %gt3A : f32 to vector<256x1xf32>
    %gt3A_110 = arith.cmpf ogt, %add3A_97, %gt3A_109 : vector<256x1xf32>
    %rsqrt3A = math.rsqrt %add3A_97 : vector<256x1xf32>
    %jit3A_111 = arith.constant 0.000000e+00 : f32
    %broadcast_in_dim3A_112 = vector.broadcast %jit3A_111 : f32 to vector<256x1xf32>
    %select_n3A_113 = arith.select %gt3A_110, %rsqrt3A, %broadcast_in_dim3A_112 : vector<256x1xi1>, vector<256x1xf32>
    %broadcast_in_dim3A_114 = vector.shape_cast %mul3A_108 : vector<256x1xf32> to vector<256x1xf32>
    %broadcast_in_dim3A_115 = vector.broadcast %broadcast_in_dim3A_114 : vector<256x1xf32> to vector<256x128xf32>
    %broadcast_in_dim3A_116 = vector.shape_cast %broadcast_in_dim3A_115 : vector<256x128xf32> to vector<1x256x128xf32>
    %swap3A = arith.constant 0 : index
    %swap3A_117 = arith.constant 0 : index
    %swap3A_118 = arith.constant 0 : index
    %swap3A_119 = vector.load %arg4[%swap3A, %swap3A_117, %swap3A_118] : memref<1x256x128xf32, #tpu.memory_space<vmem>>, vector<1x256x128xf32>
    tpu.vector_store %arg4[%swap3A, %swap3A_117, %swap3A_118], %broadcast_in_dim3A_116 {strides = array<i32>} : memref<1x256x128xf32, #tpu.memory_space<vmem>>, vector<1x256x128xf32>,
    %broadcast_in_dim3A_120 = vector.shape_cast %select_n3A_113 : vector<256x1xf32> to vector<256x1xf32>
    %broadcast_in_dim3A_121 = vector.broadcast %broadcast_in_dim3A_120 : vector<256x1xf32> to vector<256x128xf32>
    %broadcast_in_dim3A_122 = vector.shape_cast %broadcast_in_dim3A_121 : vector<256x128xf32> to vector<1x256x128xf32>
    %swap3A_123 = arith.constant 0 : index
    %swap3A_124 = arith.constant 0 : index
    %swap3A_125 = arith.constant 0 : index
    %swap3A_126 = vector.load %arg5[%swap3A_123, %swap3A_124, %swap3A_125] : memref<1x256x128xf32, #tpu.memory_space<vmem>>, vector<1x256x128xf32>
    tpu.vector_store %arg5[%swap3A_123, %swap3A_124, %swap3A_125], %broadcast_in_dim3A_122 {strides = array<i32>} : memref<1x256x128xf32, #tpu.memory_space<vmem>>, vector<1x256x128xf32>,
    %get3A_127 = arith.constant 0 : index
    %get3A_128 = arith.constant 0 : index
    %get3A_129 = vector.load %arg3[%get3A_127, %get3A_128] : memref<256x64xf32, #tpu.memory_space<vmem>>, vector<256x64xf32>
    %mul3A_130 = vector.broadcast %select_n3A_113 : vector<256x1xf32> to vector<256x64xf32>
    %mul3A_131 = arith.mulf %mul3A_130, %get3A_129 : vector<256x64xf32>
    %broadcast_in_dim3A_132 = vector.shape_cast %mul3A_131 : vector<256x64xf32> to vector<1x256x64xf32>
    %swap3A_133 = arith.constant 0 : index
    %swap3A_134 = arith.constant 0 : index
    %swap3A_135 = arith.constant 0 : index
    %swap3A_136 = vector.load %arg6[%swap3A_133, %swap3A_134, %swap3A_135] : memref<1x256x64xf32, #tpu.memory_space<vmem>>, vector<1x256x64xf32>
    tpu.vector_store %arg6[%swap3A_133, %swap3A_134, %swap3A_135], %broadcast_in_dim3A_132 {strides = array<i32>} : memref<1x256x64xf32, #tpu.memory_space<vmem>>, vector<1x256x64xf32>,
    return
  }
  func.func @transform_0(%arg0: i32) -> (i32, i32, i32) {
    %c1_i32 = arith.constant 1 : i32
    %c0_i32 = arith.constant 0 : i32
    %c0_i32_0 = arith.constant 0 : i32
    return %c1_i32, %arg0, %c0_i32 : i32, i32, i32
  }
  func.func @transform_1(%arg0: i32) -> (i32, i32, i32) {
    %c1_i32 = arith.constant 1 : i32
    %c0_i32 = arith.constant 0 : i32
    %c0_i32_0 = arith.constant 0 : i32
    %c0_i32_1 = arith.constant 0 : i32
    return %c1_i32, %c0_i32, %c0_i32_0 : i32, i32, i32
  }
  func.func @transform_2(%arg0: i32) -> (i32, i32) {
    %c0_i32 = arith.constant 0 : i32
    %c0_i32_0 = arith.constant 0 : i32
    return %arg0, %c0_i32 : i32, i32
  }
  func.func @transform_3(%arg0: i32) -> (i32, i32, i32) {
    %c0_i32 = arith.constant 0 : i32
    %c0_i32_0 = arith.constant 0 : i32
    %c0_i32_1 = arith.constant 0 : i32
    return %c0_i32, %arg0, %c0_i32_0 : i32, i32, i32
  }
  func.func @transform_4(%arg0: i32) -> (i32, i32, i32) {
    %c0_i32 = arith.constant 0 : i32
    %c0_i32_0 = arith.constant 0 : i32
    %c0_i32_1 = arith.constant 0 : i32
    return %c0_i32, %arg0, %c0_i32_0 : i32, i32, i32
  }
  func.func @transform_5(%arg0: i32) -> (i32, i32, i32) {
    %c0_i32 = arith.constant 0 : i32
    %c0_i32_0 = arith.constant 0 : i32
    %c0_i32_1 = arith.constant 0 : i32
    return %c0_i32, %arg0, %c0_i32_0 : i32, i32, i32
  }
}

module attributes {stable_mosaic.version = 14 : i64} {
  func.func @_newspmm_body(%arg0: i32, %arg1: memref<1x256x64xf32, #tpu.memory_space<vmem>>, %arg2: memref<1x4096x64xf32, #tpu.memory_space<vmem>>, %arg3: memref<1x256x128xf32, #tpu.memory_space<vmem>>, %arg4: memref<1x256x128xf32, #tpu.memory_space<vmem>>, %arg5: memref<1x4096x64xf32, #tpu.memory_space<vmem>>, %arg6: memref<1x256x64xf32, #tpu.memory_space<vmem>>) attributes {dimension_semantics = [#tpu.dimension_semantics<arbitrary>], iteration_bounds = array<i64: 16>, scalar_prefetch = 0 : i64, scratch_operands = 0 : i64, tpu.core_type = #tpu.core_type<tc>, window_params = [{transform_indices = @transform_0, window_bounds = array<i64: 1, 256, 64>}, {transform_indices = @transform_1, window_bounds = array<i64: 1, 4096, 64>}, {transform_indices = @transform_2, window_bounds = array<i64: 1, 256, 128>}, {transform_indices = @transform_3, window_bounds = array<i64: 1, 256, 128>}, {pipeline_mode = #tpu.pipeline_mode<synchronous>, transform_indices = @transform_4, window_bounds = array<i64: 1, 4096, 64>}, {transform_indices = @transform_5, window_bounds = array<i64: 1, 256, 64>}]} {
    %get3A = arith.constant 0 : index
    %get3A_0 = arith.constant 0 : index
    %get3A_1 = arith.constant 0 : index
    %get3A_2 = vector.load %arg1[%get3A, %get3A_0, %get3A_1] : memref<1x256x64xf32, #tpu.memory_space<vmem>>, vector<1x256x64xf32>
    %get3A_3 = vector.shape_cast %get3A_2 : vector<1x256x64xf32> to vector<256x64xf32>
    %get3A_4 = arith.constant 0 : index
    %get3A_5 = arith.constant 0 : index
    %get3A_6 = arith.constant 0 : index
    %get3A_7 = vector.load %arg2[%get3A_4, %get3A_5, %get3A_6] : memref<1x4096x64xf32, #tpu.memory_space<vmem>>, vector<1x4096x64xf32>
    %get3A_8 = vector.shape_cast %get3A_7 : vector<1x4096x64xf32> to vector<4096x64xf32>
    %dot_general3A = arith.constant dense<0.000000e+00> : vector<256x4096xf32>
    %dot_general3A_9 = tpu.matmul %get3A_3, %get3A_8, %dot_general3A {dimension_numbers = #tpu.dot_dimension_numbers<[1], [1], [0], [0], [0, 0, 1, 0], [], []>, transpose_lhs_hint = false} : vector<256x64xf32>, vector<4096x64xf32>, vector<256x4096xf32> -> vector<256x4096xf32>
    %get3A_10 = arith.constant 0 : index
    %get3A_11 = arith.constant 0 : index
    %get3A_12 = arith.constant 0 : index
    %get3A_13 = vector.load %arg3[%get3A_10, %get3A_11, %get3A_12] : memref<1x256x128xf32, #tpu.memory_space<vmem>>, vector<1x256x1xf32>
    %get3A_14 = vector.shape_cast %get3A_13 : vector<1x256x1xf32> to vector<256x1xf32>
    %get3A_15 = arith.constant 0 : index
    %get3A_16 = arith.constant 0 : index
    %get3A_17 = arith.constant 0 : index
    %get3A_18 = vector.load %arg4[%get3A_15, %get3A_16, %get3A_17] : memref<1x256x128xf32, #tpu.memory_space<vmem>>, vector<1x256x1xf32>
    %get3A_19 = vector.shape_cast %get3A_18 : vector<1x256x1xf32> to vector<256x1xf32>
    %ge3A = vector.broadcast %get3A_14 : vector<256x1xf32> to vector<256x4096xf32>
    %ge3A_20 = arith.cmpf oge, %dot_general3A_9, %ge3A : vector<256x4096xf32>
    %jit3A = arith.constant 0.000000e+00 : f32
    %broadcast_in_dim3A = vector.broadcast %jit3A : f32 to vector<256x4096xf32>
    %select_n3A = arith.select %ge3A_20, %dot_general3A_9, %broadcast_in_dim3A : vector<256x4096xi1>, vector<256x4096xf32>
    %mul3A = arith.constant 1.000000e-01 : f32
    %mul3A_21 = vector.broadcast %mul3A : f32 to vector<256x1xf32>
    %mul3A_22 = arith.mulf %mul3A_21, %get3A_19 : vector<256x1xf32>
    %mul3A_23 = vector.broadcast %mul3A_22 : vector<256x1xf32> to vector<256x4096xf32>
    %mul3A_24 = arith.mulf %select_n3A, %mul3A_23 : vector<256x4096xf32>
    %get3A_25 = arith.constant 0 : index
    %get3A_26 = arith.constant 0 : index
    %get3A_27 = arith.constant 0 : index
    %get3A_28 = vector.load %arg5[%get3A_25, %get3A_26, %get3A_27] : memref<1x4096x64xf32, #tpu.memory_space<vmem>>, vector<1x4096x64xf32>
    %get3A_29 = vector.shape_cast %get3A_28 : vector<1x4096x64xf32> to vector<4096x64xf32>
    %dot_general3A_30 = arith.constant dense<0.000000e+00> : vector<256x64xf32>
    %dot_general3A_31 = tpu.matmul %mul3A_24, %get3A_29, %dot_general3A_30 {dimension_numbers = #tpu.dot_dimension_numbers<[1], [0], [0], [1], [0, 0, 1, 1], [], []>, transpose_lhs_hint = false} : vector<256x4096xf32>, vector<4096x64xf32>, vector<256x64xf32> -> vector<256x64xf32>
    %broadcast_in_dim3A_32 = vector.shape_cast %dot_general3A_31 : vector<256x64xf32> to vector<1x256x64xf32>
    %swap3A = arith.constant 0 : index
    %swap3A_33 = arith.constant 0 : index
    %swap3A_34 = arith.constant 0 : index
    %swap3A_35 = vector.load %arg6[%swap3A, %swap3A_33, %swap3A_34] : memref<1x256x64xf32, #tpu.memory_space<vmem>>, vector<1x256x64xf32>
    tpu.vector_store %arg6[%swap3A, %swap3A_33, %swap3A_34], %broadcast_in_dim3A_32 {strides = array<i32>} : memref<1x256x64xf32, #tpu.memory_space<vmem>>, vector<1x256x64xf32>,
    return
  }
  func.func @transform_0(%arg0: i32) -> (i32, i32, i32) {
    %c1_i32 = arith.constant 1 : i32
    %c0_i32 = arith.constant 0 : i32
    %c0_i32_0 = arith.constant 0 : i32
    return %c1_i32, %arg0, %c0_i32 : i32, i32, i32
  }
  func.func @transform_1(%arg0: i32) -> (i32, i32, i32) {
    %c1_i32 = arith.constant 1 : i32
    %c0_i32 = arith.constant 0 : i32
    %c0_i32_0 = arith.constant 0 : i32
    %c0_i32_1 = arith.constant 0 : i32
    return %c1_i32, %c0_i32, %c0_i32_0 : i32, i32, i32
  }
  func.func @transform_2(%arg0: i32) -> (i32, i32, i32) {
    %c0_i32 = arith.constant 0 : i32
    %c0_i32_0 = arith.constant 0 : i32
    %c0_i32_1 = arith.constant 0 : i32
    return %c0_i32, %arg0, %c0_i32_0 : i32, i32, i32
  }
  func.func @transform_3(%arg0: i32) -> (i32, i32, i32) {
    %c0_i32 = arith.constant 0 : i32
    %c0_i32_0 = arith.constant 0 : i32
    %c0_i32_1 = arith.constant 0 : i32
    return %c0_i32, %arg0, %c0_i32_0 : i32, i32, i32
  }
  func.func @transform_4(%arg0: i32) -> (i32, i32, i32) {
    %c0_i32 = arith.constant 0 : i32
    %c0_i32_0 = arith.constant 0 : i32
    %c0_i32_1 = arith.constant 0 : i32
    %c0_i32_2 = arith.constant 0 : i32
    return %c0_i32, %c0_i32_0, %c0_i32_1 : i32, i32, i32
  }
  func.func @transform_5(%arg0: i32) -> (i32, i32, i32) {
    %c0_i32 = arith.constant 0 : i32
    %c0_i32_0 = arith.constant 0 : i32
    %c0_i32_1 = arith.constant 0 : i32
    return %c0_i32, %arg0, %c0_i32_0 : i32, i32, i32
  }
}

module attributes {stable_mosaic.version = 14 : i64} {
  func.func @_newspmm_body(%arg0: i32, %arg1: memref<1x256x64xf32, #tpu.memory_space<vmem>>, %arg2: memref<1x4096x64xf32, #tpu.memory_space<vmem>>, %arg3: memref<1x256x128xf32, #tpu.memory_space<vmem>>, %arg4: memref<1x256x128xf32, #tpu.memory_space<vmem>>, %arg5: memref<1x4096x64xf32, #tpu.memory_space<vmem>>, %arg6: memref<1x256x64xf32, #tpu.memory_space<vmem>>) attributes {dimension_semantics = [#tpu.dimension_semantics<arbitrary>], iteration_bounds = array<i64: 16>, scalar_prefetch = 0 : i64, scratch_operands = 0 : i64, tpu.core_type = #tpu.core_type<tc>, window_params = [{transform_indices = @transform_0, window_bounds = array<i64: 1, 256, 64>}, {transform_indices = @transform_1, window_bounds = array<i64: 1, 4096, 64>}, {transform_indices = @transform_2, window_bounds = array<i64: 1, 256, 128>}, {transform_indices = @transform_3, window_bounds = array<i64: 1, 256, 128>}, {pipeline_mode = #tpu.pipeline_mode<synchronous>, transform_indices = @transform_4, window_bounds = array<i64: 1, 4096, 64>}, {transform_indices = @transform_5, window_bounds = array<i64: 1, 256, 64>}]} {
    %get3A = arith.constant 0 : index
    %get3A_0 = arith.constant 0 : index
    %get3A_1 = arith.constant 0 : index
    %get3A_2 = vector.load %arg1[%get3A, %get3A_0, %get3A_1] : memref<1x256x64xf32, #tpu.memory_space<vmem>>, vector<1x256x64xf32>
    %get3A_3 = vector.shape_cast %get3A_2 : vector<1x256x64xf32> to vector<256x64xf32>
    %get3A_4 = arith.constant 0 : index
    %get3A_5 = arith.constant 0 : index
    %get3A_6 = arith.constant 0 : index
    %get3A_7 = vector.load %arg2[%get3A_4, %get3A_5, %get3A_6] : memref<1x4096x64xf32, #tpu.memory_space<vmem>>, vector<1x4096x64xf32>
    %get3A_8 = vector.shape_cast %get3A_7 : vector<1x4096x64xf32> to vector<4096x64xf32>
    %dot_general3A = arith.constant dense<0.000000e+00> : vector<256x4096xf32>
    %dot_general3A_9 = tpu.matmul %get3A_3, %get3A_8, %dot_general3A {dimension_numbers = #tpu.dot_dimension_numbers<[1], [1], [0], [0], [0, 0, 1, 0], [], []>, transpose_lhs_hint = false} : vector<256x64xf32>, vector<4096x64xf32>, vector<256x4096xf32> -> vector<256x4096xf32>
    %get3A_10 = arith.constant 0 : index
    %get3A_11 = arith.constant 0 : index
    %get3A_12 = arith.constant 0 : index
    %get3A_13 = vector.load %arg3[%get3A_10, %get3A_11, %get3A_12] : memref<1x256x128xf32, #tpu.memory_space<vmem>>, vector<1x256x1xf32>
    %get3A_14 = vector.shape_cast %get3A_13 : vector<1x256x1xf32> to vector<256x1xf32>
    %get3A_15 = arith.constant 0 : index
    %get3A_16 = arith.constant 0 : index
    %get3A_17 = arith.constant 0 : index
    %get3A_18 = vector.load %arg4[%get3A_15, %get3A_16, %get3A_17] : memref<1x256x128xf32, #tpu.memory_space<vmem>>, vector<1x256x1xf32>
    %get3A_19 = vector.shape_cast %get3A_18 : vector<1x256x1xf32> to vector<256x1xf32>
    %ge3A = vector.broadcast %get3A_14 : vector<256x1xf32> to vector<256x4096xf32>
    %ge3A_20 = arith.cmpf oge, %dot_general3A_9, %ge3A : vector<256x4096xf32>
    %jit3A = arith.constant 0.000000e+00 : f32
    %broadcast_in_dim3A = vector.broadcast %jit3A : f32 to vector<256x4096xf32>
    %select_n3A = arith.select %ge3A_20, %dot_general3A_9, %broadcast_in_dim3A : vector<256x4096xi1>, vector<256x4096xf32>
    %mul3A = arith.constant 1.000000e-01 : f32
    %mul3A_21 = vector.broadcast %mul3A : f32 to vector<256x1xf32>
    %mul3A_22 = arith.mulf %mul3A_21, %get3A_19 : vector<256x1xf32>
    %mul3A_23 = vector.broadcast %mul3A_22 : vector<256x1xf32> to vector<256x4096xf32>
    %mul3A_24 = arith.mulf %select_n3A, %mul3A_23 : vector<256x4096xf32>
    %get3A_25 = arith.constant 0 : index
    %get3A_26 = arith.constant 0 : index
    %get3A_27 = arith.constant 0 : index
    %get3A_28 = vector.load %arg5[%get3A_25, %get3A_26, %get3A_27] : memref<1x4096x64xf32, #tpu.memory_space<vmem>>, vector<1x4096x64xf32>
    %get3A_29 = vector.shape_cast %get3A_28 : vector<1x4096x64xf32> to vector<4096x64xf32>
    %dot_general3A_30 = arith.constant dense<0.000000e+00> : vector<256x64xf32>
    %dot_general3A_31 = tpu.matmul %mul3A_24, %get3A_29, %dot_general3A_30 {dimension_numbers = #tpu.dot_dimension_numbers<[1], [0], [0], [1], [0, 0, 1, 1], [], []>, transpose_lhs_hint = false} : vector<256x4096xf32>, vector<4096x64xf32>, vector<256x64xf32> -> vector<256x64xf32>
    %broadcast_in_dim3A_32 = vector.shape_cast %dot_general3A_31 : vector<256x64xf32> to vector<1x256x64xf32>
    %swap3A = arith.constant 0 : index
    %swap3A_33 = arith.constant 0 : index
    %swap3A_34 = arith.constant 0 : index
    %swap3A_35 = vector.load %arg6[%swap3A, %swap3A_33, %swap3A_34] : memref<1x256x64xf32, #tpu.memory_space<vmem>>, vector<1x256x64xf32>
    tpu.vector_store %arg6[%swap3A, %swap3A_33, %swap3A_34], %broadcast_in_dim3A_32 {strides = array<i32>} : memref<1x256x64xf32, #tpu.memory_space<vmem>>, vector<1x256x64xf32>,
    return
  }
  func.func @transform_0(%arg0: i32) -> (i32, i32, i32) {
    %c0_i32 = arith.constant 0 : i32
    %c0_i32_0 = arith.constant 0 : i32
    %c0_i32_1 = arith.constant 0 : i32
    return %c0_i32, %arg0, %c0_i32_0 : i32, i32, i32
  }
  func.func @transform_1(%arg0: i32) -> (i32, i32, i32) {
    %c0_i32 = arith.constant 0 : i32
    %c0_i32_0 = arith.constant 0 : i32
    %c0_i32_1 = arith.constant 0 : i32
    %c0_i32_2 = arith.constant 0 : i32
    return %c0_i32, %c0_i32_0, %c0_i32_1 : i32, i32, i32
  }
  func.func @transform_2(%arg0: i32) -> (i32, i32, i32) {
    %c0_i32 = arith.constant 0 : i32
    %c0_i32_0 = arith.constant 0 : i32
    %c0_i32_1 = arith.constant 0 : i32
    return %c0_i32, %arg0, %c0_i32_0 : i32, i32, i32
  }
  func.func @transform_3(%arg0: i32) -> (i32, i32, i32) {
    %c0_i32 = arith.constant 0 : i32
    %c0_i32_0 = arith.constant 0 : i32
    %c0_i32_1 = arith.constant 0 : i32
    return %c0_i32, %arg0, %c0_i32_0 : i32, i32, i32
  }
  func.func @transform_4(%arg0: i32) -> (i32, i32, i32) {
    %c0_i32 = arith.constant 0 : i32
    %c0_i32_0 = arith.constant 0 : i32
    %c0_i32_1 = arith.constant 0 : i32
    %c0_i32_2 = arith.constant 0 : i32
    return %c0_i32, %c0_i32_0, %c0_i32_1 : i32, i32, i32
  }
  func.func @transform_5(%arg0: i32) -> (i32, i32, i32) {
    %c0_i32 = arith.constant 0 : i32
    %c0_i32_0 = arith.constant 0 : i32
    %c0_i32_1 = arith.constant 0 : i32
    return %c0_i32, %arg0, %c0_i32_0 : i32, i32, i32
  }
}

module attributes {stable_mosaic.version = 14 : i64} {
  func.func @_att_body(%arg0: memref<1x4096x64xf32, #tpu.memory_space<vmem>>, %arg1: memref<1x4096x64xf32, #tpu.memory_space<vmem>>, %arg2: memref<2x4096x64xf32, #tpu.memory_space<vmem>>, %arg3: memref<64x64xf32, #tpu.memory_space<vmem>>, %arg4: memref<1x64xf32, #tpu.memory_space<vmem>>, %arg5: memref<1x64xf32, #tpu.memory_space<vmem>>, %arg6: memref<4096x64xf32, #tpu.memory_space<vmem>>) attributes {dimension_semantics = [], scalar_prefetch = 0 : i64, scratch_operands = 0 : i64, tpu.core_type = #tpu.core_type<tc>} {
    %get3A = arith.constant 0 : index
    %get3A_0 = arith.constant 0 : index
    %get3A_1 = arith.constant 0 : index
    %get3A_2 = vector.load %arg0[%get3A, %get3A_0, %get3A_1] : memref<1x4096x64xf32, #tpu.memory_space<vmem>>, vector<1x4096x64xf32>
    %get3A_3 = vector.shape_cast %get3A_2 : vector<1x4096x64xf32> to vector<4096x64xf32>
    %get3A_4 = arith.constant 0 : index
    %get3A_5 = arith.constant 0 : index
    %get3A_6 = arith.constant 0 : index
    %get3A_7 = vector.load %arg2[%get3A_4, %get3A_5, %get3A_6] : memref<2x4096x64xf32, #tpu.memory_space<vmem>>, vector<1x4096x64xf32>
    %get3A_8 = vector.shape_cast %get3A_7 : vector<1x4096x64xf32> to vector<4096x64xf32>
    %mul3A = arith.constant 0.899999976 : f32
    %mul3A_9 = vector.broadcast %mul3A : f32 to vector<4096x64xf32>
    %mul3A_10 = arith.mulf %mul3A_9, %get3A_8 : vector<4096x64xf32>
    %add3A = arith.addf %get3A_3, %mul3A_10 : vector<4096x64xf32>
    %get3A_11 = arith.constant 0 : index
    %get3A_12 = arith.constant 0 : index
    %get3A_13 = arith.constant 0 : index
    %get3A_14 = vector.load %arg1[%get3A_11, %get3A_12, %get3A_13] : memref<1x4096x64xf32, #tpu.memory_space<vmem>>, vector<1x4096x64xf32>
    %get3A_15 = vector.shape_cast %get3A_14 : vector<1x4096x64xf32> to vector<4096x64xf32>
    %get3A_16 = arith.constant 1 : index
    %get3A_17 = arith.constant 0 : index
    %get3A_18 = arith.constant 0 : index
    %get3A_19 = vector.load %arg2[%get3A_16, %get3A_17, %get3A_18] : memref<2x4096x64xf32, #tpu.memory_space<vmem>>, vector<1x4096x64xf32>
    %get3A_20 = vector.shape_cast %get3A_19 : vector<1x4096x64xf32> to vector<4096x64xf32>
    %mul3A_21 = arith.constant 0.899999976 : f32
    %mul3A_22 = vector.broadcast %mul3A_21 : f32 to vector<4096x64xf32>
    %mul3A_23 = arith.mulf %mul3A_22, %get3A_20 : vector<4096x64xf32>
    %add3A_24 = arith.addf %get3A_15, %mul3A_23 : vector<4096x64xf32>
    %get3A_25 = arith.constant 0 : index
    %get3A_26 = arith.constant 0 : index
    %get3A_27 = vector.load %arg3[%get3A_25, %get3A_26] : memref<64x64xf32, #tpu.memory_space<vmem>>, vector<64x64xf32>
    %get3A_28 = arith.constant 0 : index
    %get3A_29 = arith.constant 0 : index
    %get3A_30 = vector.load %arg4[%get3A_28, %get3A_29] : memref<1x64xf32, #tpu.memory_space<vmem>>, vector<1x64xf32>
    %get3A_31 = arith.constant 0 : index
    %get3A_32 = arith.constant 0 : index
    %get3A_33 = vector.load %arg5[%get3A_31, %get3A_32] : memref<1x64xf32, #tpu.memory_space<vmem>>, vector<1x64xf32>
    %dot_general3A = arith.constant dense<0.000000e+00> : vector<4096x64xf32>
    %dot_general3A_34 = tpu.matmul %add3A, %get3A_27, %dot_general3A {dimension_numbers = #tpu.dot_dimension_numbers<[1], [0], [0], [1], [0, 0, 1, 1], [], []>, transpose_lhs_hint = false} : vector<4096x64xf32>, vector<64x64xf32>, vector<4096x64xf32> -> vector<4096x64xf32>
    %add3A_35 = vector.broadcast %get3A_30 : vector<1x64xf32> to vector<4096x64xf32>
    %add3A_36 = arith.addf %dot_general3A_34, %add3A_35 : vector<4096x64xf32>
    %tanh3A = math.tanh %add3A_36 : vector<4096x64xf32>
    %mul3A_37 = vector.broadcast %get3A_33 : vector<1x64xf32> to vector<4096x64xf32>
    %mul3A_38 = arith.mulf %tanh3A, %mul3A_37 : vector<4096x64xf32>
    %reduce_sum3A = arith.constant dense<0.000000e+00> : vector<4096xf32>
    %reduce_sum3A_39 = vector.multi_reduction <add>, %mul3A_38, %reduce_sum3A [1] : vector<4096x64xf32> to vector<4096xf32>
    %broadcast_in_dim3A = vector.shape_cast %reduce_sum3A_39 : vector<4096xf32> to vector<4096x1xf32>
    %dot_general3A_40 = arith.constant dense<0.000000e+00> : vector<4096x64xf32>
    %dot_general3A_41 = tpu.matmul %add3A_24, %get3A_27, %dot_general3A_40 {dimension_numbers = #tpu.dot_dimension_numbers<[1], [0], [0], [1], [0, 0, 1, 1], [], []>, transpose_lhs_hint = false} : vector<4096x64xf32>, vector<64x64xf32>, vector<4096x64xf32> -> vector<4096x64xf32>
    %add3A_42 = vector.broadcast %get3A_30 : vector<1x64xf32> to vector<4096x64xf32>
    %add3A_43 = arith.addf %dot_general3A_41, %add3A_42 : vector<4096x64xf32>
    %tanh3A_44 = math.tanh %add3A_43 : vector<4096x64xf32>
    %mul3A_45 = vector.broadcast %get3A_33 : vector<1x64xf32> to vector<4096x64xf32>
    %mul3A_46 = arith.mulf %tanh3A_44, %mul3A_45 : vector<4096x64xf32>
    %reduce_sum3A_47 = arith.constant dense<0.000000e+00> : vector<4096xf32>
    %reduce_sum3A_48 = vector.multi_reduction <add>, %mul3A_46, %reduce_sum3A_47 [1] : vector<4096x64xf32> to vector<4096xf32>
    %broadcast_in_dim3A_49 = vector.shape_cast %reduce_sum3A_48 : vector<4096xf32> to vector<4096x1xf32>
    %max3A = arith.maximumf %broadcast_in_dim3A, %broadcast_in_dim3A_49 : vector<4096x1xf32>
    %sub3A = arith.subf %broadcast_in_dim3A, %max3A : vector<4096x1xf32>
    %exp3A = math.exp %sub3A : vector<4096x1xf32>
    %sub3A_50 = arith.subf %broadcast_in_dim3A_49, %max3A : vector<4096x1xf32>
    %exp3A_51 = math.exp %sub3A_50 : vector<4096x1xf32>
    %add3A_52 = arith.addf %exp3A, %exp3A_51 : vector<4096x1xf32>
    %div3A = arith.constant 1.000000e+00 : f32
    %div3A_53 = vector.broadcast %div3A : f32 to vector<4096x1xf32>
    %div3A_54 = arith.divf %div3A_53, %add3A_52 : vector<4096x1xf32>
    %mul3A_55 = arith.mulf %exp3A, %div3A_54 : vector<4096x1xf32>
    %mul3A_56 = vector.broadcast %mul3A_55 : vector<4096x1xf32> to vector<4096x64xf32>
    %mul3A_57 = arith.mulf %mul3A_56, %add3A : vector<4096x64xf32>
    %mul3A_58 = arith.mulf %exp3A_51, %div3A_54 : vector<4096x1xf32>
    %mul3A_59 = vector.broadcast %mul3A_58 : vector<4096x1xf32> to vector<4096x64xf32>
    %mul3A_60 = arith.mulf %mul3A_59, %add3A_24 : vector<4096x64xf32>
    %add3A_61 = arith.addf %mul3A_57, %mul3A_60 : vector<4096x64xf32>
    %swap3A = arith.constant 0 : index
    %swap3A_62 = arith.constant 0 : index
    %swap3A_63 = vector.load %arg6[%swap3A, %swap3A_62] : memref<4096x64xf32, #tpu.memory_space<vmem>>, vector<4096x64xf32>
    tpu.vector_store %arg6[%swap3A, %swap3A_62], %add3A_61 {strides = array<i32>} : memref<4096x64xf32, #tpu.memory_space<vmem>>, vector<4096x64xf32>,
    return
  }
}

module attributes {stable_mosaic.version = 14 : i64} {
  func.func @_final_body(%arg0: i32, %arg1: memref<2048x64xf32, #tpu.memory_space<vmem>>, %arg2: memref<2048x64xf32, #tpu.memory_space<vmem>>, %arg3: memref<2x2048x64xf32, #tpu.memory_space<vmem>>, %arg4: memref<2048x1xf32, #tpu.memory_space<vmem>>, %arg5: memref<2048x64xf32, #tpu.memory_space<vmem>>) attributes {dimension_semantics = [#tpu.dimension_semantics<arbitrary>], iteration_bounds = array<i64: 10>, scalar_prefetch = 0 : i64, scratch_operands = 0 : i64, tpu.core_type = #tpu.core_type<tc>, window_params = [{transform_indices = @transform_0, window_bounds = array<i64: 2048, 64>}, {transform_indices = @transform_1, window_bounds = array<i64: 2048, 64>}, {transform_indices = @transform_2, window_bounds = array<i64: 2, 2048, 64>}, {transform_indices = @transform_3, window_bounds = array<i64: 2048, 1>}, {transform_indices = @transform_4, window_bounds = array<i64: 2048, 64>}]} {
    %get3A = arith.constant 0 : index
    %get3A_0 = arith.constant 0 : index
    %get3A_1 = arith.constant 0 : index
    %get3A_2 = vector.load %arg3[%get3A, %get3A_0, %get3A_1] : memref<2x2048x64xf32, #tpu.memory_space<vmem>>, vector<1x2048x64xf32>
    %get3A_3 = vector.shape_cast %get3A_2 : vector<1x2048x64xf32> to vector<2048x64xf32>
    %get3A_4 = arith.constant 1 : index
    %get3A_5 = arith.constant 0 : index
    %get3A_6 = arith.constant 0 : index
    %get3A_7 = vector.load %arg3[%get3A_4, %get3A_5, %get3A_6] : memref<2x2048x64xf32, #tpu.memory_space<vmem>>, vector<1x2048x64xf32>
    %get3A_8 = vector.shape_cast %get3A_7 : vector<1x2048x64xf32> to vector<2048x64xf32>
    %add3A = arith.addf %get3A_3, %get3A_8 : vector<2048x64xf32>
    %get3A_9 = arith.constant 0 : index
    %get3A_10 = arith.constant 0 : index
    %get3A_11 = vector.load %arg4[%get3A_9, %get3A_10] : memref<2048x1xf32, #tpu.memory_space<vmem>>, vector<2048x1xf32>
    %mul3A = vector.broadcast %get3A_11 : vector<2048x1xf32> to vector<2048x64xf32>
    %mul3A_12 = arith.mulf %add3A, %mul3A : vector<2048x64xf32>
    %get3A_13 = arith.constant 0 : index
    %get3A_14 = arith.constant 0 : index
    %get3A_15 = vector.load %arg1[%get3A_13, %get3A_14] : memref<2048x64xf32, #tpu.memory_space<vmem>>, vector<2048x64xf32>
    %get3A_16 = arith.constant 0 : index
    %get3A_17 = arith.constant 0 : index
    %get3A_18 = vector.load %arg2[%get3A_16, %get3A_17] : memref<2048x64xf32, #tpu.memory_space<vmem>>, vector<2048x64xf32>
    %add3A_19 = arith.addf %get3A_15, %get3A_18 : vector<2048x64xf32>
    %add3A_20 = arith.addf %add3A_19, %mul3A_12 : vector<2048x64xf32>
    %mul3A_21 = arith.constant 0.333333343 : f32
    %mul3A_22 = vector.broadcast %mul3A_21 : f32 to vector<2048x64xf32>
    %mul3A_23 = arith.mulf %add3A_20, %mul3A_22 : vector<2048x64xf32>
    %swap3A = arith.constant 0 : index
    %swap3A_24 = arith.constant 0 : index
    %swap3A_25 = vector.load %arg5[%swap3A, %swap3A_24] : memref<2048x64xf32, #tpu.memory_space<vmem>>, vector<2048x64xf32>
    tpu.vector_store %arg5[%swap3A, %swap3A_24], %mul3A_23 {strides = array<i32>} : memref<2048x64xf32, #tpu.memory_space<vmem>>, vector<2048x64xf32>,
    return
  }
  func.func @transform_0(%arg0: i32) -> (i32, i32) {
    %c0_i32 = arith.constant 0 : i32
    %c0_i32_0 = arith.constant 0 : i32
    return %arg0, %c0_i32 : i32, i32
  }
  func.func @transform_1(%arg0: i32) -> (i32, i32) {
    %c0_i32 = arith.constant 0 : i32
    %c0_i32_0 = arith.constant 0 : i32
    return %arg0, %c0_i32 : i32, i32
  }
  func.func @transform_2(%arg0: i32) -> (i32, i32, i32) {
    %c0_i32 = arith.constant 0 : i32
    %c0_i32_0 = arith.constant 0 : i32
    %c0_i32_1 = arith.constant 0 : i32
    return %c0_i32, %arg0, %c0_i32_0 : i32, i32, i32
  }
  func.func @transform_3(%arg0: i32) -> (i32, i32) {
    %c0_i32 = arith.constant 0 : i32
    %c0_i32_0 = arith.constant 0 : i32
    return %arg0, %c0_i32 : i32, i32
  }
  func.func @transform_4(%arg0: i32) -> (i32, i32) {
    %c0_i32 = arith.constant 0 : i32
    %c0_i32_0 = arith.constant 0 : i32
    return %arg0, %c0_i32 : i32, i32
  }
}

</mosaic_0001>

<sc_bundles>
// kernel: kernel.15.cloned.1.call-start
scs
__scs_entry_jumppad:
0x0: {  	(pc) =	sbr.rel $0x88, $3  }
0x1: {  	(tag) =	ssettag $0x0;
	lr =	simm.s32 $0x1  }
0x2: {  	[smem:$0x3F91] =	sst lr;
	_ =	strace $0xD0000000  }
0x3: {  	_ = 	snop  }
0x4: {  	_ = 	snop  }
0x5: {  	_ = 	snop  }
0x6: {  	_ = 	snop  }
0x7: {  	_ = 	snop  }
__scs_overlays_trampoline_lowered:
0x8: {  	[smem:$0x3FA0] =	sst s0  }
0x9: {  	[smem:$0x3FA1] =	sst s1  }
0xa: {  	[smem:$0x3FA2] =	sst s2  }
0xb: {  	[smem:$0x3FA3] =	sst s3  }
0xc: {  	[smem:$0x3FA4] =	sst s4  }
0xd: {  	[smem:$0x3FA5] =	sst s5  }
0xe: {  	[smem:$0x3FA6] =	sst s6  }
0xf: {  	[smem:$0x3FA7] =	sst s7  }
0x10: {  	[smem:$0x3FA8] =	sst s8  }
0x11: {  	[smem:$0x3FA9] =	sst s9;
	s0 =	simm.s32 @!p0 $0x0  }
0x12: {  	s1 =	sld [smem:$0x3F8F];
	s0 =	simm.s32 @p0 $0x1  }
0x13: {  	[smem:$0x3FAA] =	sst s0;
	s0 =	simm.s32 @!p1 $0x0  }
0x14: {  	s2 =	sld [smem:$0x3F8E];
	s0 =	simm.s32 @p1 $0x1  }
0x15: {  	[smem:$0x3FAB] =	sst s0;
	s0 =	simm.s32 @!p2 $0x0  }
0x16: {  	s3 =	sld [smem:$0x3FDB];
	s0 =	simm.s32 @p2 $0x1  }
0x17: {  	s4 =	simm.s32 $0x1BF5;
	[smem:$0x3FAD] =	sst s0  }
0x18: {  	s0 =	sld [smem:$0x3F90];
	_ =	swait.ge [sflag:s4], $0x0  }
0x19: {  	s7 =	sld [smem:$0x3F91]  }
0x1a: {  	s8 =	sadd.s32 $0xFFFFE003, lr  }
0x1b: {  	s9 =	sadd.s32 $0xFFFFFEF7, lr;
	s5 =	simm.s32 $0xFFFFFFFF;
	p2 =	slt.u32 s8, $0xFFFFF086  }
0x1c: {  	p1 =	slt.u32 s9, $0xF7A;
	s5 =	simm.s32 @!p2 $0x0  }
0x1d: {  	s5 =	simm.s32 @p1 $0x1;
	p0 =	seq.s32 s7, s2  }
0x1e: {  	s7 =	smul.u32 @!p0 $0xF7A, s2;
	p2 =	seq.s32 @!p0 s5, $0x0  }
0x1f: {  	s9 =	smul.u32 $0xF7A, s1;
	s8 =	simm.s32 @!p0 $0x1BF5;
	p2 =	por !p2, p0  }
0x20: {  	[sflag:s8] =	ssyncset.s32 @!p0 $0xFFFFF086;
	s6 =	sadd.s32 @!p0 s3, s7;
	s7 =	simm.s32 @!p0 $0x108  }
0x21: {  	s3 =	sadd.s32 s3, s9;
	s6 =	sadd.s32 @!p0 $0x88, s6;
	s7 =	simm.s32 @p2 $0x1082  }
0x22: {  	[simem:s7], [sflag:s8] =	dma.local @!p0 [hbm:s6], $0xF7A  }
0x23: {  	s9 =	sor.u32 $0xD0000000, s2;
	s6 =	simm.s32 $0x108;
	_ =	swait.ge @!p0 [sflag:s8], $0x0  }
0x24: {  	s3 =	sadd.s32 $0x88, s3;
	s6 =	simm.s32 @!p1 $0x1082;
	[sflag:s4] =	ssyncset.s32 $0xFFFFF086  }
0x25: {  	[simem:s6], [sflag:s4] =	dma.local [hbm:s3], $0xF7A  }
0x26: {  	[smem:$0x3F91] =	sst s1;
	(tag) =	ssettag s2;
	_ =	strace s9  }
0x27: {  	s1 =	sld [smem:$0x3FA1]  }
0x28: {  	s2 =	sld [smem:$0x3FA2]  }
0x29: {  	s4 =	sld [smem:$0x3FA4]  }
0x2a: {  	p0 =	seq.s32 s5, $0x0;
	s5 =	sld [smem:$0x3FA5]  }
0x2b: {  	s6 =	sld [smem:$0x3FA6]  }
0x2c: {  	s7 =	sld [smem:$0x3FA7]  }
0x2d: {  	s3 =	simm.s32 $0x108;
	s8 =	sld [smem:$0x3FA8]  }
0x2e: {  	s3 =	simm.s32 @!p0 $0x1082;
	s9 =	sld [smem:$0x3FA9]  }
0x2f: {  	lr =	sadd.s32 s0, s3;
	s0 =	sld [smem:$0x3FA0]  }
0x30: {  	s3 =	sld [smem:$0x3FA3]  }
0x31: {  	[smem:$0x3FAC] =	sst s10  }
0x32: {  	s10 =	sld [smem:$0x3FAA];
	_ =	sdelay $0x3  }
0x33: {  	p0 =	seq.s32 s10, $0x1;
	s10 =	sld [smem:$0x3FAC];
	_ =	sdelay $0x3  }
0x34: {  	[smem:$0x3FAC] =	sst s10  }
0x35: {  	s10 =	sld [smem:$0x3FAB];
	_ =	sdelay $0x3  }
0x36: {  	p1 =	seq.s32 s10, $0x1;
	s10 =	sld [smem:$0x3FAC];
	_ =	sdelay $0x3  }
0x37: {  	[smem:$0x3FAC] =	sst s10  }
0x38: {  	s10 =	sld [smem:$0x3FAD]  }
0x39: {  	_ = 	snop;
	(pc) =	sbr.ind lr, $3  }
0x3a: {  	_ = 	snop  }
0x3b: {  	_ = 	snop  }
0x3c: {  	p2 =	seq.s32 s10, $0x1;
	s10 =	sld [smem:$0x3FAC]  }
0x3d: {  	_ =	shalt  }
0x3e: {  	_ =	shalt  }
0x3f: {  	_ =	shalt  }
0x40: {  	_ =	shalt  }
0x41: {  	_ =	shalt  }
0x42: {  	_ =	shalt  }
0x43: {  	_ =	shalt  }
0x44: {  	_ =	shalt  }
0x45: {  	_ =	shalt  }
0x46: {  	_ =	shalt  }
0x47: {  	_ =	shalt  }
0x48: {  	_ =	shalt  }
0x49: {  	_ =	shalt  }
0x4a: {  	_ =	shalt  }
0x4b: {  	_ =	shalt  }
0x4c: {  	_ =	shalt  }
0x4d: {  	_ =	shalt  }
0x4e: {  	_ =	shalt  }
0x4f: {  	_ =	shalt  }
0x50: {  	_ =	shalt  }
0x51: {  	_ =	shalt  }
0x52: {  	_ =	shalt  }
0x53: {  	_ =	shalt  }
0x54: {  	_ =	shalt  }
0x55: {  	_ =	shalt  }
0x56: {  	_ =	shalt  }
0x57: {  	_ =	shalt  }
0x58: {  	_ =	shalt  }
0x59: {  	_ =	shalt  }
0x5a: {  	_ =	shalt  }
0x5b: {  	_ =	shalt  }
0x5c: {  	_ =	shalt  }
0x5d: {  	_ =	shalt  }
0x5e: {  	_ =	shalt  }
0x5f: {  	_ =	shalt  }
0x60: {  	_ =	shalt  }
0x61: {  	_ =	shalt  }
0x62: {  	_ =	shalt  }
0x63: {  	_ =	shalt  }
0x64: {  	_ =	shalt  }
0x65: {  	_ =	shalt  }
0x66: {  	_ =	shalt  }
0x67: {  	_ =	shalt  }
0x68: {  	_ =	shalt  }
0x69: {  	_ =	shalt  }
0x6a: {  	_ =	shalt  }
0x6b: {  	_ =	shalt  }
0x6c: {  	_ =	shalt  }
0x6d: {  	_ =	shalt  }
0x6e: {  	_ =	shalt  }
0x6f: {  	_ =	shalt  }
0x70: {  	_ =	shalt  }
0x71: {  	_ =	shalt  }
0x72: {  	_ =	shalt  }
0x73: {  	_ =	shalt  }
0x74: {  	_ =	shalt  }
0x75: {  	_ =	shalt  }
0x76: {  	_ =	shalt  }
0x77: {  	_ =	shalt  }
0x78: {  	_ =	shalt  }
0x79: {  	_ =	shalt  }
0x7a: {  	_ =	shalt  }
0x7b: {  	_ =	shalt  }
0x7c: {  	_ =	shalt  }
0x7d: {  	_ =	shalt  }
0x7e: {  	_ =	shalt  }
0x7f: {  	_ =	shalt  }
0x80: {  	_ =	shalt  }
0x81: {  	_ =	shalt  }
0x82: {  	_ =	shalt  }
0x83: {  	_ =	shalt  }
0x84: {  	_ =	shalt  }
0x85: {  	_ =	shalt  }
0x86: {  	_ =	shalt  }
0x87: {  	_ =	shalt  }
.Lfunc_end0:
.L_simem_size_0:
called_computation_lowered:
.L_overlay_start_0:
0x88: {  	s2 =	sld [smem:$0x3FD9]  }
0x89: {  	s3 =	sld [smem:$0x3FFE];
	_ =	sdelay $0x1  }
0x8a: {  	s1 =	srdreg.scid  }
0x8b: {  	s0 =	sand.u32 $0x1, s1  }
0x8c: {  	s14 =	sshll.u32 s0, $0xA;
	s2 =	sadd.s32 s3, s2  }
0x8d: {  	s2 =	sadd.s32 s2, s14  }
0x8e: {  	[smem:$0x3FB8] =	sst s2  }
0x8f: {  	_ = 	snop  }
0x90: {  	s2 =	sld [smem:$0x3FD0];
	_ =	sdelay $0x2  }
0x91: {  	s15 =	simm.s32 $0xB;
	s4 =	simm.s32 $0x10  }
0x92: {  	[smem:s4], [sflag:s15] =	dma.local [hbm:s2], $0x1  }
0x93: {  	_ =	swait.eq [sflag:s15], $0x1  }
0x94: {  	[sflag:s15] =	ssyncset.done $0x0  }
0x95: {  	[sflag:s15] =	ssyncadd.s32 $0xFFFFFFFF  }
0x96: {  	s16 =	sld [smem:$0x11];
	(tm) =	ssettm $0x1  }
0x97: {  	s17 =	sld [smem:$0x3FFB];
	_ =	sdelay $0x3  }
0x98: {  	_ =	strace s17  }
0x99: {  	s3 =	sld [smem:$0x3FFC];
	_ =	sdelay $0x3  }
0x9a: {  	_ =	strace s3  }
0x9b: {  	s3 =	sld [smem:$0x3FFD];
	_ =	sdelay $0x3  }
0x9c: {  	_ =	strace s3  }
0x9d: {  	_ =	strace $0x8FFFFFFF  }
0x9e: {  	s18 =	sld [smem:$0x3FDB];
	_ =	sdelay $0x1  }
0x9f: {  	s19 =	simm.s32 $_scs_section_size  }
0xa0: {  	s5 =	simm.s32 $_size__tile_overlayer_lowered;
	s6 =	simm.s32 $_tile_overlayer_lowered  }
0xa1: {  	s22 =	simm.s32 $0x1BFF;
	s21 =	sshll.u32 s6, $0x1;
	s3 =	sadd.s32 s19, s18  }
0xa2: {  	s7 =	simm.s32 $0x0;
	s20 =	sshll.u32 s5, $0x1;
	s5 =	sadd.s32 s21, s3  }
0xa3: {  	[timem:s7], [sflag:s22] =	dma.local [hbm:s5], s20  }
0xa4: {  	_ =	swait.ge [sflag:s22], s20  }
0xa5: {  	s4 =	ssub.s32 $0x0, s20;
	[sflag:s22] =	ssyncset.done $0x0  }
0xa6: {  	[sflag:s22] =	ssyncadd.s32 s4;
	_ =	sdelay $0x1  }
0xa7: {  	s23 =	simm.s32 $0x1B8B  }
0xa8: {  	_ =	swait.ge [sflag:s23], $0x1  }
0xa9: {  	[sflag:s23] =	ssyncset.done $0x0  }
0xaa: {  	s25 =	simm.s32 $0x1B8E;
	s24 =	sld [smem:$0x3FFE];
	[sflag:s23] =	ssyncadd.s32 $0xFFFFFFFF  }
0xab: {  	s26 =	simm.s32 $execute0_lowered;
	[smem:$0x3FD2] =	sst s25  }
0xac: {  	s5 =	sshll.u32 s26, $0x1;
	_ =	strace $0x80000046;
	[dreg:$0x1] =	wrdreg $0xFFFFFFFF  }
0xad: {  	s28 =	simm.s32 $_size_execute0_lowered;
	s3 =	sadd.s32 s3, s5;
	[dreg:$0x0] =	wrdreg $0x0  }
0xae: {  	s5 =	sshll.u32 s28, $0x1;
	[dreg:$0x2] =	wrdreg s3  }
0xaf: {  	[dreg:$0x3] =	wrdreg s5  }
0xb0: {  	[dreg:$0x4] =	wrdreg $0xC0  }
0xb1: {  	_ =	task [dreg:s7], $0x5FFFF  }
0xb2: {  	[dreg:$0x1] =	wrdreg $0xFFFFFFFF  }
0xb3: {  	[dreg:$0x0] =	wrdreg $0x60  }
0xb4: {  	[dreg:$0x2] =	wrdreg s24  }
0xb5: {  	[dreg:$0x3] =	wrdreg s16  }
0xb6: {  	[dreg:$0x4] =	wrdreg $0x41000  }
0xb7: {  	[dreg:$0x5] =	wrdreg $0x9  }
0xb8: {  	_ =	task.clear_ibuf [dreg:s7], $0x6FFFF;
	_ =	strace $0x90000046  }
0xb9: {  	s29 =	simm.s32 $0x9;
	_ =	strace $0x80000048  }
0xba: {  	_ =	swait.ge [sflag:s29], $0x1  }
0xbb: {  	[sflag:s29] =	ssyncadd.s32 $0xFFFFFFFF  }
0xbc: {  	_ =	strace $0x90000048  }
0xbd: {  	_ =	sfence  }
0xbe: {  	s30 =	sld [smem:$0x0];
	_ =	sdelay $0x2  }
0xbf: {  	s31 =	sshll.u32 s1, $0xD;
	s1 =	sshrl.u32 s1, $0x2  }
0xc0: {  	s3 =	sand.u32 $0x4000, s31;
	s1 =	sadd.s32 s1, s30  }
0xc1: {  	s0 =	sor.u32 s3, s0;
	s1 =	sshll.u32 s1, $0x11  }
0xc2: {  	s0 =	sor.u32 s1, s0  }
0xc3: {  	s0 =	sadd.s32 $0x8F2B, s0  }
0xc4: {  	[sflag:s0] =	ssyncadd.remote.s32 $0x1  }
0xc5: {  	_ =	sfence.sel $0xFFFF  }
0xc6: {  	[dreg:$0x0] =	wrdreg $0xFFFFFFFF;
	(pc) =	sbr.abs _section_cstart, $3  }
0xc7: {  	[dreg:$0x1] =	wrdreg $0xFFFFFFFF  }
0xc8: {  	_ =	task.clear_ibuf [dreg:s7], $0x2FFFF;
	_ =	strace $0x9FFFFFFF  }
0xc9: {  	(tm) =	ssettm $0x7FFFFFFF  }
tec
execute0_lowered:
.L_overlay_start_1:
0x0: {  	(tag) =	ssettag $0x1  }
0x1: {  	s4 =	rddreg [dreg:$0x0]  }
0x2: {  	s16 =	rddreg [dreg:$0x1]  }
0x3: {  	s1 =	rddreg [dreg:$0x2]  }
0x4: {  	s0 =	rddreg [dreg:$0x3];
	s3 =	simm.s32 $0x0;
	s5 =	srdreg.scid  }
0x5: {  	s2 =	stileid.u32;
	s19 =	simm.s32 $0x2;
	s20 =	simm.s32 $0x2000  }
0x6: {  	s21 =	simm.s32 $0x80;
	s22 =	simm.s32 $0x4000;
	s23 =	simm.s32 $0x1  }
0x7: {  	s26 =	simm.s32 $0x0;
	[smem:$0x7FF] =	sst s3;
	s9 =	sand.u32 $0x1, s5  }
0x8: {  	s6 =	sshll.u32 s2, $0xA;
	s14 =	smul.u32 $0x500, s2;
	s24 =	sshll.u32 s2, $0x6  }
0x9: {  	s5 =	sshll.u32 s9, $0xE;
	_ =	strace $0x80000047;
	s30 =	ssub.s32 $0x2, s9  }
0xa: {  	s18 =	smul.u32 $0x5000, s9;
	s24 =	sor.u32 $0x1C02, s24;
	s5 =	sor.u32 s6, s5  }
0xb: {  	s31 =	sshrl.u32 s30, $0x1;
	s15 =	sadd.s32 s5, s4;
	s4 =	sadd.s32 s14, s1  }
0xc: {  	s17 =	ssub.s32 s30, s31;
	s18 =	sadd.s32 s14, s18;
	s5 =	sadd.s32 $0x80, s4  }
0xd: {  	s6 =	sadd.s32 $0x100, s4;
	s7 =	sadd.s32 $0x180, s4;
	s8 =	sadd.s32 $0x200, s4  }
0xe: {  	s9 =	sadd.s32 $0x280, s4;
	s10 =	sadd.s32 $0x300, s4;
	s11 =	sadd.s32 $0x380, s4  }
0xf: {  	s12 =	sadd.s32 $0x400, s4;
	s13 =	sadd.s32 $0x480, s4;
	s14 =	sadd.s32 $0x4800, s15  }
0x10: {  	s15 =	sadd.s32 $0xC800, s15;
	s18 =	sshrl.u32 s18, $0x3;
	s17 =	smax.u32 s17, $0x1  }
0x11: {  	v0 =	vimm.f32 $1.000000000e+00;
	v1 =	vimm.f32 $0.0e+00;
	s25 =	sshrl.u32 s4, $0x3;
	s16 =	sadd.s32 s16, s18;
	s18 =	simm.s32 $0x4080  }
.LBB2_1:
0x12: {  	[tilespmem:$0x4000] =	vst v0  }
0x13: {  	[tilespmem:$0x4080] =	vst v1  }
0x14: {  	[tilespmem:$0x4010] =	vst v0  }
0x15: {  	[tilespmem:$0x4090] =	vst v1  }
0x16: {  	[tilespmem:$0x4020] =	vst v0  }
0x17: {  	[tilespmem:$0x40A0] =	vst v1  }
0x18: {  	[tilespmem:$0x4030] =	vst v0  }
0x19: {  	[tilespmem:$0x40B0] =	vst v1  }
0x1a: {  	[tilespmem:$0x4040] =	vst v0  }
0x1b: {  	[tilespmem:$0x40C0] =	vst v1  }
0x1c: {  	[tilespmem:$0x4050] =	vst v0  }
0x1d: {  	[tilespmem:$0x40D0] =	vst v1  }
0x1e: {  	[tilespmem:$0x4060] =	vst v0  }
0x1f: {  	[tilespmem:$0x40E0] =	vst v1  }
0x20: {  	[tilespmem:$0x4070] =	vst v0  }
0x21: {  	[tilespmem:$0x40F0] =	vst v1  }
0x22: {  	[spmem:s4] =	stream.linear.scatter [tilespmem:s18], [sflag:$0x2], $0x80, $0x38;
	[tilespmem:$0x4600] =	vst v63  }
0x23: {  	_ =	swait.ge [sflag:s19], $0x80  }
0x24: {  	[sflag:s19] =	ssyncset.done $0x0  }
0x25: {  	[sflag:s19] =	ssyncadd.s32 $0xFFFFFF80  }
0x26: {  	[spmem:s5] =	stream.linear.scatter [tilespmem:s18], [sflag:$0x2], $0x80, $0x38;
	[tilespmem:$0x4600] =	vst v63  }
0x27: {  	_ =	swait.ge [sflag:s19], $0x80  }
0x28: {  	[sflag:s19] =	ssyncset.done $0x0  }
0x29: {  	[sflag:s19] =	ssyncadd.s32 $0xFFFFFF80  }
0x2a: {  	[spmem:s6] =	stream.linear.scatter [tilespmem:s18], [sflag:$0x2], $0x80, $0x38;
	[tilespmem:$0x4600] =	vst v63  }
0x2b: {  	_ =	swait.ge [sflag:s19], $0x80  }
0x2c: {  	[sflag:s19] =	ssyncset.done $0x0  }
0x2d: {  	[sflag:s19] =	ssyncadd.s32 $0xFFFFFF80  }
0x2e: {  	[spmem:s7] =	stream.linear.scatter [tilespmem:s18], [sflag:$0x2], $0x80, $0x38;
	[tilespmem:$0x4600] =	vst v63  }
0x2f: {  	_ =	swait.ge [sflag:s19], $0x80  }
0x30: {  	[sflag:s19] =	ssyncset.done $0x0  }
0x31: {  	[sflag:s19] =	ssyncadd.s32 $0xFFFFFF80  }
0x32: {  	[spmem:s8] =	stream.linear.scatter [tilespmem:s18], [sflag:$0x2], $0x80, $0x38;
	[tilespmem:$0x4600] =	vst v63  }
0x33: {  	_ =	swait.ge [sflag:s19], $0x80  }
0x34: {  	[sflag:s19] =	ssyncset.done $0x0  }
0x35: {  	[sflag:s19] =	ssyncadd.s32 $0xFFFFFF80  }
0x36: {  	[spmem:s9] =	stream.linear.scatter [tilespmem:s18], [sflag:$0x2], $0x80, $0x38;
	[tilespmem:$0x4600] =	vst v63  }
0x37: {  	_ =	swait.ge [sflag:s19], $0x80  }
0x38: {  	[sflag:s19] =	ssyncset.done $0x0  }
0x39: {  	[sflag:s19] =	ssyncadd.s32 $0xFFFFFF80  }
0x3a: {  	[spmem:s10] =	stream.linear.scatter [tilespmem:s18], [sflag:$0x2], $0x80, $0x38;
	[tilespmem:$0x4600] =	vst v63  }
0x3b: {  	_ =	swait.ge [sflag:s19], $0x80  }
0x3c: {  	[sflag:s19] =	ssyncset.done $0x0  }
0x3d: {  	[sflag:s19] =	ssyncadd.s32 $0xFFFFFF80  }
0x3e: {  	[spmem:s11] =	stream.linear.scatter [tilespmem:s18], [sflag:$0x2], $0x80, $0x38;
	[tilespmem:$0x4600] =	vst v63  }
0x3f: {  	_ =	swait.ge [sflag:s19], $0x80  }
0x40: {  	[sflag:s19] =	ssyncset.done $0x0  }
0x41: {  	[sflag:s19] =	ssyncadd.s32 $0xFFFFFF80  }
0x42: {  	[spmem:s12] =	stream.linear.scatter [tilespmem:s18], [sflag:$0x2], $0x80, $0x38;
	[tilespmem:$0x4600] =	vst v63  }
0x43: {  	_ =	swait.ge [sflag:s19], $0x80  }
0x44: {  	[sflag:s19] =	ssyncset.done $0x0  }
0x45: {  	[sflag:s19] =	ssyncadd.s32 $0xFFFFFF80  }
0x46: {  	[spmem:s13] =	stream.linear.scatter [tilespmem:s18], [sflag:$0x2], $0x80, $0x38;
	[tilespmem:$0x4600] =	vst v63  }
0x47: {  	_ =	swait.ge [sflag:s19], $0x80  }
0x48: {  	[sflag:s19] =	ssyncset.done $0x0  }
0x49: {  	[sflag:s19] =	ssyncadd.s32 $0xFFFFFF80  }
0x4a: {  	[bflag:$0x0] =	sbarrier.arrive $0xFFFF  }
0x4b: {  	[tilespmem:s3], [sflag:$0x2] =	stream.linear.gather [hbm4b:s14+s3], $0x2000, $0x38;
	[tilespmem:$0x4600] =	vst v63  }
0x4c: {  	_ =	swait.ge [sflag:s19], $0x2000  }
0x4d: {  	[sflag:s19] =	ssyncset.done $0x0  }
0x4e: {  	[sflag:s19] =	ssyncadd.s32 $0xFFFFE000  }
0x4f: {  	[tilespmem:s20], [sflag:$0x2] =	stream.linear.gather [hbm4b:s15+s3], $0x2000, $0x38;
	[tilespmem:$0x4600] =	vst v63  }
0x50: {  	_ =	swait.ge [sflag:s19], $0x2000  }
0x51: {  	[sflag:s19] =	ssyncset.done $0x0  }
0x52: {  	s28 =	simm.s32 $0x0;
	[sflag:s19] =	ssyncadd.s32 $0xFFFFE000  }
0x53: {  	[spmem:s1] =	stream.indirect.scatter.add.f32 [tilespmem:s22], [sflag:$0x1], $0x1, s28, s21, $0xb8;
	[tilespmem:$0x4600] =	vst v63  }
0x54: {  	s28 =	simm.s32 $0x2000  }
0x55: {  	[spmem:s1] =	stream.indirect.scatter.add.f32 [tilespmem:s22], [sflag:$0x1], $0x1, s28, s21, $0xb8;
	[tilespmem:$0x4600] =	vst v63  }
0x56: {  	_ =	swait.ge [sflag:s23], $0x80  }
0x57: {  	[sflag:s23] =	ssyncset.done $0x0  }
0x58: {  	[sflag:s23] =	ssyncadd.s32 $0xFFFFFF80  }
0x59: {  	_ =	swait.ge [sflag:s23], $0x80  }
0x5a: {  	s29 =	simm.s32 $0x400;
	s28 =	simm.s32 $0x200;
	[sflag:s23] =	ssyncset.done $0x0  }
.LBB2_2:
0x5b: {  	s30 =	sshra.s32 s28, $0x2  }
0x5c: {  	[sflag:s23] =	ssyncadd.s32 $0xFFFFFF80;
	s28 =	smov.u32 s29;
	s31 =	sadd.s32 $0x200, s29  }
0x5d: {  	[spmem:s1] =	stream.indirect.scatter.add.f32 [tilespmem:s22], [sflag:$0x1], $0x1, s30, s21, $0xb8;
	[tilespmem:$0x4600] =	vst v63  }
0x5e: {  	p0 =	sne.s32 s29, $0x7E00;
	s29 =	sadd.s32 $0x2000, s30  }
0x5f: {  	[spmem:s1] =	stream.indirect.scatter.add.f32 [tilespmem:s22], [sflag:$0x1], $0x1, s29, s21, $0xb8;
	[tilespmem:$0x4600] =	vst v63  }
.Ltmp0:
0x60: {  	_ =	swait.ge [sflag:s23], $0x80;
	(pc) =	sbr.rel @p0 .LBB2_2-.Ltmp0, $4  }
0x61: {  	[sflag:s23] =	ssyncset.done $0x0  }
0x62: {  	[sflag:s23] =	ssyncadd.s32 $0xFFFFFF80  }
0x63: {  	_ =	swait.ge [sflag:s23], $0x80  }
0x64: {  	s29 =	smov.u32 s31;
	[sflag:s23] =	ssyncset.done $0x0  }
0x65: {  	s28 =	sshra.s32 s28, $0x2;
	[sflag:s23] =	ssyncadd.s32 $0xFFFFFF80  }
0x66: {  	[spmem:s1] =	stream.indirect.scatter.add.f32 [tilespmem:s22], [sflag:$0x1], $0x1, s28, s21, $0xb8;
	[tilespmem:$0x4600] =	vst v63  }
0x67: {  	s28 =	sadd.s32 $0x2000, s28  }
0x68: {  	[spmem:s1] =	stream.indirect.scatter.add.f32 [tilespmem:s22], [sflag:$0x1], $0x1, s28, s21, $0xb8;
	[tilespmem:$0x4600] =	vst v63  }
0x69: {  	_ =	swait.ge [sflag:s23], $0x80  }
0x6a: {  	[sflag:s23] =	ssyncset.done $0x0  }
0x6b: {  	[sflag:s23] =	ssyncadd.s32 $0xFFFFFF80  }
0x6c: {  	_ =	swait.ge [sflag:s23], $0x80  }
0x6d: {  	s26 =	sadd.s32 $0x1, s26;
	[sflag:s23] =	ssyncset.done $0x0  }
0x6e: {  	p0 =	sne.s32 s26, s17;
	[sflag:s23] =	ssyncadd.s32 $0xFFFFFF80  }
.Ltmp1:
0x6f: {  	[bflag:$0x0] =	sbarrier.arrive $0xFFFF;
	(pc) =	sbr.rel @p0 .LBB2_1-.Ltmp1, $4  }
0x70: {  	[hbm:s16], [sflag:s24] =	dma.local [spmem:s25], $0xA0  }
0x71: {  	_ =	swait.ge [sflag:s19], $0xA0  }
0x72: {  	[sflag:s19] =	ssyncset.done $0x0  }
0x73: {  	[sflag:s19] =	ssyncadd.s32 $0xFFFFFF60  }
0x74: {  	_ =	sfence.sel $0x180000  }
0x75: {  	[bflag:$0x0] =	sbarrier.arrive $0xFFFF  }
0x76: {  	p0 =	sne.s32 s2, $0x0;
	_ =	strace $0x90000047  }
0x77: {  	s0 =	sadd.s32 @!p0 $0x100000, s0;
	[bflag:$0x2] =	sbarrier.arrive $0xFFFF  }
0x78: {  	[sflag:s0] =	ssyncadd.tile.s32 @!p0 $0x1;
	_ =	shalt  }
.Lfunc_end2:
_tile_overlayer_lowered:
.L_overlay_start_2:
0x79: {  	(tag) =	ssettag $0x2  }
0x7a: {  	s0 =	rddreg [dreg:$0x0];
	s2 =	stileid.u32  }
0x7b: {  	s1 =	rddreg [dreg:$0x1];
	p0 =	sne.s32 s2, $0x0  }
0x7c: {  	s3 =	rddreg [dreg:$0x2];
	[bflag:$0x3] =	sbarrier.arrive $0xFFFF;
	s2 =	simm.s32 @!p0 $0x1C02  }
0x7d: {  	[timem:s3], [sflag:s2] =	dma.local @!p0 [hbm:s0], s1  }
0x7e: {  	s0 =	simm.s32 @!p0 $0x2  }
0x7f: {  	_ =	swait.ge @!p0 [sflag:s0], s1  }
0x80: {  	s1 =	ssub.s32 @!p0 $0x0, s1;
	[sflag:s0] =	ssyncset.done @!p0 $0x0  }
0x81: {  	[sflag:s0] =	ssyncadd.s32 @!p0 s1  }
0x82: {  	[bflag:$0x3] =	sbarrier.arrive $0xFFFF  }
0x83: {  	_ =	shalt  }

// kernel: kernel.18.cloned.1.call-start
scs
__scs_entry_jumppad:
0x0: {  	(pc) =	sbr.rel $0x88, $3  }
0x1: {  	(tag) =	ssettag $0x0;
	lr =	simm.s32 $0x1  }
0x2: {  	[smem:$0x3F91] =	sst lr;
	_ =	strace $0xD0000000  }
0x3: {  	_ = 	snop  }
0x4: {  	_ = 	snop  }
0x5: {  	_ = 	snop  }
0x6: {  	_ = 	snop  }
0x7: {  	_ = 	snop  }
__scs_overlays_trampoline_lowered:
0x8: {  	[smem:$0x3FA0] =	sst s0  }
0x9: {  	[smem:$0x3FA1] =	sst s1  }
0xa: {  	[smem:$0x3FA2] =	sst s2  }
0xb: {  	[smem:$0x3FA3] =	sst s3  }
0xc: {  	[smem:$0x3FA4] =	sst s4  }
0xd: {  	[smem:$0x3FA5] =	sst s5  }
0xe: {  	[smem:$0x3FA6] =	sst s6  }
0xf: {  	[smem:$0x3FA7] =	sst s7  }
0x10: {  	[smem:$0x3FA8] =	sst s8  }
0x11: {  	[smem:$0x3FA9] =	sst s9;
	s0 =	simm.s32 @!p0 $0x0  }
0x12: {  	s1 =	sld [smem:$0x3F8F];
	s0 =	simm.s32 @p0 $0x1  }
0x13: {  	[smem:$0x3FAA] =	sst s0;
	s0 =	simm.s32 @!p1 $0x0  }
0x14: {  	s2 =	sld [smem:$0x3F8E];
	s0 =	simm.s32 @p1 $0x1  }
0x15: {  	[smem:$0x3FAB] =	sst s0;
	s0 =	simm.s32 @!p2 $0x0  }
0x16: {  	s3 =	sld [smem:$0x3FDB];
	s0 =	simm.s32 @p2 $0x1  }
0x17: {  	s4 =	simm.s32 $0x1BF5;
	[smem:$0x3FAD] =	sst s0  }
0x18: {  	s0 =	sld [smem:$0x3F90];
	_ =	swait.ge [sflag:s4], $0x0  }
0x19: {  	s7 =	sld [smem:$0x3F91]  }
0x1a: {  	s8 =	sadd.s32 $0xFFFFE003, lr  }
0x1b: {  	s9 =	sadd.s32 $0xFFFFFEF7, lr;
	s5 =	simm.s32 $0xFFFFFFFF;
	p2 =	slt.u32 s8, $0xFFFFF086  }
0x1c: {  	p1 =	slt.u32 s9, $0xF7A;
	s5 =	simm.s32 @!p2 $0x0  }
0x1d: {  	s5 =	simm.s32 @p1 $0x1;
	p0 =	seq.s32 s7, s2  }
0x1e: {  	s7 =	smul.u32 @!p0 $0xF7A, s2;
	p2 =	seq.s32 @!p0 s5, $0x0  }
0x1f: {  	s9 =	smul.u32 $0xF7A, s1;
	s8 =	simm.s32 @!p0 $0x1BF5;
	p2 =	por !p2, p0  }
0x20: {  	[sflag:s8] =	ssyncset.s32 @!p0 $0xFFFFF086;
	s6 =	sadd.s32 @!p0 s3, s7;
	s7 =	simm.s32 @!p0 $0x108  }
0x21: {  	s3 =	sadd.s32 s3, s9;
	s6 =	sadd.s32 @!p0 $0x88, s6;
	s7 =	simm.s32 @p2 $0x1082  }
0x22: {  	[simem:s7], [sflag:s8] =	dma.local @!p0 [hbm:s6], $0xF7A  }
0x23: {  	s9 =	sor.u32 $0xD0000000, s2;
	s6 =	simm.s32 $0x108;
	_ =	swait.ge @!p0 [sflag:s8], $0x0  }
0x24: {  	s3 =	sadd.s32 $0x88, s3;
	s6 =	simm.s32 @!p1 $0x1082;
	[sflag:s4] =	ssyncset.s32 $0xFFFFF086  }
0x25: {  	[simem:s6], [sflag:s4] =	dma.local [hbm:s3], $0xF7A  }
0x26: {  	[smem:$0x3F91] =	sst s1;
	(tag) =	ssettag s2;
	_ =	strace s9  }
0x27: {  	s1 =	sld [smem:$0x3FA1]  }
0x28: {  	s2 =	sld [smem:$0x3FA2]  }
0x29: {  	s4 =	sld [smem:$0x3FA4]  }
0x2a: {  	p0 =	seq.s32 s5, $0x0;
	s5 =	sld [smem:$0x3FA5]  }
0x2b: {  	s6 =	sld [smem:$0x3FA6]  }
0x2c: {  	s7 =	sld [smem:$0x3FA7]  }
0x2d: {  	s3 =	simm.s32 $0x108;
	s8 =	sld [smem:$0x3FA8]  }
0x2e: {  	s3 =	simm.s32 @!p0 $0x1082;
	s9 =	sld [smem:$0x3FA9]  }
0x2f: {  	lr =	sadd.s32 s0, s3;
	s0 =	sld [smem:$0x3FA0]  }
0x30: {  	s3 =	sld [smem:$0x3FA3]  }
0x31: {  	[smem:$0x3FAC] =	sst s10  }
0x32: {  	s10 =	sld [smem:$0x3FAA];
	_ =	sdelay $0x3  }
0x33: {  	p0 =	seq.s32 s10, $0x1;
	s10 =	sld [smem:$0x3FAC];
	_ =	sdelay $0x3  }
0x34: {  	[smem:$0x3FAC] =	sst s10  }
0x35: {  	s10 =	sld [smem:$0x3FAB];
	_ =	sdelay $0x3  }
0x36: {  	p1 =	seq.s32 s10, $0x1;
	s10 =	sld [smem:$0x3FAC];
	_ =	sdelay $0x3  }
0x37: {  	[smem:$0x3FAC] =	sst s10  }
0x38: {  	s10 =	sld [smem:$0x3FAD]  }
0x39: {  	_ = 	snop;
	(pc) =	sbr.ind lr, $3  }
0x3a: {  	_ = 	snop  }
0x3b: {  	_ = 	snop  }
0x3c: {  	p2 =	seq.s32 s10, $0x1;
	s10 =	sld [smem:$0x3FAC]  }
0x3d: {  	_ =	shalt  }
0x3e: {  	_ =	shalt  }
0x3f: {  	_ =	shalt  }
0x40: {  	_ =	shalt  }
0x41: {  	_ =	shalt  }
0x42: {  	_ =	shalt  }
0x43: {  	_ =	shalt  }
0x44: {  	_ =	shalt  }
0x45: {  	_ =	shalt  }
0x46: {  	_ =	shalt  }
0x47: {  	_ =	shalt  }
0x48: {  	_ =	shalt  }
0x49: {  	_ =	shalt  }
0x4a: {  	_ =	shalt  }
0x4b: {  	_ =	shalt  }
0x4c: {  	_ =	shalt  }
0x4d: {  	_ =	shalt  }
0x4e: {  	_ =	shalt  }
0x4f: {  	_ =	shalt  }
0x50: {  	_ =	shalt  }
0x51: {  	_ =	shalt  }
0x52: {  	_ =	shalt  }
0x53: {  	_ =	shalt  }
0x54: {  	_ =	shalt  }
0x55: {  	_ =	shalt  }
0x56: {  	_ =	shalt  }
0x57: {  	_ =	shalt  }
0x58: {  	_ =	shalt  }
0x59: {  	_ =	shalt  }
0x5a: {  	_ =	shalt  }
0x5b: {  	_ =	shalt  }
0x5c: {  	_ =	shalt  }
0x5d: {  	_ =	shalt  }
0x5e: {  	_ =	shalt  }
0x5f: {  	_ =	shalt  }
0x60: {  	_ =	shalt  }
0x61: {  	_ =	shalt  }
0x62: {  	_ =	shalt  }
0x63: {  	_ =	shalt  }
0x64: {  	_ =	shalt  }
0x65: {  	_ =	shalt  }
0x66: {  	_ =	shalt  }
0x67: {  	_ =	shalt  }
0x68: {  	_ =	shalt  }
0x69: {  	_ =	shalt  }
0x6a: {  	_ =	shalt  }
0x6b: {  	_ =	shalt  }
0x6c: {  	_ =	shalt  }
0x6d: {  	_ =	shalt  }
0x6e: {  	_ =	shalt  }
0x6f: {  	_ =	shalt  }
0x70: {  	_ =	shalt  }
0x71: {  	_ =	shalt  }
0x72: {  	_ =	shalt  }
0x73: {  	_ =	shalt  }
0x74: {  	_ =	shalt  }
0x75: {  	_ =	shalt  }
0x76: {  	_ =	shalt  }
0x77: {  	_ =	shalt  }
0x78: {  	_ =	shalt  }
0x79: {  	_ =	shalt  }
0x7a: {  	_ =	shalt  }
0x7b: {  	_ =	shalt  }
0x7c: {  	_ =	shalt  }
0x7d: {  	_ =	shalt  }
0x7e: {  	_ =	shalt  }
0x7f: {  	_ =	shalt  }
0x80: {  	_ =	shalt  }
0x81: {  	_ =	shalt  }
0x82: {  	_ =	shalt  }
0x83: {  	_ =	shalt  }
0x84: {  	_ =	shalt  }
0x85: {  	_ =	shalt  }
0x86: {  	_ =	shalt  }
0x87: {  	_ =	shalt  }
.Lfunc_end0:
.L_simem_size_0:
called_computation.1_lowered:
.L_overlay_start_0:
0x88: {  	s2 =	sld [smem:$0x3FD9]  }
0x89: {  	s3 =	sld [smem:$0x3FFE];
	_ =	sdelay $0x1  }
0x8a: {  	s1 =	srdreg.scid  }
0x8b: {  	s0 =	sand.u32 $0x1, s1  }
0x8c: {  	s15 =	sshll.u32 s0, $0xA;
	s2 =	sadd.s32 s3, s2  }
0x8d: {  	s2 =	sadd.s32 s2, s15  }
0x8e: {  	[smem:$0x3FB8] =	sst s2  }
0x8f: {  	_ = 	snop  }
0x90: {  	s2 =	sld [smem:$0x3FD0];
	_ =	sdelay $0x2  }
0x91: {  	s16 =	simm.s32 $0xB;
	s4 =	simm.s32 $0x10  }
0x92: {  	[smem:s4], [sflag:s16] =	dma.local [hbm:s2], $0x1  }
0x93: {  	_ =	swait.eq [sflag:s16], $0x1  }
0x94: {  	[sflag:s16] =	ssyncset.done $0x0  }
0x95: {  	[sflag:s16] =	ssyncadd.s32 $0xFFFFFFFF  }
0x96: {  	s17 =	sld [smem:$0x11];
	(tm) =	ssettm $0x1  }
0x97: {  	s18 =	sld [smem:$0x3FFB];
	_ =	sdelay $0x3  }
0x98: {  	_ =	strace s18  }
0x99: {  	s2 =	sld [smem:$0x3FFC];
	_ =	sdelay $0x3  }
0x9a: {  	_ =	strace s2  }
0x9b: {  	s2 =	sld [smem:$0x3FFD];
	_ =	sdelay $0x3  }
0x9c: {  	_ =	strace s2  }
0x9d: {  	_ =	strace $0x8FFFFFFF  }
0x9e: {  	s19 =	sld [smem:$0x3FDB];
	_ =	sdelay $0x1  }
0x9f: {  	s20 =	simm.s32 $_scs_section_size  }
0xa0: {  	s5 =	simm.s32 $_size__tile_overlayer_lowered;
	s6 =	simm.s32 $_tile_overlayer_lowered  }
0xa1: {  	s7 =	simm.s32 $0x1BFF;
	s21 =	sshll.u32 s6, $0x1;
	s4 =	sadd.s32 s20, s19  }
0xa2: {  	s22 =	simm.s32 $0x0;
	s5 =	sshll.u32 s5, $0x1;
	s6 =	sadd.s32 s21, s4  }
0xa3: {  	[timem:s22], [sflag:s7] =	dma.local [hbm:s6], s5  }
0xa4: {  	_ =	swait.ge [sflag:s7], s5  }
0xa5: {  	s5 =	ssub.s32 $0x0, s5;
	[sflag:s7] =	ssyncset.done $0x0  }
0xa6: {  	[sflag:s7] =	ssyncadd.s32 s5;
	_ =	sdelay $0x1  }
0xa7: {  	s23 =	simm.s32 $0x1B8B  }
0xa8: {  	_ =	swait.ge [sflag:s23], $0x1  }
0xa9: {  	[sflag:s23] =	ssyncset.done $0x0  }
0xaa: {  	[sflag:s23] =	ssyncadd.s32 $0xFFFFFFFF  }
0xab: {  	s5 =	sld [smem:$0x0]  }
0xac: {  	s6 =	sand.u32 $0xFFFFFFFE, s1  }
0xad: {  	p0 =	sne.s32 s1, s6  }
0xae: {  	s6 =	sshll.u32 @p0 s6, $0xE  }
0xaf: {  	s6 =	sadd.s32 @p0 $0x11B8D, s6;
	s7 =	sshll.u32 @p0 s5, $0x11  }
0xb0: {  	s6 =	sor.u32 @p0 s7, s6  }
0xb1: {  	[sflag:s6] =	ssyncadd.remote.s32 @p0 $0x1;
	_ =	sdelay $0x1  }
0xb2: {  	s6 =	simm.s32 @p0 $0x1B8D  }
0xb3: {  	_ =	swait.eq @p0 [sflag:s6], $0x1  }
0xb4: {  	[sflag:s6] =	ssyncadd.s32 @p0 $0xFFFFFFFF  }
0xb5: {  	s7 =	sshll.u32 @!p0 s1, $0xE  }
0xb6: {  	s7 =	sor.u32 @!p0 $0x4000, s7;
	s6 =	simm.s32 @!p0 $0x1B8D  }
0xb7: {  	s5 =	sshll.u32 @!p0 s5, $0x11;
	s7 =	sadd.s32 @!p0 $0x11B8D, s7;
	_ =	swait.eq @!p0 [sflag:s6], $0x1  }
0xb8: {  	s5 =	sor.u32 @!p0 s5, s7;
	[sflag:s6] =	ssyncadd.s32 @!p0 $0xFFFFFFFF  }
0xb9: {  	s25 =	simm.s32 $0x1B8E;
	s24 =	sld [smem:$0x3FFE];
	[sflag:s5] =	ssyncadd.remote.s32 @!p0 $0x1  }
0xba: {  	s26 =	simm.s32 $execute0_lowered;
	[smem:$0x3FD2] =	sst s25  }
0xbb: {  	s6 =	sshll.u32 s26, $0x1;
	_ =	strace $0x8000004C;
	[dreg:$0x1] =	wrdreg $0xFFFFFFFF  }
0xbc: {  	s28 =	simm.s32 $_size_execute0_lowered;
	s4 =	sadd.s32 s4, s6;
	[dreg:$0x0] =	wrdreg $0x0  }
0xbd: {  	s6 =	sshll.u32 s28, $0x1;
	[dreg:$0x2] =	wrdreg s4  }
0xbe: {  	[dreg:$0x3] =	wrdreg s6  }
0xbf: {  	[dreg:$0x4] =	wrdreg $0xC0  }
0xc0: {  	_ =	task [dreg:s22], $0x5FFFF  }
0xc1: {  	[dreg:$0x1] =	wrdreg $0xFFFFFFFF  }
0xc2: {  	[dreg:$0x0] =	wrdreg $0x60  }
0xc3: {  	[dreg:$0x2] =	wrdreg s24  }
0xc4: {  	[dreg:$0x3] =	wrdreg s17  }
0xc5: {  	[dreg:$0x4] =	wrdreg $0x9  }
0xc6: {  	_ =	task.clear_ibuf [dreg:s22], $0x5FFFF;
	_ =	strace $0x9000004C  }
0xc7: {  	s29 =	simm.s32 $0x9;
	_ =	strace $0x8000004E  }
0xc8: {  	_ =	swait.ge [sflag:s29], $0x1  }
0xc9: {  	[sflag:s29] =	ssyncadd.s32 $0xFFFFFFFF  }
0xca: {  	_ =	strace $0x9000004E  }
0xcb: {  	_ =	sfence  }
0xcc: {  	s30 =	sld [smem:$0x0];
	_ =	sdelay $0x2  }
0xcd: {  	s31 =	sshll.u32 s1, $0xD;
	s1 =	sshrl.u32 s1, $0x2  }
0xce: {  	s4 =	sand.u32 $0x4000, s31;
	s1 =	sadd.s32 s1, s30  }
0xcf: {  	s0 =	sor.u32 s4, s0;
	s1 =	sshll.u32 s1, $0x11  }
0xd0: {  	s0 =	sor.u32 s1, s0  }
0xd1: {  	s0 =	sadd.s32 $0x8F2B, s0  }
0xd2: {  	[sflag:s0] =	ssyncadd.remote.s32 $0x1  }
0xd3: {  	_ =	sfence.sel $0xFFFF  }
0xd4: {  	[dreg:$0x0] =	wrdreg $0xFFFFFFFF;
	(pc) =	sbr.abs _section_cstart, $3  }
0xd5: {  	[dreg:$0x1] =	wrdreg $0xFFFFFFFF  }
0xd6: {  	_ =	task.clear_ibuf [dreg:s22], $0x2FFFF;
	_ =	strace $0x9FFFFFFF  }
0xd7: {  	(tm) =	ssettm $0x7FFFFFFF  }
tec
execute0_lowered:
.L_overlay_start_1:
0x0: {  	(tag) =	ssettag $0x1  }
0x1: {  	s0 =	rddreg [dreg:$0x0]  }
0x2: {  	s1 =	rddreg [dreg:$0x1];
	s2 =	srdreg.scid  }
0x3: {  	s3 =	simm.s32 $0x0;
	s5 =	stileid.u32;
	s11 =	simm.s32 $0x2  }
0x4: {  	s12 =	simm.s32 $0x500;
	s13 =	simm.s32 $0x80;
	s22 =	simm.s32 $0x280  }
0x5: {  	s23 =	simm.s32 $0xAA00;
	s28 =	simm.s32 $0xEA00;
	s29 =	simm.s32 $0x400  }
0x6: {  	s30 =	simm.s32 $0x10A00;
	s31 =	simm.s32 $0x480;
	s14 =	simm.s32 $0x14A00  }
0x7: {  	s15 =	simm.s32 $0x0;
	s2 =	sand.u32 $0x1, s2;
	[smem:$0x7FF] =	sst s3  }
0x8: {  	s7 =	sadd.s32 $0x107000, s0;
	s8 =	sadd.s32 $0x104800, s0;
	s4 =	sshll.u32 s2, $0x4  }
0x9: {  	_ =	strace $0x8000004D;
	s2 =	ssub.s32 $0x2, s2;
	s4 =	sor.u32 s5, s4  }
0xa: {  	s24 =	sshrl.u32 s2, $0x1;
	s5 =	smul.u32 $0x500, s4;
	s4 =	sshll.u32 s4, $0xA  }
0xb: {  	s2 =	ssub.s32 s2, s24;
	s24 =	simm.s32 $0x300;
	s0 =	sadd.s32 s4, s0  }
0xc: {  	s10 =	smax.u32 s2, $0x1;
	s2 =	simm.s32 $0x1;
	s5 =	sshrl.u32 s5, $0x3  }
0xd: {  	s6 =	sadd.s32 $0x109800, s0;
	s9 =	sadd.s32 $0x111800, s0;
	s25 =	sadd.s32 s7, s5  }
0xe: {  	s26 =	sadd.s32 $0x1400, s5;
	s5 =	sadd.s32 s8, s5;
	[dreg:$0x3] =	wrdreg s25  }
0xf: {  	s0 =	simm.s32 $0x12A00;
	[dreg:$0x4] =	wrdreg s5;
	s7 =	sadd.s32 s7, s26  }
0x10: {  	s8 =	sadd.s32 s8, s26;
	s25 =	simm.s32 $0xCA00;
	s26 =	simm.s32 $0x380  }
.LBB2_1:
0x11: {  	s4 =	rddreg [dreg:$0x3]  }
0x12: {  	[tilespmem:s3], [sflag:$0x2] =	stream.linear.gather [hbm4b:s4+s3], $0x500, $0x38;
	[tilespmem:$0x16A00] =	vst v63  }
0x13: {  	_ =	swait.ge [sflag:s11], $0x500  }
0x14: {  	[sflag:s11] =	ssyncset.done $0x0  }
0x15: {  	s16 =	rddreg [dreg:$0x4];
	[sflag:s11] =	ssyncadd.s32 $0xFFFFFB00  }
0x16: {  	[tilespmem:s12], [sflag:$0x2] =	stream.linear.gather [hbm4b:s16+s3], $0x500, $0x38;
	[tilespmem:$0x16A00] =	vst v63  }
0x17: {  	_ =	swait.ge [sflag:s11], $0x500  }
0x18: {  	[sflag:s11] =	ssyncset.done $0x0  }
0x19: {  	s17 =	simm.s32 $0xA00;
	[sflag:s11] =	ssyncadd.s32 $0xFFFFFB00  }
0x1a: {  	[tilespmem:s17], [sflag:$0x1] =	stream.indirect.gather [hbm4b:s1+s13], $0x40, s3, s13, $0xb8;
	[tilespmem:$0x16A00] =	vst v63  }
0x1b: {  	s18 =	simm.s32 $0x2A00  }
0x1c: {  	[tilespmem:s18], [sflag:$0x1] =	stream.indirect.gather [hbm4b:s1+s13], $0x40, s13, s13, $0xb8;
	[tilespmem:$0x16A00] =	vst v63  }
0x1d: {  	s19 =	simm.s32 $0x100;
	s5 =	simm.s32 $0x4A00  }
0x1e: {  	[tilespmem:s5], [sflag:$0x1] =	stream.indirect.gather [hbm4b:s1+s13], $0x40, s19, s13, $0xb8;
	[tilespmem:$0x16A00] =	vst v63  }
0x1f: {  	s20 =	simm.s32 $0x180;
	s21 =	simm.s32 $0x6A00  }
0x20: {  	[tilespmem:s21], [sflag:$0x1] =	stream.indirect.gather [hbm4b:s1+s13], $0x40, s20, s13, $0xb8;
	[tilespmem:$0x16A00] =	vst v63  }
0x21: {  	s16 =	simm.s32 $0x200;
	s17 =	simm.s32 $0x8A00  }
0x22: {  	[tilespmem:s17], [sflag:$0x1] =	stream.indirect.gather [hbm4b:s1+s13], $0x40, s16, s13, $0xb8;
	[tilespmem:$0x16A00] =	vst v63  }
0x23: {  	_ = 	snop  }
0x24: {  	[tilespmem:s23], [sflag:$0x1] =	stream.indirect.gather [hbm4b:s1+s13], $0x40, s22, s13, $0xb8;
	[tilespmem:$0x16A00] =	vst v63  }
0x25: {  	_ = 	snop  }
0x26: {  	[tilespmem:s25], [sflag:$0x1] =	stream.indirect.gather [hbm4b:s1+s13], $0x40, s24, s13, $0xb8;
	[tilespmem:$0x16A00] =	vst v63  }
0x27: {  	_ = 	snop  }
0x28: {  	[tilespmem:s28], [sflag:$0x1] =	stream.indirect.gather [hbm4b:s1+s13], $0x40, s26, s13, $0xb8;
	[tilespmem:$0x16A00] =	vst v63  }
0x29: {  	_ = 	snop  }
0x2a: {  	[tilespmem:s30], [sflag:$0x1] =	stream.indirect.gather [hbm4b:s1+s13], $0x40, s29, s13, $0xb8;
	[tilespmem:$0x16A00] =	vst v63  }
0x2b: {  	_ = 	snop  }
0x2c: {  	[tilespmem:s0], [sflag:$0x1] =	stream.indirect.gather [hbm4b:s1+s13], $0x40, s31, s13, $0xb8;
	[tilespmem:$0x16A00] =	vst v63  }
0x2d: {  	_ =	swait.ge [sflag:s2], $0x2000  }
0x2e: {  	[sflag:s2] =	ssyncset.done $0x0  }
0x2f: {  	[sflag:s2] =	ssyncadd.s32 $0xFFFFE000  }
0x30: {  	_ =	swait.ge [sflag:s2], $0x2000  }
0x31: {  	[sflag:s2] =	ssyncset.done $0x0  }
0x32: {  	[sflag:s2] =	ssyncadd.s32 $0xFFFFE000  }
0x33: {  	_ =	swait.ge [sflag:s2], $0x2000  }
0x34: {  	[sflag:s2] =	ssyncset.done $0x0  }
0x35: {  	[sflag:s2] =	ssyncadd.s32 $0xFFFFE000  }
0x36: {  	_ =	swait.ge [sflag:s2], $0x2000  }
0x37: {  	[sflag:s2] =	ssyncset.done $0x0  }
0x38: {  	[sflag:s2] =	ssyncadd.s32 $0xFFFFE000  }
0x39: {  	_ =	swait.ge [sflag:s2], $0x2000  }
0x3a: {  	[sflag:s2] =	ssyncset.done $0x0  }
0x3b: {  	[sflag:s2] =	ssyncadd.s32 $0xFFFFE000  }
0x3c: {  	_ =	swait.ge [sflag:s2], $0x2000  }
0x3d: {  	[sflag:s2] =	ssyncset.done $0x0  }
0x3e: {  	[sflag:s2] =	ssyncadd.s32 $0xFFFFE000  }
0x3f: {  	_ =	swait.ge [sflag:s2], $0x2000  }
0x40: {  	[sflag:s2] =	ssyncset.done $0x0  }
0x41: {  	[sflag:s2] =	ssyncadd.s32 $0xFFFFE000  }
0x42: {  	s18 =	simm.s32 $0x9;
	_ =	swait.ge [sflag:s2], $0x2000  }
0x43: {  	v0 =	vmov s18;
	[sflag:s2] =	ssyncset.done $0x0  }
0x44: {  	s4 =	sand.u32 $0xFFFFFF80, s18;
	v0 =	vand.u32 $0x7F, v0;
	[sflag:s2] =	ssyncadd.s32 $0xFFFFE000  }
0x45: {  	v0 =	vor.u32 s4, v0;
	_ =	swait.ge [sflag:s2], $0x2000  }
0x46: {  	v0 =	vbroadcast v0, $0x0;
	[sflag:s2] =	ssyncset.done $0x0  }
0x47: {  	[sflag:s2] =	ssyncadd.s32 $0xFFFFE000  }
0x48: {  	_ =	swait.ge [sflag:s2], $0x2000  }
0x49: {  	[sflag:s2] =	ssyncset.done $0x0  }
0x4a: {  	s16 =	simm.s32 $0xB40;
	[sflag:s2] =	ssyncadd.s32 $0xFFFFE000  }
0x4b: {  	v4 =	vld [tilespmem:s16+$0x130]  }
0x4c: {  	v0 =	vld.idx.msk [tilespmem:v0+s12+$0x0], $0xffff  }
0x4d: {  	v5 =	vld [tilespmem:s16+$0x120]  }
0x4e: {  	v1 =	vld [tilespmem:s16+$0x100]  }
0x4f: {  	v3 =	vld [tilespmem:s16+$0x110]  }
0x50: {  	v2 =	vld [tilespmem:s16+$0xF0]  }
0x51: {  	v6 =	vld [tilespmem:s16+$0x30]  }
0x52: {  	v7 =	vld [tilespmem:s16+$0x10]  }
0x53: {  	v10 =	vld [tilespmem:s16+$0xFFFFFFE0]  }
0x54: {  	s19 =	simm.s32 $0x3;
	v11 =	vld [tilespmem:s16+$0xFFFFFFD0]  }
0x55: {  	v8 =	vmov s19;
	s17 =	simm.s32 $0x2;
	v12 =	vld [tilespmem:s16+$0xFFFFFF80]  }
0x56: {  	s4 =	sand.u32 $0xFFFFFF80, s19;
	v8 =	vand.u32 $0x7F, v8;
	v13 =	vmov s17;
	v9 =	vld [tilespmem:s16+$0xFFFFFF30]  }
0x57: {  	v14 =	vmov s3;
	v8 =	vor.u32 s4, v8;
	s17 =	sand.u32 $0xFFFFFF80, s17;
	v13 =	vand.u32 $0x7E, v13;
	v15 =	vld [tilespmem:s16+$0xFFFFFFB0]  }
0x58: {  	v14 =	vand.u32 $0x7E, v14;
	s18 =	simm.s32 $0x1;
	s20 =	sand.u32 $0xFFFFFF80, s3;
	v8 =	vbroadcast v8, $0x0;
	v13 =	vor.u32 s17, v13;
	v16 =	vld [tilespmem:s16+$0xFFFFFEE0]  }
0x59: {  	v18 =	vmov s18;
	v14 =	vor.u32 s20, v14;
	v13 =	vbroadcast v13, $0x0;
	v17 =	vld [tilespmem:s16+$0xFFFFFED0]  }
0x5a: {  	v18 =	vand.u32 $0x7F, v18;
	v14 =	vbroadcast v14, $0x0;
	v19 =	vld [tilespmem:s16+$0xFFFFFEF0]  }
0x5b: {  	v18 =	vor.u32 s20, v18;
	v20 =	vld [tilespmem:s16+$0xFFFFFF70]  }
0x5c: {  	v18 =	vbroadcast v18, $0x0;
	v21 =	vld [tilespmem:s16+$0xFFFFFF60]  }
0x5d: {  	v22 =	vld [tilespmem:s16+$0xFFFFFFA0]  }
0x5e: {  	v8 =	vld.idx.msk [tilespmem:v8+s12+$0x0], $0xffff  }
0x5f: {  	s21 =	simm.s32 $0x4;
	v13 =	vld.idx.msk [tilespmem:v13+s12+$0x0], $0xffff  }
0x60: {  	s5 =	simm.s32 $0x8;
	s18 =	simm.s32 $0x5;
	v23 =	vmov s21;
	v14 =	vld.idx.msk [tilespmem:v14+s12+$0x0], $0xffff  }
0x61: {  	v25 =	vmov s5;
	v27 =	vmov s18;
	s4 =	sand.u32 $0xFFFFFF80, s21;
	v23 =	vand.u32 $0x7E, v23;
	v24 =	vld [tilespmem:s16+$0xFFFFFEC0]  }
0x62: {  	s19 =	simm.s32 $0x6;
	v25 =	vand.u32 $0x7E, v25;
	v27 =	vand.u32 $0x7F, v27;
	s20 =	simm.s32 $0x7;
	v23 =	vor.u32 s4, v23;
	v18 =	vld.idx.msk [tilespmem:v18+s12+$0x0], $0xffff  }
0x63: {  	v32 =	vmov s19;
	v35 =	vmov s20;
	s4 =	sand.u32 $0xFFFFFF80, s18;
	v23 =	vbroadcast v23, $0x0;
	v26 =	vld [tilespmem:s16+$0xFFFFFF10]  }
0x64: {  	v32 =	vand.u32 $0x7E, v32;
	s21 =	sand.u32 $0xFFFFFF80, s20;
	v35 =	vand.u32 $0x7F, v35;
	v27 =	vor.u32 s4, v27;
	s4 =	sand.u32 $0xFFFFFF80, s19;
	v28 =	vld [tilespmem:s16+$0xFFFFFF20]  }
0x65: {  	v60 =	vor.u32 s21, v35;
	s17 =	sand.u32 $0xFFFFFF80, s5;
	v27 =	vbroadcast v27, $0x0;
	v32 =	vor.u32 s4, v32;
	v29 =	vld [tilespmem:s16+$0xFFFFFF00]  }
0x66: {  	v62 =	vbroadcast v60, $0x0;
	v25 =	vor.u32 s17, v25;
	v32 =	vbroadcast v32, $0x0;
	v30 =	vld [tilespmem:s16+$0xFFFFFF50]  }
0x67: {  	v25 =	vbroadcast v25, $0x0;
	v31 =	vld [tilespmem:s16+$0xFFFFFF40];
	v22 =	vmul.f32 v22, v8  }
0x68: {  	v33 =	vld [tilespmem:s16+$0xFFFFFF90];
	v15 =	vmul.f32 v15, v8;
	v21 =	vmul.f32 v21, v13  }
0x69: {  	v23 =	vld.idx.msk [tilespmem:v23+s12+$0x0], $0xffff;
	v16 =	vmul.f32 v16, v14;
	v20 =	vmul.f32 v20, v13  }
0x6a: {  	v34 =	vld [tilespmem:s16+$0xFFFFFFF0];
	v24 =	vmul.f32 v24, v14;
	v19 =	vmul.f32 v19, v14  }
0x6b: {  	v27 =	vld.idx.msk [tilespmem:v27+s12+$0x0], $0xffff;
	v28 =	vmul.f32 v28, v18;
	v26 =	vmul.f32 v26, v18  }
0x6c: {  	v58 =	vld [tilespmem:s16+$0xFFFFFFC0];
	v29 =	vmul.f32 v29, v18;
	v30 =	vmul.f32 v30, v13;
	v24 =	vadd.f32 $0.0e+00, v24  }
0x6d: {  	v61 =	vld [tilespmem:s16+$0x70];
	v9 =	vmul.f32 v9, v18;
	v13 =	vmul.f32 v31, v13;
	v16 =	vadd.f32 $0.0e+00, v16  }
0x6e: {  	v18 =	vld [tilespmem:s16+$0x0];
	v14 =	vmul.f32 v17, v14;
	v19 =	vadd.f32 $0.0e+00, v19;
	v24 =	vadd.f32 v29, v24  }
0x6f: {  	v17 =	vmul.f32 v33, v8;
	v12 =	vmul.f32 v12, v8;
	v8 =	vld.idx.msk [tilespmem:v25+s12+$0x0], $0xffff;
	v16 =	vadd.f32 v28, v16  }
0x70: {  	v63 =	vmul.f32 v7, v27;
	v7 =	vld [tilespmem:s16+$0xB0];
	v19 =	vadd.f32 v9, v19;
	v13 =	vadd.f32 v13, v24  }
0x71: {  	v59 =	vmul.f32 v34, v23;
	v14 =	vadd.f32 $0.0e+00, v14;
	v16 =	vadd.f32 v21, v16;
	v21 =	vld [tilespmem:s16+$0x20]  }
0x72: {  	v19 =	vadd.f32 v20, v19;
	v20 =	vld.idx.msk [tilespmem:v32+s12+$0x0], $0xffff;
	v12 =	vadd.f32 v12, v13;
	v13 =	vmul.f32 v58, v23  }
0x73: {  	v10 =	vmul.f32 v10, v23;
	v14 =	vadd.f32 v26, v14;
	v16 =	vadd.f32 v22, v16;
	v22 =	vld [tilespmem:s16+$0x40]  }
0x74: {  	v23 =	vmul.f32 v11, v23;
	v11 =	vadd.f32 v13, v12;
	v12 =	vmul.f32 v18, v27;
	v13 =	vld [tilespmem:s16+$0x50]  }
0x75: {  	v14 =	vadd.f32 v30, v14;
	v10 =	vadd.f32 v10, v16;
	v18 =	vld [tilespmem:s16+$0x60]  }
0x76: {  	v9 =	vld [tilespmem:s16+$0xD0];
	v16 =	vmul.f32 v21, v27;
	v21 =	vadd.f32 v12, v11;
	v12 =	vadd.f32 v15, v19  }
0x77: {  	v5 =	vmul.f32 v5, v0;
	v14 =	vadd.f32 v17, v14;
	v15 =	vmul.f32 v6, v27;
	v6 =	vld [tilespmem:s16+$0x90]  }
0x78: {  	v4 =	vmul.f32 v4, v0;
	v11 =	vadd.f32 v16, v10;
	v10 =	vld.idx.msk [tilespmem:v62+s12+$0x0], $0xffff;
	v16 =	vadd.f32 v59, v12  }
0x79: {  	v23 =	vadd.f32 v23, v14;
	v22 =	vmul.f32 v22, v20;
	v12 =	vmul.f32 v13, v20;
	v13 =	vld [tilespmem:s16+$0x80]  }
0x7a: {  	v14 =	vld [tilespmem:s16+$0xA0];
	v17 =	vmul.f32 v18, v20;
	v20 =	vmul.f32 v61, v20;
	v19 =	vadd.f32 v15, v16  }
0x7b: {  	s18 =	simm.s32 $0x14A20;
	s19 =	simm.s32 $0xA;
	s17 =	simm.s32 $0x14A20;
	v3 =	vmul.f32 v3, v0;
	v18 =	vadd.f32 v63, v23;
	v16 =	vadd.f32 v22, v21;
	v15 =	vld [tilespmem:s16+$0xC0]  }
.LBB2_2:
0x7c: {  	p0 =	sne.s32 s19, $0x4F6;
	v19 =	vadd.f32 v20, v19;
	v20 =	vld [tilespmem:s16+$0xE0];
	v2 =	vmul.f32 v2, v8;
	v0 =	vmul.f32 v1, v0;
	s18 =	sadd.s32 $0x40, s18;
	s16 =	sadd.s32 $0x280, s16  }
0x7d: {  	s20 =	sadd.s32 $0x8, s19;
	v11 =	vadd.f32 v17, v11;
	v9 =	vmul.f32 v9, v8;
	s4 =	smov.u32 s19;
	s19 =	sadd.s32 $0xA, s19;
	v1 =	vadd.f32 v12, v18  }
0x7e: {  	v12 =	vmov s20;
	v6 =	vmul.f32 v6, v10;
	v13 =	vmul.f32 v13, v10  }
0x7f: {  	v7 =	vmul.f32 v7, v10;
	v12 =	vand.u32 $0x7E, v12;
	v14 =	vmul.f32 v14, v10  }
0x80: {  	v1 =	vadd.f32 v6, v1;
	v10 =	vadd.f32 v13, v16;
	v6 =	vmul.f32 v15, v8  }
0x81: {  	s20 =	sand.u32 $0xFFFFFF80, s20;
	s21 =	sadd.s32 $0x9, s4;
	v7 =	vadd.f32 v7, v19;
	v11 =	vadd.f32 v14, v11;
	v8 =	vmul.f32 v20, v8  }
0x82: {  	v12 =	vor.u32 s20, v12;
	v13 =	vmov s21;
	v6 =	vadd.f32 v6, v10  }
0x83: {  	s20 =	sand.u32 $0xFFFFFF80, s21;
	v2 =	vadd.f32 v2, v7;
	v10 =	vand.u32 $0x7F, v13;
	v8 =	vadd.f32 v8, v11  }
0x84: {  	v1 =	vadd.f32 v9, v1;
	v7 =	vor.u32 s20, v10;
	v0 =	vadd.f32 v0, v6  }
0x85: {  	v2 =	vadd.f32 v4, v2;
	v6 =	vbroadcast v7, $0x0;
	v5 =	vadd.f32 v5, v8  }
0x86: {  	v1 =	vadd.f32 v3, v1;
	[tilespmem:s17+$0xFFFFFFE0] =	vst v0  }
0x87: {  	[tilespmem:s17+$0x10] =	vst v2  }
0x88: {  	[tilespmem:s17+$0x0] =	vst v5  }
0x89: {  	[tilespmem:s17+$0xFFFFFFF0] =	vst v1;
	s17 =	smov.u32 s18  }
0x8a: {  	v4 =	vld [tilespmem:s16+$0x130]  }
0x8b: {  	v0 =	vld.idx.msk [tilespmem:v6+s12+$0x0], $0xffff  }
0x8c: {  	v5 =	vld [tilespmem:s16+$0x120]  }
0x8d: {  	v1 =	vld [tilespmem:s16+$0x100]  }
0x8e: {  	v3 =	vld [tilespmem:s16+$0x110]  }
0x8f: {  	v2 =	vld [tilespmem:s16+$0xF0]  }
0x90: {  	v6 =	vld [tilespmem:s16+$0x30]  }
0x91: {  	v7 =	vld [tilespmem:s16+$0x10]  }
0x92: {  	s20 =	sadd.s32 $0x4, s4;
	v8 =	vld [tilespmem:s16+$0xFFFFFFE0]  }
0x93: {  	s21 =	sadd.s32 $0x3, s4;
	v9 =	vmov s20;
	v10 =	vld [tilespmem:s16+$0xFFFFFFD0]  }
0x94: {  	s5 =	sadd.s32 $0x2, s4;
	v11 =	vmov s21;
	s20 =	sand.u32 $0xFFFFFF80, s20;
	v9 =	vand.u32 $0x7E, v9;
	v13 =	vld [tilespmem:s16+$0xFFFFFF80]  }
0x95: {  	v15 =	vmov s5;
	s21 =	sand.u32 $0xFFFFFF80, s21;
	v11 =	vand.u32 $0x7F, v11;
	v9 =	vor.u32 s20, v9;
	v14 =	vld [tilespmem:s16+$0xFFFFFF30]  }
0x96: {  	v16 =	vmov s4;
	s5 =	sand.u32 $0xFFFFFF80, s5;
	v15 =	vand.u32 $0x7E, v15;
	v11 =	vor.u32 s21, v11;
	v17 =	vld [tilespmem:s16+$0xFFFFFFB0]  }
0x97: {  	v16 =	vand.u32 $0x7E, v16;
	v15 =	vor.u32 s5, v15;
	s21 =	sadd.s32 $0x1, s4;
	s20 =	sand.u32 $0xFFFFFF80, s4;
	v11 =	vbroadcast v11, $0x0;
	v18 =	vld [tilespmem:s16+$0xFFFFFEE0]  }
0x98: {  	v15 =	vbroadcast v15, $0x0;
	v20 =	vmov s21;
	v16 =	vor.u32 s20, v16;
	v19 =	vld [tilespmem:s16+$0xFFFFFED0]  }
0x99: {  	v20 =	vand.u32 $0x7F, v20;
	v9 =	vbroadcast v9, $0x0;
	v16 =	vbroadcast v16, $0x0;
	v21 =	vld [tilespmem:s16+$0xFFFFFEF0]  }
0x9a: {  	v20 =	vor.u32 s20, v20;
	v22 =	vld [tilespmem:s16+$0xFFFFFF70]  }
0x9b: {  	v20 =	vbroadcast v20, $0x0;
	v23 =	vld [tilespmem:s16+$0xFFFFFF60]  }
0x9c: {  	v24 =	vld [tilespmem:s16+$0xFFFFFFA0]  }
0x9d: {  	v11 =	vld.idx.msk [tilespmem:v11+s12+$0x0], $0xffff  }
0x9e: {  	v15 =	vld.idx.msk [tilespmem:v15+s12+$0x0], $0xffff  }
0x9f: {  	v16 =	vld.idx.msk [tilespmem:v16+s12+$0x0], $0xffff  }
0xa0: {  	v25 =	vld [tilespmem:s16+$0xFFFFFEC0]  }
0xa1: {  	s5 =	sadd.s32 $0x5, s4;
	v20 =	vld.idx.msk [tilespmem:v20+s12+$0x0], $0xffff  }
0xa2: {  	v12 =	vbroadcast v12, $0x0;
	v27 =	vmov s5;
	v26 =	vld [tilespmem:s16+$0xFFFFFF10]  }
0xa3: {  	s5 =	sand.u32 $0xFFFFFF80, s5;
	v27 =	vand.u32 $0x7F, v27;
	s20 =	sadd.s32 $0x6, s4;
	v24 =	vmul.f32 v24, v11;
	v17 =	vmul.f32 v17, v11;
	v28 =	vld [tilespmem:s16+$0xFFFFFF20]  }
0xa4: {  	v27 =	vor.u32 s5, v27;
	v23 =	vmul.f32 v23, v15;
	v22 =	vmul.f32 v22, v15;
	v29 =	vld [tilespmem:s16+$0xFFFFFF00]  }
0xa5: {  	v27 =	vbroadcast v27, $0x0;
	v31 =	vmov s20;
	v25 =	vmul.f32 v25, v16;
	v30 =	vld [tilespmem:s16+$0xFFFFFF50]  }
0xa6: {  	s5 =	sand.u32 $0xFFFFFF80, s20;
	v31 =	vand.u32 $0x7E, v31;
	v18 =	vmul.f32 v18, v16;
	v21 =	vmul.f32 v21, v16;
	v32 =	vld [tilespmem:s16+$0xFFFFFF40]  }
0xa7: {  	s4 =	sadd.s32 $0x7, s4;
	v31 =	vor.u32 s5, v31;
	v25 =	vadd.f32 $0.0e+00, v25;
	v26 =	vmul.f32 v26, v20;
	v33 =	vld [tilespmem:s16+$0xFFFFFF90]  }
0xa8: {  	v18 =	vadd.f32 $0.0e+00, v18;
	v28 =	vmul.f32 v28, v20;
	v34 =	vld.idx.msk [tilespmem:v9+s12+$0x0], $0xffff;
	v9 =	vmov s4  }
0xa9: {  	v21 =	vadd.f32 $0.0e+00, v21;
	v29 =	vmul.f32 v29, v20;
	v35 =	vld [tilespmem:s16+$0xFFFFFFF0];
	v9 =	vand.u32 $0x7F, v9  }
0xaa: {  	v31 =	vbroadcast v31, $0x0;
	v18 =	vadd.f32 v28, v18;
	v28 =	vmul.f32 v30, v15;
	v30 =	vld [tilespmem:s16+$0xFFFFFFC0]  }
0xab: {  	v14 =	vmul.f32 v14, v20;
	v25 =	vadd.f32 v29, v25;
	v15 =	vmul.f32 v32, v15;
	v20 =	vld.idx.msk [tilespmem:v27+s12+$0x0], $0xffff  }
0xac: {  	v16 =	vmul.f32 v19, v16;
	s4 =	sand.u32 $0xFFFFFF80, s4;
	v18 =	vadd.f32 v23, v18;
	v19 =	vmul.f32 v33, v11;
	v23 =	vld [tilespmem:s16+$0x0]  }
0xad: {  	v14 =	vadd.f32 v14, v21;
	v11 =	vmul.f32 v13, v11;
	v15 =	vadd.f32 v15, v25;
	v13 =	vld [tilespmem:s16+$0x20]  }
0xae: {  	v18 =	vadd.f32 v24, v18;
	v21 =	vmul.f32 v35, v34;
	v24 =	vor.u32 s4, v9;
	v9 =	vld [tilespmem:s16+$0xD0]  }
0xaf: {  	v16 =	vadd.f32 $0.0e+00, v16;
	v11 =	vadd.f32 v11, v15;
	v15 =	vmul.f32 v30, v34;
	v25 =	vld [tilespmem:s16+$0x40]  }
0xb0: {  	v14 =	vadd.f32 v22, v14;
	v22 =	vmul.f32 v10, v34;
	v10 =	vmul.f32 v8, v34;
	v8 =	vld.idx.msk [tilespmem:v12+s12+$0x0], $0xffff  }
0xb1: {  	v11 =	vadd.f32 v15, v11;
	v12 =	vmul.f32 v23, v20;
	v15 =	vld [tilespmem:s16+$0x70];
	v23 =	vbroadcast v24, $0x0  }
0xb2: {  	v16 =	vadd.f32 v26, v16;
	v10 =	vadd.f32 v10, v18;
	v13 =	vmul.f32 v13, v20;
	v18 =	vld.idx.msk [tilespmem:v31+s12+$0x0], $0xffff  }
0xb3: {  	v26 =	vmul.f32 v7, v20;
	v20 =	vmul.f32 v6, v20;
	v24 =	vadd.f32 v12, v11;
	v12 =	vld [tilespmem:s16+$0x50]  }
0xb4: {  	v6 =	vadd.f32 v28, v16;
	v11 =	vadd.f32 v13, v10;
	v16 =	vld [tilespmem:s16+$0x60]  }
0xb5: {  	v10 =	vadd.f32 v17, v14;
	v7 =	vld [tilespmem:s16+$0xB0]  }
.Ltmp0:
0xb6: {  	v13 =	vadd.f32 v19, v6;
	v6 =	vld [tilespmem:s16+$0x90];
	(pc) =	sbr.rel @p0 .LBB2_2-.Ltmp0, $4  }
0xb7: {  	v4 =	vmul.f32 v4, v0;
	v5 =	vmul.f32 v5, v0;
	v14 =	vadd.f32 v21, v10;
	v10 =	vld.idx.msk [tilespmem:v23+s12+$0x0], $0xffff  }
0xb8: {  	v21 =	vadd.f32 v22, v13;
	v22 =	vmul.f32 v25, v18;
	v12 =	vmul.f32 v12, v18;
	v13 =	vld [tilespmem:s16+$0x80]  }
0xb9: {  	v19 =	vadd.f32 v20, v14;
	v20 =	vmul.f32 v15, v18;
	v17 =	vmul.f32 v16, v18;
	v14 =	vld [tilespmem:s16+$0xA0]  }
0xba: {  	v3 =	vmul.f32 v3, v0;
	v18 =	vadd.f32 v26, v21;
	v16 =	vadd.f32 v22, v24;
	v15 =	vld [tilespmem:s16+$0xC0]  }
0xbb: {  	v21 =	vld [tilespmem:s16+$0xE0]  }
0xbc: {  	v19 =	vadd.f32 v20, v19;
	v2 =	vmul.f32 v2, v8;
	v7 =	vmul.f32 v7, v10  }
0xbd: {  	v0 =	vmul.f32 v1, v0;
	v1 =	vadd.f32 v17, v11;
	v13 =	vmul.f32 v13, v10  }
0xbe: {  	v12 =	vadd.f32 v12, v18;
	v11 =	vmul.f32 v14, v10;
	v7 =	vadd.f32 v7, v19  }
0xbf: {  	v6 =	vmul.f32 v6, v10;
	v13 =	vadd.f32 v13, v16;
	v14 =	vmul.f32 v15, v8  }
0xc0: {  	v1 =	vadd.f32 v11, v1;
	v10 =	vmul.f32 v21, v8;
	v2 =	vadd.f32 v2, v7  }
0xc1: {  	v6 =	vadd.f32 v6, v12;
	v8 =	vmul.f32 v9, v8;
	v11 =	vadd.f32 v14, v13  }
0xc2: {  	v1 =	vadd.f32 v10, v1;
	v2 =	vadd.f32 v4, v2  }
0xc3: {  	v6 =	vadd.f32 v8, v6;
	v0 =	vadd.f32 v0, v11  }
0xc4: {  	v1 =	vadd.f32 v5, v1;
	[tilespmem:s17+$0x10] =	vst v2  }
0xc5: {  	[tilespmem:s17+$0xFFFFFFE0] =	vst v0;
	v0 =	vadd.f32 v3, v6  }
0xc6: {  	[tilespmem:s17+$0x0] =	vst v1  }
0xc7: {  	s4 =	simm.s32 $0x0;
	[tilespmem:s17+$0xFFFFFFF0] =	vst v0  }
0xc8: {  	[hbm4b:s6+s4] =	stream.linear.scatter [tilespmem:s14], [sflag:$0x2], $0x2000, $0x38;
	[tilespmem:$0x16A00] =	vst v63  }
0xc9: {  	_ =	swait.ge [sflag:s11], $0x2000  }
0xca: {  	[sflag:s11] =	ssyncset.done $0x0  }
0xcb: {  	[sflag:s11] =	ssyncadd.s32 $0xFFFFE000  }
0xcc: {  	[tilespmem:s4], [sflag:$0x2] =	stream.linear.gather [hbm4b:s7+s4], $0x500, $0x38;
	[tilespmem:$0x16A00] =	vst v63  }
0xcd: {  	_ =	swait.ge [sflag:s11], $0x500  }
0xce: {  	[sflag:s11] =	ssyncset.done $0x0  }
0xcf: {  	[sflag:s11] =	ssyncadd.s32 $0xFFFFFB00  }
0xd0: {  	[tilespmem:s12], [sflag:$0x2] =	stream.linear.gather [hbm4b:s8+s4], $0x500, $0x38;
	[tilespmem:$0x16A00] =	vst v63  }
0xd1: {  	_ =	swait.ge [sflag:s11], $0x500  }
0xd2: {  	[sflag:s11] =	ssyncset.done $0x0  }
0xd3: {  	s5 =	simm.s32 $0xA00;
	[sflag:s11] =	ssyncadd.s32 $0xFFFFFB00  }
0xd4: {  	[tilespmem:s5], [sflag:$0x1] =	stream.indirect.gather [hbm4b:s1+s13], $0x40, s4, s13, $0xb8;
	[tilespmem:$0x16A00] =	vst v63  }
0xd5: {  	s17 =	simm.s32 $0x2A00  }
0xd6: {  	[tilespmem:s17], [sflag:$0x1] =	stream.indirect.gather [hbm4b:s1+s13], $0x40, s13, s13, $0xb8;
	[tilespmem:$0x16A00] =	vst v63  }
0xd7: {  	s18 =	simm.s32 $0x100;
	s19 =	simm.s32 $0x4A00  }
0xd8: {  	[tilespmem:s19], [sflag:$0x1] =	stream.indirect.gather [hbm4b:s1+s13], $0x40, s18, s13, $0xb8;
	[tilespmem:$0x16A00] =	vst v63  }
0xd9: {  	s20 =	simm.s32 $0x180;
	s21 =	simm.s32 $0x6A00  }
0xda: {  	[tilespmem:s21], [sflag:$0x1] =	stream.indirect.gather [hbm4b:s1+s13], $0x40, s20, s13, $0xb8;
	[tilespmem:$0x16A00] =	vst v63  }
0xdb: {  	s16 =	simm.s32 $0x200;
	s17 =	simm.s32 $0x8A00  }
0xdc: {  	[tilespmem:s17], [sflag:$0x1] =	stream.indirect.gather [hbm4b:s1+s13], $0x40, s16, s13, $0xb8;
	[tilespmem:$0x16A00] =	vst v63  }
0xdd: {  	_ = 	snop  }
0xde: {  	[tilespmem:s23], [sflag:$0x1] =	stream.indirect.gather [hbm4b:s1+s13], $0x40, s22, s13, $0xb8;
	[tilespmem:$0x16A00] =	vst v63  }
0xdf: {  	_ = 	snop  }
0xe0: {  	[tilespmem:s25], [sflag:$0x1] =	stream.indirect.gather [hbm4b:s1+s13], $0x40, s24, s13, $0xb8;
	[tilespmem:$0x16A00] =	vst v63  }
0xe1: {  	_ = 	snop  }
0xe2: {  	[tilespmem:s28], [sflag:$0x1] =	stream.indirect.gather [hbm4b:s1+s13], $0x40, s26, s13, $0xb8;
	[tilespmem:$0x16A00] =	vst v63  }
0xe3: {  	_ = 	snop  }
0xe4: {  	[tilespmem:s30], [sflag:$0x1] =	stream.indirect.gather [hbm4b:s1+s13], $0x40, s29, s13, $0xb8;
	[tilespmem:$0x16A00] =	vst v63  }
0xe5: {  	_ = 	snop  }
0xe6: {  	[tilespmem:s0], [sflag:$0x1] =	stream.indirect.gather [hbm4b:s1+s13], $0x40, s31, s13, $0xb8;
	[tilespmem:$0x16A00] =	vst v63  }
0xe7: {  	_ =	swait.ge [sflag:s2], $0x2000  }
0xe8: {  	[sflag:s2] =	ssyncset.done $0x0  }
0xe9: {  	[sflag:s2] =	ssyncadd.s32 $0xFFFFE000  }
0xea: {  	_ =	swait.ge [sflag:s2], $0x2000  }
0xeb: {  	[sflag:s2] =	ssyncset.done $0x0  }
0xec: {  	[sflag:s2] =	ssyncadd.s32 $0xFFFFE000  }
0xed: {  	_ =	swait.ge [sflag:s2], $0x2000  }
0xee: {  	[sflag:s2] =	ssyncset.done $0x0  }
0xef: {  	[sflag:s2] =	ssyncadd.s32 $0xFFFFE000  }
0xf0: {  	_ =	swait.ge [sflag:s2], $0x2000  }
0xf1: {  	[sflag:s2] =	ssyncset.done $0x0  }
0xf2: {  	[sflag:s2] =	ssyncadd.s32 $0xFFFFE000  }
0xf3: {  	_ =	swait.ge [sflag:s2], $0x2000  }
0xf4: {  	[sflag:s2] =	ssyncset.done $0x0  }
0xf5: {  	[sflag:s2] =	ssyncadd.s32 $0xFFFFE000  }
0xf6: {  	_ =	swait.ge [sflag:s2], $0x2000  }
0xf7: {  	[sflag:s2] =	ssyncset.done $0x0  }
0xf8: {  	[sflag:s2] =	ssyncadd.s32 $0xFFFFE000  }
0xf9: {  	_ =	swait.ge [sflag:s2], $0x2000  }
0xfa: {  	[sflag:s2] =	ssyncset.done $0x0  }
0xfb: {  	[sflag:s2] =	ssyncadd.s32 $0xFFFFE000  }
0xfc: {  	s18 =	simm.s32 $0x9;
	_ =	swait.ge [sflag:s2], $0x2000  }
0xfd: {  	v0 =	vmov s18;
	[sflag:s2] =	ssyncset.done $0x0  }
0xfe: {  	s5 =	sand.u32 $0xFFFFFF80, s18;
	v0 =	vand.u32 $0x7F, v0;
	[sflag:s2] =	ssyncadd.s32 $0xFFFFE000  }
0xff: {  	v0 =	vor.u32 s5, v0;
	_ =	swait.ge [sflag:s2], $0x2000  }
0x100: {  	v0 =	vbroadcast v0, $0x0;
	[sflag:s2] =	ssyncset.done $0x0  }
0x101: {  	[sflag:s2] =	ssyncadd.s32 $0xFFFFE000  }
0x102: {  	_ =	swait.ge [sflag:s2], $0x2000  }
0x103: {  	[sflag:s2] =	ssyncset.done $0x0  }
0x104: {  	s16 =	simm.s32 $0xB40;
	[sflag:s2] =	ssyncadd.s32 $0xFFFFE000  }
0x105: {  	v4 =	vld [tilespmem:s16+$0x130]  }
0x106: {  	v0 =	vld.idx.msk [tilespmem:v0+s12+$0x0], $0xffff  }
0x107: {  	v5 =	vld [tilespmem:s16+$0x120]  }
0x108: {  	v1 =	vld [tilespmem:s16+$0x100]  }
0x109: {  	v3 =	vld [tilespmem:s16+$0x110]  }
0x10a: {  	v2 =	vld [tilespmem:s16+$0xF0]  }
0x10b: {  	v6 =	vld [tilespmem:s16+$0x30]  }
0x10c: {  	v7 =	vld [tilespmem:s16+$0x10]  }
0x10d: {  	v10 =	vld [tilespmem:s16+$0xFFFFFFE0]  }
0x10e: {  	s19 =	simm.s32 $0x3;
	v11 =	vld [tilespmem:s16+$0xFFFFFFD0]  }
0x10f: {  	v8 =	vmov s19;
	s20 =	simm.s32 $0x2;
	v12 =	vld [tilespmem:s16+$0xFFFFFF80]  }
0x110: {  	v8 =	vand.u32 $0x7F, v8;
	v13 =	vmov s20;
	s5 =	sand.u32 $0xFFFFFF80, s19;
	v9 =	vld [tilespmem:s16+$0xFFFFFF30]  }
0x111: {  	v14 =	vmov s4;
	s17 =	sand.u32 $0xFFFFFF80, s20;
	v13 =	vand.u32 $0x7E, v13;
	v8 =	vor.u32 s5, v8;
	v15 =	vld [tilespmem:s16+$0xFFFFFFB0]  }
0x112: {  	v14 =	vand.u32 $0x7E, v14;
	s4 =	sand.u32 $0xFFFFFF80, s4;
	s21 =	simm.s32 $0x1;
	v13 =	vor.u32 s17, v13;
	v8 =	vbroadcast v8, $0x0;
	v16 =	vld [tilespmem:s16+$0xFFFFFEE0]  }
0x113: {  	v14 =	vor.u32 s4, v14;
	v18 =	vmov s21;
	v13 =	vbroadcast v13, $0x0;
	v17 =	vld [tilespmem:s16+$0xFFFFFED0]  }
0x114: {  	v14 =	vbroadcast v14, $0x0;
	v18 =	vand.u32 $0x7F, v18;
	v19 =	vld [tilespmem:s16+$0xFFFFFEF0]  }
0x115: {  	v18 =	vor.u32 s4, v18;
	v20 =	vld [tilespmem:s16+$0xFFFFFF70]  }
0x116: {  	v18 =	vbroadcast v18, $0x0;
	v21 =	vld [tilespmem:s16+$0xFFFFFF60]  }
0x117: {  	v22 =	vld [tilespmem:s16+$0xFFFFFFA0]  }
0x118: {  	v8 =	vld.idx.msk [tilespmem:v8+s12+$0x0], $0xffff  }
0x119: {  	s5 =	simm.s32 $0x4;
	v13 =	vld.idx.msk [tilespmem:v13+s12+$0x0], $0xffff  }
0x11a: {  	s18 =	simm.s32 $0x5;
	s19 =	simm.s32 $0x6;
	v23 =	vmov s5;
	v14 =	vld.idx.msk [tilespmem:v14+s12+$0x0], $0xffff  }
0x11b: {  	v27 =	vmov s18;
	v32 =	vmov s19;
	s4 =	sand.u32 $0xFFFFFF80, s5;
	v23 =	vand.u32 $0x7E, v23;
	v24 =	vld [tilespmem:s16+$0xFFFFFEC0]  }
0x11c: {  	v27 =	vand.u32 $0x7F, v27;
	s20 =	simm.s32 $0x7;
	s17 =	simm.s32 $0x8;
	v32 =	vand.u32 $0x7E, v32;
	v23 =	vor.u32 s4, v23;
	v18 =	vld.idx.msk [tilespmem:v18+s12+$0x0], $0xffff  }
0x11d: {  	v35 =	vmov s20;
	v25 =	vmov s17;
	s4 =	sand.u32 $0xFFFFFF80, s18;
	v23 =	vbroadcast v23, $0x0;
	v26 =	vld [tilespmem:s16+$0xFFFFFF10]  }
0x11e: {  	s21 =	sand.u32 $0xFFFFFF80, s20;
	s5 =	sand.u32 $0xFFFFFF80, s17;
	v35 =	vand.u32 $0x7F, v35;
	v25 =	vand.u32 $0x7E, v25;
	v27 =	vor.u32 s4, v27;
	v28 =	vld [tilespmem:s16+$0xFFFFFF20]  }
0x11f: {  	v60 =	vor.u32 s21, v35;
	v25 =	vor.u32 s5, v25;
	s4 =	sand.u32 $0xFFFFFF80, s19;
	v27 =	vbroadcast v27, $0x0;
	v29 =	vld [tilespmem:s16+$0xFFFFFF00]  }
0x120: {  	v62 =	vbroadcast v60, $0x0;
	v25 =	vbroadcast v25, $0x0;
	v32 =	vor.u32 s4, v32;
	v30 =	vld [tilespmem:s16+$0xFFFFFF50]  }
0x121: {  	v32 =	vbroadcast v32, $0x0;
	v31 =	vld [tilespmem:s16+$0xFFFFFF40];
	v22 =	vmul.f32 v22, v8  }
0x122: {  	v33 =	vld [tilespmem:s16+$0xFFFFFF90];
	v15 =	vmul.f32 v15, v8;
	v21 =	vmul.f32 v21, v13  }
0x123: {  	v23 =	vld.idx.msk [tilespmem:v23+s12+$0x0], $0xffff;
	v16 =	vmul.f32 v16, v14;
	v20 =	vmul.f32 v20, v13  }
0x124: {  	v34 =	vld [tilespmem:s16+$0xFFFFFFF0];
	v24 =	vmul.f32 v24, v14;
	v19 =	vmul.f32 v19, v14  }
0x125: {  	v27 =	vld.idx.msk [tilespmem:v27+s12+$0x0], $0xffff;
	v28 =	vmul.f32 v28, v18;
	v26 =	vmul.f32 v26, v18  }
0x126: {  	v58 =	vld [tilespmem:s16+$0xFFFFFFC0];
	v29 =	vmul.f32 v29, v18;
	v30 =	vmul.f32 v30, v13;
	v24 =	vadd.f32 $0.0e+00, v24  }
0x127: {  	v61 =	vld [tilespmem:s16+$0x70];
	v9 =	vmul.f32 v9, v18;
	v13 =	vmul.f32 v31, v13;
	v16 =	vadd.f32 $0.0e+00, v16  }
0x128: {  	v18 =	vld [tilespmem:s16+$0x0];
	v14 =	vmul.f32 v17, v14;
	v19 =	vadd.f32 $0.0e+00, v19;
	v24 =	vadd.f32 v29, v24  }
0x129: {  	v17 =	vmul.f32 v33, v8;
	v12 =	vmul.f32 v12, v8;
	v8 =	vld.idx.msk [tilespmem:v25+s12+$0x0], $0xffff;
	v16 =	vadd.f32 v28, v16  }
0x12a: {  	v63 =	vmul.f32 v7, v27;
	v7 =	vld [tilespmem:s16+$0xB0];
	v19 =	vadd.f32 v9, v19;
	v13 =	vadd.f32 v13, v24  }
0x12b: {  	v59 =	vmul.f32 v34, v23;
	v14 =	vadd.f32 $0.0e+00, v14;
	v16 =	vadd.f32 v21, v16;
	v21 =	vld [tilespmem:s16+$0x20]  }
0x12c: {  	v19 =	vadd.f32 v20, v19;
	v20 =	vld.idx.msk [tilespmem:v32+s12+$0x0], $0xffff;
	v12 =	vadd.f32 v12, v13;
	v13 =	vmul.f32 v58, v23  }
0x12d: {  	v10 =	vmul.f32 v10, v23;
	v14 =	vadd.f32 v26, v14;
	v16 =	vadd.f32 v22, v16;
	v22 =	vld [tilespmem:s16+$0x40]  }
0x12e: {  	v23 =	vmul.f32 v11, v23;
	v11 =	vadd.f32 v13, v12;
	v12 =	vmul.f32 v18, v27;
	v13 =	vld [tilespmem:s16+$0x50]  }
0x12f: {  	v14 =	vadd.f32 v30, v14;
	v10 =	vadd.f32 v10, v16;
	v18 =	vld [tilespmem:s16+$0x60]  }
0x130: {  	v9 =	vld [tilespmem:s16+$0xD0];
	v16 =	vmul.f32 v21, v27;
	v21 =	vadd.f32 v12, v11;
	v12 =	vadd.f32 v15, v19  }
0x131: {  	v5 =	vmul.f32 v5, v0;
	v14 =	vadd.f32 v17, v14;
	v15 =	vmul.f32 v6, v27;
	v6 =	vld [tilespmem:s16+$0x90]  }
0x132: {  	v4 =	vmul.f32 v4, v0;
	v11 =	vadd.f32 v16, v10;
	v10 =	vld.idx.msk [tilespmem:v62+s12+$0x0], $0xffff;
	v16 =	vadd.f32 v59, v12  }
0x133: {  	v23 =	vadd.f32 v23, v14;
	v22 =	vmul.f32 v22, v20;
	v12 =	vmul.f32 v13, v20;
	v13 =	vld [tilespmem:s16+$0x80]  }
0x134: {  	v14 =	vld [tilespmem:s16+$0xA0];
	v17 =	vmul.f32 v18, v20;
	v20 =	vmul.f32 v61, v20;
	v19 =	vadd.f32 v15, v16  }
0x135: {  	s17 =	simm.s32 $0x14A20;
	s18 =	simm.s32 $0x14A20;
	s19 =	simm.s32 $0xA;
	v3 =	vmul.f32 v3, v0;
	v18 =	vadd.f32 v63, v23;
	v16 =	vadd.f32 v22, v21;
	v15 =	vld [tilespmem:s16+$0xC0]  }
.LBB2_4:
0x136: {  	p0 =	sne.s32 s19, $0x4F6;
	v19 =	vadd.f32 v20, v19;
	v20 =	vld [tilespmem:s16+$0xE0];
	v2 =	vmul.f32 v2, v8;
	v0 =	vmul.f32 v1, v0;
	s18 =	sadd.s32 $0x40, s18;
	s16 =	sadd.s32 $0x280, s16  }
0x137: {  	s5 =	sadd.s32 $0x8, s19;
	v11 =	vadd.f32 v17, v11;
	v9 =	vmul.f32 v9, v8;
	s4 =	smov.u32 s19;
	s19 =	sadd.s32 $0xA, s19;
	v1 =	vadd.f32 v12, v18  }
0x138: {  	v12 =	vmov s5;
	v6 =	vmul.f32 v6, v10;
	v13 =	vmul.f32 v13, v10  }
0x139: {  	v7 =	vmul.f32 v7, v10;
	v12 =	vand.u32 $0x7E, v12;
	v14 =	vmul.f32 v14, v10  }
0x13a: {  	v1 =	vadd.f32 v6, v1;
	v10 =	vadd.f32 v13, v16;
	v6 =	vmul.f32 v15, v8  }
0x13b: {  	s5 =	sand.u32 $0xFFFFFF80, s5;
	s20 =	sadd.s32 $0x9, s4;
	v7 =	vadd.f32 v7, v19;
	v11 =	vadd.f32 v14, v11;
	v8 =	vmul.f32 v20, v8  }
0x13c: {  	v12 =	vor.u32 s5, v12;
	v13 =	vmov s20;
	v6 =	vadd.f32 v6, v10  }
0x13d: {  	s5 =	sand.u32 $0xFFFFFF80, s20;
	v2 =	vadd.f32 v2, v7;
	v10 =	vand.u32 $0x7F, v13;
	v8 =	vadd.f32 v8, v11  }
0x13e: {  	v1 =	vadd.f32 v9, v1;
	v7 =	vor.u32 s5, v10;
	v0 =	vadd.f32 v0, v6  }
0x13f: {  	v2 =	vadd.f32 v4, v2;
	v6 =	vbroadcast v7, $0x0;
	v5 =	vadd.f32 v5, v8  }
0x140: {  	v1 =	vadd.f32 v3, v1;
	[tilespmem:s17+$0xFFFFFFE0] =	vst v0  }
0x141: {  	[tilespmem:s17+$0x10] =	vst v2  }
0x142: {  	[tilespmem:s17+$0x0] =	vst v5  }
0x143: {  	[tilespmem:s17+$0xFFFFFFF0] =	vst v1;
	s17 =	smov.u32 s18  }
0x144: {  	v4 =	vld [tilespmem:s16+$0x130]  }
0x145: {  	v0 =	vld.idx.msk [tilespmem:v6+s12+$0x0], $0xffff  }
0x146: {  	v5 =	vld [tilespmem:s16+$0x120]  }
0x147: {  	v1 =	vld [tilespmem:s16+$0x100]  }
0x148: {  	v3 =	vld [tilespmem:s16+$0x110]  }
0x149: {  	v2 =	vld [tilespmem:s16+$0xF0]  }
0x14a: {  	v6 =	vld [tilespmem:s16+$0x30]  }
0x14b: {  	v7 =	vld [tilespmem:s16+$0x10]  }
0x14c: {  	s5 =	sadd.s32 $0x4, s4;
	v8 =	vld [tilespmem:s16+$0xFFFFFFE0]  }
0x14d: {  	s20 =	sadd.s32 $0x3, s4;
	v9 =	vmov s5;
	v10 =	vld [tilespmem:s16+$0xFFFFFFD0]  }
0x14e: {  	s21 =	sadd.s32 $0x2, s4;
	v11 =	vmov s20;
	s5 =	sand.u32 $0xFFFFFF80, s5;
	v9 =	vand.u32 $0x7E, v9;
	v13 =	vld [tilespmem:s16+$0xFFFFFF80]  }
0x14f: {  	v15 =	vmov s21;
	s20 =	sand.u32 $0xFFFFFF80, s20;
	v11 =	vand.u32 $0x7F, v11;
	v9 =	vor.u32 s5, v9;
	v14 =	vld [tilespmem:s16+$0xFFFFFF30]  }
0x150: {  	v16 =	vmov s4;
	v15 =	vand.u32 $0x7E, v15;
	v11 =	vor.u32 s20, v11;
	s5 =	sand.u32 $0xFFFFFF80, s21;
	v17 =	vld [tilespmem:s16+$0xFFFFFFB0]  }
0x151: {  	v16 =	vand.u32 $0x7E, v16;
	s20 =	sand.u32 $0xFFFFFF80, s4;
	s21 =	sadd.s32 $0x1, s4;
	v11 =	vbroadcast v11, $0x0;
	v15 =	vor.u32 s5, v15;
	v18 =	vld [tilespmem:s16+$0xFFFFFEE0]  }
0x152: {  	v16 =	vor.u32 s20, v16;
	v20 =	vmov s21;
	v15 =	vbroadcast v15, $0x0;
	v19 =	vld [tilespmem:s16+$0xFFFFFED0]  }
0x153: {  	v16 =	vbroadcast v16, $0x0;
	v9 =	vbroadcast v9, $0x0;
	v20 =	vand.u32 $0x7F, v20;
	v21 =	vld [tilespmem:s16+$0xFFFFFEF0]  }
0x154: {  	v20 =	vor.u32 s20, v20;
	v22 =	vld [tilespmem:s16+$0xFFFFFF70]  }
0x155: {  	v20 =	vbroadcast v20, $0x0;
	v23 =	vld [tilespmem:s16+$0xFFFFFF60]  }
0x156: {  	v24 =	vld [tilespmem:s16+$0xFFFFFFA0]  }
0x157: {  	v11 =	vld.idx.msk [tilespmem:v11+s12+$0x0], $0xffff  }
0x158: {  	v15 =	vld.idx.msk [tilespmem:v15+s12+$0x0], $0xffff  }
0x159: {  	v16 =	vld.idx.msk [tilespmem:v16+s12+$0x0], $0xffff  }
0x15a: {  	v25 =	vld [tilespmem:s16+$0xFFFFFEC0]  }
0x15b: {  	s5 =	sadd.s32 $0x5, s4;
	v20 =	vld.idx.msk [tilespmem:v20+s12+$0x0], $0xffff  }
0x15c: {  	v12 =	vbroadcast v12, $0x0;
	v27 =	vmov s5;
	v26 =	vld [tilespmem:s16+$0xFFFFFF10]  }
0x15d: {  	s5 =	sand.u32 $0xFFFFFF80, s5;
	v27 =	vand.u32 $0x7F, v27;
	s20 =	sadd.s32 $0x6, s4;
	v24 =	vmul.f32 v24, v11;
	v17 =	vmul.f32 v17, v11;
	v28 =	vld [tilespmem:s16+$0xFFFFFF20]  }
0x15e: {  	v27 =	vor.u32 s5, v27;
	v23 =	vmul.f32 v23, v15;
	v22 =	vmul.f32 v22, v15;
	v29 =	vld [tilespmem:s16+$0xFFFFFF00]  }
0x15f: {  	v31 =	vmov s20;
	v27 =	vbroadcast v27, $0x0;
	v25 =	vmul.f32 v25, v16;
	v30 =	vld [tilespmem:s16+$0xFFFFFF50]  }
0x160: {  	s5 =	sand.u32 $0xFFFFFF80, s20;
	v31 =	vand.u32 $0x7E, v31;
	v18 =	vmul.f32 v18, v16;
	v21 =	vmul.f32 v21, v16;
	v32 =	vld [tilespmem:s16+$0xFFFFFF40]  }
0x161: {  	s4 =	sadd.s32 $0x7, s4;
	v31 =	vor.u32 s5, v31;
	v25 =	vadd.f32 $0.0e+00, v25;
	v26 =	vmul.f32 v26, v20;
	v33 =	vld [tilespmem:s16+$0xFFFFFF90]  }
0x162: {  	v18 =	vadd.f32 $0.0e+00, v18;
	v28 =	vmul.f32 v28, v20;
	v34 =	vld.idx.msk [tilespmem:v9+s12+$0x0], $0xffff;
	v9 =	vmov s4  }
0x163: {  	v21 =	vadd.f32 $0.0e+00, v21;
	v29 =	vmul.f32 v29, v20;
	v35 =	vld [tilespmem:s16+$0xFFFFFFF0];
	v9 =	vand.u32 $0x7F, v9  }
0x164: {  	v31 =	vbroadcast v31, $0x0;
	v18 =	vadd.f32 v28, v18;
	v28 =	vmul.f32 v30, v15;
	v30 =	vld [tilespmem:s16+$0xFFFFFFC0]  }
0x165: {  	v14 =	vmul.f32 v14, v20;
	v25 =	vadd.f32 v29, v25;
	v15 =	vmul.f32 v32, v15;
	v20 =	vld.idx.msk [tilespmem:v27+s12+$0x0], $0xffff  }
0x166: {  	v16 =	vmul.f32 v19, v16;
	s4 =	sand.u32 $0xFFFFFF80, s4;
	v18 =	vadd.f32 v23, v18;
	v19 =	vmul.f32 v33, v11;
	v23 =	vld [tilespmem:s16+$0x0]  }
0x167: {  	v14 =	vadd.f32 v14, v21;
	v11 =	vmul.f32 v13, v11;
	v15 =	vadd.f32 v15, v25;
	v13 =	vld [tilespmem:s16+$0x20]  }
0x168: {  	v18 =	vadd.f32 v24, v18;
	v21 =	vmul.f32 v35, v34;
	v24 =	vor.u32 s4, v9;
	v9 =	vld [tilespmem:s16+$0xD0]  }
0x169: {  	v16 =	vadd.f32 $0.0e+00, v16;
	v11 =	vadd.f32 v11, v15;
	v15 =	vmul.f32 v30, v34;
	v25 =	vld [tilespmem:s16+$0x40]  }
0x16a: {  	v14 =	vadd.f32 v22, v14;
	v22 =	vmul.f32 v10, v34;
	v10 =	vmul.f32 v8, v34;
	v8 =	vld.idx.msk [tilespmem:v12+s12+$0x0], $0xffff  }
0x16b: {  	v11 =	vadd.f32 v15, v11;
	v12 =	vmul.f32 v23, v20;
	v15 =	vld [tilespmem:s16+$0x70];
	v23 =	vbroadcast v24, $0x0  }
0x16c: {  	v16 =	vadd.f32 v26, v16;
	v10 =	vadd.f32 v10, v18;
	v13 =	vmul.f32 v13, v20;
	v18 =	vld.idx.msk [tilespmem:v31+s12+$0x0], $0xffff  }
0x16d: {  	v26 =	vmul.f32 v7, v20;
	v20 =	vmul.f32 v6, v20;
	v24 =	vadd.f32 v12, v11;
	v12 =	vld [tilespmem:s16+$0x50]  }
0x16e: {  	v6 =	vadd.f32 v28, v16;
	v11 =	vadd.f32 v13, v10;
	v16 =	vld [tilespmem:s16+$0x60]  }
0x16f: {  	v10 =	vadd.f32 v17, v14;
	v7 =	vld [tilespmem:s16+$0xB0]  }
.Ltmp1:
0x170: {  	v13 =	vadd.f32 v19, v6;
	v6 =	vld [tilespmem:s16+$0x90];
	(pc) =	sbr.rel @p0 .LBB2_4-.Ltmp1, $4  }
0x171: {  	v4 =	vmul.f32 v4, v0;
	v5 =	vmul.f32 v5, v0;
	v14 =	vadd.f32 v21, v10;
	v10 =	vld.idx.msk [tilespmem:v23+s12+$0x0], $0xffff  }
0x172: {  	v21 =	vadd.f32 v22, v13;
	v22 =	vmul.f32 v25, v18;
	v12 =	vmul.f32 v12, v18;
	v13 =	vld [tilespmem:s16+$0x80]  }
0x173: {  	v19 =	vadd.f32 v20, v14;
	v20 =	vmul.f32 v15, v18;
	v17 =	vmul.f32 v16, v18;
	v14 =	vld [tilespmem:s16+$0xA0]  }
0x174: {  	v3 =	vmul.f32 v3, v0;
	v18 =	vadd.f32 v26, v21;
	v16 =	vadd.f32 v22, v24;
	v15 =	vld [tilespmem:s16+$0xC0]  }
0x175: {  	_ = 	snop  }
0x176: {  	v21 =	vld [tilespmem:s16+$0xE0];
	v19 =	vadd.f32 v20, v19;
	v2 =	vmul.f32 v2, v8;
	v7 =	vmul.f32 v7, v10  }
0x177: {  	v0 =	vmul.f32 v1, v0;
	v12 =	vadd.f32 v12, v18;
	v6 =	vmul.f32 v6, v10  }
0x178: {  	v57 =	vadd.f32 v17, v11;
	v13 =	vmul.f32 v13, v10;
	v7 =	vadd.f32 v7, v19  }
0x179: {  	v62 =	vmul.f32 v9, v8;
	v58 =	vmul.f32 v14, v10;
	v6 =	vadd.f32 v6, v12  }
0x17a: {  	v13 =	vadd.f32 v13, v16;
	v59 =	vmul.f32 v15, v8;
	v2 =	vadd.f32 v2, v7  }
0x17b: {  	v1 =	vadd.f32 v58, v57;
	v60 =	vmul.f32 v21, v8;
	v6 =	vadd.f32 v62, v6  }
0x17c: {  	v61 =	vadd.f32 v59, v13;
	v2 =	vadd.f32 v4, v2  }
0x17d: {  	v1 =	vadd.f32 v60, v1;
	v63 =	vadd.f32 v3, v6  }
0x17e: {  	v0 =	vadd.f32 v0, v61;
	[tilespmem:s17+$0x10] =	vst v2  }
0x17f: {  	s15 =	sadd.s32 $0x1, s15;
	v1 =	vadd.f32 v5, v1;
	[tilespmem:s17+$0xFFFFFFF0] =	vst v63  }
0x180: {  	p0 =	sne.s32 s15, s10;
	[tilespmem:s17+$0xFFFFFFE0] =	vst v0  }
.Ltmp2:
0x181: {  	[tilespmem:s17+$0x0] =	vst v1;
	(pc) =	sbr.rel @p0 .LBB2_1-.Ltmp2, $4  }
0x182: {  	[hbm4b:s9+s3] =	stream.linear.scatter [tilespmem:s14], [sflag:$0x2], $0x2000, $0x38;
	[tilespmem:$0x16A00] =	vst v63  }
0x183: {  	_ =	swait.ge [sflag:s11], $0x2000  }
0x184: {  	[sflag:s11] =	ssyncset.done $0x0  }
0x185: {  	[sflag:s11] =	ssyncadd.s32 $0xFFFFE000  }
0x186: {  	_ =	sfence.sel $0x180000  }
0x187: {  	[bflag:$0x0] =	sbarrier.arrive $0xFFFF  }
0x188: {  	_ =	strace $0x9000004D  }
0x189: {  	s0 =	stileid.u32;
	[bflag:$0x2] =	sbarrier.arrive $0xFFFF  }
0x18a: {  	p0 =	sne.s32 s0, $0x0;
	s0 =	rddreg [dreg:$0x2]  }
0x18b: {  	s0 =	sadd.s32 @!p0 $0x100000, s0  }
0x18c: {  	[sflag:s0] =	ssyncadd.tile.s32 @!p0 $0x1;
	_ =	shalt  }
.Lfunc_end2:
_tile_overlayer_lowered:
.L_overlay_start_2:
0x18d: {  	(tag) =	ssettag $0x2  }
0x18e: {  	s0 =	rddreg [dreg:$0x0];
	s2 =	stileid.u32  }
0x18f: {  	s1 =	rddreg [dreg:$0x1];
	p0 =	sne.s32 s2, $0x0  }
0x190: {  	s3 =	rddreg [dreg:$0x2];
	[bflag:$0x3] =	sbarrier.arrive $0xFFFF;
	s2 =	simm.s32 @!p0 $0x1C02  }
0x191: {  	[timem:s3], [sflag:s2] =	dma.local @!p0 [hbm:s0], s1  }
0x192: {  	s0 =	simm.s32 @!p0 $0x2  }
0x193: {  	_ =	swait.ge @!p0 [sflag:s0], s1  }
0x194: {  	s1 =	ssub.s32 @!p0 $0x0, s1;
	[sflag:s0] =	ssyncset.done @!p0 $0x0  }
0x195: {  	[sflag:s0] =	ssyncadd.s32 @!p0 s1  }
0x196: {  	[bflag:$0x3] =	sbarrier.arrive $0xFFFF  }
0x197: {  	_ =	shalt  }

// kernel: kernel.21.cloned.1.call-start
scs
__scs_entry_jumppad:
0x0: {  	(pc) =	sbr.rel $0x88, $3  }
0x1: {  	(tag) =	ssettag $0x0;
	lr =	simm.s32 $0x1  }
0x2: {  	[smem:$0x3F91] =	sst lr;
	_ =	strace $0xD0000000  }
0x3: {  	_ = 	snop  }
0x4: {  	_ = 	snop  }
0x5: {  	_ = 	snop  }
0x6: {  	_ = 	snop  }
0x7: {  	_ = 	snop  }
__scs_overlays_trampoline_lowered:
0x8: {  	[smem:$0x3FA0] =	sst s0  }
0x9: {  	[smem:$0x3FA1] =	sst s1  }
0xa: {  	[smem:$0x3FA2] =	sst s2  }
0xb: {  	[smem:$0x3FA3] =	sst s3  }
0xc: {  	[smem:$0x3FA4] =	sst s4  }
0xd: {  	[smem:$0x3FA5] =	sst s5  }
0xe: {  	[smem:$0x3FA6] =	sst s6  }
0xf: {  	[smem:$0x3FA7] =	sst s7  }
0x10: {  	[smem:$0x3FA8] =	sst s8  }
0x11: {  	[smem:$0x3FA9] =	sst s9;
	s0 =	simm.s32 @!p0 $0x0  }
0x12: {  	s1 =	sld [smem:$0x3F8F];
	s0 =	simm.s32 @p0 $0x1  }
0x13: {  	[smem:$0x3FAA] =	sst s0;
	s0 =	simm.s32 @!p1 $0x0  }
0x14: {  	s2 =	sld [smem:$0x3F8E];
	s0 =	simm.s32 @p1 $0x1  }
0x15: {  	[smem:$0x3FAB] =	sst s0;
	s0 =	simm.s32 @!p2 $0x0  }
0x16: {  	s3 =	sld [smem:$0x3FDB];
	s0 =	simm.s32 @p2 $0x1  }
0x17: {  	s4 =	simm.s32 $0x1BF5;
	[smem:$0x3FAD] =	sst s0  }
0x18: {  	s0 =	sld [smem:$0x3F90];
	_ =	swait.ge [sflag:s4], $0x0  }
0x19: {  	s7 =	sld [smem:$0x3F91]  }
0x1a: {  	s8 =	sadd.s32 $0xFFFFE003, lr  }
0x1b: {  	s9 =	sadd.s32 $0xFFFFFEF7, lr;
	s5 =	simm.s32 $0xFFFFFFFF;
	p2 =	slt.u32 s8, $0xFFFFF086  }
0x1c: {  	p1 =	slt.u32 s9, $0xF7A;
	s5 =	simm.s32 @!p2 $0x0  }
0x1d: {  	s5 =	simm.s32 @p1 $0x1;
	p0 =	seq.s32 s7, s2  }
0x1e: {  	s7 =	smul.u32 @!p0 $0xF7A, s2;
	p2 =	seq.s32 @!p0 s5, $0x0  }
0x1f: {  	s9 =	smul.u32 $0xF7A, s1;
	s8 =	simm.s32 @!p0 $0x1BF5;
	p2 =	por !p2, p0  }
0x20: {  	[sflag:s8] =	ssyncset.s32 @!p0 $0xFFFFF086;
	s6 =	sadd.s32 @!p0 s3, s7;
	s7 =	simm.s32 @!p0 $0x108  }
0x21: {  	s3 =	sadd.s32 s3, s9;
	s6 =	sadd.s32 @!p0 $0x88, s6;
	s7 =	simm.s32 @p2 $0x1082  }
0x22: {  	[simem:s7], [sflag:s8] =	dma.local @!p0 [hbm:s6], $0xF7A  }
0x23: {  	s9 =	sor.u32 $0xD0000000, s2;
	s6 =	simm.s32 $0x108;
	_ =	swait.ge @!p0 [sflag:s8], $0x0  }
0x24: {  	s3 =	sadd.s32 $0x88, s3;
	s6 =	simm.s32 @!p1 $0x1082;
	[sflag:s4] =	ssyncset.s32 $0xFFFFF086  }
0x25: {  	[simem:s6], [sflag:s4] =	dma.local [hbm:s3], $0xF7A  }
0x26: {  	[smem:$0x3F91] =	sst s1;
	(tag) =	ssettag s2;
	_ =	strace s9  }
0x27: {  	s1 =	sld [smem:$0x3FA1]  }
0x28: {  	s2 =	sld [smem:$0x3FA2]  }
0x29: {  	s4 =	sld [smem:$0x3FA4]  }
0x2a: {  	p0 =	seq.s32 s5, $0x0;
	s5 =	sld [smem:$0x3FA5]  }
0x2b: {  	s6 =	sld [smem:$0x3FA6]  }
0x2c: {  	s7 =	sld [smem:$0x3FA7]  }
0x2d: {  	s3 =	simm.s32 $0x108;
	s8 =	sld [smem:$0x3FA8]  }
0x2e: {  	s3 =	simm.s32 @!p0 $0x1082;
	s9 =	sld [smem:$0x3FA9]  }
0x2f: {  	lr =	sadd.s32 s0, s3;
	s0 =	sld [smem:$0x3FA0]  }
0x30: {  	s3 =	sld [smem:$0x3FA3]  }
0x31: {  	[smem:$0x3FAC] =	sst s10  }
0x32: {  	s10 =	sld [smem:$0x3FAA];
	_ =	sdelay $0x3  }
0x33: {  	p0 =	seq.s32 s10, $0x1;
	s10 =	sld [smem:$0x3FAC];
	_ =	sdelay $0x3  }
0x34: {  	[smem:$0x3FAC] =	sst s10  }
0x35: {  	s10 =	sld [smem:$0x3FAB];
	_ =	sdelay $0x3  }
0x36: {  	p1 =	seq.s32 s10, $0x1;
	s10 =	sld [smem:$0x3FAC];
	_ =	sdelay $0x3  }
0x37: {  	[smem:$0x3FAC] =	sst s10  }
0x38: {  	s10 =	sld [smem:$0x3FAD]  }
0x39: {  	_ = 	snop;
	(pc) =	sbr.ind lr, $3  }
0x3a: {  	_ = 	snop  }
0x3b: {  	_ = 	snop  }
0x3c: {  	p2 =	seq.s32 s10, $0x1;
	s10 =	sld [smem:$0x3FAC]  }
0x3d: {  	_ =	shalt  }
0x3e: {  	_ =	shalt  }
0x3f: {  	_ =	shalt  }
0x40: {  	_ =	shalt  }
0x41: {  	_ =	shalt  }
0x42: {  	_ =	shalt  }
0x43: {  	_ =	shalt  }
0x44: {  	_ =	shalt  }
0x45: {  	_ =	shalt  }
0x46: {  	_ =	shalt  }
0x47: {  	_ =	shalt  }
0x48: {  	_ =	shalt  }
0x49: {  	_ =	shalt  }
0x4a: {  	_ =	shalt  }
0x4b: {  	_ =	shalt  }
0x4c: {  	_ =	shalt  }
0x4d: {  	_ =	shalt  }
0x4e: {  	_ =	shalt  }
0x4f: {  	_ =	shalt  }
0x50: {  	_ =	shalt  }
0x51: {  	_ =	shalt  }
0x52: {  	_ =	shalt  }
0x53: {  	_ =	shalt  }
0x54: {  	_ =	shalt  }
0x55: {  	_ =	shalt  }
0x56: {  	_ =	shalt  }
0x57: {  	_ =	shalt  }
0x58: {  	_ =	shalt  }
0x59: {  	_ =	shalt  }
0x5a: {  	_ =	shalt  }
0x5b: {  	_ =	shalt  }
0x5c: {  	_ =	shalt  }
0x5d: {  	_ =	shalt  }
0x5e: {  	_ =	shalt  }
0x5f: {  	_ =	shalt  }
0x60: {  	_ =	shalt  }
0x61: {  	_ =	shalt  }
0x62: {  	_ =	shalt  }
0x63: {  	_ =	shalt  }
0x64: {  	_ =	shalt  }
0x65: {  	_ =	shalt  }
0x66: {  	_ =	shalt  }
0x67: {  	_ =	shalt  }
0x68: {  	_ =	shalt  }
0x69: {  	_ =	shalt  }
0x6a: {  	_ =	shalt  }
0x6b: {  	_ =	shalt  }
0x6c: {  	_ =	shalt  }
0x6d: {  	_ =	shalt  }
0x6e: {  	_ =	shalt  }
0x6f: {  	_ =	shalt  }
0x70: {  	_ =	shalt  }
0x71: {  	_ =	shalt  }
0x72: {  	_ =	shalt  }
0x73: {  	_ =	shalt  }
0x74: {  	_ =	shalt  }
0x75: {  	_ =	shalt  }
0x76: {  	_ =	shalt  }
0x77: {  	_ =	shalt  }
0x78: {  	_ =	shalt  }
0x79: {  	_ =	shalt  }
0x7a: {  	_ =	shalt  }
0x7b: {  	_ =	shalt  }
0x7c: {  	_ =	shalt  }
0x7d: {  	_ =	shalt  }
0x7e: {  	_ =	shalt  }
0x7f: {  	_ =	shalt  }
0x80: {  	_ =	shalt  }
0x81: {  	_ =	shalt  }
0x82: {  	_ =	shalt  }
0x83: {  	_ =	shalt  }
0x84: {  	_ =	shalt  }
0x85: {  	_ =	shalt  }
0x86: {  	_ =	shalt  }
0x87: {  	_ =	shalt  }
.Lfunc_end0:
.L_simem_size_0:
called_computation.2_lowered:
.L_overlay_start_0:
0x88: {  	s2 =	sld [smem:$0x3FD9]  }
0x89: {  	s3 =	sld [smem:$0x3FFE];
	_ =	sdelay $0x1  }
0x8a: {  	s1 =	srdreg.scid  }
0x8b: {  	s0 =	sand.u32 $0x1, s1  }
0x8c: {  	s14 =	sshll.u32 s0, $0xA;
	s2 =	sadd.s32 s3, s2  }
0x8d: {  	s2 =	sadd.s32 s2, s14  }
0x8e: {  	[smem:$0x3FB8] =	sst s2  }
0x8f: {  	_ = 	snop  }
0x90: {  	s2 =	sld [smem:$0x3FD0];
	_ =	sdelay $0x2  }
0x91: {  	s15 =	simm.s32 $0xB;
	s4 =	simm.s32 $0x10  }
0x92: {  	[smem:s4], [sflag:s15] =	dma.local [hbm:s2], $0x1  }
0x93: {  	_ =	swait.eq [sflag:s15], $0x1  }
0x94: {  	[sflag:s15] =	ssyncset.done $0x0  }
0x95: {  	[sflag:s15] =	ssyncadd.s32 $0xFFFFFFFF  }
0x96: {  	s16 =	sld [smem:$0x10];
	(tm) =	ssettm $0x1  }
0x97: {  	s17 =	sld [smem:$0x3FFB];
	_ =	sdelay $0x3  }
0x98: {  	_ =	strace s17  }
0x99: {  	s3 =	sld [smem:$0x3FFC];
	_ =	sdelay $0x3  }
0x9a: {  	_ =	strace s3  }
0x9b: {  	s3 =	sld [smem:$0x3FFD];
	_ =	sdelay $0x3  }
0x9c: {  	_ =	strace s3  }
0x9d: {  	_ =	strace $0x8FFFFFFF  }
0x9e: {  	s18 =	sld [smem:$0x3FDB];
	_ =	sdelay $0x1  }
0x9f: {  	s19 =	simm.s32 $_scs_section_size  }
0xa0: {  	s5 =	simm.s32 $_size__tile_overlayer_lowered;
	s6 =	simm.s32 $_tile_overlayer_lowered  }
0xa1: {  	s22 =	simm.s32 $0x1BFF;
	s21 =	sshll.u32 s6, $0x1;
	s3 =	sadd.s32 s19, s18  }
0xa2: {  	s7 =	simm.s32 $0x0;
	s20 =	sshll.u32 s5, $0x1;
	s5 =	sadd.s32 s21, s3  }
0xa3: {  	[timem:s7], [sflag:s22] =	dma.local [hbm:s5], s20  }
0xa4: {  	_ =	swait.ge [sflag:s22], s20  }
0xa5: {  	s4 =	ssub.s32 $0x0, s20;
	[sflag:s22] =	ssyncset.done $0x0  }
0xa6: {  	[sflag:s22] =	ssyncadd.s32 s4;
	_ =	sdelay $0x1  }
0xa7: {  	s23 =	simm.s32 $0x1B8B  }
0xa8: {  	_ =	swait.ge [sflag:s23], $0x1  }
0xa9: {  	[sflag:s23] =	ssyncset.done $0x0  }
0xaa: {  	s25 =	simm.s32 $0x1B8E;
	s24 =	sld [smem:$0x3FFE];
	[sflag:s23] =	ssyncadd.s32 $0xFFFFFFFF  }
0xab: {  	s26 =	simm.s32 $execute0_lowered;
	[smem:$0x3FD2] =	sst s25  }
0xac: {  	s5 =	sshll.u32 s26, $0x1;
	_ =	strace $0x80000049;
	[dreg:$0x1] =	wrdreg $0xFFFFFFFF  }
0xad: {  	s28 =	simm.s32 $_size_execute0_lowered;
	s3 =	sadd.s32 s3, s5;
	[dreg:$0x0] =	wrdreg $0x0  }
0xae: {  	s5 =	sshll.u32 s28, $0x1;
	[dreg:$0x2] =	wrdreg s3  }
0xaf: {  	[dreg:$0x3] =	wrdreg s5  }
0xb0: {  	[dreg:$0x4] =	wrdreg $0xC0  }
0xb1: {  	_ =	task [dreg:s7], $0x5FFFF  }
0xb2: {  	[dreg:$0x1] =	wrdreg $0xFFFFFFFF  }
0xb3: {  	[dreg:$0x0] =	wrdreg $0x60  }
0xb4: {  	[dreg:$0x2] =	wrdreg s24  }
0xb5: {  	[dreg:$0x3] =	wrdreg s16  }
0xb6: {  	[dreg:$0x4] =	wrdreg $0xC0000  }
0xb7: {  	[dreg:$0x5] =	wrdreg $0xA  }
0xb8: {  	_ =	task.clear_ibuf [dreg:s7], $0x6FFFF;
	_ =	strace $0x90000049  }
0xb9: {  	s29 =	simm.s32 $0xA;
	_ =	strace $0x8000004B  }
0xba: {  	_ =	swait.ge [sflag:s29], $0x1  }
0xbb: {  	[sflag:s29] =	ssyncadd.s32 $0xFFFFFFFF  }
0xbc: {  	_ =	strace $0x9000004B  }
0xbd: {  	_ =	sfence  }
0xbe: {  	s30 =	sld [smem:$0x0];
	_ =	sdelay $0x2  }
0xbf: {  	s31 =	sshll.u32 s1, $0xD;
	s1 =	sshrl.u32 s1, $0x2  }
0xc0: {  	s3 =	sand.u32 $0x4000, s31;
	s1 =	sadd.s32 s1, s30  }
0xc1: {  	s0 =	sor.u32 s3, s0;
	s1 =	sshll.u32 s1, $0x11  }
0xc2: {  	s0 =	sor.u32 s1, s0  }
0xc3: {  	s0 =	sadd.s32 $0x8F2B, s0  }
0xc4: {  	[sflag:s0] =	ssyncadd.remote.s32 $0x1  }
0xc5: {  	_ =	sfence.sel $0xFFFF  }
0xc6: {  	[dreg:$0x0] =	wrdreg $0xFFFFFFFF;
	(pc) =	sbr.abs _section_cstart, $3  }
0xc7: {  	[dreg:$0x1] =	wrdreg $0xFFFFFFFF  }
0xc8: {  	_ =	task.clear_ibuf [dreg:s7], $0x2FFFF;
	_ =	strace $0x9FFFFFFF  }
0xc9: {  	(tm) =	ssettm $0x7FFFFFFF  }
tec
execute0_lowered:
.L_overlay_start_1:
0x0: {  	(tag) =	ssettag $0x1  }
0x1: {  	s0 =	rddreg [dreg:$0x0]  }
0x2: {  	s1 =	rddreg [dreg:$0x1]  }
0x3: {  	s3 =	rddreg [dreg:$0x2]  }
0x4: {  	s4 =	simm.s32 $0x0;
	s2 =	srdreg.scid;
	s9 =	stileid.u32  }
0x5: {  	s19 =	simm.s32 $0x4000;
	s20 =	simm.s32 $0x3;
	s21 =	simm.s32 $0x2000  }
0x6: {  	s22 =	simm.s32 $0x80;
	s28 =	simm.s32 $0x2;
	s29 =	simm.s32 $0x1F80  }
0x7: {  	s30 =	simm.s32 $0x3F80;
	[smem:$0x7FF] =	sst s4;
	s5 =	smul.u32 $0x14000, s9  }
0x8: {  	s2 =	sand.u32 $0x1, s2;
	s7 =	sshll.u32 s9, $0xA;
	s23 =	smul.u32 $0x50000, s9  }
0x9: {  	s6 =	sshll.u32 s2, $0xE;
	s8 =	smul.u32 $0x140000, s2;
	s2 =	ssub.s32 $0x2, s2  }
0xa: {  	_ =	strace $0x8000004A;
	s6 =	sor.u32 s7, s6;
	s25 =	sshrl.u32 s2, $0x1  }
0xb: {  	s7 =	sshrl.u32 s23, $0x2;
	s23 =	simm.s32 $0x6000;
	s16 =	sadd.s32 s6, s0  }
0xc: {  	s24 =	sadd.s32 s5, s8;
	s2 =	ssub.s32 s2, s25;
	s14 =	sadd.s32 s7, s3  }
0xd: {  	s5 =	sadd.s32 s5, s3;
	s25 =	simm.s32 $0x8000;
	s6 =	sshrl.u32 s24, $0x3  }
0xe: {  	s26 =	sadd.s32 $0x2000, s14;
	s31 =	sadd.s32 $0x4000, s14;
	s8 =	sadd.s32 $0x6000, s14  }
0xf: {  	s9 =	sadd.s32 $0x8000, s14;
	s10 =	sadd.s32 $0xA000, s14;
	s11 =	sadd.s32 $0xC000, s14  }
0x10: {  	s12 =	sadd.s32 $0xE000, s14;
	s13 =	sadd.s32 $0x10000, s14;
	s14 =	sadd.s32 $0x12000, s14  }
0x11: {  	s15 =	sadd.s32 $0x4800, s16;
	s16 =	sadd.s32 $0xC800, s16;
	s18 =	smax.u32 s2, $0x1  }
0x12: {  	s24 =	simm.s32 $0x1;
	s0 =	sadd.s32 s6, s0;
	[dreg:$0x4] =	wrdreg s26  }
0x13: {  	v0 =	vimm.f32 $0.0e+00;
	[dreg:$0x5] =	wrdreg s31;
	s26 =	simm.s32 $0xA000;
	s17 =	sadd.s32 $0xB4800, s0  }
.LBB2_1:
0x14: {  	s31 =	simm.s32 $0x100;
	s2 =	simm.s32 $0x0  }
.LBB2_2:
0x15: {  	p0 =	sne.s32 s31, $0x7F00;
	[tilespmem:s2+$0x4030] =	vst v0;
	s0 =	smov.u32 s31;
	s31 =	sadd.s32 $0x100, s31  }
.Ltmp0:
0x16: {  	[tilespmem:s2+$0x4020] =	vst v0;
	(pc) =	sbr.rel @p0 .LBB2_2-.Ltmp0, $3  }
0x17: {  	[tilespmem:s2+$0x4000] =	vst v0  }
0x18: {  	[tilespmem:s2+$0x4010] =	vst v0;
	_ =	sdelay $0x1  }
0x19: {  	s2 =	sshra.s32 s0, $0x2  }
0x1a: {  	[tilespmem:s2+$0x4030] =	vst v0  }
0x1b: {  	[tilespmem:s2+$0x4020] =	vst v0  }
0x1c: {  	[tilespmem:s2+$0x4000] =	vst v0  }
0x1d: {  	[tilespmem:s2+$0x4010] =	vst v0  }
0x1e: {  	[spmem:s5] =	stream.linear.scatter [tilespmem:s19], [sflag:$0x3], $0x2000, $0x38;
	v63 =	vld [tilespmem:$0x0]  }
0x1f: {  	_ =	swait.ge [sflag:s20], $0x2000  }
0x20: {  	[sflag:s20] =	ssyncset.done $0x0  }
0x21: {  	s0 =	rddreg [dreg:$0x4];
	[sflag:s20] =	ssyncadd.s32 $0xFFFFE000  }
0x22: {  	[spmem:s0] =	stream.linear.scatter [tilespmem:s19], [sflag:$0x3], $0x2000, $0x38;
	v63 =	vld [tilespmem:$0x0]  }
0x23: {  	_ =	swait.ge [sflag:s20], $0x2000  }
0x24: {  	[sflag:s20] =	ssyncset.done $0x0  }
0x25: {  	s2 =	rddreg [dreg:$0x5];
	[sflag:s20] =	ssyncadd.s32 $0xFFFFE000  }
0x26: {  	[spmem:s2] =	stream.linear.scatter [tilespmem:s19], [sflag:$0x3], $0x2000, $0x38;
	v63 =	vld [tilespmem:$0x0]  }
0x27: {  	_ =	swait.ge [sflag:s20], $0x2000  }
0x28: {  	[sflag:s20] =	ssyncset.done $0x0  }
0x29: {  	[sflag:s20] =	ssyncadd.s32 $0xFFFFE000  }
0x2a: {  	[spmem:s8] =	stream.linear.scatter [tilespmem:s19], [sflag:$0x3], $0x2000, $0x38;
	v63 =	vld [tilespmem:$0x0]  }
0x2b: {  	_ =	swait.ge [sflag:s20], $0x2000  }
0x2c: {  	[sflag:s20] =	ssyncset.done $0x0  }
0x2d: {  	[sflag:s20] =	ssyncadd.s32 $0xFFFFE000  }
0x2e: {  	[spmem:s9] =	stream.linear.scatter [tilespmem:s19], [sflag:$0x3], $0x2000, $0x38;
	v63 =	vld [tilespmem:$0x0]  }
0x2f: {  	_ =	swait.ge [sflag:s20], $0x2000  }
0x30: {  	[sflag:s20] =	ssyncset.done $0x0  }
0x31: {  	[sflag:s20] =	ssyncadd.s32 $0xFFFFE000  }
0x32: {  	[spmem:s10] =	stream.linear.scatter [tilespmem:s19], [sflag:$0x3], $0x2000, $0x38;
	v63 =	vld [tilespmem:$0x0]  }
0x33: {  	_ =	swait.ge [sflag:s20], $0x2000  }
0x34: {  	[sflag:s20] =	ssyncset.done $0x0  }
0x35: {  	[sflag:s20] =	ssyncadd.s32 $0xFFFFE000  }
0x36: {  	[spmem:s11] =	stream.linear.scatter [tilespmem:s19], [sflag:$0x3], $0x2000, $0x38;
	v63 =	vld [tilespmem:$0x0]  }
0x37: {  	_ =	swait.ge [sflag:s20], $0x2000  }
0x38: {  	[sflag:s20] =	ssyncset.done $0x0  }
0x39: {  	[sflag:s20] =	ssyncadd.s32 $0xFFFFE000  }
0x3a: {  	[spmem:s12] =	stream.linear.scatter [tilespmem:s19], [sflag:$0x3], $0x2000, $0x38;
	v63 =	vld [tilespmem:$0x0]  }
0x3b: {  	_ =	swait.ge [sflag:s20], $0x2000  }
0x3c: {  	[sflag:s20] =	ssyncset.done $0x0  }
0x3d: {  	[sflag:s20] =	ssyncadd.s32 $0xFFFFE000  }
0x3e: {  	[spmem:s13] =	stream.linear.scatter [tilespmem:s19], [sflag:$0x3], $0x2000, $0x38;
	v63 =	vld [tilespmem:$0x0]  }
0x3f: {  	_ =	swait.ge [sflag:s20], $0x2000  }
0x40: {  	[sflag:s20] =	ssyncset.done $0x0  }
0x41: {  	[sflag:s20] =	ssyncadd.s32 $0xFFFFE000  }
0x42: {  	[spmem:s14] =	stream.linear.scatter [tilespmem:s19], [sflag:$0x3], $0x2000, $0x38;
	v63 =	vld [tilespmem:$0x0]  }
0x43: {  	_ =	swait.ge [sflag:s20], $0x2000  }
0x44: {  	[sflag:s20] =	ssyncset.done $0x0  }
0x45: {  	[sflag:s20] =	ssyncadd.s32 $0xFFFFE000  }
0x46: {  	s6 =	simm.s32 $0x0;
	[bflag:$0x0] =	sbarrier.arrive $0xFFFF  }
0x47: {  	[tilespmem:s6], [sflag:$0x3] =	stream.linear.gather [hbm4b:s15+s6], $0x2000, $0x38;
	v63 =	vld [tilespmem:$0x0]  }
0x48: {  	_ =	swait.ge [sflag:s20], $0x2000  }
0x49: {  	[sflag:s20] =	ssyncset.done $0x0  }
0x4a: {  	[sflag:s20] =	ssyncadd.s32 $0xFFFFE000  }
0x4b: {  	[tilespmem:s21], [sflag:$0x3] =	stream.linear.gather [hbm4b:s16+s6], $0x2000, $0x38;
	v63 =	vld [tilespmem:$0x0]  }
0x4c: {  	_ =	swait.ge [sflag:s20], $0x2000  }
0x4d: {  	[sflag:s20] =	ssyncset.done $0x0  }
0x4e: {  	[sflag:s20] =	ssyncadd.s32 $0xFFFFE000  }
0x4f: {  	[tilespmem:s19], [sflag:$0x1] =	stream.indirect.gather [hbm4b:s1+s22], $0x40, s6, s22, $0xb8;
	v63 =	vld [tilespmem:$0x0]  }
0x50: {  	_ = 	snop  }
0x51: {  	[tilespmem:s23], [sflag:$0x1] =	stream.indirect.gather [hbm4b:s1+s22], $0x40, s21, s22, $0xb8;
	v63 =	vld [tilespmem:$0x0]  }
0x52: {  	_ =	swait.ge [sflag:s24], $0x2000  }
0x53: {  	[sflag:s24] =	ssyncset.done $0x0  }
0x54: {  	[sflag:s24] =	ssyncadd.s32 $0xFFFFE000  }
0x55: {  	_ =	swait.ge [sflag:s24], $0x2000  }
0x56: {  	[sflag:s24] =	ssyncset.done $0x0  }
0x57: {  	s0 =	simm.s32 $0x80;
	[sflag:s24] =	ssyncadd.s32 $0xFFFFE000  }
0x58: {  	[tilespmem:s25], [sflag:$0x1] =	stream.indirect.gather [hbm4b:s1+s22], $0x40, s0, s22, $0xb8;
	v63 =	vld [tilespmem:$0x0]  }
0x59: {  	s7 =	simm.s32 $0x2080  }
0x5a: {  	[tilespmem:s26], [sflag:$0x1] =	stream.indirect.gather [hbm4b:s1+s22], $0x40, s7, s22, $0xb8;
	v63 =	vld [tilespmem:$0x0]  }
0x5b: {  	s31 =	simm.s32 $0x2000  }
0x5c: {  	[spmem:s3] =	stream.indirect.scatter.add.f32 [tilespmem:s19], [sflag:$0x2], $0x40, s31, s22, $0xb8;
	v63 =	vld [tilespmem:$0x0]  }
0x5d: {  	s6 =	simm.s32 $0x0  }
0x5e: {  	[spmem:s3] =	stream.indirect.scatter.add.f32 [tilespmem:s23], [sflag:$0x2], $0x40, s6, s22, $0xb8;
	v63 =	vld [tilespmem:$0x0]  }
0x5f: {  	_ =	swait.ge [sflag:s24], $0x2000  }
0x60: {  	[sflag:s24] =	ssyncset.done $0x0  }
0x61: {  	[sflag:s24] =	ssyncadd.s32 $0xFFFFE000  }
0x62: {  	_ =	swait.ge [sflag:s24], $0x2000  }
0x63: {  	[sflag:s24] =	ssyncset.done $0x0  }
0x64: {  	[sflag:s24] =	ssyncadd.s32 $0xFFFFE000  }
0x65: {  	[spmem:s3] =	stream.indirect.scatter.add.f32 [tilespmem:s25], [sflag:$0x2], $0x40, s7, s22, $0xb8;
	v63 =	vld [tilespmem:$0x0]  }
0x66: {  	_ = 	snop  }
0x67: {  	[spmem:s3] =	stream.indirect.scatter.add.f32 [tilespmem:s26], [sflag:$0x2], $0x40, s0, s22, $0xb8;
	v63 =	vld [tilespmem:$0x0]  }
0x68: {  	_ =	swait.ge [sflag:s28], $0x2000  }
0x69: {  	[sflag:s28] =	ssyncset.done $0x0  }
0x6a: {  	[sflag:s28] =	ssyncadd.s32 $0xFFFFE000  }
0x6b: {  	_ =	swait.ge [sflag:s28], $0x2000  }
0x6c: {  	[sflag:s28] =	ssyncset.done $0x0  }
0x6d: {  	s7 =	simm.s32 $0x100;
	[sflag:s28] =	ssyncadd.s32 $0xFFFFE000  }
0x6e: {  	[tilespmem:s19], [sflag:$0x1] =	stream.indirect.gather [hbm4b:s1+s22], $0x40, s7, s22, $0xb8;
	v63 =	vld [tilespmem:$0x0]  }
0x6f: {  	s31 =	simm.s32 $0x2100  }
0x70: {  	[tilespmem:s23], [sflag:$0x1] =	stream.indirect.gather [hbm4b:s1+s22], $0x40, s31, s22, $0xb8;
	v63 =	vld [tilespmem:$0x0]  }
0x71: {  	_ =	swait.ge [sflag:s28], $0x2000  }
0x72: {  	[sflag:s28] =	ssyncset.done $0x0  }
0x73: {  	[sflag:s28] =	ssyncadd.s32 $0xFFFFE000  }
0x74: {  	_ =	swait.ge [sflag:s28], $0x2000  }
0x75: {  	s2 =	simm.s32 $0x400;
	[sflag:s28] =	ssyncset.done $0x0  }
.LBB2_4:
0x76: {  	p0 =	sne.s32 s2, $0x7800  }
0x77: {  	[sflag:s28] =	ssyncadd.s32 $0xFFFFE000;
	s0 =	smov.u32 s2;
	s2 =	sadd.s32 $0x400, s2  }
0x78: {  	_ =	swait.ge [sflag:s24], $0x2000  }
0x79: {  	[sflag:s24] =	ssyncset.done $0x0  }
0x7a: {  	[sflag:s24] =	ssyncadd.s32 $0xFFFFE000  }
0x7b: {  	_ =	swait.ge [sflag:s24], $0x2000  }
0x7c: {  	s0 =	sshra.s32 s0, $0x2;
	[sflag:s24] =	ssyncset.done $0x0  }
0x7d: {  	s31 =	sadd.s32 $0x80, s0;
	[sflag:s24] =	ssyncadd.s32 $0xFFFFE000  }
0x7e: {  	[tilespmem:s25], [sflag:$0x1] =	stream.indirect.gather [hbm4b:s1+s22], $0x40, s31, s22, $0xb8;
	v63 =	vld [tilespmem:$0x0]  }
0x7f: {  	s6 =	sadd.s32 $0x2080, s0  }
0x80: {  	[tilespmem:s26], [sflag:$0x1] =	stream.indirect.gather [hbm4b:s1+s22], $0x40, s6, s22, $0xb8;
	v63 =	vld [tilespmem:$0x0]  }
0x81: {  	s7 =	sadd.s32 $0x2000, s0  }
0x82: {  	[spmem:s3] =	stream.indirect.scatter.add.f32 [tilespmem:s19], [sflag:$0x2], $0x40, s7, s22, $0xb8;
	v63 =	vld [tilespmem:$0x0]  }
0x83: {  	_ = 	snop  }
0x84: {  	[spmem:s3] =	stream.indirect.scatter.add.f32 [tilespmem:s23], [sflag:$0x2], $0x40, s0, s22, $0xb8;
	v63 =	vld [tilespmem:$0x0]  }
0x85: {  	_ =	swait.ge [sflag:s24], $0x2000  }
0x86: {  	[sflag:s24] =	ssyncset.done $0x0  }
0x87: {  	[sflag:s24] =	ssyncadd.s32 $0xFFFFE000  }
0x88: {  	_ =	swait.ge [sflag:s24], $0x2000  }
0x89: {  	[sflag:s24] =	ssyncset.done $0x0  }
0x8a: {  	[sflag:s24] =	ssyncadd.s32 $0xFFFFE000  }
0x8b: {  	[spmem:s3] =	stream.indirect.scatter.add.f32 [tilespmem:s25], [sflag:$0x2], $0x40, s6, s22, $0xb8;
	v63 =	vld [tilespmem:$0x0]  }
0x8c: {  	_ = 	snop  }
0x8d: {  	[spmem:s3] =	stream.indirect.scatter.add.f32 [tilespmem:s26], [sflag:$0x2], $0x40, s31, s22, $0xb8;
	v63 =	vld [tilespmem:$0x0]  }
0x8e: {  	_ =	swait.ge [sflag:s28], $0x2000  }
0x8f: {  	[sflag:s28] =	ssyncset.done $0x0  }
0x90: {  	[sflag:s28] =	ssyncadd.s32 $0xFFFFE000  }
0x91: {  	_ =	swait.ge [sflag:s28], $0x2000  }
0x92: {  	[sflag:s28] =	ssyncset.done $0x0  }
0x93: {  	s6 =	sadd.s32 $0x100, s0;
	[sflag:s28] =	ssyncadd.s32 $0xFFFFE000  }
0x94: {  	[tilespmem:s19], [sflag:$0x1] =	stream.indirect.gather [hbm4b:s1+s22], $0x40, s6, s22, $0xb8;
	v63 =	vld [tilespmem:$0x0]  }
0x95: {  	s0 =	sadd.s32 $0x2100, s0  }
0x96: {  	[tilespmem:s23], [sflag:$0x1] =	stream.indirect.gather [hbm4b:s1+s22], $0x40, s0, s22, $0xb8;
	v63 =	vld [tilespmem:$0x0]  }
.Ltmp1:
0x97: {  	_ =	swait.ge [sflag:s28], $0x2000;
	(pc) =	sbr.rel @p0 .LBB2_4-.Ltmp1, $4  }
0x98: {  	[sflag:s28] =	ssyncset.done $0x0  }
0x99: {  	[sflag:s28] =	ssyncadd.s32 $0xFFFFE000  }
0x9a: {  	_ =	swait.ge [sflag:s28], $0x2000  }
0x9b: {  	[sflag:s28] =	ssyncset.done $0x0  }
0x9c: {  	[sflag:s28] =	ssyncadd.s32 $0xFFFFE000  }
0x9d: {  	_ =	swait.ge [sflag:s24], $0x2000  }
0x9e: {  	[sflag:s24] =	ssyncset.done $0x0  }
0x9f: {  	[sflag:s24] =	ssyncadd.s32 $0xFFFFE000  }
0xa0: {  	_ =	swait.ge [sflag:s24], $0x2000  }
0xa1: {  	[sflag:s24] =	ssyncset.done $0x0  }
0xa2: {  	[sflag:s24] =	ssyncadd.s32 $0xFFFFE000  }
0xa3: {  	[tilespmem:s25], [sflag:$0x1] =	stream.indirect.gather [hbm4b:s1+s22], $0x40, s29, s22, $0xb8;
	v63 =	vld [tilespmem:$0x0]  }
0xa4: {  	_ = 	snop  }
0xa5: {  	[tilespmem:s26], [sflag:$0x1] =	stream.indirect.gather [hbm4b:s1+s22], $0x40, s30, s22, $0xb8;
	v63 =	vld [tilespmem:$0x0]  }
0xa6: {  	s0 =	simm.s32 $0x3F00  }
0xa7: {  	[spmem:s3] =	stream.indirect.scatter.add.f32 [tilespmem:s19], [sflag:$0x2], $0x40, s0, s22, $0xb8;
	v63 =	vld [tilespmem:$0x0]  }
0xa8: {  	s7 =	simm.s32 $0x1F00  }
0xa9: {  	[spmem:s3] =	stream.indirect.scatter.add.f32 [tilespmem:s23], [sflag:$0x2], $0x40, s7, s22, $0xb8;
	v63 =	vld [tilespmem:$0x0]  }
0xaa: {  	_ =	swait.ge [sflag:s24], $0x2000  }
0xab: {  	[sflag:s24] =	ssyncset.done $0x0  }
0xac: {  	[sflag:s24] =	ssyncadd.s32 $0xFFFFE000  }
0xad: {  	_ =	swait.ge [sflag:s24], $0x2000  }
0xae: {  	[sflag:s24] =	ssyncset.done $0x0  }
0xaf: {  	[sflag:s24] =	ssyncadd.s32 $0xFFFFE000  }
0xb0: {  	[spmem:s3] =	stream.indirect.scatter.add.f32 [tilespmem:s25], [sflag:$0x2], $0x40, s30, s22, $0xb8;
	v63 =	vld [tilespmem:$0x0]  }
0xb1: {  	_ = 	snop  }
0xb2: {  	[spmem:s3] =	stream.indirect.scatter.add.f32 [tilespmem:s26], [sflag:$0x2], $0x40, s29, s22, $0xb8;
	v63 =	vld [tilespmem:$0x0]  }
0xb3: {  	_ =	swait.ge [sflag:s28], $0x2000  }
0xb4: {  	[sflag:s28] =	ssyncset.done $0x0  }
0xb5: {  	[sflag:s28] =	ssyncadd.s32 $0xFFFFE000  }
0xb6: {  	_ =	swait.ge [sflag:s28], $0x2000  }
0xb7: {  	[sflag:s28] =	ssyncset.done $0x0  }
0xb8: {  	[sflag:s28] =	ssyncadd.s32 $0xFFFFE000  }
0xb9: {  	_ =	swait.ge [sflag:s28], $0x2000  }
0xba: {  	[sflag:s28] =	ssyncset.done $0x0  }
0xbb: {  	[sflag:s28] =	ssyncadd.s32 $0xFFFFE000  }
0xbc: {  	s31 =	stileid.u32;
	_ =	swait.ge [sflag:s28], $0x2000  }
0xbd: {  	s2 =	sshrl.u32 s5, $0x3;
	s4 =	sadd.s32 $0x1, s4;
	[sflag:s28] =	ssyncset.done $0x0  }
0xbe: {  	p0 =	sne.s32 s4, s18;
	s0 =	sshll.u32 s31, $0x6;
	[sflag:s28] =	ssyncadd.s32 $0xFFFFE000  }
.Ltmp2:
0xbf: {  	s0 =	sor.u32 $0x1C03, s0;
	[bflag:$0x0] =	sbarrier.arrive $0xFFFF;
	(pc) =	sbr.rel @p0 .LBB2_1-.Ltmp2, $4  }
0xc0: {  	[hbm:s17], [sflag:s0] =	dma.local [spmem:s2], $0x2800  }
0xc1: {  	_ =	swait.ge [sflag:s20], $0x2800  }
0xc2: {  	[sflag:s20] =	ssyncset.done $0x0  }
0xc3: {  	[sflag:s20] =	ssyncadd.s32 $0xFFFFD800  }
0xc4: {  	_ =	sfence.sel $0x180000  }
0xc5: {  	[bflag:$0x0] =	sbarrier.arrive $0xFFFF  }
0xc6: {  	_ =	strace $0x9000004A  }
0xc7: {  	s0 =	stileid.u32;
	[bflag:$0x2] =	sbarrier.arrive $0xFFFF  }
0xc8: {  	p0 =	sne.s32 s0, $0x0;
	s0 =	rddreg [dreg:$0x3]  }
0xc9: {  	s0 =	sadd.s32 @!p0 $0x100000, s0  }
0xca: {  	[sflag:s0] =	ssyncadd.tile.s32 @!p0 $0x1;
	_ =	shalt  }
.Lfunc_end2:
_tile_overlayer_lowered:
.L_overlay_start_2:
0xcb: {  	(tag) =	ssettag $0x2  }
0xcc: {  	s0 =	rddreg [dreg:$0x0];
	s2 =	stileid.u32  }
0xcd: {  	s1 =	rddreg [dreg:$0x1];
	p0 =	sne.s32 s2, $0x0  }
0xce: {  	s3 =	rddreg [dreg:$0x2];
	[bflag:$0x3] =	sbarrier.arrive $0xFFFF;
	s2 =	simm.s32 @!p0 $0x1C03  }
0xcf: {  	[timem:s3], [sflag:s2] =	dma.local @!p0 [hbm:s0], s1  }
0xd0: {  	s0 =	simm.s32 @!p0 $0x3  }
0xd1: {  	_ =	swait.ge @!p0 [sflag:s0], s1  }
0xd2: {  	s1 =	ssub.s32 @!p0 $0x0, s1;
	[sflag:s0] =	ssyncset.done @!p0 $0x0  }
0xd3: {  	[sflag:s0] =	ssyncadd.s32 @!p0 s1  }
0xd4: {  	[bflag:$0x3] =	sbarrier.arrive $0xFFFF  }
0xd5: {  	_ =	shalt  }

// kernel: kernel.24.cloned.1.call-start
scs
__scs_entry_jumppad:
0x0: {  	(pc) =	sbr.rel $0x88, $3  }
0x1: {  	(tag) =	ssettag $0x0;
	lr =	simm.s32 $0x1  }
0x2: {  	[smem:$0x3F91] =	sst lr;
	_ =	strace $0xD0000000  }
0x3: {  	_ = 	snop  }
0x4: {  	_ = 	snop  }
0x5: {  	_ = 	snop  }
0x6: {  	_ = 	snop  }
0x7: {  	_ = 	snop  }
__scs_overlays_trampoline_lowered:
0x8: {  	[smem:$0x3FA0] =	sst s0  }
0x9: {  	[smem:$0x3FA1] =	sst s1  }
0xa: {  	[smem:$0x3FA2] =	sst s2  }
0xb: {  	[smem:$0x3FA3] =	sst s3  }
0xc: {  	[smem:$0x3FA4] =	sst s4  }
0xd: {  	[smem:$0x3FA5] =	sst s5  }
0xe: {  	[smem:$0x3FA6] =	sst s6  }
0xf: {  	[smem:$0x3FA7] =	sst s7  }
0x10: {  	[smem:$0x3FA8] =	sst s8  }
0x11: {  	[smem:$0x3FA9] =	sst s9;
	s0 =	simm.s32 @!p0 $0x0  }
0x12: {  	s1 =	sld [smem:$0x3F8F];
	s0 =	simm.s32 @p0 $0x1  }
0x13: {  	[smem:$0x3FAA] =	sst s0;
	s0 =	simm.s32 @!p1 $0x0  }
0x14: {  	s2 =	sld [smem:$0x3F8E];
	s0 =	simm.s32 @p1 $0x1  }
0x15: {  	[smem:$0x3FAB] =	sst s0;
	s0 =	simm.s32 @!p2 $0x0  }
0x16: {  	s3 =	sld [smem:$0x3FDB];
	s0 =	simm.s32 @p2 $0x1  }
0x17: {  	s4 =	simm.s32 $0x1BF5;
	[smem:$0x3FAD] =	sst s0  }
0x18: {  	s0 =	sld [smem:$0x3F90];
	_ =	swait.ge [sflag:s4], $0x0  }
0x19: {  	s7 =	sld [smem:$0x3F91]  }
0x1a: {  	s8 =	sadd.s32 $0xFFFFE003, lr  }
0x1b: {  	s9 =	sadd.s32 $0xFFFFFEF7, lr;
	s5 =	simm.s32 $0xFFFFFFFF;
	p2 =	slt.u32 s8, $0xFFFFF086  }
0x1c: {  	p1 =	slt.u32 s9, $0xF7A;
	s5 =	simm.s32 @!p2 $0x0  }
0x1d: {  	s5 =	simm.s32 @p1 $0x1;
	p0 =	seq.s32 s7, s2  }
0x1e: {  	s7 =	smul.u32 @!p0 $0xF7A, s2;
	p2 =	seq.s32 @!p0 s5, $0x0  }
0x1f: {  	s9 =	smul.u32 $0xF7A, s1;
	s8 =	simm.s32 @!p0 $0x1BF5;
	p2 =	por !p2, p0  }
0x20: {  	[sflag:s8] =	ssyncset.s32 @!p0 $0xFFFFF086;
	s6 =	sadd.s32 @!p0 s3, s7;
	s7 =	simm.s32 @!p0 $0x108  }
0x21: {  	s3 =	sadd.s32 s3, s9;
	s6 =	sadd.s32 @!p0 $0x88, s6;
	s7 =	simm.s32 @p2 $0x1082  }
0x22: {  	[simem:s7], [sflag:s8] =	dma.local @!p0 [hbm:s6], $0xF7A  }
0x23: {  	s9 =	sor.u32 $0xD0000000, s2;
	s6 =	simm.s32 $0x108;
	_ =	swait.ge @!p0 [sflag:s8], $0x0  }
0x24: {  	s3 =	sadd.s32 $0x88, s3;
	s6 =	simm.s32 @!p1 $0x1082;
	[sflag:s4] =	ssyncset.s32 $0xFFFFF086  }
0x25: {  	[simem:s6], [sflag:s4] =	dma.local [hbm:s3], $0xF7A  }
0x26: {  	[smem:$0x3F91] =	sst s1;
	(tag) =	ssettag s2;
	_ =	strace s9  }
0x27: {  	s1 =	sld [smem:$0x3FA1]  }
0x28: {  	s2 =	sld [smem:$0x3FA2]  }
0x29: {  	s4 =	sld [smem:$0x3FA4]  }
0x2a: {  	p0 =	seq.s32 s5, $0x0;
	s5 =	sld [smem:$0x3FA5]  }
0x2b: {  	s6 =	sld [smem:$0x3FA6]  }
0x2c: {  	s7 =	sld [smem:$0x3FA7]  }
0x2d: {  	s3 =	simm.s32 $0x108;
	s8 =	sld [smem:$0x3FA8]  }
0x2e: {  	s3 =	simm.s32 @!p0 $0x1082;
	s9 =	sld [smem:$0x3FA9]  }
0x2f: {  	lr =	sadd.s32 s0, s3;
	s0 =	sld [smem:$0x3FA0]  }
0x30: {  	s3 =	sld [smem:$0x3FA3]  }
0x31: {  	[smem:$0x3FAC] =	sst s10  }
0x32: {  	s10 =	sld [smem:$0x3FAA];
	_ =	sdelay $0x3  }
0x33: {  	p0 =	seq.s32 s10, $0x1;
	s10 =	sld [smem:$0x3FAC];
	_ =	sdelay $0x3  }
0x34: {  	[smem:$0x3FAC] =	sst s10  }
0x35: {  	s10 =	sld [smem:$0x3FAB];
	_ =	sdelay $0x3  }
0x36: {  	p1 =	seq.s32 s10, $0x1;
	s10 =	sld [smem:$0x3FAC];
	_ =	sdelay $0x3  }
0x37: {  	[smem:$0x3FAC] =	sst s10  }
0x38: {  	s10 =	sld [smem:$0x3FAD]  }
0x39: {  	_ = 	snop;
	(pc) =	sbr.ind lr, $3  }
0x3a: {  	_ = 	snop  }
0x3b: {  	_ = 	snop  }
0x3c: {  	p2 =	seq.s32 s10, $0x1;
	s10 =	sld [smem:$0x3FAC]  }
0x3d: {  	_ =	shalt  }
0x3e: {  	_ =	shalt  }
0x3f: {  	_ =	shalt  }
0x40: {  	_ =	shalt  }
0x41: {  	_ =	shalt  }
0x42: {  	_ =	shalt  }
0x43: {  	_ =	shalt  }
0x44: {  	_ =	shalt  }
0x45: {  	_ =	shalt  }
0x46: {  	_ =	shalt  }
0x47: {  	_ =	shalt  }
0x48: {  	_ =	shalt  }
0x49: {  	_ =	shalt  }
0x4a: {  	_ =	shalt  }
0x4b: {  	_ =	shalt  }
0x4c: {  	_ =	shalt  }
0x4d: {  	_ =	shalt  }
0x4e: {  	_ =	shalt  }
0x4f: {  	_ =	shalt  }
0x50: {  	_ =	shalt  }
0x51: {  	_ =	shalt  }
0x52: {  	_ =	shalt  }
0x53: {  	_ =	shalt  }
0x54: {  	_ =	shalt  }
0x55: {  	_ =	shalt  }
0x56: {  	_ =	shalt  }
0x57: {  	_ =	shalt  }
0x58: {  	_ =	shalt  }
0x59: {  	_ =	shalt  }
0x5a: {  	_ =	shalt  }
0x5b: {  	_ =	shalt  }
0x5c: {  	_ =	shalt  }
0x5d: {  	_ =	shalt  }
0x5e: {  	_ =	shalt  }
0x5f: {  	_ =	shalt  }
0x60: {  	_ =	shalt  }
0x61: {  	_ =	shalt  }
0x62: {  	_ =	shalt  }
0x63: {  	_ =	shalt  }
0x64: {  	_ =	shalt  }
0x65: {  	_ =	shalt  }
0x66: {  	_ =	shalt  }
0x67: {  	_ =	shalt  }
0x68: {  	_ =	shalt  }
0x69: {  	_ =	shalt  }
0x6a: {  	_ =	shalt  }
0x6b: {  	_ =	shalt  }
0x6c: {  	_ =	shalt  }
0x6d: {  	_ =	shalt  }
0x6e: {  	_ =	shalt  }
0x6f: {  	_ =	shalt  }
0x70: {  	_ =	shalt  }
0x71: {  	_ =	shalt  }
0x72: {  	_ =	shalt  }
0x73: {  	_ =	shalt  }
0x74: {  	_ =	shalt  }
0x75: {  	_ =	shalt  }
0x76: {  	_ =	shalt  }
0x77: {  	_ =	shalt  }
0x78: {  	_ =	shalt  }
0x79: {  	_ =	shalt  }
0x7a: {  	_ =	shalt  }
0x7b: {  	_ =	shalt  }
0x7c: {  	_ =	shalt  }
0x7d: {  	_ =	shalt  }
0x7e: {  	_ =	shalt  }
0x7f: {  	_ =	shalt  }
0x80: {  	_ =	shalt  }
0x81: {  	_ =	shalt  }
0x82: {  	_ =	shalt  }
0x83: {  	_ =	shalt  }
0x84: {  	_ =	shalt  }
0x85: {  	_ =	shalt  }
0x86: {  	_ =	shalt  }
0x87: {  	_ =	shalt  }
.Lfunc_end0:
.L_simem_size_0:
called_computation.3_lowered:
.L_overlay_start_0:
0x88: {  	s2 =	sld [smem:$0x3FD9]  }
0x89: {  	s3 =	sld [smem:$0x3FFE];
	_ =	sdelay $0x1  }
0x8a: {  	s1 =	srdreg.scid  }
0x8b: {  	s0 =	sand.u32 $0x1, s1  }
0x8c: {  	s15 =	sshll.u32 s0, $0xA;
	s2 =	sadd.s32 s3, s2  }
0x8d: {  	s2 =	sadd.s32 s2, s15  }
0x8e: {  	[smem:$0x3FB8] =	sst s2  }
0x8f: {  	_ = 	snop  }
0x90: {  	s2 =	sld [smem:$0x3FD0];
	_ =	sdelay $0x2  }
0x91: {  	s16 =	simm.s32 $0xB;
	s4 =	simm.s32 $0x10  }
0x92: {  	[smem:s4], [sflag:s16] =	dma.local [hbm:s2], $0x1  }
0x93: {  	_ =	swait.eq [sflag:s16], $0x1  }
0x94: {  	[sflag:s16] =	ssyncset.done $0x0  }
0x95: {  	[sflag:s16] =	ssyncadd.s32 $0xFFFFFFFF  }
0x96: {  	s17 =	sld [smem:$0x10];
	(tm) =	ssettm $0x1  }
0x97: {  	s18 =	sld [smem:$0x3FFB];
	_ =	sdelay $0x3  }
0x98: {  	_ =	strace s18  }
0x99: {  	s2 =	sld [smem:$0x3FFC];
	_ =	sdelay $0x3  }
0x9a: {  	_ =	strace s2  }
0x9b: {  	s2 =	sld [smem:$0x3FFD];
	_ =	sdelay $0x3  }
0x9c: {  	_ =	strace s2  }
0x9d: {  	_ =	strace $0x8FFFFFFF  }
0x9e: {  	s19 =	sld [smem:$0x3FDB];
	_ =	sdelay $0x1  }
0x9f: {  	s20 =	simm.s32 $_scs_section_size  }
0xa0: {  	s5 =	simm.s32 $_size__tile_overlayer_lowered;
	s6 =	simm.s32 $_tile_overlayer_lowered  }
0xa1: {  	s7 =	simm.s32 $0x1BFF;
	s21 =	sshll.u32 s6, $0x1;
	s4 =	sadd.s32 s20, s19  }
0xa2: {  	s22 =	simm.s32 $0x0;
	s5 =	sshll.u32 s5, $0x1;
	s6 =	sadd.s32 s21, s4  }
0xa3: {  	[timem:s22], [sflag:s7] =	dma.local [hbm:s6], s5  }
0xa4: {  	_ =	swait.ge [sflag:s7], s5  }
0xa5: {  	s5 =	ssub.s32 $0x0, s5;
	[sflag:s7] =	ssyncset.done $0x0  }
0xa6: {  	[sflag:s7] =	ssyncadd.s32 s5;
	_ =	sdelay $0x1  }
0xa7: {  	s23 =	simm.s32 $0x1B8B  }
0xa8: {  	_ =	swait.ge [sflag:s23], $0x1  }
0xa9: {  	[sflag:s23] =	ssyncset.done $0x0  }
0xaa: {  	[sflag:s23] =	ssyncadd.s32 $0xFFFFFFFF  }
0xab: {  	s5 =	sld [smem:$0x0]  }
0xac: {  	s6 =	sand.u32 $0xFFFFFFFE, s1  }
0xad: {  	p0 =	sne.s32 s1, s6  }
0xae: {  	s6 =	sshll.u32 @p0 s6, $0xE  }
0xaf: {  	s6 =	sadd.s32 @p0 $0x11B8D, s6;
	s7 =	sshll.u32 @p0 s5, $0x11  }
0xb0: {  	s6 =	sor.u32 @p0 s7, s6  }
0xb1: {  	[sflag:s6] =	ssyncadd.remote.s32 @p0 $0x1;
	_ =	sdelay $0x1  }
0xb2: {  	s6 =	simm.s32 @p0 $0x1B8D  }
0xb3: {  	_ =	swait.eq @p0 [sflag:s6], $0x1  }
0xb4: {  	[sflag:s6] =	ssyncadd.s32 @p0 $0xFFFFFFFF  }
0xb5: {  	s7 =	sshll.u32 @!p0 s1, $0xE  }
0xb6: {  	s7 =	sor.u32 @!p0 $0x4000, s7;
	s6 =	simm.s32 @!p0 $0x1B8D  }
0xb7: {  	s5 =	sshll.u32 @!p0 s5, $0x11;
	s7 =	sadd.s32 @!p0 $0x11B8D, s7;
	_ =	swait.eq @!p0 [sflag:s6], $0x1  }
0xb8: {  	s5 =	sor.u32 @!p0 s5, s7;
	[sflag:s6] =	ssyncadd.s32 @!p0 $0xFFFFFFFF  }
0xb9: {  	s25 =	simm.s32 $0x1B8E;
	s24 =	sld [smem:$0x3FFE];
	[sflag:s5] =	ssyncadd.remote.s32 @!p0 $0x1  }
0xba: {  	s26 =	simm.s32 $execute0_lowered;
	[smem:$0x3FD2] =	sst s25  }
0xbb: {  	s6 =	sshll.u32 s26, $0x1;
	_ =	strace $0x8000004F;
	[dreg:$0x1] =	wrdreg $0xFFFFFFFF  }
0xbc: {  	s28 =	simm.s32 $_size_execute0_lowered;
	s4 =	sadd.s32 s4, s6;
	[dreg:$0x0] =	wrdreg $0x0  }
0xbd: {  	s6 =	sshll.u32 s28, $0x1;
	[dreg:$0x2] =	wrdreg s4  }
0xbe: {  	[dreg:$0x3] =	wrdreg s6  }
0xbf: {  	[dreg:$0x4] =	wrdreg $0xC0  }
0xc0: {  	_ =	task [dreg:s22], $0x5FFFF  }
0xc1: {  	[dreg:$0x1] =	wrdreg $0xFFFFFFFF  }
0xc2: {  	[dreg:$0x0] =	wrdreg $0x60  }
0xc3: {  	[dreg:$0x2] =	wrdreg s24  }
0xc4: {  	[dreg:$0x3] =	wrdreg s17  }
0xc5: {  	[dreg:$0x4] =	wrdreg $0xC0000  }
0xc6: {  	[dreg:$0x5] =	wrdreg $0xA  }
0xc7: {  	_ =	task.clear_ibuf [dreg:s22], $0x6FFFF;
	_ =	strace $0x9000004F  }
0xc8: {  	s29 =	simm.s32 $0xA;
	_ =	strace $0x80000051  }
0xc9: {  	_ =	swait.ge [sflag:s29], $0x1  }
0xca: {  	[sflag:s29] =	ssyncadd.s32 $0xFFFFFFFF  }
0xcb: {  	_ =	strace $0x90000051  }
0xcc: {  	_ =	sfence  }
0xcd: {  	s30 =	sld [smem:$0x0];
	_ =	sdelay $0x2  }
0xce: {  	s31 =	sshll.u32 s1, $0xD;
	s1 =	sshrl.u32 s1, $0x2  }
0xcf: {  	s4 =	sand.u32 $0x4000, s31;
	s1 =	sadd.s32 s1, s30  }
0xd0: {  	s0 =	sor.u32 s4, s0;
	s1 =	sshll.u32 s1, $0x11  }
0xd1: {  	s0 =	sor.u32 s1, s0  }
0xd2: {  	s0 =	sadd.s32 $0x8F2B, s0  }
0xd3: {  	[sflag:s0] =	ssyncadd.remote.s32 $0x1  }
0xd4: {  	_ =	sfence.sel $0xFFFF  }
0xd5: {  	[dreg:$0x0] =	wrdreg $0xFFFFFFFF;
	(pc) =	sbr.abs _section_cstart, $3  }
0xd6: {  	[dreg:$0x1] =	wrdreg $0xFFFFFFFF  }
0xd7: {  	_ =	task.clear_ibuf [dreg:s22], $0x2FFFF;
	_ =	strace $0x9FFFFFFF  }
0xd8: {  	(tm) =	ssettm $0x7FFFFFFF  }
0xd9: {  	_ =	shalt  }
tec
execute0_lowered:
.L_overlay_start_1:
0x0: {  	(tag) =	ssettag $0x1  }
0x1: {  	s0 =	rddreg [dreg:$0x0]  }
0x2: {  	s1 =	rddreg [dreg:$0x1]  }
0x3: {  	s3 =	rddreg [dreg:$0x2]  }
0x4: {  	s4 =	simm.s32 $0x0;
	s2 =	srdreg.scid;
	s9 =	stileid.u32  }
0x5: {  	s19 =	simm.s32 $0x4000;
	s20 =	simm.s32 $0x3;
	s21 =	simm.s32 $0x2000  }
0x6: {  	s22 =	simm.s32 $0x80;
	s28 =	simm.s32 $0x2;
	s29 =	simm.s32 $0x1F80  }
0x7: {  	s30 =	simm.s32 $0x3F80;
	[smem:$0x7FF] =	sst s4;
	s5 =	smul.u32 $0x14000, s9  }
0x8: {  	s2 =	sand.u32 $0x1, s2;
	s7 =	sshll.u32 s9, $0xA;
	s23 =	smul.u32 $0x50000, s9  }
0x9: {  	s6 =	sshll.u32 s2, $0xE;
	s8 =	smul.u32 $0x140000, s2;
	s2 =	ssub.s32 $0x2, s2  }
0xa: {  	_ =	strace $0x80000050;
	s6 =	sor.u32 s7, s6;
	s25 =	sshrl.u32 s2, $0x1  }
0xb: {  	s7 =	sshrl.u32 s23, $0x2;
	s23 =	simm.s32 $0x6000;
	s16 =	sadd.s32 s6, s0  }
0xc: {  	s24 =	sadd.s32 s5, s8;
	s2 =	ssub.s32 s2, s25;
	s14 =	sadd.s32 s7, s3  }
0xd: {  	s5 =	sadd.s32 s5, s3;
	s25 =	simm.s32 $0x8000;
	s6 =	sshrl.u32 s24, $0x3  }
0xe: {  	s26 =	sadd.s32 $0x2000, s14;
	s31 =	sadd.s32 $0x4000, s14;
	s8 =	sadd.s32 $0x6000, s14  }
0xf: {  	s9 =	sadd.s32 $0x8000, s14;
	s10 =	sadd.s32 $0xA000, s14;
	s11 =	sadd.s32 $0xC000, s14  }
0x10: {  	s12 =	sadd.s32 $0xE000, s14;
	s13 =	sadd.s32 $0x10000, s14;
	s14 =	sadd.s32 $0x12000, s14  }
0x11: {  	s15 =	sadd.s32 $0x4800, s16;
	s16 =	sadd.s32 $0xC800, s16;
	s18 =	smax.u32 s2, $0x1  }
0x12: {  	s24 =	simm.s32 $0x1;
	s0 =	sadd.s32 s6, s0;
	[dreg:$0x4] =	wrdreg s26  }
0x13: {  	v0 =	vimm.f32 $0.0e+00;
	[dreg:$0x5] =	wrdreg s31;
	s26 =	simm.s32 $0xA000;
	s17 =	sadd.s32 $0x129800, s0  }
.LBB2_1:
0x14: {  	s31 =	simm.s32 $0x100;
	s2 =	simm.s32 $0x0  }
.LBB2_2:
0x15: {  	p0 =	sne.s32 s31, $0x7F00;
	[tilespmem:s2+$0x4030] =	vst v0;
	s0 =	smov.u32 s31;
	s31 =	sadd.s32 $0x100, s31  }
.Ltmp0:
0x16: {  	[tilespmem:s2+$0x4020] =	vst v0;
	(pc) =	sbr.rel @p0 .LBB2_2-.Ltmp0, $3  }
0x17: {  	[tilespmem:s2+$0x4000] =	vst v0  }
0x18: {  	[tilespmem:s2+$0x4010] =	vst v0;
	_ =	sdelay $0x1  }
0x19: {  	s2 =	sshra.s32 s0, $0x2  }
0x1a: {  	[tilespmem:s2+$0x4030] =	vst v0  }
0x1b: {  	[tilespmem:s2+$0x4020] =	vst v0  }
0x1c: {  	[tilespmem:s2+$0x4000] =	vst v0  }
0x1d: {  	[tilespmem:s2+$0x4010] =	vst v0  }
0x1e: {  	[spmem:s5] =	stream.linear.scatter [tilespmem:s19], [sflag:$0x3], $0x2000, $0x38;
	v63 =	vld [tilespmem:$0x0]  }
0x1f: {  	_ =	swait.ge [sflag:s20], $0x2000  }
0x20: {  	[sflag:s20] =	ssyncset.done $0x0  }
0x21: {  	s0 =	rddreg [dreg:$0x4];
	[sflag:s20] =	ssyncadd.s32 $0xFFFFE000  }
0x22: {  	[spmem:s0] =	stream.linear.scatter [tilespmem:s19], [sflag:$0x3], $0x2000, $0x38;
	v63 =	vld [tilespmem:$0x0]  }
0x23: {  	_ =	swait.ge [sflag:s20], $0x2000  }
0x24: {  	[sflag:s20] =	ssyncset.done $0x0  }
0x25: {  	s2 =	rddreg [dreg:$0x5];
	[sflag:s20] =	ssyncadd.s32 $0xFFFFE000  }
0x26: {  	[spmem:s2] =	stream.linear.scatter [tilespmem:s19], [sflag:$0x3], $0x2000, $0x38;
	v63 =	vld [tilespmem:$0x0]  }
0x27: {  	_ =	swait.ge [sflag:s20], $0x2000  }
0x28: {  	[sflag:s20] =	ssyncset.done $0x0  }
0x29: {  	[sflag:s20] =	ssyncadd.s32 $0xFFFFE000  }
0x2a: {  	[spmem:s8] =	stream.linear.scatter [tilespmem:s19], [sflag:$0x3], $0x2000, $0x38;
	v63 =	vld [tilespmem:$0x0]  }
0x2b: {  	_ =	swait.ge [sflag:s20], $0x2000  }
0x2c: {  	[sflag:s20] =	ssyncset.done $0x0  }
0x2d: {  	[sflag:s20] =	ssyncadd.s32 $0xFFFFE000  }
0x2e: {  	[spmem:s9] =	stream.linear.scatter [tilespmem:s19], [sflag:$0x3], $0x2000, $0x38;
	v63 =	vld [tilespmem:$0x0]  }
0x2f: {  	_ =	swait.ge [sflag:s20], $0x2000  }
0x30: {  	[sflag:s20] =	ssyncset.done $0x0  }
0x31: {  	[sflag:s20] =	ssyncadd.s32 $0xFFFFE000  }
0x32: {  	[spmem:s10] =	stream.linear.scatter [tilespmem:s19], [sflag:$0x3], $0x2000, $0x38;
	v63 =	vld [tilespmem:$0x0]  }
0x33: {  	_ =	swait.ge [sflag:s20], $0x2000  }
0x34: {  	[sflag:s20] =	ssyncset.done $0x0  }
0x35: {  	[sflag:s20] =	ssyncadd.s32 $0xFFFFE000  }
0x36: {  	[spmem:s11] =	stream.linear.scatter [tilespmem:s19], [sflag:$0x3], $0x2000, $0x38;
	v63 =	vld [tilespmem:$0x0]  }
0x37: {  	_ =	swait.ge [sflag:s20], $0x2000  }
0x38: {  	[sflag:s20] =	ssyncset.done $0x0  }
0x39: {  	[sflag:s20] =	ssyncadd.s32 $0xFFFFE000  }
0x3a: {  	[spmem:s12] =	stream.linear.scatter [tilespmem:s19], [sflag:$0x3], $0x2000, $0x38;
	v63 =	vld [tilespmem:$0x0]  }
0x3b: {  	_ =	swait.ge [sflag:s20], $0x2000  }
0x3c: {  	[sflag:s20] =	ssyncset.done $0x0  }
0x3d: {  	[sflag:s20] =	ssyncadd.s32 $0xFFFFE000  }
0x3e: {  	[spmem:s13] =	stream.linear.scatter [tilespmem:s19], [sflag:$0x3], $0x2000, $0x38;
	v63 =	vld [tilespmem:$0x0]  }
0x3f: {  	_ =	swait.ge [sflag:s20], $0x2000  }
0x40: {  	[sflag:s20] =	ssyncset.done $0x0  }
0x41: {  	[sflag:s20] =	ssyncadd.s32 $0xFFFFE000  }
0x42: {  	[spmem:s14] =	stream.linear.scatter [tilespmem:s19], [sflag:$0x3], $0x2000, $0x38;
	v63 =	vld [tilespmem:$0x0]  }
0x43: {  	_ =	swait.ge [sflag:s20], $0x2000  }
0x44: {  	[sflag:s20] =	ssyncset.done $0x0  }
0x45: {  	[sflag:s20] =	ssyncadd.s32 $0xFFFFE000  }
0x46: {  	s6 =	simm.s32 $0x0;
	[bflag:$0x0] =	sbarrier.arrive $0xFFFF  }
0x47: {  	[tilespmem:s6], [sflag:$0x3] =	stream.linear.gather [hbm4b:s15+s6], $0x2000, $0x38;
	v63 =	vld [tilespmem:$0x0]  }
0x48: {  	_ =	swait.ge [sflag:s20], $0x2000  }
0x49: {  	[sflag:s20] =	ssyncset.done $0x0  }
0x4a: {  	[sflag:s20] =	ssyncadd.s32 $0xFFFFE000  }
0x4b: {  	[tilespmem:s21], [sflag:$0x3] =	stream.linear.gather [hbm4b:s16+s6], $0x2000, $0x38;
	v63 =	vld [tilespmem:$0x0]  }
0x4c: {  	_ =	swait.ge [sflag:s20], $0x2000  }
0x4d: {  	[sflag:s20] =	ssyncset.done $0x0  }
0x4e: {  	[sflag:s20] =	ssyncadd.s32 $0xFFFFE000  }
0x4f: {  	[tilespmem:s19], [sflag:$0x1] =	stream.indirect.gather [hbm4b:s1+s22], $0x40, s6, s22, $0xb8;
	v63 =	vld [tilespmem:$0x0]  }
0x50: {  	_ = 	snop  }
0x51: {  	[tilespmem:s23], [sflag:$0x1] =	stream.indirect.gather [hbm4b:s1+s22], $0x40, s21, s22, $0xb8;
	v63 =	vld [tilespmem:$0x0]  }
0x52: {  	_ =	swait.ge [sflag:s24], $0x2000  }
0x53: {  	[sflag:s24] =	ssyncset.done $0x0  }
0x54: {  	[sflag:s24] =	ssyncadd.s32 $0xFFFFE000  }
0x55: {  	_ =	swait.ge [sflag:s24], $0x2000  }
0x56: {  	[sflag:s24] =	ssyncset.done $0x0  }
0x57: {  	s0 =	simm.s32 $0x80;
	[sflag:s24] =	ssyncadd.s32 $0xFFFFE000  }
0x58: {  	[tilespmem:s25], [sflag:$0x1] =	stream.indirect.gather [hbm4b:s1+s22], $0x40, s0, s22, $0xb8;
	v63 =	vld [tilespmem:$0x0]  }
0x59: {  	s7 =	simm.s32 $0x2080  }
0x5a: {  	[tilespmem:s26], [sflag:$0x1] =	stream.indirect.gather [hbm4b:s1+s22], $0x40, s7, s22, $0xb8;
	v63 =	vld [tilespmem:$0x0]  }
0x5b: {  	s31 =	simm.s32 $0x2000  }
0x5c: {  	[spmem:s3] =	stream.indirect.scatter.add.f32 [tilespmem:s19], [sflag:$0x2], $0x40, s31, s22, $0xb8;
	v63 =	vld [tilespmem:$0x0]  }
0x5d: {  	s6 =	simm.s32 $0x0  }
0x5e: {  	[spmem:s3] =	stream.indirect.scatter.add.f32 [tilespmem:s23], [sflag:$0x2], $0x40, s6, s22, $0xb8;
	v63 =	vld [tilespmem:$0x0]  }
0x5f: {  	_ =	swait.ge [sflag:s24], $0x2000  }
0x60: {  	[sflag:s24] =	ssyncset.done $0x0  }
0x61: {  	[sflag:s24] =	ssyncadd.s32 $0xFFFFE000  }
0x62: {  	_ =	swait.ge [sflag:s24], $0x2000  }
0x63: {  	[sflag:s24] =	ssyncset.done $0x0  }
0x64: {  	[sflag:s24] =	ssyncadd.s32 $0xFFFFE000  }
0x65: {  	[spmem:s3] =	stream.indirect.scatter.add.f32 [tilespmem:s25], [sflag:$0x2], $0x40, s7, s22, $0xb8;
	v63 =	vld [tilespmem:$0x0]  }
0x66: {  	_ = 	snop  }
0x67: {  	[spmem:s3] =	stream.indirect.scatter.add.f32 [tilespmem:s26], [sflag:$0x2], $0x40, s0, s22, $0xb8;
	v63 =	vld [tilespmem:$0x0]  }
0x68: {  	_ =	swait.ge [sflag:s28], $0x2000  }
0x69: {  	[sflag:s28] =	ssyncset.done $0x0  }
0x6a: {  	[sflag:s28] =	ssyncadd.s32 $0xFFFFE000  }
0x6b: {  	_ =	swait.ge [sflag:s28], $0x2000  }
0x6c: {  	[sflag:s28] =	ssyncset.done $0x0  }
0x6d: {  	s7 =	simm.s32 $0x100;
	[sflag:s28] =	ssyncadd.s32 $0xFFFFE000  }
0x6e: {  	[tilespmem:s19], [sflag:$0x1] =	stream.indirect.gather [hbm4b:s1+s22], $0x40, s7, s22, $0xb8;
	v63 =	vld [tilespmem:$0x0]  }
0x6f: {  	s31 =	simm.s32 $0x2100  }
0x70: {  	[tilespmem:s23], [sflag:$0x1] =	stream.indirect.gather [hbm4b:s1+s22], $0x40, s31, s22, $0xb8;
	v63 =	vld [tilespmem:$0x0]  }
0x71: {  	_ =	swait.ge [sflag:s28], $0x2000  }
0x72: {  	[sflag:s28] =	ssyncset.done $0x0  }
0x73: {  	[sflag:s28] =	ssyncadd.s32 $0xFFFFE000  }
0x74: {  	_ =	swait.ge [sflag:s28], $0x2000  }
0x75: {  	s2 =	simm.s32 $0x400;
	[sflag:s28] =	ssyncset.done $0x0  }
.LBB2_4:
0x76: {  	p0 =	sne.s32 s2, $0x7800  }
0x77: {  	[sflag:s28] =	ssyncadd.s32 $0xFFFFE000;
	s0 =	smov.u32 s2;
	s2 =	sadd.s32 $0x400, s2  }
0x78: {  	_ =	swait.ge [sflag:s24], $0x2000  }
0x79: {  	[sflag:s24] =	ssyncset.done $0x0  }
0x7a: {  	[sflag:s24] =	ssyncadd.s32 $0xFFFFE000  }
0x7b: {  	_ =	swait.ge [sflag:s24], $0x2000  }
0x7c: {  	s0 =	sshra.s32 s0, $0x2;
	[sflag:s24] =	ssyncset.done $0x0  }
0x7d: {  	s31 =	sadd.s32 $0x80, s0;
	[sflag:s24] =	ssyncadd.s32 $0xFFFFE000  }
0x7e: {  	[tilespmem:s25], [sflag:$0x1] =	stream.indirect.gather [hbm4b:s1+s22], $0x40, s31, s22, $0xb8;
	v63 =	vld [tilespmem:$0x0]  }
0x7f: {  	s6 =	sadd.s32 $0x2080, s0  }
0x80: {  	[tilespmem:s26], [sflag:$0x1] =	stream.indirect.gather [hbm4b:s1+s22], $0x40, s6, s22, $0xb8;
	v63 =	vld [tilespmem:$0x0]  }
0x81: {  	s7 =	sadd.s32 $0x2000, s0  }
0x82: {  	[spmem:s3] =	stream.indirect.scatter.add.f32 [tilespmem:s19], [sflag:$0x2], $0x40, s7, s22, $0xb8;
	v63 =	vld [tilespmem:$0x0]  }
0x83: {  	_ = 	snop  }
0x84: {  	[spmem:s3] =	stream.indirect.scatter.add.f32 [tilespmem:s23], [sflag:$0x2], $0x40, s0, s22, $0xb8;
	v63 =	vld [tilespmem:$0x0]  }
0x85: {  	_ =	swait.ge [sflag:s24], $0x2000  }
0x86: {  	[sflag:s24] =	ssyncset.done $0x0  }
0x87: {  	[sflag:s24] =	ssyncadd.s32 $0xFFFFE000  }
0x88: {  	_ =	swait.ge [sflag:s24], $0x2000  }
0x89: {  	[sflag:s24] =	ssyncset.done $0x0  }
0x8a: {  	[sflag:s24] =	ssyncadd.s32 $0xFFFFE000  }
0x8b: {  	[spmem:s3] =	stream.indirect.scatter.add.f32 [tilespmem:s25], [sflag:$0x2], $0x40, s6, s22, $0xb8;
	v63 =	vld [tilespmem:$0x0]  }
0x8c: {  	_ = 	snop  }
0x8d: {  	[spmem:s3] =	stream.indirect.scatter.add.f32 [tilespmem:s26], [sflag:$0x2], $0x40, s31, s22, $0xb8;
	v63 =	vld [tilespmem:$0x0]  }
0x8e: {  	_ =	swait.ge [sflag:s28], $0x2000  }
0x8f: {  	[sflag:s28] =	ssyncset.done $0x0  }
0x90: {  	[sflag:s28] =	ssyncadd.s32 $0xFFFFE000  }
0x91: {  	_ =	swait.ge [sflag:s28], $0x2000  }
0x92: {  	[sflag:s28] =	ssyncset.done $0x0  }
0x93: {  	s6 =	sadd.s32 $0x100, s0;
	[sflag:s28] =	ssyncadd.s32 $0xFFFFE000  }
0x94: {  	[tilespmem:s19], [sflag:$0x1] =	stream.indirect.gather [hbm4b:s1+s22], $0x40, s6, s22, $0xb8;
	v63 =	vld [tilespmem:$0x0]  }
0x95: {  	s0 =	sadd.s32 $0x2100, s0  }
0x96: {  	[tilespmem:s23], [sflag:$0x1] =	stream.indirect.gather [hbm4b:s1+s22], $0x40, s0, s22, $0xb8;
	v63 =	vld [tilespmem:$0x0]  }
.Ltmp1:
0x97: {  	_ =	swait.ge [sflag:s28], $0x2000;
	(pc) =	sbr.rel @p0 .LBB2_4-.Ltmp1, $4  }
0x98: {  	[sflag:s28] =	ssyncset.done $0x0  }
0x99: {  	[sflag:s28] =	ssyncadd.s32 $0xFFFFE000  }
0x9a: {  	_ =	swait.ge [sflag:s28], $0x2000  }
0x9b: {  	[sflag:s28] =	ssyncset.done $0x0  }
0x9c: {  	[sflag:s28] =	ssyncadd.s32 $0xFFFFE000  }
0x9d: {  	_ =	swait.ge [sflag:s24], $0x2000  }
0x9e: {  	[sflag:s24] =	ssyncset.done $0x0  }
0x9f: {  	[sflag:s24] =	ssyncadd.s32 $0xFFFFE000  }
0xa0: {  	_ =	swait.ge [sflag:s24], $0x2000  }
0xa1: {  	[sflag:s24] =	ssyncset.done $0x0  }
0xa2: {  	[sflag:s24] =	ssyncadd.s32 $0xFFFFE000  }
0xa3: {  	[tilespmem:s25], [sflag:$0x1] =	stream.indirect.gather [hbm4b:s1+s22], $0x40, s29, s22, $0xb8;
	v63 =	vld [tilespmem:$0x0]  }
0xa4: {  	_ = 	snop  }
0xa5: {  	[tilespmem:s26], [sflag:$0x1] =	stream.indirect.gather [hbm4b:s1+s22], $0x40, s30, s22, $0xb8;
	v63 =	vld [tilespmem:$0x0]  }
0xa6: {  	s0 =	simm.s32 $0x3F00  }
0xa7: {  	[spmem:s3] =	stream.indirect.scatter.add.f32 [tilespmem:s19], [sflag:$0x2], $0x40, s0, s22, $0xb8;
	v63 =	vld [tilespmem:$0x0]  }
0xa8: {  	s7 =	simm.s32 $0x1F00  }
0xa9: {  	[spmem:s3] =	stream.indirect.scatter.add.f32 [tilespmem:s23], [sflag:$0x2], $0x40, s7, s22, $0xb8;
	v63 =	vld [tilespmem:$0x0]  }
0xaa: {  	_ =	swait.ge [sflag:s24], $0x2000  }
0xab: {  	[sflag:s24] =	ssyncset.done $0x0  }
0xac: {  	[sflag:s24] =	ssyncadd.s32 $0xFFFFE000  }
0xad: {  	_ =	swait.ge [sflag:s24], $0x2000  }
0xae: {  	[sflag:s24] =	ssyncset.done $0x0  }
0xaf: {  	[sflag:s24] =	ssyncadd.s32 $0xFFFFE000  }
0xb0: {  	[spmem:s3] =	stream.indirect.scatter.add.f32 [tilespmem:s25], [sflag:$0x2], $0x40, s30, s22, $0xb8;
	v63 =	vld [tilespmem:$0x0]  }
0xb1: {  	_ = 	snop  }
0xb2: {  	[spmem:s3] =	stream.indirect.scatter.add.f32 [tilespmem:s26], [sflag:$0x2], $0x40, s29, s22, $0xb8;
	v63 =	vld [tilespmem:$0x0]  }
0xb3: {  	_ =	swait.ge [sflag:s28], $0x2000  }
0xb4: {  	[sflag:s28] =	ssyncset.done $0x0  }
0xb5: {  	[sflag:s28] =	ssyncadd.s32 $0xFFFFE000  }
0xb6: {  	_ =	swait.ge [sflag:s28], $0x2000  }
0xb7: {  	[sflag:s28] =	ssyncset.done $0x0  }
0xb8: {  	[sflag:s28] =	ssyncadd.s32 $0xFFFFE000  }
0xb9: {  	_ =	swait.ge [sflag:s28], $0x2000  }
0xba: {  	[sflag:s28] =	ssyncset.done $0x0  }
0xbb: {  	[sflag:s28] =	ssyncadd.s32 $0xFFFFE000  }
0xbc: {  	s31 =	stileid.u32;
	_ =	swait.ge [sflag:s28], $0x2000  }
0xbd: {  	s2 =	sshrl.u32 s5, $0x3;
	s4 =	sadd.s32 $0x1, s4;
	[sflag:s28] =	ssyncset.done $0x0  }
0xbe: {  	p0 =	sne.s32 s4, s18;
	s0 =	sshll.u32 s31, $0x6;
	[sflag:s28] =	ssyncadd.s32 $0xFFFFE000  }
.Ltmp2:
0xbf: {  	s0 =	sor.u32 $0x1C03, s0;
	[bflag:$0x0] =	sbarrier.arrive $0xFFFF;
	(pc) =	sbr.rel @p0 .LBB2_1-.Ltmp2, $4  }
0xc0: {  	[hbm:s17], [sflag:s0] =	dma.local [spmem:s2], $0x2800  }
0xc1: {  	_ =	swait.ge [sflag:s20], $0x2800  }
0xc2: {  	[sflag:s20] =	ssyncset.done $0x0  }
0xc3: {  	[sflag:s20] =	ssyncadd.s32 $0xFFFFD800  }
0xc4: {  	_ =	sfence.sel $0x180000  }
0xc5: {  	[bflag:$0x0] =	sbarrier.arrive $0xFFFF  }
0xc6: {  	_ =	strace $0x90000050  }
0xc7: {  	s0 =	stileid.u32;
	[bflag:$0x2] =	sbarrier.arrive $0xFFFF  }
0xc8: {  	p0 =	sne.s32 s0, $0x0;
	s0 =	rddreg [dreg:$0x3]  }
0xc9: {  	s0 =	sadd.s32 @!p0 $0x100000, s0  }
0xca: {  	[sflag:s0] =	ssyncadd.tile.s32 @!p0 $0x1;
	_ =	shalt  }
.Lfunc_end2:
_tile_overlayer_lowered:
.L_overlay_start_2:
0xcb: {  	(tag) =	ssettag $0x2  }
0xcc: {  	s0 =	rddreg [dreg:$0x0];
	s2 =	stileid.u32  }
0xcd: {  	s1 =	rddreg [dreg:$0x1];
	p0 =	sne.s32 s2, $0x0  }
0xce: {  	s3 =	rddreg [dreg:$0x2];
	[bflag:$0x3] =	sbarrier.arrive $0xFFFF;
	s2 =	simm.s32 @!p0 $0x1C03  }
0xcf: {  	[timem:s3], [sflag:s2] =	dma.local @!p0 [hbm:s0], s1  }
0xd0: {  	s0 =	simm.s32 @!p0 $0x3  }
0xd1: {  	_ =	swait.ge @!p0 [sflag:s0], s1  }
0xd2: {  	s1 =	ssub.s32 @!p0 $0x0, s1;
	[sflag:s0] =	ssyncset.done @!p0 $0x0  }
0xd3: {  	[sflag:s0] =	ssyncadd.s32 @!p0 s1  }
0xd4: {  	[bflag:$0x3] =	sbarrier.arrive $0xFFFF  }
0xd5: {  	_ =	shalt  }

</sc_bundles>
